<compile_context>
chip_gen: v7x
topology: tpu7x:2x2x1
jax: 0.10.2.dev20260603
libtpu: 0.0.44.dev20260713+nightly
codegen_flags: <defaults>
</compile_context>

<pallas_src>
import functools

import numpy as np
import jax
import jax.numpy as jnp
from jax import lax
from jax.experimental import pallas as pl
from jax.experimental.pallas import tpu as pltpu
from jax.experimental.pallas import tpu_sc as plsc

F = 128
K = 64
CUTOFF = 10.0
NRA = 2
NRI = 3
NRO = 1
N_NODES = 10000
N_EDGES = 160000

NC = 2
NS = 16
NW = NC * NS

EPT = N_EDGES // NW
EPB = 5008
NPAD = 10240
NPT = NPAD // NW

STRIPE = 313
NPAD_M = STRIPE * NW
CH = 128
CAP = 5632
NCHUNK = CAP // CH
LBUF = CAP + 16
CS = 2000
TRASH = STRIPE

_LN2 = float(np.log(2.0))
_WIDTH = float((0.5 / ((1.0 - np.exp(-CUTOFF)) / K)) ** 2)
_CENTERS = np.linspace(np.exp(-CUTOFF), 1.0, K).astype(np.float32)

_HI = jax.lax.Precision.HIGHEST


def _sp(x):
    return jnp.maximum(x, 0.0) + jnp.log1p(jnp.exp(-jnp.abs(x))) - _LN2



def _geom_body(r4_hbm, ii_hbm, jj_hbm, z_hbm, emb_hbm, d2_hbm, x0_hbm,
               r4_v, ii_v, jj_v, d2_v, z_v, x_v, sem):
    cid = lax.axis_index("c")
    sid = lax.axis_index("s")
    wid = sid * NC + cid

    ii_v[pl.ds(EPB - 16, 16)] = jnp.zeros((16,), jnp.int32)
    jj_v[pl.ds(EPB - 16, 16)] = jnp.zeros((16,), jnp.int32)
    pltpu.sync_copy(r4_hbm, r4_v)
    pltpu.sync_copy(ii_hbm.at[wid], ii_v.at[pl.ds(0, EPT)])
    pltpu.sync_copy(jj_hbm.at[wid], jj_v.at[pl.ds(0, EPT)])

    @pl.loop(0, EPB // 16)
    def _(k):
        ii = ii_v[pl.ds(k * 16, 16)]
        jj = jj_v[pl.ds(k * 16, 16)]
        acc = jnp.zeros((16,), jnp.float32)
        for c in range(3):
            cc = jnp.full((16,), c, jnp.int32)
            a = plsc.load_gather(r4_v, [ii, cc])
            b = plsc.load_gather(r4_v, [jj, cc])
            d = a - b
            acc = acc + d * d
        d2_v[pl.ds(k * 16, 16)] = acc

    pltpu.sync_copy(d2_v.at[pl.ds(0, EPT)], d2_hbm.at[pl.ds(wid * EPT, EPT)])

    pltpu.sync_copy(z_hbm.at[wid], z_v)
    for h in range(2):
        for q in range(2):
            pltpu.async_copy(emb_hbm.at[z_v.at[h * 2 + q]],
                             x_v.at[pl.ds(q * 80, 80)], sem).wait()
        pltpu.sync_copy(x_v, x0_hbm.at[pl.ds(wid * NPT + h * 160, 160)])


_geom_call = pl.kernel(
    _geom_body,
    out_type=[
        jax.ShapeDtypeStruct((N_EDGES,), jnp.float32),
        jax.ShapeDtypeStruct((NPAD, F), jnp.float32),
    ],
    mesh=plsc.VectorSubcoreMesh(core_axis_name="c", subcore_axis_name="s",
                                num_cores=NC, num_subcores=NS),
    scratch_types=[
        pltpu.VMEM((N_NODES, 4), jnp.float32),
        pltpu.VMEM((EPB,), jnp.int32),
        pltpu.VMEM((EPB,), jnp.int32),
        pltpu.VMEM((EPB,), jnp.float32),
        pltpu.VMEM((4, 80), jnp.int32),
        pltpu.VMEM((160, F), jnp.float32),
        pltpu.SemaphoreType.DMA,
    ],
    compiler_params=pltpu.CompilerParams(needs_layout_passes=False,
                                         use_tc_tiling_on_sc=False),
)



TE = 2000


def _rbf_body(d2_ref, cen_ref, gw_ref, dij_ref, g0_ref, g1_ref):
    d2 = d2_ref[...]
    dij = jnp.sqrt(jnp.maximum(d2, 0.0))
    dij_ref[...] = dij
    r = dij * (1.0 / CUTOFF)
    r2 = r * r
    r3 = r2 * r
    r4 = r2 * r2
    r5 = r4 * r
    fcut = jnp.where(r < 1.0, 1.0 - 6.0 * r5 + 15.0 * r4 - 10.0 * r3, 0.0)
    t = jnp.exp(-dij)
    diff = t - cen_ref[...]
    rbf = fcut * jnp.exp(-_WIDTH * diff * diff)
    g0_ref[...] = jnp.dot(rbf, gw_ref[0],
                          preferred_element_type=jnp.float32, precision=_HI)
    g1_ref[...] = jnp.dot(rbf, gw_ref[1],
                          preferred_element_type=jnp.float32, precision=_HI)


def _rbf_call(d2, G_W):
    return pl.pallas_call(
        _rbf_body,
        grid=(N_EDGES // TE,),
        in_specs=[
            pl.BlockSpec((TE, 1), lambda i: (i, 0)),
            pl.BlockSpec((1, K), lambda i: (0, 0)),
            pl.BlockSpec((2, K, F), lambda i: (0, 0, 0)),
        ],
        out_specs=[
            pl.BlockSpec((TE, 1), lambda i: (i, 0)),
            pl.BlockSpec((TE, F), lambda i: (i, 0)),
            pl.BlockSpec((TE, F), lambda i: (i, 0)),
        ],
        out_shape=[
            jax.ShapeDtypeStruct((N_EDGES, 1), jnp.float32),
            jax.ShapeDtypeStruct((N_EDGES, F), jnp.float32),
            jax.ShapeDtypeStruct((N_EDGES, F), jnp.float32),
        ],
    )(d2, jnp.asarray(_CENTERS).reshape(1, K), G_W)



TN = 1000


def _proj_body(x_ref, wi_ref, wj_ref, xi_ref, xj_ref):
    xa = _sp(x_ref[...])
    xi_ref[...] = _sp(jnp.dot(xa, wi_ref[...],
                              preferred_element_type=jnp.float32, precision=_HI))
    xj_ref[...] = _sp(jnp.dot(xa, wj_ref[...],
                              preferred_element_type=jnp.float32, precision=_HI))


def _proj_call(x, Wi, Wj):
    return pl.pallas_call(
        _proj_body,
        grid=(N_NODES // TN,),
        in_specs=[
            pl.BlockSpec((TN, F), lambda i: (i, 0)),
            pl.BlockSpec((F, F), lambda i: (0, 0)),
            pl.BlockSpec((F, F), lambda i: (0, 0)),
        ],
        out_specs=[
            pl.BlockSpec((TN, F), lambda i: (i, 0)),
            pl.BlockSpec((TN, F), lambda i: (i, 0)),
        ],
        out_shape=[
            jax.ShapeDtypeStruct((N_NODES, F), jnp.float32),
            jax.ShapeDtypeStruct((N_NODES, F), jnp.float32),
        ],
    )(x, Wi, Wj)



def _part_body(ii_hbm, jj_hbm, el_hbm, jl_hbm, ll_hbm, iic, jjc, elv, jlv, llv):
    cid = lax.axis_index("c")
    sid = lax.axis_index("s")
    wid = sid * NC + cid
    base = wid * STRIPE

    @pl.loop(0, LBUF // 16)
    def _(g):
        s = pl.ds(g * 16, 16)
        elv[s] = jnp.zeros((16,), jnp.int32)
        jlv[s] = jnp.zeros((16,), jnp.int32)
        llv[s] = jnp.full((16,), TRASH, jnp.int32)

    def scan_chunk(ch, off):
        pltpu.sync_copy(ii_hbm.at[pl.ds(ch * CS, CS)], iic)
        pltpu.sync_copy(jj_hbm.at[pl.ds(ch * CS, CS)], jjc)

        def grp(g, off):
            ii16 = iic[pl.ds(g * 16, 16)]
            jj16 = jjc[pl.ds(g * 16, 16)]
            lr = ii16 - base
            mask = (lr >= 0) & (lr < STRIPE)
            eid = ch * CS + g * 16 + lax.iota(jnp.int32, 16)
            plsc.store_compressed(elv.at[pl.ds(off, 16)], eid, mask=mask)
            plsc.store_compressed(jlv.at[pl.ds(off, 16)], jj16, mask=mask)
            plsc.store_compressed(llv.at[pl.ds(off, 16)], lr, mask=mask)
            cnt = jnp.sum(mask.astype(jnp.int32))
            return jnp.minimum(off + cnt, CAP)

        return pl.loop(0, CS // 16, init_carry=off)(grp)

    pl.loop(0, N_EDGES // CS, init_carry=jnp.int32(0))(scan_chunk)

    pltpu.sync_copy(elv.at[pl.ds(0, CAP)], el_hbm.at[wid])
    pltpu.sync_copy(jlv.at[pl.ds(0, CAP)], jl_hbm.at[wid])
    pltpu.sync_copy(llv.at[pl.ds(0, CAP)], ll_hbm.at[wid])


_part_call = pl.kernel(
    _part_body,
    out_type=[
        jax.ShapeDtypeStruct((NW, CAP), jnp.int32),
        jax.ShapeDtypeStruct((NW, CAP), jnp.int32),
        jax.ShapeDtypeStruct((NW, CAP), jnp.int32),
    ],
    mesh=plsc.VectorSubcoreMesh(core_axis_name="c", subcore_axis_name="s",
                                num_cores=NC, num_subcores=NS),
    scratch_types=[
        pltpu.VMEM((CS,), jnp.int32),
        pltpu.VMEM((CS,), jnp.int32),
        pltpu.VMEM((LBUF,), jnp.int32),
        pltpu.VMEM((LBUF,), jnp.int32),
        pltpu.VMEM((LBUF,), jnp.int32),
    ],
    compiler_params=pltpu.CompilerParams(needs_layout_passes=False,
                                         use_tc_tiling_on_sc=False),
)



def _msg_body(g_hbm, xj_hbm, el_hbm, jl_hbm, ll_hbm, m_hbm,
              gva, xva, gvb, xvb, elv, jlv, llv, acc,
              sga, sxa, sgb, sxb):
    cid = lax.axis_index("c")
    sid = lax.axis_index("s")
    wid = sid * NC + cid

    @pl.loop(0, STRIPE + 1)
    def _(r):
        for c in range(F // 16):
            acc[r, pl.ds(c * 16, 16)] = jnp.zeros((16,), jnp.float32)

    pltpu.sync_copy(el_hbm.at[wid], elv)
    pltpu.sync_copy(jl_hbm.at[wid], jlv)
    pltpu.sync_copy(ll_hbm.at[wid], llv)

    def fire(j, gv, xv, sg, sx):
        pltpu.async_copy(g_hbm.at[elv.at[j]], gv, sg)
        pltpu.async_copy(xj_hbm.at[jlv.at[j]], xv, sx)

    def wait(gv, xv, sg, sx):
        pltpu.make_async_copy(g_hbm.at[pl.ds(0, CH)], gv, sg).wait()
        pltpu.make_async_copy(xj_hbm.at[pl.ds(0, CH)], xv, sx).wait()

    iota16 = lax.iota(jnp.int32, 16)

    def process(j, gv, xv):
        @pl.loop(0, CH // 16)
        def _(g):
            r16 = g * 16 + iota16
            lr16 = llv[j, pl.ds(g * 16, 16)]

            @plsc.parallel_loop(0, F, unroll=16)
            def _(cj):
                c16 = jnp.full((16,), cj, jnp.int32)
                val = (plsc.load_gather(gv, [r16, c16])
                       * plsc.load_gather(xv, [r16, c16]))
                plsc.addupdate_scatter(acc, [lr16, c16], val)

    fire(0, gva, xva, sga, sxa)

    @pl.loop(0, NCHUNK // 2)
    def _(h):
        j0 = 2 * h
        wait(gva, xva, sga, sxa)
        fire(j0 + 1, gvb, xvb, sgb, sxb)
        process(j0, gva, xva)
        wait(gvb, xvb, sgb, sxb)

        @pl.when(j0 + 2 < NCHUNK)
        def _():
            fire(j0 + 2, gva, xva, sga, sxa)

        process(j0 + 1, gvb, xvb)

    pltpu.sync_copy(acc.at[pl.ds(0, STRIPE)],
                    m_hbm.at[pl.ds(wid * STRIPE, STRIPE)])


_msg_call = pl.kernel(
    _msg_body,
    out_type=[
        jax.ShapeDtypeStruct((NPAD_M, F), jnp.float32),
    ],
    mesh=plsc.VectorSubcoreMesh(core_axis_name="c", subcore_axis_name="s",
                                num_cores=NC, num_subcores=NS),
    scratch_types=[
        pltpu.VMEM((CH, F), jnp.float32),
        pltpu.VMEM((CH, F), jnp.float32),
        pltpu.VMEM((CH, F), jnp.float32),
        pltpu.VMEM((CH, F), jnp.float32),
        pltpu.VMEM((NCHUNK, CH), jnp.int32),
        pltpu.VMEM((NCHUNK, CH), jnp.int32),
        pltpu.VMEM((NCHUNK, CH), jnp.int32),
        pltpu.VMEM((STRIPE + 1, F), jnp.float32),
        pltpu.SemaphoreType.DMA,
        pltpu.SemaphoreType.DMA,
        pltpu.SemaphoreType.DMA,
        pltpu.SemaphoreType.DMA,
    ],
    compiler_params=pltpu.CompilerParams(needs_layout_passes=False,
                                         use_tc_tiling_on_sc=False),
)



def _res(x, w0, w1):
    y = _sp(x)
    y = _sp(jnp.dot(y, w0, preferred_element_type=jnp.float32, precision=_HI))
    y = jnp.dot(y, w1, preferred_element_type=jnp.float32, precision=_HI)
    return x + y


def _node_core(x_ref, xi_ref, m_ref, riW_ref, woW_ref, raW_ref,
               roW_ref, wf_ref):
    xt = xi_ref[...] + m_ref[...]
    for rix in range(NRI):
        xt = _res(xt, riW_ref[rix, 0], riW_ref[rix, 1])
    xt = _sp(xt)
    xnew = x_ref[...] + jnp.dot(xt, woW_ref[...],
                                preferred_element_type=jnp.float32,
                                precision=_HI)
    for rix in range(NRA):
        xnew = _res(xnew, raW_ref[rix, 0], raW_ref[rix, 1])
    y = xnew
    for rix in range(NRO):
        y = _res(y, roW_ref[rix, 0], roW_ref[rix, 1])
    out = jnp.dot(_sp(y), wf_ref[...],
                  preferred_element_type=jnp.float32, precision=_HI)
    return xnew, out


def _node_body_first(x_ref, xi_ref, m_ref, riW_ref, woW_ref, raW_ref,
                     roW_ref, wf_ref, xnew_ref, out_ref):
    xnew, out = _node_core(x_ref, xi_ref, m_ref, riW_ref, woW_ref,
                           raW_ref, roW_ref, wf_ref)
    xnew_ref[...] = xnew
    out_ref[...] = out


def _node_body_last(x_ref, xi_ref, m_ref, riW_ref, woW_ref, raW_ref,
                    roW_ref, wf_ref, o0_ref, out_ref, nh_ref):
    _, out = _node_core(x_ref, xi_ref, m_ref, riW_ref, woW_ref,
                        raW_ref, roW_ref, wf_ref)
    o0 = o0_ref[...]
    tot = o0 + out
    out_ref[...] = jnp.concatenate(
        [tot[:, 0:1], jnp.maximum(tot[:, 1:2], 0.0)], axis=1)
    o2 = out * out
    l2 = o0 * o0
    part = jnp.sum(o2 / (o2 + l2 + 1e-7)) * (1.0 / (N_NODES * 2))

    @pl.when(pl.program_id(0) == 0)
    def _():
        nh_ref[...] = jnp.zeros((1, 1), jnp.float32)

    nh_ref[...] = nh_ref[...] + jnp.reshape(part, (1, 1))


_W_SPECS = [
    pl.BlockSpec((NRI, 2, F, F), lambda i: (0, 0, 0, 0)),
    pl.BlockSpec((F, F), lambda i: (0, 0)),
    pl.BlockSpec((NRA, 2, F, F), lambda i: (0, 0, 0, 0)),
    pl.BlockSpec((NRO, 2, F, F), lambda i: (0, 0, 0, 0)),
    pl.BlockSpec((F, 2), lambda i: (0, 0)),
]
_N_SPEC = pl.BlockSpec((TN, F), lambda i: (i, 0))
_O_SPEC = pl.BlockSpec((TN, 2), lambda i: (i, 0))


def _node_call_first(x, xi, m, riW, woW, raW, roW, wf):
    return pl.pallas_call(
        _node_body_first,
        grid=(N_NODES // TN,),
        in_specs=[_N_SPEC] * 3 + _W_SPECS,
        out_specs=[_N_SPEC, _O_SPEC],
        out_shape=[
            jax.ShapeDtypeStruct((N_NODES, F), jnp.float32),
            jax.ShapeDtypeStruct((N_NODES, 2), jnp.float32),
        ],
    )(x, xi, m, riW, woW, raW, roW, wf)


def _node_call_last(x, xi, m, riW, woW, raW, roW, wf, out0):
    return pl.pallas_call(
        _node_body_last,
        grid=(N_NODES // TN,),
        in_specs=[_N_SPEC] * 3 + _W_SPECS + [_O_SPEC],
        out_specs=[_O_SPEC, pl.BlockSpec((1, 1), lambda i: (0, 0))],
        out_shape=[
            jax.ShapeDtypeStruct((N_NODES, 2), jnp.float32),
            jax.ShapeDtypeStruct((1, 1), jnp.float32),
        ],
    )(x, xi, m, riW, woW, raW, roW, wf, out0)



def kernel(Z, R, idx_i, idx_j, embeddings, G_W, W_i, b_i, W_j, b_j,
           res_int_W, res_int_b, W_int_out, b_int_out, u, res_at_W, res_at_b,
           res_out_W, res_out_b, W_final):
    idx_i = idx_i.astype(jnp.int32)
    idx_j = idx_j.astype(jnp.int32)
    Zi = Z.astype(jnp.int32)

    r4 = jnp.pad(R.astype(jnp.float32), ((0, 0), (0, 1)))
    ii2 = idx_i.reshape(NW, EPT)
    jj2 = idx_j.reshape(NW, EPT)
    zp = jnp.pad(Zi, (0, NPAD - N_NODES)).reshape(NW, 4, NPT // 4)

    d2, x0p = _geom_call(r4, ii2, jj2, zp, embeddings)
    x = x0p

    dij2d, g0, g1 = _rbf_call(d2.reshape(N_EDGES, 1), G_W)
    Dij = dij2d.reshape(N_EDGES)

    el, jl, ll = _part_call(idx_i, idx_j)
    el = el.reshape(NW, NCHUNK, CH)
    jl = jl.reshape(NW, NCHUNK, CH)
    ll = ll.reshape(NW, NCHUNK, CH)
    gs = (g0, g1)

    out0 = None
    for b in range(2):
        xi, xj = _proj_call(x, W_i[b], W_j[b])
        (m,) = _msg_call(gs[b], xj, el, jl, ll)
        if b == 0:
            x, out0 = _node_call_first(x, xi, m, res_int_W[0],
                                       W_int_out[0], res_at_W[0],
                                       res_out_W[0], W_final[0])
        else:
            outputs, nh2d = _node_call_last(x, xi, m, res_int_W[1],
                                            W_int_out[1], res_at_W[1],
                                            res_out_W[1], W_final[1], out0)

    nhloss = nh2d.reshape(())
    return (outputs, Dij, nhloss)

# --- scband reference (transcript-rebuilt; emitter-appended) ---
"""Pipeline reference for scband-message-passing-neural-network-78924319031915 (READ-ONLY COPY).

The authoritative reference and input builder live on the scoring server;
editing this copy changes nothing except your own understanding.
"""

import jax, jax.numpy as jnp
import numpy as np

F = 128
K = 64
CUTOFF = 10.0
NUM_BLOCKS = 2
NRA = 2
NRI = 3
NRO = 1
NOUT = 2
N_NODES = 10000
N_EDGES = 160000


def shifted_softplus(x):
    return jnp.logaddexp(x, 0.0) - jnp.log(2.0)


def setup_inputs(seed: int = 0) -> dict:
    key = jax.random.key(seed)
    ks = jax.random.split(key, 24)
    s = 0.05
    inp = {}
    inp["Z"] = jax.random.randint(ks[0], (N_NODES,), 0, 95)
    inp["R"] = jax.random.normal(ks[1], (N_NODES, 3), dtype=jnp.float32) * 3.0
    inp["idx_i"] = jax.random.randint(ks[2], (N_EDGES,), 0, N_NODES)
    inp["idx_j"] = jax.random.randint(ks[3], (N_EDGES,), 0, N_NODES)
    inp["embeddings"] = jax.random.uniform(ks[4], (95, F), minval=-np.sqrt(3.0), maxval=np.sqrt(3.0), dtype=jnp.float32)
    inp["G_W"] = jax.random.normal(ks[5], (NUM_BLOCKS, K, F), dtype=jnp.float32) * s
    inp["W_i"] = jax.random.normal(ks[6], (NUM_BLOCKS, F, F), dtype=jnp.float32) * s
    inp["b_i"] = jnp.zeros((NUM_BLOCKS, F), dtype=jnp.float32)
    inp["W_j"] = jax.random.normal(ks[7], (NUM_BLOCKS, F, F), dtype=jnp.float32) * s
    inp["b_j"] = jnp.zeros((NUM_BLOCKS, F), dtype=jnp.float32)
    inp["res_int_W"] = jax.random.normal(ks[8], (NUM_BLOCKS, NRI, 2, F, F), dtype=jnp.float32) * s
    inp["res_int_b"] = jnp.zeros((NUM_BLOCKS, NRI, 2, F), dtype=jnp.float32)
    inp["W_int_out"] = jax.random.normal(ks[9], (NUM_BLOCKS, F, F), dtype=jnp.float32) * s
    inp["b_int_out"] = jnp.zeros((NUM_BLOCKS, F), dtype=jnp.float32)
    inp["u"] = jnp.ones((NUM_BLOCKS, F), dtype=jnp.float32)
    inp["res_at_W"] = jax.random.normal(ks[10], (NUM_BLOCKS, NRA, 2, F, F), dtype=jnp.float32) * s
    inp["res_at_b"] = jnp.zeros((NUM_BLOCKS, NRA, 2, F), dtype=jnp.float32)
    inp["res_out_W"] = jax.random.normal(ks[11], (NUM_BLOCKS, NRO, 2, F, F), dtype=jnp.float32) * s
    inp["res_out_b"] = jnp.zeros((NUM_BLOCKS, NRO, 2, F), dtype=jnp.float32)
    inp["W_final"] = jax.random.normal(ks[12], (NUM_BLOCKS, F, NOUT), dtype=jnp.float32) * s
    return inp


def _residual(x, Ws, bs):
    y = shifted_softplus(x)
    y = shifted_softplus(jnp.dot(y, Ws[0]) + bs[0])
    y = jnp.dot(y, Ws[1]) + bs[1]
    return x + y


def _forward(Z, R, idx_i, idx_j, embeddings, G_W, W_i, b_i, W_j, b_j, res_int_W, res_int_b, W_int_out, b_int_out, u, res_at_W, res_at_b, res_out_W, res_out_b, W_final):
    # interatomic distances
    Ri = jnp.take(R, idx_i, axis=0)
    Rj = jnp.take(R, idx_j, axis=0)
    Dij = jnp.sqrt(jax.nn.relu(jnp.sum((Ri - Rj) ** 2, axis=-1)))
    # RBF expansion with smooth cutoff (PhysNet 'Default' basis)
    centers = jnp.linspace(np.exp(-CUTOFF), 1.0, K).astype(jnp.float32)
    width = np.float32((0.5 / ((1.0 - np.exp(-CUTOFF)) / K)) ** 2)
    r = Dij / CUTOFF
    fcut = jnp.where(r < 1.0, 1.0 - 6.0 * r ** 5 + 15.0 * r ** 4 - 10.0 * r ** 3, 0.0)
    rbf = fcut[:, None] * jnp.exp(-width * (jnp.exp(-Dij)[:, None] - centers[None, :]) ** 2)
    # atom embeddings
    x = jnp.take(embeddings, Z, axis=0)
    outputs = 0.0
    nhloss = 0.0
    lastout2 = None
    for b in range(NUM_BLOCKS):
        # interaction layer (message passing)
        xa = shifted_softplus(x)
        g = jnp.dot(rbf, G_W[b])
        xi = shifted_softplus(jnp.dot(xa, W_i[b]) + b_i[b])
        xj = shifted_softplus(jnp.dot(xa, W_j[b]) + b_j[b])
        m = jax.ops.segment_sum(g * jnp.take(xj, idx_j, axis=0), idx_i, num_segments=N_NODES)
        xt = xi + m
        for rix in range(NRI):
            xt = _residual(xt, res_int_W[b, rix], res_int_b[b, rix])
        xt = shifted_softplus(xt)
        x = u[b] * x + jnp.dot(xt, W_int_out[b]) + b_int_out[b]
        # atomic residual stack
        for rix in range(NRA):
            x = _residual(x, res_at_W[b, rix], res_at_b[b, rix])
        # output block
        y = x
        for rix in range(NRO):
            y = _residual(y, res_out_W[b, rix], res_out_b[b, rix])
        out = jnp.dot(shifted_softplus(y), W_final[b])
        outputs = outputs + out
        out2 = out ** 2
        if b > 0:
            nhloss = nhloss + jnp.mean(out2 / (out2 + lastout2 + 1e-07))
        lastout2 = out2
    out0 = outputs[:, 0:1]
    outo = jax.nn.relu(outputs[:, 1:])
    outputs = jnp.concatenate([out0, outo], axis=1)
    return (outputs, Dij, nhloss)


def reference(Z, R, idx_i, idx_j, embeddings, G_W, W_i, b_i, W_j, b_j, res_int_W, res_int_b, W_int_out, b_int_out, u, res_at_W, res_at_b, res_out_W, res_out_b, W_final):
    return _forward(Z=Z, R=R, idx_i=idx_i, idx_j=idx_j, embeddings=embeddings, G_W=G_W, W_i=W_i, b_i=b_i, W_j=W_j, b_j=b_j, res_int_W=res_int_W, res_int_b=res_int_b, W_int_out=W_int_out, b_int_out=b_int_out, u=u, res_at_W=res_at_W, res_at_b=res_at_b, res_out_W=res_out_W, res_out_b=res_out_b, W_final=W_final)

if __name__ == "__main__":
    import jax
    _d = setup_inputs()
    print(jax.jit(kernel)(*tuple(_d.values())))

</pallas_src>

<mosaic_0001>
#map = affine_map<(d0, d1) -> (0, 0)>
#map1 = affine_map<(d0, d1) -> (0, 0, 0)>
module attributes {stable_mosaic.version = 14 : i64} {
  func.func @_msg_body(%arg0: i32, %arg1: i32, %arg2: memref<160000x128xf32, #tpu.memory_space<hbm>>, %arg3: memref<10000x128xf32, #tpu.memory_space<hbm>>, %arg4: memref<32x44x128xi32, #tpu.memory_space<hbm>>, %arg5: memref<32x44x128xi32, #tpu.memory_space<hbm>>, %arg6: memref<32x44x128xi32, #tpu.memory_space<hbm>>, %arg7: memref<10016x128xf32, #tpu.memory_space<hbm>>, %arg8: memref<128x128xf32, #tpu.memory_space<vmem>>, %arg9: memref<128x128xf32, #tpu.memory_space<vmem>>, %arg10: memref<128x128xf32, #tpu.memory_space<vmem>>, %arg11: memref<128x128xf32, #tpu.memory_space<vmem>>, %arg12: memref<44x128xi32, #tpu.memory_space<vmem>>, %arg13: memref<44x128xi32, #tpu.memory_space<vmem>>, %arg14: memref<44x128xi32, #tpu.memory_space<vmem>>, %arg15: memref<314x128xf32, #tpu.memory_space<vmem>>, %arg16: memref<!tpu.dma_semaphore, #tpu.memory_space<semaphore_mem>>, %arg17: memref<!tpu.dma_semaphore, #tpu.memory_space<semaphore_mem>>, %arg18: memref<!tpu.dma_semaphore, #tpu.memory_space<semaphore_mem>>, %arg19: memref<!tpu.dma_semaphore, #tpu.memory_space<semaphore_mem>>) attributes {dimension_semantics = [#tpu.dimension_semantics<core_parallel>, #tpu.dimension_semantics<subcore_parallel>], iteration_bounds = array<i64: 2, 16>, scalar_prefetch = 0 : i64, scratch_operands = 12 : i64, tpu.core_type = #tpu.core_type<sc_vector_subcore>, window_params = [{transform_indices = #map}, {transform_indices = #map}, {transform_indices = #map1}, {transform_indices = #map1}, {transform_indices = #map1}, {transform_indices = #map}]} {
    %mul3A = arith.constant 2 : i32
    %mul3A_0 = arith.muli %arg1, %mul3A : i32
    %add3A = arith.addi %mul3A_0, %arg0 : i32
    %scan3A = arith.constant 0 : i32
    %scan3A_1 = arith.constant 314 : i32
    %scan3A_2 = arith.addi %scan3A, %scan3A_1 : i32
    %scan3A_3 = arith.constant 1 : i32
    scf.for %scan3A_25 = %scan3A to %scan3A_2 step %scan3A_3  : i32 {
      %mul3A_26 = arith.constant 1 : i32
      %mul3A_27 = arith.muli %scan3A_25, %mul3A_26 : i32
      %add3A_28 = arith.constant 0 : i32
      %add3A_29 = arith.addi %add3A_28, %mul3A_27 : i32
      %broadcast_in_dim3A = arith.constant 0.000000e+00 : f32
      %broadcast_in_dim3A_30 = vector.broadcast %broadcast_in_dim3A : f32 to vector<16xf32>
      %swap3A = arith.index_cast %add3A_29 : i32 to index
      %swap3A_31 = arith.constant 0 : index
      %swap3A_32 = tpu.vector_load %arg15[%swap3A, %swap3A_31] {strides = array<i32>} : memref<314x128xf32, #tpu.memory_space<vmem>>, vector<16xf32>,
      tpu.vector_store %arg15[%swap3A, %swap3A_31], %broadcast_in_dim3A_30 {strides = array<i32>} : memref<314x128xf32, #tpu.memory_space<vmem>>, vector<16xf32>,
      %broadcast_in_dim3A_33 = arith.constant 0.000000e+00 : f32
      %broadcast_in_dim3A_34 = vector.broadcast %broadcast_in_dim3A_33 : f32 to vector<16xf32>
      %swap3A_35 = arith.index_cast %add3A_29 : i32 to index
      %swap3A_36 = arith.constant 16 : index
      %swap3A_37 = tpu.vector_load %arg15[%swap3A_35, %swap3A_36] {strides = array<i32>} : memref<314x128xf32, #tpu.memory_space<vmem>>, vector<16xf32>,
      tpu.vector_store %arg15[%swap3A_35, %swap3A_36], %broadcast_in_dim3A_34 {strides = array<i32>} : memref<314x128xf32, #tpu.memory_space<vmem>>, vector<16xf32>,
      %broadcast_in_dim3A_38 = arith.constant 0.000000e+00 : f32
      %broadcast_in_dim3A_39 = vector.broadcast %broadcast_in_dim3A_38 : f32 to vector<16xf32>
      %swap3A_40 = arith.index_cast %add3A_29 : i32 to index
      %swap3A_41 = arith.constant 32 : index
      %swap3A_42 = tpu.vector_load %arg15[%swap3A_40, %swap3A_41] {strides = array<i32>} : memref<314x128xf32, #tpu.memory_space<vmem>>, vector<16xf32>,
      tpu.vector_store %arg15[%swap3A_40, %swap3A_41], %broadcast_in_dim3A_39 {strides = array<i32>} : memref<314x128xf32, #tpu.memory_space<vmem>>, vector<16xf32>,
      %broadcast_in_dim3A_43 = arith.constant 0.000000e+00 : f32
      %broadcast_in_dim3A_44 = vector.broadcast %broadcast_in_dim3A_43 : f32 to vector<16xf32>
      %swap3A_45 = arith.index_cast %add3A_29 : i32 to index
      %swap3A_46 = arith.constant 48 : index
      %swap3A_47 = tpu.vector_load %arg15[%swap3A_45, %swap3A_46] {strides = array<i32>} : memref<314x128xf32, #tpu.memory_space<vmem>>, vector<16xf32>,
      tpu.vector_store %arg15[%swap3A_45, %swap3A_46], %broadcast_in_dim3A_44 {strides = array<i32>} : memref<314x128xf32, #tpu.memory_space<vmem>>, vector<16xf32>,
      %broadcast_in_dim3A_48 = arith.constant 0.000000e+00 : f32
      %broadcast_in_dim3A_49 = vector.broadcast %broadcast_in_dim3A_48 : f32 to vector<16xf32>
      %swap3A_50 = arith.index_cast %add3A_29 : i32 to index
      %swap3A_51 = arith.constant 64 : index
      %swap3A_52 = tpu.vector_load %arg15[%swap3A_50, %swap3A_51] {strides = array<i32>} : memref<314x128xf32, #tpu.memory_space<vmem>>, vector<16xf32>,
      tpu.vector_store %arg15[%swap3A_50, %swap3A_51], %broadcast_in_dim3A_49 {strides = array<i32>} : memref<314x128xf32, #tpu.memory_space<vmem>>, vector<16xf32>,
      %broadcast_in_dim3A_53 = arith.constant 0.000000e+00 : f32
      %broadcast_in_dim3A_54 = vector.broadcast %broadcast_in_dim3A_53 : f32 to vector<16xf32>
      %swap3A_55 = arith.index_cast %add3A_29 : i32 to index
      %swap3A_56 = arith.constant 80 : index
      %swap3A_57 = tpu.vector_load %arg15[%swap3A_55, %swap3A_56] {strides = array<i32>} : memref<314x128xf32, #tpu.memory_space<vmem>>, vector<16xf32>,
      tpu.vector_store %arg15[%swap3A_55, %swap3A_56], %broadcast_in_dim3A_54 {strides = array<i32>} : memref<314x128xf32, #tpu.memory_space<vmem>>, vector<16xf32>,
      %broadcast_in_dim3A_58 = arith.constant 0.000000e+00 : f32
      %broadcast_in_dim3A_59 = vector.broadcast %broadcast_in_dim3A_58 : f32 to vector<16xf32>
      %swap3A_60 = arith.index_cast %add3A_29 : i32 to index
      %swap3A_61 = arith.constant 96 : index
      %swap3A_62 = tpu.vector_load %arg15[%swap3A_60, %swap3A_61] {strides = array<i32>} : memref<314x128xf32, #tpu.memory_space<vmem>>, vector<16xf32>,
      tpu.vector_store %arg15[%swap3A_60, %swap3A_61], %broadcast_in_dim3A_59 {strides = array<i32>} : memref<314x128xf32, #tpu.memory_space<vmem>>, vector<16xf32>,
      %broadcast_in_dim3A_63 = arith.constant 0.000000e+00 : f32
      %broadcast_in_dim3A_64 = vector.broadcast %broadcast_in_dim3A_63 : f32 to vector<16xf32>
      %swap3A_65 = arith.index_cast %add3A_29 : i32 to index
      %swap3A_66 = arith.constant 112 : index
      %swap3A_67 = tpu.vector_load %arg15[%swap3A_65, %swap3A_66] {strides = array<i32>} : memref<314x128xf32, #tpu.memory_space<vmem>>, vector<16xf32>,
      tpu.vector_store %arg15[%swap3A_65, %swap3A_66], %broadcast_in_dim3A_64 {strides = array<i32>} : memref<314x128xf32, #tpu.memory_space<vmem>>, vector<16xf32>,
    }
    %scan3A_4 = arith.constant 314 : i32
    "tpu.region"() ({
      %run_scoped3A = tpu.sem_alloc : memref<!tpu.dma_semaphore, #tpu.memory_space<semaphore_mem>>
      %dma_start3A_25 = arith.constant 0 : i32
      %dma_start3A_26 = arith.constant 0 : i32
      %dma_start3A_27 = tpu.memref_slice %arg4[%add3A, %dma_start3A_25, %dma_start3A_26] : memref<32x44x128xi32, #tpu.memory_space<hbm>> -> memref<1x44x128xi32, #tpu.memory_space<hbm>>
      %dma_start3A_28 = tpu.memref_squeeze %dma_start3A_27 : memref<1x44x128xi32, #tpu.memory_space<hbm>> -> memref<44x128xi32, #tpu.memory_space<hbm>>
      %dma_start3A_29 = arith.constant 0 : i32
      %dma_start3A_30 = arith.constant 0 : i32
      %dma_start3A_31 = tpu.memref_slice %arg4[%add3A, %dma_start3A_29, %dma_start3A_30] : memref<32x44x128xi32, #tpu.memory_space<hbm>> -> memref<1x44x128xi32, #tpu.memory_space<hbm>>
      %dma_start3A_32 = tpu.memref_squeeze %dma_start3A_31 : memref<1x44x128xi32, #tpu.memory_space<hbm>> -> memref<44x128xi32, #tpu.memory_space<hbm>>
      tpu.enqueue_dma source(%dma_start3A_32 : memref<44x128xi32, #tpu.memory_space<hbm>>) target(%arg12 : memref<44x128xi32, #tpu.memory_space<vmem>>) target_semaphore(%run_scoped3A : memref<!tpu.dma_semaphore, #tpu.memory_space<semaphore_mem>>)
      %dma_wait3A = arith.constant 0 : i32
      %dma_wait3A_33 = arith.constant 0 : i32
      %dma_wait3A_34 = tpu.memref_slice %arg4[%add3A, %dma_wait3A, %dma_wait3A_33] : memref<32x44x128xi32, #tpu.memory_space<hbm>> -> memref<1x44x128xi32, #tpu.memory_space<hbm>>
      %dma_wait3A_35 = tpu.memref_squeeze %dma_wait3A_34 : memref<1x44x128xi32, #tpu.memory_space<hbm>> -> memref<44x128xi32, #tpu.memory_space<hbm>>
      %dma_wait3A_36 = arith.constant 0 : i32
      %dma_wait3A_37 = arith.constant 0 : i32
      %dma_wait3A_38 = tpu.memref_slice %arg4[%add3A, %dma_wait3A_36, %dma_wait3A_37] : memref<32x44x128xi32, #tpu.memory_space<hbm>> -> memref<1x44x128xi32, #tpu.memory_space<hbm>>
      %dma_wait3A_39 = tpu.memref_squeeze %dma_wait3A_38 : memref<1x44x128xi32, #tpu.memory_space<hbm>> -> memref<44x128xi32, #tpu.memory_space<hbm>>
      tpu.wait_dma2 semaphore(%run_scoped3A : memref<!tpu.dma_semaphore, #tpu.memory_space<semaphore_mem>>) src(%dma_wait3A_39 : memref<44x128xi32, #tpu.memory_space<hbm>>) dst(%arg12 : memref<44x128xi32, #tpu.memory_space<vmem>>)
      tpu.yield
    }) : () -> ()
    "tpu.region"() ({
      %run_scoped3A = tpu.sem_alloc : memref<!tpu.dma_semaphore, #tpu.memory_space<semaphore_mem>>
      %dma_start3A_25 = arith.constant 0 : i32
      %dma_start3A_26 = arith.constant 0 : i32
      %dma_start3A_27 = tpu.memref_slice %arg5[%add3A, %dma_start3A_25, %dma_start3A_26] : memref<32x44x128xi32, #tpu.memory_space<hbm>> -> memref<1x44x128xi32, #tpu.memory_space<hbm>>
      %dma_start3A_28 = tpu.memref_squeeze %dma_start3A_27 : memref<1x44x128xi32, #tpu.memory_space<hbm>> -> memref<44x128xi32, #tpu.memory_space<hbm>>
      %dma_start3A_29 = arith.constant 0 : i32
      %dma_start3A_30 = arith.constant 0 : i32
      %dma_start3A_31 = tpu.memref_slice %arg5[%add3A, %dma_start3A_29, %dma_start3A_30] : memref<32x44x128xi32, #tpu.memory_space<hbm>> -> memref<1x44x128xi32, #tpu.memory_space<hbm>>
      %dma_start3A_32 = tpu.memref_squeeze %dma_start3A_31 : memref<1x44x128xi32, #tpu.memory_space<hbm>> -> memref<44x128xi32, #tpu.memory_space<hbm>>
      tpu.enqueue_dma source(%dma_start3A_32 : memref<44x128xi32, #tpu.memory_space<hbm>>) target(%arg13 : memref<44x128xi32, #tpu.memory_space<vmem>>) target_semaphore(%run_scoped3A : memref<!tpu.dma_semaphore, #tpu.memory_space<semaphore_mem>>)
      %dma_wait3A = arith.constant 0 : i32
      %dma_wait3A_33 = arith.constant 0 : i32
      %dma_wait3A_34 = tpu.memref_slice %arg5[%add3A, %dma_wait3A, %dma_wait3A_33] : memref<32x44x128xi32, #tpu.memory_space<hbm>> -> memref<1x44x128xi32, #tpu.memory_space<hbm>>
      %dma_wait3A_35 = tpu.memref_squeeze %dma_wait3A_34 : memref<1x44x128xi32, #tpu.memory_space<hbm>> -> memref<44x128xi32, #tpu.memory_space<hbm>>
      %dma_wait3A_36 = arith.constant 0 : i32
      %dma_wait3A_37 = arith.constant 0 : i32
      %dma_wait3A_38 = tpu.memref_slice %arg5[%add3A, %dma_wait3A_36, %dma_wait3A_37] : memref<32x44x128xi32, #tpu.memory_space<hbm>> -> memref<1x44x128xi32, #tpu.memory_space<hbm>>
      %dma_wait3A_39 = tpu.memref_squeeze %dma_wait3A_38 : memref<1x44x128xi32, #tpu.memory_space<hbm>> -> memref<44x128xi32, #tpu.memory_space<hbm>>
      tpu.wait_dma2 semaphore(%run_scoped3A : memref<!tpu.dma_semaphore, #tpu.memory_space<semaphore_mem>>) src(%dma_wait3A_39 : memref<44x128xi32, #tpu.memory_space<hbm>>) dst(%arg13 : memref<44x128xi32, #tpu.memory_space<vmem>>)
      tpu.yield
    }) : () -> ()
    "tpu.region"() ({
      %run_scoped3A = tpu.sem_alloc : memref<!tpu.dma_semaphore, #tpu.memory_space<semaphore_mem>>
      %dma_start3A_25 = arith.constant 0 : i32
      %dma_start3A_26 = arith.constant 0 : i32
      %dma_start3A_27 = tpu.memref_slice %arg6[%add3A, %dma_start3A_25, %dma_start3A_26] : memref<32x44x128xi32, #tpu.memory_space<hbm>> -> memref<1x44x128xi32, #tpu.memory_space<hbm>>
      %dma_start3A_28 = tpu.memref_squeeze %dma_start3A_27 : memref<1x44x128xi32, #tpu.memory_space<hbm>> -> memref<44x128xi32, #tpu.memory_space<hbm>>
      %dma_start3A_29 = arith.constant 0 : i32
      %dma_start3A_30 = arith.constant 0 : i32
      %dma_start3A_31 = tpu.memref_slice %arg6[%add3A, %dma_start3A_29, %dma_start3A_30] : memref<32x44x128xi32, #tpu.memory_space<hbm>> -> memref<1x44x128xi32, #tpu.memory_space<hbm>>
      %dma_start3A_32 = tpu.memref_squeeze %dma_start3A_31 : memref<1x44x128xi32, #tpu.memory_space<hbm>> -> memref<44x128xi32, #tpu.memory_space<hbm>>
      tpu.enqueue_dma source(%dma_start3A_32 : memref<44x128xi32, #tpu.memory_space<hbm>>) target(%arg14 : memref<44x128xi32, #tpu.memory_space<vmem>>) target_semaphore(%run_scoped3A : memref<!tpu.dma_semaphore, #tpu.memory_space<semaphore_mem>>)
      %dma_wait3A = arith.constant 0 : i32
      %dma_wait3A_33 = arith.constant 0 : i32
      %dma_wait3A_34 = tpu.memref_slice %arg6[%add3A, %dma_wait3A, %dma_wait3A_33] : memref<32x44x128xi32, #tpu.memory_space<hbm>> -> memref<1x44x128xi32, #tpu.memory_space<hbm>>
      %dma_wait3A_35 = tpu.memref_squeeze %dma_wait3A_34 : memref<1x44x128xi32, #tpu.memory_space<hbm>> -> memref<44x128xi32, #tpu.memory_space<hbm>>
      %dma_wait3A_36 = arith.constant 0 : i32
      %dma_wait3A_37 = arith.constant 0 : i32
      %dma_wait3A_38 = tpu.memref_slice %arg6[%add3A, %dma_wait3A_36, %dma_wait3A_37] : memref<32x44x128xi32, #tpu.memory_space<hbm>> -> memref<1x44x128xi32, #tpu.memory_space<hbm>>
      %dma_wait3A_39 = tpu.memref_squeeze %dma_wait3A_38 : memref<1x44x128xi32, #tpu.memory_space<hbm>> -> memref<44x128xi32, #tpu.memory_space<hbm>>
      tpu.wait_dma2 semaphore(%run_scoped3A : memref<!tpu.dma_semaphore, #tpu.memory_space<semaphore_mem>>) src(%dma_wait3A_39 : memref<44x128xi32, #tpu.memory_space<hbm>>) dst(%arg14 : memref<44x128xi32, #tpu.memory_space<vmem>>)
      tpu.yield
    }) : () -> ()
    %iota3A = tpu.iota {dimensions = array<i32: 0>} : vector<16xi32>
    %dma_start3A = arith.constant 0 : i32
    %dma_start3A_5 = arith.constant 0 : i32
    %dma_start3A_6 = tpu.memref_slice %arg12[%dma_start3A, %dma_start3A_5] : memref<44x128xi32, #tpu.memory_space<vmem>> -> memref<1x128xi32, #tpu.memory_space<vmem>>
    %dma_start3A_7 = tpu.memref_squeeze %dma_start3A_6 : memref<1x128xi32, #tpu.memory_space<vmem>> -> memref<128xi32, #tpu.memory_space<vmem>>
    %dma_start3A_8 = arith.constant 0 : i32
    %dma_start3A_9 = arith.constant 0 : i32
    %dma_start3A_10 = tpu.memref_slice %arg2[%dma_start3A_8, %dma_start3A_9] : memref<160000x128xf32, #tpu.memory_space<hbm>> -> memref<160000x128xf32, #tpu.memory_space<hbm>>
    tpu.enqueue_indirect_dma source(%dma_start3A_10 : memref<160000x128xf32, #tpu.memory_space<hbm>>) target(%arg8 : memref<128x128xf32, #tpu.memory_space<vmem>>) offsets(%dma_start3A_7 : memref<128xi32, #tpu.memory_space<vmem>>) semaphore(%arg16 : memref<!tpu.dma_semaphore, #tpu.memory_space<semaphore_mem>>)
    %dma_start3A_11 = arith.constant 0 : i32
    %dma_start3A_12 = arith.constant 0 : i32
    %dma_start3A_13 = tpu.memref_slice %arg13[%dma_start3A_11, %dma_start3A_12] : memref<44x128xi32, #tpu.memory_space<vmem>> -> memref<1x128xi32, #tpu.memory_space<vmem>>
    %dma_start3A_14 = tpu.memref_squeeze %dma_start3A_13 : memref<1x128xi32, #tpu.memory_space<vmem>> -> memref<128xi32, #tpu.memory_space<vmem>>
    %dma_start3A_15 = arith.constant 0 : i32
    %dma_start3A_16 = arith.constant 0 : i32
    %dma_start3A_17 = tpu.memref_slice %arg3[%dma_start3A_15, %dma_start3A_16] : memref<10000x128xf32, #tpu.memory_space<hbm>> -> memref<10000x128xf32, #tpu.memory_space<hbm>>
    tpu.enqueue_indirect_dma source(%dma_start3A_17 : memref<10000x128xf32, #tpu.memory_space<hbm>>) target(%arg9 : memref<128x128xf32, #tpu.memory_space<vmem>>) offsets(%dma_start3A_14 : memref<128xi32, #tpu.memory_space<vmem>>) semaphore(%arg17 : memref<!tpu.dma_semaphore, #tpu.memory_space<semaphore_mem>>)
    %scan3A_18 = arith.constant 0 : i32
    %scan3A_19 = arith.constant 22 : i32
    %scan3A_20 = arith.addi %scan3A_18, %scan3A_19 : i32
    %scan3A_21 = arith.constant 1 : i32
    scf.for %scan3A_25 = %scan3A_18 to %scan3A_20 step %scan3A_21  : i32 {
      %mul3A_26 = arith.constant 1 : i32
      %mul3A_27 = arith.muli %scan3A_25, %mul3A_26 : i32
      %add3A_28 = arith.constant 0 : i32
      %add3A_29 = arith.addi %add3A_28, %mul3A_27 : i32
      %mul3A_30 = arith.constant 2 : i32
      %mul3A_31 = arith.muli %mul3A_30, %add3A_29 : i32
      %dma_wait3A = arith.constant 0 : i32
      %dma_wait3A_32 = arith.constant 0 : i32
      %dma_wait3A_33 = tpu.memref_slice %arg2[%dma_wait3A, %dma_wait3A_32] : memref<160000x128xf32, #tpu.memory_space<hbm>> -> memref<128x128xf32, #tpu.memory_space<hbm>>
      %dma_wait3A_34 = arith.constant 0 : i32
      %dma_wait3A_35 = arith.constant 0 : i32
      %dma_wait3A_36 = tpu.memref_slice %arg2[%dma_wait3A_34, %dma_wait3A_35] : memref<160000x128xf32, #tpu.memory_space<hbm>> -> memref<128x128xf32, #tpu.memory_space<hbm>>
      tpu.wait_dma2 semaphore(%arg16 : memref<!tpu.dma_semaphore, #tpu.memory_space<semaphore_mem>>) src(%dma_wait3A_36 : memref<128x128xf32, #tpu.memory_space<hbm>>) dst(%arg8 : memref<128x128xf32, #tpu.memory_space<vmem>>)
      %dma_wait3A_37 = arith.constant 0 : i32
      %dma_wait3A_38 = arith.constant 0 : i32
      %dma_wait3A_39 = tpu.memref_slice %arg3[%dma_wait3A_37, %dma_wait3A_38] : memref<10000x128xf32, #tpu.memory_space<hbm>> -> memref<128x128xf32, #tpu.memory_space<hbm>>
      %dma_wait3A_40 = arith.constant 0 : i32
      %dma_wait3A_41 = arith.constant 0 : i32
      %dma_wait3A_42 = tpu.memref_slice %arg3[%dma_wait3A_40, %dma_wait3A_41] : memref<10000x128xf32, #tpu.memory_space<hbm>> -> memref<128x128xf32, #tpu.memory_space<hbm>>
      tpu.wait_dma2 semaphore(%arg17 : memref<!tpu.dma_semaphore, #tpu.memory_space<semaphore_mem>>) src(%dma_wait3A_42 : memref<128x128xf32, #tpu.memory_space<hbm>>) dst(%arg9 : memref<128x128xf32, #tpu.memory_space<vmem>>)
      %add3A_43 = arith.constant 1 : i32
      %add3A_44 = arith.addi %mul3A_31, %add3A_43 : i32
      %dma_start3A_45 = arith.constant 0 : i32
      %dma_start3A_46 = tpu.memref_slice %arg12[%add3A_44, %dma_start3A_45] : memref<44x128xi32, #tpu.memory_space<vmem>> -> memref<1x128xi32, #tpu.memory_space<vmem>>
      %dma_start3A_47 = tpu.memref_squeeze %dma_start3A_46 : memref<1x128xi32, #tpu.memory_space<vmem>> -> memref<128xi32, #tpu.memory_space<vmem>>
      %dma_start3A_48 = arith.constant 0 : i32
      %dma_start3A_49 = arith.constant 0 : i32
      %dma_start3A_50 = tpu.memref_slice %arg2[%dma_start3A_48, %dma_start3A_49] : memref<160000x128xf32, #tpu.memory_space<hbm>> -> memref<160000x128xf32, #tpu.memory_space<hbm>>
      tpu.enqueue_indirect_dma source(%dma_start3A_50 : memref<160000x128xf32, #tpu.memory_space<hbm>>) target(%arg10 : memref<128x128xf32, #tpu.memory_space<vmem>>) offsets(%dma_start3A_47 : memref<128xi32, #tpu.memory_space<vmem>>) semaphore(%arg18 : memref<!tpu.dma_semaphore, #tpu.memory_space<semaphore_mem>>)
      %dma_start3A_51 = arith.constant 0 : i32
      %dma_start3A_52 = tpu.memref_slice %arg13[%add3A_44, %dma_start3A_51] : memref<44x128xi32, #tpu.memory_space<vmem>> -> memref<1x128xi32, #tpu.memory_space<vmem>>
      %dma_start3A_53 = tpu.memref_squeeze %dma_start3A_52 : memref<1x128xi32, #tpu.memory_space<vmem>> -> memref<128xi32, #tpu.memory_space<vmem>>
      %dma_start3A_54 = arith.constant 0 : i32
      %dma_start3A_55 = arith.constant 0 : i32
      %dma_start3A_56 = tpu.memref_slice %arg3[%dma_start3A_54, %dma_start3A_55] : memref<10000x128xf32, #tpu.memory_space<hbm>> -> memref<10000x128xf32, #tpu.memory_space<hbm>>
      tpu.enqueue_indirect_dma source(%dma_start3A_56 : memref<10000x128xf32, #tpu.memory_space<hbm>>) target(%arg11 : memref<128x128xf32, #tpu.memory_space<vmem>>) offsets(%dma_start3A_53 : memref<128xi32, #tpu.memory_space<vmem>>) semaphore(%arg19 : memref<!tpu.dma_semaphore, #tpu.memory_space<semaphore_mem>>)
      %scan3A_57 = arith.constant 0 : i32
      %scan3A_58 = arith.constant 8 : i32
      %scan3A_59 = arith.addi %scan3A_57, %scan3A_58 : i32
      %scan3A_60 = arith.constant 1 : i32
      scf.for %scan3A_85 = %scan3A_57 to %scan3A_59 step %scan3A_60  : i32 {
        %mul3A_86 = arith.constant 1 : i32
        %mul3A_87 = arith.muli %scan3A_85, %mul3A_86 : i32
        %add3A_88 = arith.constant 0 : i32
        %add3A_89 = arith.addi %add3A_88, %mul3A_87 : i32
        %mul3A_90 = arith.constant 16 : i32
        %mul3A_91 = arith.muli %add3A_89, %mul3A_90 : i32
        %add3A_92 = vector.broadcast %mul3A_91 : i32 to vector<16xi32>
        %add3A_93 = arith.addi %add3A_92, %iota3A : vector<16xi32>
        %mul3A_94 = arith.constant 16 : i32
        %mul3A_95 = arith.muli %add3A_89, %mul3A_94 : i32
        %get3A = arith.index_cast %mul3A_31 : i32 to index
        %get3A_96 = arith.index_cast %mul3A_95 : i32 to index
        %get3A_97 = tpu.vector_load %arg14[%get3A, %get3A_96] {strides = array<i32>} : memref<44x128xi32, #tpu.memory_space<vmem>>, vector<16xi32>,
        %parallel_loop3A = arith.constant 0 : i32
        %parallel_loop3A_98 = arith.constant 128 : i32
        %parallel_loop3A_99 = arith.constant 1 : i32
        scf.for %parallel_loop3A_100 = %parallel_loop3A to %parallel_loop3A_98 step %parallel_loop3A_99  : i32 {
          %parallel_loop3A_101 = vector.broadcast %parallel_loop3A_100 : i32 to vector<16xi32>
          %parallel_loop3A_102 = tpu.vector_load_idx %arg8[%add3A_93, %parallel_loop3A_101] : memref<128x128xf32, #tpu.memory_space<vmem>>[vector<16xi32>, vector<16xi32>], vector<16xf32>,
          %parallel_loop3A_103 = tpu.vector_load_idx %arg9[%add3A_93, %parallel_loop3A_101] : memref<128x128xf32, #tpu.memory_space<vmem>>[vector<16xi32>, vector<16xi32>], vector<16xf32>,
          %parallel_loop3A_104 = arith.mulf %parallel_loop3A_102, %parallel_loop3A_103 : vector<16xf32>
          tpu.vector_store_idx %arg15[%get3A_97, %parallel_loop3A_101], %parallel_loop3A_104 {add = true} : memref<314x128xf32, #tpu.memory_space<vmem>>[vector<16xi32>, vector<16xi32>], vector<16xf32>,
        } {sc.loop_unroll_factor = 16 : i64, sc.parallel_access}
      }
      %scan3A_61 = arith.constant 8 : i32
      %dma_wait3A_62 = arith.constant 0 : i32
      %dma_wait3A_63 = arith.constant 0 : i32
      %dma_wait3A_64 = tpu.memref_slice %arg2[%dma_wait3A_62, %dma_wait3A_63] : memref<160000x128xf32, #tpu.memory_space<hbm>> -> memref<128x128xf32, #tpu.memory_space<hbm>>
      %dma_wait3A_65 = arith.constant 0 : i32
      %dma_wait3A_66 = arith.constant 0 : i32
      %dma_wait3A_67 = tpu.memref_slice %arg2[%dma_wait3A_65, %dma_wait3A_66] : memref<160000x128xf32, #tpu.memory_space<hbm>> -> memref<128x128xf32, #tpu.memory_space<hbm>>
      tpu.wait_dma2 semaphore(%arg18 : memref<!tpu.dma_semaphore, #tpu.memory_space<semaphore_mem>>) src(%dma_wait3A_67 : memref<128x128xf32, #tpu.memory_space<hbm>>) dst(%arg10 : memref<128x128xf32, #tpu.memory_space<vmem>>)
      %dma_wait3A_68 = arith.constant 0 : i32
      %dma_wait3A_69 = arith.constant 0 : i32
      %dma_wait3A_70 = tpu.memref_slice %arg3[%dma_wait3A_68, %dma_wait3A_69] : memref<10000x128xf32, #tpu.memory_space<hbm>> -> memref<128x128xf32, #tpu.memory_space<hbm>>
      %dma_wait3A_71 = arith.constant 0 : i32
      %dma_wait3A_72 = arith.constant 0 : i32
      %dma_wait3A_73 = tpu.memref_slice %arg3[%dma_wait3A_71, %dma_wait3A_72] : memref<10000x128xf32, #tpu.memory_space<hbm>> -> memref<128x128xf32, #tpu.memory_space<hbm>>
      tpu.wait_dma2 semaphore(%arg19 : memref<!tpu.dma_semaphore, #tpu.memory_space<semaphore_mem>>) src(%dma_wait3A_73 : memref<128x128xf32, #tpu.memory_space<hbm>>) dst(%arg11 : memref<128x128xf32, #tpu.memory_space<vmem>>)
      %add3A_74 = arith.constant 2 : i32
      %add3A_75 = arith.addi %mul3A_31, %add3A_74 : i32
      %lt3A = arith.constant 44 : i32
      %lt3A_76 = arith.cmpi slt, %add3A_75, %lt3A : i32
      %convert_element_type3A = arith.extui %lt3A_76 : i1 to i32
      %cond3A = arith.constant 0 : i32
      %cond3A_77 = arith.cmpi ne, %convert_element_type3A, %cond3A : i32
      scf.if %cond3A_77 {
        %add3A_85 = arith.constant 2 : i32
        %add3A_86 = arith.addi %mul3A_31, %add3A_85 : i32
        %dma_start3A_87 = arith.constant 0 : i32
        %dma_start3A_88 = tpu.memref_slice %arg12[%add3A_86, %dma_start3A_87] : memref<44x128xi32, #tpu.memory_space<vmem>> -> memref<1x128xi32, #tpu.memory_space<vmem>>
        %dma_start3A_89 = tpu.memref_squeeze %dma_start3A_88 : memref<1x128xi32, #tpu.memory_space<vmem>> -> memref<128xi32, #tpu.memory_space<vmem>>
        %dma_start3A_90 = arith.constant 0 : i32
        %dma_start3A_91 = arith.constant 0 : i32
        %dma_start3A_92 = tpu.memref_slice %arg2[%dma_start3A_90, %dma_start3A_91] : memref<160000x128xf32, #tpu.memory_space<hbm>> -> memref<160000x128xf32, #tpu.memory_space<hbm>>
        tpu.enqueue_indirect_dma source(%dma_start3A_92 : memref<160000x128xf32, #tpu.memory_space<hbm>>) target(%arg8 : memref<128x128xf32, #tpu.memory_space<vmem>>) offsets(%dma_start3A_89 : memref<128xi32, #tpu.memory_space<vmem>>) semaphore(%arg16 : memref<!tpu.dma_semaphore, #tpu.memory_space<semaphore_mem>>)
        %dma_start3A_93 = arith.constant 0 : i32
        %dma_start3A_94 = tpu.memref_slice %arg13[%add3A_86, %dma_start3A_93] : memref<44x128xi32, #tpu.memory_space<vmem>> -> memref<1x128xi32, #tpu.memory_space<vmem>>
        %dma_start3A_95 = tpu.memref_squeeze %dma_start3A_94 : memref<1x128xi32, #tpu.memory_space<vmem>> -> memref<128xi32, #tpu.memory_space<vmem>>
        %dma_start3A_96 = arith.constant 0 : i32
        %dma_start3A_97 = arith.constant 0 : i32
        %dma_start3A_98 = tpu.memref_slice %arg3[%dma_start3A_96, %dma_start3A_97] : memref<10000x128xf32, #tpu.memory_space<hbm>> -> memref<10000x128xf32, #tpu.memory_space<hbm>>
        tpu.enqueue_indirect_dma source(%dma_start3A_98 : memref<10000x128xf32, #tpu.memory_space<hbm>>) target(%arg9 : memref<128x128xf32, #tpu.memory_space<vmem>>) offsets(%dma_start3A_95 : memref<128xi32, #tpu.memory_space<vmem>>) semaphore(%arg17 : memref<!tpu.dma_semaphore, #tpu.memory_space<semaphore_mem>>)
      } else {
      }
      %add3A_78 = arith.constant 1 : i32
      %add3A_79 = arith.addi %mul3A_31, %add3A_78 : i32
      %scan3A_80 = arith.constant 0 : i32
      %scan3A_81 = arith.constant 8 : i32
      %scan3A_82 = arith.addi %scan3A_80, %scan3A_81 : i32
      %scan3A_83 = arith.constant 1 : i32
      scf.for %scan3A_85 = %scan3A_80 to %scan3A_82 step %scan3A_83  : i32 {
        %mul3A_86 = arith.constant 1 : i32
        %mul3A_87 = arith.muli %scan3A_85, %mul3A_86 : i32
        %add3A_88 = arith.constant 0 : i32
        %add3A_89 = arith.addi %add3A_88, %mul3A_87 : i32
        %mul3A_90 = arith.constant 16 : i32
        %mul3A_91 = arith.muli %add3A_89, %mul3A_90 : i32
        %add3A_92 = vector.broadcast %mul3A_91 : i32 to vector<16xi32>
        %add3A_93 = arith.addi %add3A_92, %iota3A : vector<16xi32>
        %mul3A_94 = arith.constant 16 : i32
        %mul3A_95 = arith.muli %add3A_89, %mul3A_94 : i32
        %get3A = arith.index_cast %add3A_79 : i32 to index
        %get3A_96 = arith.index_cast %mul3A_95 : i32 to index
        %get3A_97 = tpu.vector_load %arg14[%get3A, %get3A_96] {strides = array<i32>} : memref<44x128xi32, #tpu.memory_space<vmem>>, vector<16xi32>,
        %parallel_loop3A = arith.constant 0 : i32
        %parallel_loop3A_98 = arith.constant 128 : i32
        %parallel_loop3A_99 = arith.constant 1 : i32
        scf.for %parallel_loop3A_100 = %parallel_loop3A to %parallel_loop3A_98 step %parallel_loop3A_99  : i32 {
          %parallel_loop3A_101 = vector.broadcast %parallel_loop3A_100 : i32 to vector<16xi32>
          %parallel_loop3A_102 = tpu.vector_load_idx %arg10[%add3A_93, %parallel_loop3A_101] : memref<128x128xf32, #tpu.memory_space<vmem>>[vector<16xi32>, vector<16xi32>], vector<16xf32>,
          %parallel_loop3A_103 = tpu.vector_load_idx %arg11[%add3A_93, %parallel_loop3A_101] : memref<128x128xf32, #tpu.memory_space<vmem>>[vector<16xi32>, vector<16xi32>], vector<16xf32>,
          %parallel_loop3A_104 = arith.mulf %parallel_loop3A_102, %parallel_loop3A_103 : vector<16xf32>
          tpu.vector_store_idx %arg15[%get3A_97, %parallel_loop3A_101], %parallel_loop3A_104 {add = true} : memref<314x128xf32, #tpu.memory_space<vmem>>[vector<16xi32>, vector<16xi32>], vector<16xf32>,
        } {sc.loop_unroll_factor = 16 : i64, sc.parallel_access}
      }
      %scan3A_84 = arith.constant 8 : i32
    }
    %scan3A_22 = arith.constant 22 : i32
    %mul3A_23 = arith.constant 313 : i32
    %mul3A_24 = arith.muli %add3A, %mul3A_23 : i32
    "tpu.region"() ({
      %run_scoped3A = tpu.sem_alloc : memref<!tpu.dma_semaphore, #tpu.memory_space<semaphore_mem>>
      %dma_start3A_25 = arith.constant 0 : i32
      %dma_start3A_26 = arith.constant 0 : i32
      %dma_start3A_27 = tpu.memref_slice %arg15[%dma_start3A_25, %dma_start3A_26] : memref<314x128xf32, #tpu.memory_space<vmem>> -> memref<313x128xf32, #tpu.memory_space<vmem>>
      %dma_start3A_28 = arith.constant 0 : i32
      %dma_start3A_29 = tpu.memref_slice %arg7[%mul3A_24, %dma_start3A_28] : memref<10016x128xf32, #tpu.memory_space<hbm>> -> memref<313x128xf32, #tpu.memory_space<hbm>>
      %dma_start3A_30 = arith.constant 0 : i32
      %dma_start3A_31 = tpu.memref_slice %arg7[%mul3A_24, %dma_start3A_30] : memref<10016x128xf32, #tpu.memory_space<hbm>> -> memref<313x128xf32, #tpu.memory_space<hbm>>
      %dma_start3A_32 = arith.constant 0 : i32
      %dma_start3A_33 = arith.constant 0 : i32
      %dma_start3A_34 = tpu.memref_slice %arg15[%dma_start3A_32, %dma_start3A_33] : memref<314x128xf32, #tpu.memory_space<vmem>> -> memref<313x128xf32, #tpu.memory_space<vmem>>
      tpu.enqueue_dma source(%dma_start3A_34 : memref<313x128xf32, #tpu.memory_space<vmem>>) target(%dma_start3A_31 : memref<313x128xf32, #tpu.memory_space<hbm>>) target_semaphore(%run_scoped3A : memref<!tpu.dma_semaphore, #tpu.memory_space<semaphore_mem>>)
      %dma_wait3A = arith.constant 0 : i32
      %dma_wait3A_35 = arith.constant 0 : i32
      %dma_wait3A_36 = tpu.memref_slice %arg15[%dma_wait3A, %dma_wait3A_35] : memref<314x128xf32, #tpu.memory_space<vmem>> -> memref<313x128xf32, #tpu.memory_space<vmem>>
      %dma_wait3A_37 = arith.constant 0 : i32
      %dma_wait3A_38 = tpu.memref_slice %arg7[%mul3A_24, %dma_wait3A_37] : memref<10016x128xf32, #tpu.memory_space<hbm>> -> memref<313x128xf32, #tpu.memory_space<hbm>>
      %dma_wait3A_39 = arith.constant 0 : i32
      %dma_wait3A_40 = tpu.memref_slice %arg7[%mul3A_24, %dma_wait3A_39] : memref<10016x128xf32, #tpu.memory_space<hbm>> -> memref<313x128xf32, #tpu.memory_space<hbm>>
      %dma_wait3A_41 = arith.constant 0 : i32
      %dma_wait3A_42 = arith.constant 0 : i32
      %dma_wait3A_43 = tpu.memref_slice %arg15[%dma_wait3A_41, %dma_wait3A_42] : memref<314x128xf32, #tpu.memory_space<vmem>> -> memref<313x128xf32, #tpu.memory_space<vmem>>
      tpu.wait_dma2 semaphore(%run_scoped3A : memref<!tpu.dma_semaphore, #tpu.memory_space<semaphore_mem>>) src(%dma_wait3A_43 : memref<313x128xf32, #tpu.memory_space<vmem>>) dst(%dma_wait3A_40 : memref<313x128xf32, #tpu.memory_space<hbm>>)
      tpu.yield
    }) : () -> ()
    return
  }
}

#map = affine_map<(d0, d1) -> (0, 0)>
#map1 = affine_map<(d0, d1) -> (0, 0, 0)>
module attributes {stable_mosaic.version = 14 : i64} {
  func.func @_msg_body(%arg0: i32, %arg1: i32, %arg2: memref<160000x128xf32, #tpu.memory_space<hbm>>, %arg3: memref<10000x128xf32, #tpu.memory_space<hbm>>, %arg4: memref<32x44x128xi32, #tpu.memory_space<hbm>>, %arg5: memref<32x44x128xi32, #tpu.memory_space<hbm>>, %arg6: memref<32x44x128xi32, #tpu.memory_space<hbm>>, %arg7: memref<10016x128xf32, #tpu.memory_space<hbm>>, %arg8: memref<128x128xf32, #tpu.memory_space<vmem>>, %arg9: memref<128x128xf32, #tpu.memory_space<vmem>>, %arg10: memref<128x128xf32, #tpu.memory_space<vmem>>, %arg11: memref<128x128xf32, #tpu.memory_space<vmem>>, %arg12: memref<44x128xi32, #tpu.memory_space<vmem>>, %arg13: memref<44x128xi32, #tpu.memory_space<vmem>>, %arg14: memref<44x128xi32, #tpu.memory_space<vmem>>, %arg15: memref<314x128xf32, #tpu.memory_space<vmem>>, %arg16: memref<!tpu.dma_semaphore, #tpu.memory_space<semaphore_mem>>, %arg17: memref<!tpu.dma_semaphore, #tpu.memory_space<semaphore_mem>>, %arg18: memref<!tpu.dma_semaphore, #tpu.memory_space<semaphore_mem>>, %arg19: memref<!tpu.dma_semaphore, #tpu.memory_space<semaphore_mem>>) attributes {dimension_semantics = [#tpu.dimension_semantics<core_parallel>, #tpu.dimension_semantics<subcore_parallel>], iteration_bounds = array<i64: 2, 16>, scalar_prefetch = 0 : i64, scratch_operands = 12 : i64, tpu.core_type = #tpu.core_type<sc_vector_subcore>, window_params = [{transform_indices = #map}, {transform_indices = #map}, {transform_indices = #map1}, {transform_indices = #map1}, {transform_indices = #map1}, {transform_indices = #map}]} {
    %mul3A = arith.constant 2 : i32
    %mul3A_0 = arith.muli %arg1, %mul3A : i32
    %add3A = arith.addi %mul3A_0, %arg0 : i32
    %scan3A = arith.constant 0 : i32
    %scan3A_1 = arith.constant 314 : i32
    %scan3A_2 = arith.addi %scan3A, %scan3A_1 : i32
    %scan3A_3 = arith.constant 1 : i32
    scf.for %scan3A_25 = %scan3A to %scan3A_2 step %scan3A_3  : i32 {
      %mul3A_26 = arith.constant 1 : i32
      %mul3A_27 = arith.muli %scan3A_25, %mul3A_26 : i32
      %add3A_28 = arith.constant 0 : i32
      %add3A_29 = arith.addi %add3A_28, %mul3A_27 : i32
      %broadcast_in_dim3A = arith.constant 0.000000e+00 : f32
      %broadcast_in_dim3A_30 = vector.broadcast %broadcast_in_dim3A : f32 to vector<16xf32>
      %swap3A = arith.index_cast %add3A_29 : i32 to index
      %swap3A_31 = arith.constant 0 : index
      %swap3A_32 = tpu.vector_load %arg15[%swap3A, %swap3A_31] {strides = array<i32>} : memref<314x128xf32, #tpu.memory_space<vmem>>, vector<16xf32>,
      tpu.vector_store %arg15[%swap3A, %swap3A_31], %broadcast_in_dim3A_30 {strides = array<i32>} : memref<314x128xf32, #tpu.memory_space<vmem>>, vector<16xf32>,
      %broadcast_in_dim3A_33 = arith.constant 0.000000e+00 : f32
      %broadcast_in_dim3A_34 = vector.broadcast %broadcast_in_dim3A_33 : f32 to vector<16xf32>
      %swap3A_35 = arith.index_cast %add3A_29 : i32 to index
      %swap3A_36 = arith.constant 16 : index
      %swap3A_37 = tpu.vector_load %arg15[%swap3A_35, %swap3A_36] {strides = array<i32>} : memref<314x128xf32, #tpu.memory_space<vmem>>, vector<16xf32>,
      tpu.vector_store %arg15[%swap3A_35, %swap3A_36], %broadcast_in_dim3A_34 {strides = array<i32>} : memref<314x128xf32, #tpu.memory_space<vmem>>, vector<16xf32>,
      %broadcast_in_dim3A_38 = arith.constant 0.000000e+00 : f32
      %broadcast_in_dim3A_39 = vector.broadcast %broadcast_in_dim3A_38 : f32 to vector<16xf32>
      %swap3A_40 = arith.index_cast %add3A_29 : i32 to index
      %swap3A_41 = arith.constant 32 : index
      %swap3A_42 = tpu.vector_load %arg15[%swap3A_40, %swap3A_41] {strides = array<i32>} : memref<314x128xf32, #tpu.memory_space<vmem>>, vector<16xf32>,
      tpu.vector_store %arg15[%swap3A_40, %swap3A_41], %broadcast_in_dim3A_39 {strides = array<i32>} : memref<314x128xf32, #tpu.memory_space<vmem>>, vector<16xf32>,
      %broadcast_in_dim3A_43 = arith.constant 0.000000e+00 : f32
      %broadcast_in_dim3A_44 = vector.broadcast %broadcast_in_dim3A_43 : f32 to vector<16xf32>
      %swap3A_45 = arith.index_cast %add3A_29 : i32 to index
      %swap3A_46 = arith.constant 48 : index
      %swap3A_47 = tpu.vector_load %arg15[%swap3A_45, %swap3A_46] {strides = array<i32>} : memref<314x128xf32, #tpu.memory_space<vmem>>, vector<16xf32>,
      tpu.vector_store %arg15[%swap3A_45, %swap3A_46], %broadcast_in_dim3A_44 {strides = array<i32>} : memref<314x128xf32, #tpu.memory_space<vmem>>, vector<16xf32>,
      %broadcast_in_dim3A_48 = arith.constant 0.000000e+00 : f32
      %broadcast_in_dim3A_49 = vector.broadcast %broadcast_in_dim3A_48 : f32 to vector<16xf32>
      %swap3A_50 = arith.index_cast %add3A_29 : i32 to index
      %swap3A_51 = arith.constant 64 : index
      %swap3A_52 = tpu.vector_load %arg15[%swap3A_50, %swap3A_51] {strides = array<i32>} : memref<314x128xf32, #tpu.memory_space<vmem>>, vector<16xf32>,
      tpu.vector_store %arg15[%swap3A_50, %swap3A_51], %broadcast_in_dim3A_49 {strides = array<i32>} : memref<314x128xf32, #tpu.memory_space<vmem>>, vector<16xf32>,
      %broadcast_in_dim3A_53 = arith.constant 0.000000e+00 : f32
      %broadcast_in_dim3A_54 = vector.broadcast %broadcast_in_dim3A_53 : f32 to vector<16xf32>
      %swap3A_55 = arith.index_cast %add3A_29 : i32 to index
      %swap3A_56 = arith.constant 80 : index
      %swap3A_57 = tpu.vector_load %arg15[%swap3A_55, %swap3A_56] {strides = array<i32>} : memref<314x128xf32, #tpu.memory_space<vmem>>, vector<16xf32>,
      tpu.vector_store %arg15[%swap3A_55, %swap3A_56], %broadcast_in_dim3A_54 {strides = array<i32>} : memref<314x128xf32, #tpu.memory_space<vmem>>, vector<16xf32>,
      %broadcast_in_dim3A_58 = arith.constant 0.000000e+00 : f32
      %broadcast_in_dim3A_59 = vector.broadcast %broadcast_in_dim3A_58 : f32 to vector<16xf32>
      %swap3A_60 = arith.index_cast %add3A_29 : i32 to index
      %swap3A_61 = arith.constant 96 : index
      %swap3A_62 = tpu.vector_load %arg15[%swap3A_60, %swap3A_61] {strides = array<i32>} : memref<314x128xf32, #tpu.memory_space<vmem>>, vector<16xf32>,
      tpu.vector_store %arg15[%swap3A_60, %swap3A_61], %broadcast_in_dim3A_59 {strides = array<i32>} : memref<314x128xf32, #tpu.memory_space<vmem>>, vector<16xf32>,
      %broadcast_in_dim3A_63 = arith.constant 0.000000e+00 : f32
      %broadcast_in_dim3A_64 = vector.broadcast %broadcast_in_dim3A_63 : f32 to vector<16xf32>
      %swap3A_65 = arith.index_cast %add3A_29 : i32 to index
      %swap3A_66 = arith.constant 112 : index
      %swap3A_67 = tpu.vector_load %arg15[%swap3A_65, %swap3A_66] {strides = array<i32>} : memref<314x128xf32, #tpu.memory_space<vmem>>, vector<16xf32>,
      tpu.vector_store %arg15[%swap3A_65, %swap3A_66], %broadcast_in_dim3A_64 {strides = array<i32>} : memref<314x128xf32, #tpu.memory_space<vmem>>, vector<16xf32>,
    }
    %scan3A_4 = arith.constant 314 : i32
    "tpu.region"() ({
      %run_scoped3A = tpu.sem_alloc : memref<!tpu.dma_semaphore, #tpu.memory_space<semaphore_mem>>
      %dma_start3A_25 = arith.constant 0 : i32
      %dma_start3A_26 = arith.constant 0 : i32
      %dma_start3A_27 = tpu.memref_slice %arg4[%add3A, %dma_start3A_25, %dma_start3A_26] : memref<32x44x128xi32, #tpu.memory_space<hbm>> -> memref<1x44x128xi32, #tpu.memory_space<hbm>>
      %dma_start3A_28 = tpu.memref_squeeze %dma_start3A_27 : memref<1x44x128xi32, #tpu.memory_space<hbm>> -> memref<44x128xi32, #tpu.memory_space<hbm>>
      %dma_start3A_29 = arith.constant 0 : i32
      %dma_start3A_30 = arith.constant 0 : i32
      %dma_start3A_31 = tpu.memref_slice %arg4[%add3A, %dma_start3A_29, %dma_start3A_30] : memref<32x44x128xi32, #tpu.memory_space<hbm>> -> memref<1x44x128xi32, #tpu.memory_space<hbm>>
      %dma_start3A_32 = tpu.memref_squeeze %dma_start3A_31 : memref<1x44x128xi32, #tpu.memory_space<hbm>> -> memref<44x128xi32, #tpu.memory_space<hbm>>
      tpu.enqueue_dma source(%dma_start3A_32 : memref<44x128xi32, #tpu.memory_space<hbm>>) target(%arg12 : memref<44x128xi32, #tpu.memory_space<vmem>>) target_semaphore(%run_scoped3A : memref<!tpu.dma_semaphore, #tpu.memory_space<semaphore_mem>>)
      %dma_wait3A = arith.constant 0 : i32
      %dma_wait3A_33 = arith.constant 0 : i32
      %dma_wait3A_34 = tpu.memref_slice %arg4[%add3A, %dma_wait3A, %dma_wait3A_33] : memref<32x44x128xi32, #tpu.memory_space<hbm>> -> memref<1x44x128xi32, #tpu.memory_space<hbm>>
      %dma_wait3A_35 = tpu.memref_squeeze %dma_wait3A_34 : memref<1x44x128xi32, #tpu.memory_space<hbm>> -> memref<44x128xi32, #tpu.memory_space<hbm>>
      %dma_wait3A_36 = arith.constant 0 : i32
      %dma_wait3A_37 = arith.constant 0 : i32
      %dma_wait3A_38 = tpu.memref_slice %arg4[%add3A, %dma_wait3A_36, %dma_wait3A_37] : memref<32x44x128xi32, #tpu.memory_space<hbm>> -> memref<1x44x128xi32, #tpu.memory_space<hbm>>
      %dma_wait3A_39 = tpu.memref_squeeze %dma_wait3A_38 : memref<1x44x128xi32, #tpu.memory_space<hbm>> -> memref<44x128xi32, #tpu.memory_space<hbm>>
      tpu.wait_dma2 semaphore(%run_scoped3A : memref<!tpu.dma_semaphore, #tpu.memory_space<semaphore_mem>>) src(%dma_wait3A_39 : memref<44x128xi32, #tpu.memory_space<hbm>>) dst(%arg12 : memref<44x128xi32, #tpu.memory_space<vmem>>)
      tpu.yield
    }) : () -> ()
    "tpu.region"() ({
      %run_scoped3A = tpu.sem_alloc : memref<!tpu.dma_semaphore, #tpu.memory_space<semaphore_mem>>
      %dma_start3A_25 = arith.constant 0 : i32
      %dma_start3A_26 = arith.constant 0 : i32
      %dma_start3A_27 = tpu.memref_slice %arg5[%add3A, %dma_start3A_25, %dma_start3A_26] : memref<32x44x128xi32, #tpu.memory_space<hbm>> -> memref<1x44x128xi32, #tpu.memory_space<hbm>>
      %dma_start3A_28 = tpu.memref_squeeze %dma_start3A_27 : memref<1x44x128xi32, #tpu.memory_space<hbm>> -> memref<44x128xi32, #tpu.memory_space<hbm>>
      %dma_start3A_29 = arith.constant 0 : i32
      %dma_start3A_30 = arith.constant 0 : i32
      %dma_start3A_31 = tpu.memref_slice %arg5[%add3A, %dma_start3A_29, %dma_start3A_30] : memref<32x44x128xi32, #tpu.memory_space<hbm>> -> memref<1x44x128xi32, #tpu.memory_space<hbm>>
      %dma_start3A_32 = tpu.memref_squeeze %dma_start3A_31 : memref<1x44x128xi32, #tpu.memory_space<hbm>> -> memref<44x128xi32, #tpu.memory_space<hbm>>
      tpu.enqueue_dma source(%dma_start3A_32 : memref<44x128xi32, #tpu.memory_space<hbm>>) target(%arg13 : memref<44x128xi32, #tpu.memory_space<vmem>>) target_semaphore(%run_scoped3A : memref<!tpu.dma_semaphore, #tpu.memory_space<semaphore_mem>>)
      %dma_wait3A = arith.constant 0 : i32
      %dma_wait3A_33 = arith.constant 0 : i32
      %dma_wait3A_34 = tpu.memref_slice %arg5[%add3A, %dma_wait3A, %dma_wait3A_33] : memref<32x44x128xi32, #tpu.memory_space<hbm>> -> memref<1x44x128xi32, #tpu.memory_space<hbm>>
      %dma_wait3A_35 = tpu.memref_squeeze %dma_wait3A_34 : memref<1x44x128xi32, #tpu.memory_space<hbm>> -> memref<44x128xi32, #tpu.memory_space<hbm>>
      %dma_wait3A_36 = arith.constant 0 : i32
      %dma_wait3A_37 = arith.constant 0 : i32
      %dma_wait3A_38 = tpu.memref_slice %arg5[%add3A, %dma_wait3A_36, %dma_wait3A_37] : memref<32x44x128xi32, #tpu.memory_space<hbm>> -> memref<1x44x128xi32, #tpu.memory_space<hbm>>
      %dma_wait3A_39 = tpu.memref_squeeze %dma_wait3A_38 : memref<1x44x128xi32, #tpu.memory_space<hbm>> -> memref<44x128xi32, #tpu.memory_space<hbm>>
      tpu.wait_dma2 semaphore(%run_scoped3A : memref<!tpu.dma_semaphore, #tpu.memory_space<semaphore_mem>>) src(%dma_wait3A_39 : memref<44x128xi32, #tpu.memory_space<hbm>>) dst(%arg13 : memref<44x128xi32, #tpu.memory_space<vmem>>)
      tpu.yield
    }) : () -> ()
    "tpu.region"() ({
      %run_scoped3A = tpu.sem_alloc : memref<!tpu.dma_semaphore, #tpu.memory_space<semaphore_mem>>
      %dma_start3A_25 = arith.constant 0 : i32
      %dma_start3A_26 = arith.constant 0 : i32
      %dma_start3A_27 = tpu.memref_slice %arg6[%add3A, %dma_start3A_25, %dma_start3A_26] : memref<32x44x128xi32, #tpu.memory_space<hbm>> -> memref<1x44x128xi32, #tpu.memory_space<hbm>>
      %dma_start3A_28 = tpu.memref_squeeze %dma_start3A_27 : memref<1x44x128xi32, #tpu.memory_space<hbm>> -> memref<44x128xi32, #tpu.memory_space<hbm>>
      %dma_start3A_29 = arith.constant 0 : i32
      %dma_start3A_30 = arith.constant 0 : i32
      %dma_start3A_31 = tpu.memref_slice %arg6[%add3A, %dma_start3A_29, %dma_start3A_30] : memref<32x44x128xi32, #tpu.memory_space<hbm>> -> memref<1x44x128xi32, #tpu.memory_space<hbm>>
      %dma_start3A_32 = tpu.memref_squeeze %dma_start3A_31 : memref<1x44x128xi32, #tpu.memory_space<hbm>> -> memref<44x128xi32, #tpu.memory_space<hbm>>
      tpu.enqueue_dma source(%dma_start3A_32 : memref<44x128xi32, #tpu.memory_space<hbm>>) target(%arg14 : memref<44x128xi32, #tpu.memory_space<vmem>>) target_semaphore(%run_scoped3A : memref<!tpu.dma_semaphore, #tpu.memory_space<semaphore_mem>>)
      %dma_wait3A = arith.constant 0 : i32
      %dma_wait3A_33 = arith.constant 0 : i32
      %dma_wait3A_34 = tpu.memref_slice %arg6[%add3A, %dma_wait3A, %dma_wait3A_33] : memref<32x44x128xi32, #tpu.memory_space<hbm>> -> memref<1x44x128xi32, #tpu.memory_space<hbm>>
      %dma_wait3A_35 = tpu.memref_squeeze %dma_wait3A_34 : memref<1x44x128xi32, #tpu.memory_space<hbm>> -> memref<44x128xi32, #tpu.memory_space<hbm>>
      %dma_wait3A_36 = arith.constant 0 : i32
      %dma_wait3A_37 = arith.constant 0 : i32
      %dma_wait3A_38 = tpu.memref_slice %arg6[%add3A, %dma_wait3A_36, %dma_wait3A_37] : memref<32x44x128xi32, #tpu.memory_space<hbm>> -> memref<1x44x128xi32, #tpu.memory_space<hbm>>
      %dma_wait3A_39 = tpu.memref_squeeze %dma_wait3A_38 : memref<1x44x128xi32, #tpu.memory_space<hbm>> -> memref<44x128xi32, #tpu.memory_space<hbm>>
      tpu.wait_dma2 semaphore(%run_scoped3A : memref<!tpu.dma_semaphore, #tpu.memory_space<semaphore_mem>>) src(%dma_wait3A_39 : memref<44x128xi32, #tpu.memory_space<hbm>>) dst(%arg14 : memref<44x128xi32, #tpu.memory_space<vmem>>)
      tpu.yield
    }) : () -> ()
    %iota3A = tpu.iota {dimensions = array<i32: 0>} : vector<16xi32>
    %dma_start3A = arith.constant 0 : i32
    %dma_start3A_5 = arith.constant 0 : i32
    %dma_start3A_6 = tpu.memref_slice %arg12[%dma_start3A, %dma_start3A_5] : memref<44x128xi32, #tpu.memory_space<vmem>> -> memref<1x128xi32, #tpu.memory_space<vmem>>
    %dma_start3A_7 = tpu.memref_squeeze %dma_start3A_6 : memref<1x128xi32, #tpu.memory_space<vmem>> -> memref<128xi32, #tpu.memory_space<vmem>>
    %dma_start3A_8 = arith.constant 0 : i32
    %dma_start3A_9 = arith.constant 0 : i32
    %dma_start3A_10 = tpu.memref_slice %arg2[%dma_start3A_8, %dma_start3A_9] : memref<160000x128xf32, #tpu.memory_space<hbm>> -> memref<160000x128xf32, #tpu.memory_space<hbm>>
    tpu.enqueue_indirect_dma source(%dma_start3A_10 : memref<160000x128xf32, #tpu.memory_space<hbm>>) target(%arg8 : memref<128x128xf32, #tpu.memory_space<vmem>>) offsets(%dma_start3A_7 : memref<128xi32, #tpu.memory_space<vmem>>) semaphore(%arg16 : memref<!tpu.dma_semaphore, #tpu.memory_space<semaphore_mem>>)
    %dma_start3A_11 = arith.constant 0 : i32
    %dma_start3A_12 = arith.constant 0 : i32
    %dma_start3A_13 = tpu.memref_slice %arg13[%dma_start3A_11, %dma_start3A_12] : memref<44x128xi32, #tpu.memory_space<vmem>> -> memref<1x128xi32, #tpu.memory_space<vmem>>
    %dma_start3A_14 = tpu.memref_squeeze %dma_start3A_13 : memref<1x128xi32, #tpu.memory_space<vmem>> -> memref<128xi32, #tpu.memory_space<vmem>>
    %dma_start3A_15 = arith.constant 0 : i32
    %dma_start3A_16 = arith.constant 0 : i32
    %dma_start3A_17 = tpu.memref_slice %arg3[%dma_start3A_15, %dma_start3A_16] : memref<10000x128xf32, #tpu.memory_space<hbm>> -> memref<10000x128xf32, #tpu.memory_space<hbm>>
    tpu.enqueue_indirect_dma source(%dma_start3A_17 : memref<10000x128xf32, #tpu.memory_space<hbm>>) target(%arg9 : memref<128x128xf32, #tpu.memory_space<vmem>>) offsets(%dma_start3A_14 : memref<128xi32, #tpu.memory_space<vmem>>) semaphore(%arg17 : memref<!tpu.dma_semaphore, #tpu.memory_space<semaphore_mem>>)
    %scan3A_18 = arith.constant 0 : i32
    %scan3A_19 = arith.constant 22 : i32
    %scan3A_20 = arith.addi %scan3A_18, %scan3A_19 : i32
    %scan3A_21 = arith.constant 1 : i32
    scf.for %scan3A_25 = %scan3A_18 to %scan3A_20 step %scan3A_21  : i32 {
      %mul3A_26 = arith.constant 1 : i32
      %mul3A_27 = arith.muli %scan3A_25, %mul3A_26 : i32
      %add3A_28 = arith.constant 0 : i32
      %add3A_29 = arith.addi %add3A_28, %mul3A_27 : i32
      %mul3A_30 = arith.constant 2 : i32
      %mul3A_31 = arith.muli %mul3A_30, %add3A_29 : i32
      %dma_wait3A = arith.constant 0 : i32
      %dma_wait3A_32 = arith.constant 0 : i32
      %dma_wait3A_33 = tpu.memref_slice %arg2[%dma_wait3A, %dma_wait3A_32] : memref<160000x128xf32, #tpu.memory_space<hbm>> -> memref<128x128xf32, #tpu.memory_space<hbm>>
      %dma_wait3A_34 = arith.constant 0 : i32
      %dma_wait3A_35 = arith.constant 0 : i32
      %dma_wait3A_36 = tpu.memref_slice %arg2[%dma_wait3A_34, %dma_wait3A_35] : memref<160000x128xf32, #tpu.memory_space<hbm>> -> memref<128x128xf32, #tpu.memory_space<hbm>>
      tpu.wait_dma2 semaphore(%arg16 : memref<!tpu.dma_semaphore, #tpu.memory_space<semaphore_mem>>) src(%dma_wait3A_36 : memref<128x128xf32, #tpu.memory_space<hbm>>) dst(%arg8 : memref<128x128xf32, #tpu.memory_space<vmem>>)
      %dma_wait3A_37 = arith.constant 0 : i32
      %dma_wait3A_38 = arith.constant 0 : i32
      %dma_wait3A_39 = tpu.memref_slice %arg3[%dma_wait3A_37, %dma_wait3A_38] : memref<10000x128xf32, #tpu.memory_space<hbm>> -> memref<128x128xf32, #tpu.memory_space<hbm>>
      %dma_wait3A_40 = arith.constant 0 : i32
      %dma_wait3A_41 = arith.constant 0 : i32
      %dma_wait3A_42 = tpu.memref_slice %arg3[%dma_wait3A_40, %dma_wait3A_41] : memref<10000x128xf32, #tpu.memory_space<hbm>> -> memref<128x128xf32, #tpu.memory_space<hbm>>
      tpu.wait_dma2 semaphore(%arg17 : memref<!tpu.dma_semaphore, #tpu.memory_space<semaphore_mem>>) src(%dma_wait3A_42 : memref<128x128xf32, #tpu.memory_space<hbm>>) dst(%arg9 : memref<128x128xf32, #tpu.memory_space<vmem>>)
      %add3A_43 = arith.constant 1 : i32
      %add3A_44 = arith.addi %mul3A_31, %add3A_43 : i32
      %dma_start3A_45 = arith.constant 0 : i32
      %dma_start3A_46 = tpu.memref_slice %arg12[%add3A_44, %dma_start3A_45] : memref<44x128xi32, #tpu.memory_space<vmem>> -> memref<1x128xi32, #tpu.memory_space<vmem>>
      %dma_start3A_47 = tpu.memref_squeeze %dma_start3A_46 : memref<1x128xi32, #tpu.memory_space<vmem>> -> memref<128xi32, #tpu.memory_space<vmem>>
      %dma_start3A_48 = arith.constant 0 : i32
      %dma_start3A_49 = arith.constant 0 : i32
      %dma_start3A_50 = tpu.memref_slice %arg2[%dma_start3A_48, %dma_start3A_49] : memref<160000x128xf32, #tpu.memory_space<hbm>> -> memref<160000x128xf32, #tpu.memory_space<hbm>>
      tpu.enqueue_indirect_dma source(%dma_start3A_50 : memref<160000x128xf32, #tpu.memory_space<hbm>>) target(%arg10 : memref<128x128xf32, #tpu.memory_space<vmem>>) offsets(%dma_start3A_47 : memref<128xi32, #tpu.memory_space<vmem>>) semaphore(%arg18 : memref<!tpu.dma_semaphore, #tpu.memory_space<semaphore_mem>>)
      %dma_start3A_51 = arith.constant 0 : i32
      %dma_start3A_52 = tpu.memref_slice %arg13[%add3A_44, %dma_start3A_51] : memref<44x128xi32, #tpu.memory_space<vmem>> -> memref<1x128xi32, #tpu.memory_space<vmem>>
      %dma_start3A_53 = tpu.memref_squeeze %dma_start3A_52 : memref<1x128xi32, #tpu.memory_space<vmem>> -> memref<128xi32, #tpu.memory_space<vmem>>
      %dma_start3A_54 = arith.constant 0 : i32
      %dma_start3A_55 = arith.constant 0 : i32
      %dma_start3A_56 = tpu.memref_slice %arg3[%dma_start3A_54, %dma_start3A_55] : memref<10000x128xf32, #tpu.memory_space<hbm>> -> memref<10000x128xf32, #tpu.memory_space<hbm>>
      tpu.enqueue_indirect_dma source(%dma_start3A_56 : memref<10000x128xf32, #tpu.memory_space<hbm>>) target(%arg11 : memref<128x128xf32, #tpu.memory_space<vmem>>) offsets(%dma_start3A_53 : memref<128xi32, #tpu.memory_space<vmem>>) semaphore(%arg19 : memref<!tpu.dma_semaphore, #tpu.memory_space<semaphore_mem>>)
      %scan3A_57 = arith.constant 0 : i32
      %scan3A_58 = arith.constant 8 : i32
      %scan3A_59 = arith.addi %scan3A_57, %scan3A_58 : i32
      %scan3A_60 = arith.constant 1 : i32
      scf.for %scan3A_85 = %scan3A_57 to %scan3A_59 step %scan3A_60  : i32 {
        %mul3A_86 = arith.constant 1 : i32
        %mul3A_87 = arith.muli %scan3A_85, %mul3A_86 : i32
        %add3A_88 = arith.constant 0 : i32
        %add3A_89 = arith.addi %add3A_88, %mul3A_87 : i32
        %mul3A_90 = arith.constant 16 : i32
        %mul3A_91 = arith.muli %add3A_89, %mul3A_90 : i32
        %add3A_92 = vector.broadcast %mul3A_91 : i32 to vector<16xi32>
        %add3A_93 = arith.addi %add3A_92, %iota3A : vector<16xi32>
        %mul3A_94 = arith.constant 16 : i32
        %mul3A_95 = arith.muli %add3A_89, %mul3A_94 : i32
        %get3A = arith.index_cast %mul3A_31 : i32 to index
        %get3A_96 = arith.index_cast %mul3A_95 : i32 to index
        %get3A_97 = tpu.vector_load %arg14[%get3A, %get3A_96] {strides = array<i32>} : memref<44x128xi32, #tpu.memory_space<vmem>>, vector<16xi32>,
        %parallel_loop3A = arith.constant 0 : i32
        %parallel_loop3A_98 = arith.constant 128 : i32
        %parallel_loop3A_99 = arith.constant 1 : i32
        scf.for %parallel_loop3A_100 = %parallel_loop3A to %parallel_loop3A_98 step %parallel_loop3A_99  : i32 {
          %parallel_loop3A_101 = vector.broadcast %parallel_loop3A_100 : i32 to vector<16xi32>
          %parallel_loop3A_102 = tpu.vector_load_idx %arg8[%add3A_93, %parallel_loop3A_101] : memref<128x128xf32, #tpu.memory_space<vmem>>[vector<16xi32>, vector<16xi32>], vector<16xf32>,
          %parallel_loop3A_103 = tpu.vector_load_idx %arg9[%add3A_93, %parallel_loop3A_101] : memref<128x128xf32, #tpu.memory_space<vmem>>[vector<16xi32>, vector<16xi32>], vector<16xf32>,
          %parallel_loop3A_104 = arith.mulf %parallel_loop3A_102, %parallel_loop3A_103 : vector<16xf32>
          tpu.vector_store_idx %arg15[%get3A_97, %parallel_loop3A_101], %parallel_loop3A_104 {add = true} : memref<314x128xf32, #tpu.memory_space<vmem>>[vector<16xi32>, vector<16xi32>], vector<16xf32>,
        } {sc.loop_unroll_factor = 16 : i64, sc.parallel_access}
      }
      %scan3A_61 = arith.constant 8 : i32
      %dma_wait3A_62 = arith.constant 0 : i32
      %dma_wait3A_63 = arith.constant 0 : i32
      %dma_wait3A_64 = tpu.memref_slice %arg2[%dma_wait3A_62, %dma_wait3A_63] : memref<160000x128xf32, #tpu.memory_space<hbm>> -> memref<128x128xf32, #tpu.memory_space<hbm>>
      %dma_wait3A_65 = arith.constant 0 : i32
      %dma_wait3A_66 = arith.constant 0 : i32
      %dma_wait3A_67 = tpu.memref_slice %arg2[%dma_wait3A_65, %dma_wait3A_66] : memref<160000x128xf32, #tpu.memory_space<hbm>> -> memref<128x128xf32, #tpu.memory_space<hbm>>
      tpu.wait_dma2 semaphore(%arg18 : memref<!tpu.dma_semaphore, #tpu.memory_space<semaphore_mem>>) src(%dma_wait3A_67 : memref<128x128xf32, #tpu.memory_space<hbm>>) dst(%arg10 : memref<128x128xf32, #tpu.memory_space<vmem>>)
      %dma_wait3A_68 = arith.constant 0 : i32
      %dma_wait3A_69 = arith.constant 0 : i32
      %dma_wait3A_70 = tpu.memref_slice %arg3[%dma_wait3A_68, %dma_wait3A_69] : memref<10000x128xf32, #tpu.memory_space<hbm>> -> memref<128x128xf32, #tpu.memory_space<hbm>>
      %dma_wait3A_71 = arith.constant 0 : i32
      %dma_wait3A_72 = arith.constant 0 : i32
      %dma_wait3A_73 = tpu.memref_slice %arg3[%dma_wait3A_71, %dma_wait3A_72] : memref<10000x128xf32, #tpu.memory_space<hbm>> -> memref<128x128xf32, #tpu.memory_space<hbm>>
      tpu.wait_dma2 semaphore(%arg19 : memref<!tpu.dma_semaphore, #tpu.memory_space<semaphore_mem>>) src(%dma_wait3A_73 : memref<128x128xf32, #tpu.memory_space<hbm>>) dst(%arg11 : memref<128x128xf32, #tpu.memory_space<vmem>>)
      %add3A_74 = arith.constant 2 : i32
      %add3A_75 = arith.addi %mul3A_31, %add3A_74 : i32
      %lt3A = arith.constant 44 : i32
      %lt3A_76 = arith.cmpi slt, %add3A_75, %lt3A : i32
      %convert_element_type3A = arith.extui %lt3A_76 : i1 to i32
      %cond3A = arith.constant 0 : i32
      %cond3A_77 = arith.cmpi ne, %convert_element_type3A, %cond3A : i32
      scf.if %cond3A_77 {
        %add3A_85 = arith.constant 2 : i32
        %add3A_86 = arith.addi %mul3A_31, %add3A_85 : i32
        %dma_start3A_87 = arith.constant 0 : i32
        %dma_start3A_88 = tpu.memref_slice %arg12[%add3A_86, %dma_start3A_87] : memref<44x128xi32, #tpu.memory_space<vmem>> -> memref<1x128xi32, #tpu.memory_space<vmem>>
        %dma_start3A_89 = tpu.memref_squeeze %dma_start3A_88 : memref<1x128xi32, #tpu.memory_space<vmem>> -> memref<128xi32, #tpu.memory_space<vmem>>
        %dma_start3A_90 = arith.constant 0 : i32
        %dma_start3A_91 = arith.constant 0 : i32
        %dma_start3A_92 = tpu.memref_slice %arg2[%dma_start3A_90, %dma_start3A_91] : memref<160000x128xf32, #tpu.memory_space<hbm>> -> memref<160000x128xf32, #tpu.memory_space<hbm>>
        tpu.enqueue_indirect_dma source(%dma_start3A_92 : memref<160000x128xf32, #tpu.memory_space<hbm>>) target(%arg8 : memref<128x128xf32, #tpu.memory_space<vmem>>) offsets(%dma_start3A_89 : memref<128xi32, #tpu.memory_space<vmem>>) semaphore(%arg16 : memref<!tpu.dma_semaphore, #tpu.memory_space<semaphore_mem>>)
        %dma_start3A_93 = arith.constant 0 : i32
        %dma_start3A_94 = tpu.memref_slice %arg13[%add3A_86, %dma_start3A_93] : memref<44x128xi32, #tpu.memory_space<vmem>> -> memref<1x128xi32, #tpu.memory_space<vmem>>
        %dma_start3A_95 = tpu.memref_squeeze %dma_start3A_94 : memref<1x128xi32, #tpu.memory_space<vmem>> -> memref<128xi32, #tpu.memory_space<vmem>>
        %dma_start3A_96 = arith.constant 0 : i32
        %dma_start3A_97 = arith.constant 0 : i32
        %dma_start3A_98 = tpu.memref_slice %arg3[%dma_start3A_96, %dma_start3A_97] : memref<10000x128xf32, #tpu.memory_space<hbm>> -> memref<10000x128xf32, #tpu.memory_space<hbm>>
        tpu.enqueue_indirect_dma source(%dma_start3A_98 : memref<10000x128xf32, #tpu.memory_space<hbm>>) target(%arg9 : memref<128x128xf32, #tpu.memory_space<vmem>>) offsets(%dma_start3A_95 : memref<128xi32, #tpu.memory_space<vmem>>) semaphore(%arg17 : memref<!tpu.dma_semaphore, #tpu.memory_space<semaphore_mem>>)
      } else {
      }
      %add3A_78 = arith.constant 1 : i32
      %add3A_79 = arith.addi %mul3A_31, %add3A_78 : i32
      %scan3A_80 = arith.constant 0 : i32
      %scan3A_81 = arith.constant 8 : i32
      %scan3A_82 = arith.addi %scan3A_80, %scan3A_81 : i32
      %scan3A_83 = arith.constant 1 : i32
      scf.for %scan3A_85 = %scan3A_80 to %scan3A_82 step %scan3A_83  : i32 {
        %mul3A_86 = arith.constant 1 : i32
        %mul3A_87 = arith.muli %scan3A_85, %mul3A_86 : i32
        %add3A_88 = arith.constant 0 : i32
        %add3A_89 = arith.addi %add3A_88, %mul3A_87 : i32
        %mul3A_90 = arith.constant 16 : i32
        %mul3A_91 = arith.muli %add3A_89, %mul3A_90 : i32
        %add3A_92 = vector.broadcast %mul3A_91 : i32 to vector<16xi32>
        %add3A_93 = arith.addi %add3A_92, %iota3A : vector<16xi32>
        %mul3A_94 = arith.constant 16 : i32
        %mul3A_95 = arith.muli %add3A_89, %mul3A_94 : i32
        %get3A = arith.index_cast %add3A_79 : i32 to index
        %get3A_96 = arith.index_cast %mul3A_95 : i32 to index
        %get3A_97 = tpu.vector_load %arg14[%get3A, %get3A_96] {strides = array<i32>} : memref<44x128xi32, #tpu.memory_space<vmem>>, vector<16xi32>,
        %parallel_loop3A = arith.constant 0 : i32
        %parallel_loop3A_98 = arith.constant 128 : i32
        %parallel_loop3A_99 = arith.constant 1 : i32
        scf.for %parallel_loop3A_100 = %parallel_loop3A to %parallel_loop3A_98 step %parallel_loop3A_99  : i32 {
          %parallel_loop3A_101 = vector.broadcast %parallel_loop3A_100 : i32 to vector<16xi32>
          %parallel_loop3A_102 = tpu.vector_load_idx %arg10[%add3A_93, %parallel_loop3A_101] : memref<128x128xf32, #tpu.memory_space<vmem>>[vector<16xi32>, vector<16xi32>], vector<16xf32>,
          %parallel_loop3A_103 = tpu.vector_load_idx %arg11[%add3A_93, %parallel_loop3A_101] : memref<128x128xf32, #tpu.memory_space<vmem>>[vector<16xi32>, vector<16xi32>], vector<16xf32>,
          %parallel_loop3A_104 = arith.mulf %parallel_loop3A_102, %parallel_loop3A_103 : vector<16xf32>
          tpu.vector_store_idx %arg15[%get3A_97, %parallel_loop3A_101], %parallel_loop3A_104 {add = true} : memref<314x128xf32, #tpu.memory_space<vmem>>[vector<16xi32>, vector<16xi32>], vector<16xf32>,
        } {sc.loop_unroll_factor = 16 : i64, sc.parallel_access}
      }
      %scan3A_84 = arith.constant 8 : i32
    }
    %scan3A_22 = arith.constant 22 : i32
    %mul3A_23 = arith.constant 313 : i32
    %mul3A_24 = arith.muli %add3A, %mul3A_23 : i32
    "tpu.region"() ({
      %run_scoped3A = tpu.sem_alloc : memref<!tpu.dma_semaphore, #tpu.memory_space<semaphore_mem>>
      %dma_start3A_25 = arith.constant 0 : i32
      %dma_start3A_26 = arith.constant 0 : i32
      %dma_start3A_27 = tpu.memref_slice %arg15[%dma_start3A_25, %dma_start3A_26] : memref<314x128xf32, #tpu.memory_space<vmem>> -> memref<313x128xf32, #tpu.memory_space<vmem>>
      %dma_start3A_28 = arith.constant 0 : i32
      %dma_start3A_29 = tpu.memref_slice %arg7[%mul3A_24, %dma_start3A_28] : memref<10016x128xf32, #tpu.memory_space<hbm>> -> memref<313x128xf32, #tpu.memory_space<hbm>>
      %dma_start3A_30 = arith.constant 0 : i32
      %dma_start3A_31 = tpu.memref_slice %arg7[%mul3A_24, %dma_start3A_30] : memref<10016x128xf32, #tpu.memory_space<hbm>> -> memref<313x128xf32, #tpu.memory_space<hbm>>
      %dma_start3A_32 = arith.constant 0 : i32
      %dma_start3A_33 = arith.constant 0 : i32
      %dma_start3A_34 = tpu.memref_slice %arg15[%dma_start3A_32, %dma_start3A_33] : memref<314x128xf32, #tpu.memory_space<vmem>> -> memref<313x128xf32, #tpu.memory_space<vmem>>
      tpu.enqueue_dma source(%dma_start3A_34 : memref<313x128xf32, #tpu.memory_space<vmem>>) target(%dma_start3A_31 : memref<313x128xf32, #tpu.memory_space<hbm>>) target_semaphore(%run_scoped3A : memref<!tpu.dma_semaphore, #tpu.memory_space<semaphore_mem>>)
      %dma_wait3A = arith.constant 0 : i32
      %dma_wait3A_35 = arith.constant 0 : i32
      %dma_wait3A_36 = tpu.memref_slice %arg15[%dma_wait3A, %dma_wait3A_35] : memref<314x128xf32, #tpu.memory_space<vmem>> -> memref<313x128xf32, #tpu.memory_space<vmem>>
      %dma_wait3A_37 = arith.constant 0 : i32
      %dma_wait3A_38 = tpu.memref_slice %arg7[%mul3A_24, %dma_wait3A_37] : memref<10016x128xf32, #tpu.memory_space<hbm>> -> memref<313x128xf32, #tpu.memory_space<hbm>>
      %dma_wait3A_39 = arith.constant 0 : i32
      %dma_wait3A_40 = tpu.memref_slice %arg7[%mul3A_24, %dma_wait3A_39] : memref<10016x128xf32, #tpu.memory_space<hbm>> -> memref<313x128xf32, #tpu.memory_space<hbm>>
      %dma_wait3A_41 = arith.constant 0 : i32
      %dma_wait3A_42 = arith.constant 0 : i32
      %dma_wait3A_43 = tpu.memref_slice %arg15[%dma_wait3A_41, %dma_wait3A_42] : memref<314x128xf32, #tpu.memory_space<vmem>> -> memref<313x128xf32, #tpu.memory_space<vmem>>
      tpu.wait_dma2 semaphore(%run_scoped3A : memref<!tpu.dma_semaphore, #tpu.memory_space<semaphore_mem>>) src(%dma_wait3A_43 : memref<313x128xf32, #tpu.memory_space<vmem>>) dst(%dma_wait3A_40 : memref<313x128xf32, #tpu.memory_space<hbm>>)
      tpu.yield
    }) : () -> ()
    return
  }
}

#map = affine_map<(d0, d1) -> (0, 0)>
#map1 = affine_map<(d0, d1) -> (0, 0, 0)>
#map2 = affine_map<(d0, d1) -> (0)>
module attributes {stable_mosaic.version = 14 : i64} {
  func.func @_geom_body(%arg0: i32, %arg1: i32, %arg2: memref<10000x4xf32, #tpu.memory_space<hbm>>, %arg3: memref<32x5000xi32, #tpu.memory_space<hbm>>, %arg4: memref<32x5000xi32, #tpu.memory_space<hbm>>, %arg5: memref<32x4x80xi32, #tpu.memory_space<hbm>>, %arg6: memref<95x128xf32, #tpu.memory_space<hbm>>, %arg7: memref<160000xf32, #tpu.memory_space<hbm>>, %arg8: memref<10240x128xf32, #tpu.memory_space<hbm>>, %arg9: memref<10000x4xf32, #tpu.memory_space<vmem>>, %arg10: memref<5008xi32, #tpu.memory_space<vmem>>, %arg11: memref<5008xi32, #tpu.memory_space<vmem>>, %arg12: memref<5008xf32, #tpu.memory_space<vmem>>, %arg13: memref<4x80xi32, #tpu.memory_space<vmem>>, %arg14: memref<160x128xf32, #tpu.memory_space<vmem>>, %arg15: memref<!tpu.dma_semaphore, #tpu.memory_space<semaphore_mem>>) attributes {dimension_semantics = [#tpu.dimension_semantics<core_parallel>, #tpu.dimension_semantics<subcore_parallel>], iteration_bounds = array<i64: 2, 16>, scalar_prefetch = 0 : i64, scratch_operands = 7 : i64, tpu.core_type = #tpu.core_type<sc_vector_subcore>, window_params = [{transform_indices = #map}, {transform_indices = #map}, {transform_indices = #map}, {transform_indices = #map1}, {transform_indices = #map}, {transform_indices = #map2}, {transform_indices = #map}]} {
    %mul3A = arith.constant 2 : i32
    %mul3A_0 = arith.muli %arg1, %mul3A : i32
    %add3A = arith.addi %mul3A_0, %arg0 : i32
    %broadcast_in_dim3A = arith.constant 0 : i32
    %broadcast_in_dim3A_1 = vector.broadcast %broadcast_in_dim3A : i32 to vector<16xi32>
    %swap3A = arith.constant 4992 : index
    %swap3A_2 = tpu.vector_load %arg10[%swap3A] {strides = array<i32>} : memref<5008xi32, #tpu.memory_space<vmem>>, vector<16xi32>,
    tpu.vector_store %arg10[%swap3A], %broadcast_in_dim3A_1 {strides = array<i32>} : memref<5008xi32, #tpu.memory_space<vmem>>, vector<16xi32>,
    %broadcast_in_dim3A_3 = arith.constant 0 : i32
    %broadcast_in_dim3A_4 = vector.broadcast %broadcast_in_dim3A_3 : i32 to vector<16xi32>
    %swap3A_5 = arith.constant 4992 : index
    %swap3A_6 = tpu.vector_load %arg11[%swap3A_5] {strides = array<i32>} : memref<5008xi32, #tpu.memory_space<vmem>>, vector<16xi32>,
    tpu.vector_store %arg11[%swap3A_5], %broadcast_in_dim3A_4 {strides = array<i32>} : memref<5008xi32, #tpu.memory_space<vmem>>, vector<16xi32>,
    "tpu.region"() ({
      %run_scoped3A = tpu.sem_alloc : memref<!tpu.dma_semaphore, #tpu.memory_space<semaphore_mem>>
      tpu.enqueue_dma source(%arg2 : memref<10000x4xf32, #tpu.memory_space<hbm>>) target(%arg9 : memref<10000x4xf32, #tpu.memory_space<vmem>>) target_semaphore(%run_scoped3A : memref<!tpu.dma_semaphore, #tpu.memory_space<semaphore_mem>>)
      tpu.wait_dma2 semaphore(%run_scoped3A : memref<!tpu.dma_semaphore, #tpu.memory_space<semaphore_mem>>) src(%arg2 : memref<10000x4xf32, #tpu.memory_space<hbm>>) dst(%arg9 : memref<10000x4xf32, #tpu.memory_space<vmem>>)
      tpu.yield
    }) : () -> ()
    "tpu.region"() ({
      %run_scoped3A = tpu.sem_alloc : memref<!tpu.dma_semaphore, #tpu.memory_space<semaphore_mem>>
      %dma_start3A_99 = arith.constant 0 : i32
      %dma_start3A_100 = tpu.memref_slice %arg10[%dma_start3A_99] : memref<5008xi32, #tpu.memory_space<vmem>> -> memref<5000xi32, #tpu.memory_space<vmem>>
      %dma_start3A_101 = arith.constant 0 : i32
      %dma_start3A_102 = tpu.memref_slice %arg3[%add3A, %dma_start3A_101] : memref<32x5000xi32, #tpu.memory_space<hbm>> -> memref<1x5000xi32, #tpu.memory_space<hbm>>
      %dma_start3A_103 = tpu.memref_squeeze %dma_start3A_102 : memref<1x5000xi32, #tpu.memory_space<hbm>> -> memref<5000xi32, #tpu.memory_space<hbm>>
      %dma_start3A_104 = arith.constant 0 : i32
      %dma_start3A_105 = tpu.memref_slice %arg10[%dma_start3A_104] : memref<5008xi32, #tpu.memory_space<vmem>> -> memref<5000xi32, #tpu.memory_space<vmem>>
      %dma_start3A_106 = arith.constant 0 : i32
      %dma_start3A_107 = tpu.memref_slice %arg3[%add3A, %dma_start3A_106] : memref<32x5000xi32, #tpu.memory_space<hbm>> -> memref<1x5000xi32, #tpu.memory_space<hbm>>
      %dma_start3A_108 = tpu.memref_squeeze %dma_start3A_107 : memref<1x5000xi32, #tpu.memory_space<hbm>> -> memref<5000xi32, #tpu.memory_space<hbm>>
      tpu.enqueue_dma source(%dma_start3A_108 : memref<5000xi32, #tpu.memory_space<hbm>>) target(%dma_start3A_105 : memref<5000xi32, #tpu.memory_space<vmem>>) target_semaphore(%run_scoped3A : memref<!tpu.dma_semaphore, #tpu.memory_space<semaphore_mem>>)
      %dma_wait3A_109 = arith.constant 0 : i32
      %dma_wait3A_110 = tpu.memref_slice %arg10[%dma_wait3A_109] : memref<5008xi32, #tpu.memory_space<vmem>> -> memref<5000xi32, #tpu.memory_space<vmem>>
      %dma_wait3A_111 = arith.constant 0 : i32
      %dma_wait3A_112 = tpu.memref_slice %arg3[%add3A, %dma_wait3A_111] : memref<32x5000xi32, #tpu.memory_space<hbm>> -> memref<1x5000xi32, #tpu.memory_space<hbm>>
      %dma_wait3A_113 = tpu.memref_squeeze %dma_wait3A_112 : memref<1x5000xi32, #tpu.memory_space<hbm>> -> memref<5000xi32, #tpu.memory_space<hbm>>
      %dma_wait3A_114 = arith.constant 0 : i32
      %dma_wait3A_115 = tpu.memref_slice %arg10[%dma_wait3A_114] : memref<5008xi32, #tpu.memory_space<vmem>> -> memref<5000xi32, #tpu.memory_space<vmem>>
      %dma_wait3A_116 = arith.constant 0 : i32
      %dma_wait3A_117 = tpu.memref_slice %arg3[%add3A, %dma_wait3A_116] : memref<32x5000xi32, #tpu.memory_space<hbm>> -> memref<1x5000xi32, #tpu.memory_space<hbm>>
      %dma_wait3A_118 = tpu.memref_squeeze %dma_wait3A_117 : memref<1x5000xi32, #tpu.memory_space<hbm>> -> memref<5000xi32, #tpu.memory_space<hbm>>
      tpu.wait_dma2 semaphore(%run_scoped3A : memref<!tpu.dma_semaphore, #tpu.memory_space<semaphore_mem>>) src(%dma_wait3A_118 : memref<5000xi32, #tpu.memory_space<hbm>>) dst(%dma_wait3A_115 : memref<5000xi32, #tpu.memory_space<vmem>>)
      tpu.yield
    }) : () -> ()
    "tpu.region"() ({
      %run_scoped3A = tpu.sem_alloc : memref<!tpu.dma_semaphore, #tpu.memory_space<semaphore_mem>>
      %dma_start3A_99 = arith.constant 0 : i32
      %dma_start3A_100 = tpu.memref_slice %arg11[%dma_start3A_99] : memref<5008xi32, #tpu.memory_space<vmem>> -> memref<5000xi32, #tpu.memory_space<vmem>>
      %dma_start3A_101 = arith.constant 0 : i32
      %dma_start3A_102 = tpu.memref_slice %arg4[%add3A, %dma_start3A_101] : memref<32x5000xi32, #tpu.memory_space<hbm>> -> memref<1x5000xi32, #tpu.memory_space<hbm>>
      %dma_start3A_103 = tpu.memref_squeeze %dma_start3A_102 : memref<1x5000xi32, #tpu.memory_space<hbm>> -> memref<5000xi32, #tpu.memory_space<hbm>>
      %dma_start3A_104 = arith.constant 0 : i32
      %dma_start3A_105 = tpu.memref_slice %arg11[%dma_start3A_104] : memref<5008xi32, #tpu.memory_space<vmem>> -> memref<5000xi32, #tpu.memory_space<vmem>>
      %dma_start3A_106 = arith.constant 0 : i32
      %dma_start3A_107 = tpu.memref_slice %arg4[%add3A, %dma_start3A_106] : memref<32x5000xi32, #tpu.memory_space<hbm>> -> memref<1x5000xi32, #tpu.memory_space<hbm>>
      %dma_start3A_108 = tpu.memref_squeeze %dma_start3A_107 : memref<1x5000xi32, #tpu.memory_space<hbm>> -> memref<5000xi32, #tpu.memory_space<hbm>>
      tpu.enqueue_dma source(%dma_start3A_108 : memref<5000xi32, #tpu.memory_space<hbm>>) target(%dma_start3A_105 : memref<5000xi32, #tpu.memory_space<vmem>>) target_semaphore(%run_scoped3A : memref<!tpu.dma_semaphore, #tpu.memory_space<semaphore_mem>>)
      %dma_wait3A_109 = arith.constant 0 : i32
      %dma_wait3A_110 = tpu.memref_slice %arg11[%dma_wait3A_109] : memref<5008xi32, #tpu.memory_space<vmem>> -> memref<5000xi32, #tpu.memory_space<vmem>>
      %dma_wait3A_111 = arith.constant 0 : i32
      %dma_wait3A_112 = tpu.memref_slice %arg4[%add3A, %dma_wait3A_111] : memref<32x5000xi32, #tpu.memory_space<hbm>> -> memref<1x5000xi32, #tpu.memory_space<hbm>>
      %dma_wait3A_113 = tpu.memref_squeeze %dma_wait3A_112 : memref<1x5000xi32, #tpu.memory_space<hbm>> -> memref<5000xi32, #tpu.memory_space<hbm>>
      %dma_wait3A_114 = arith.constant 0 : i32
      %dma_wait3A_115 = tpu.memref_slice %arg11[%dma_wait3A_114] : memref<5008xi32, #tpu.memory_space<vmem>> -> memref<5000xi32, #tpu.memory_space<vmem>>
      %dma_wait3A_116 = arith.constant 0 : i32
      %dma_wait3A_117 = tpu.memref_slice %arg4[%add3A, %dma_wait3A_116] : memref<32x5000xi32, #tpu.memory_space<hbm>> -> memref<1x5000xi32, #tpu.memory_space<hbm>>
      %dma_wait3A_118 = tpu.memref_squeeze %dma_wait3A_117 : memref<1x5000xi32, #tpu.memory_space<hbm>> -> memref<5000xi32, #tpu.memory_space<hbm>>
      tpu.wait_dma2 semaphore(%run_scoped3A : memref<!tpu.dma_semaphore, #tpu.memory_space<semaphore_mem>>) src(%dma_wait3A_118 : memref<5000xi32, #tpu.memory_space<hbm>>) dst(%dma_wait3A_115 : memref<5000xi32, #tpu.memory_space<vmem>>)
      tpu.yield
    }) : () -> ()
    %scan3A = arith.constant 0 : i32
    %scan3A_7 = arith.constant 313 : i32
    %scan3A_8 = arith.addi %scan3A, %scan3A_7 : i32
    %scan3A_9 = arith.constant 1 : i32
    scf.for %scan3A_99 = %scan3A to %scan3A_8 step %scan3A_9  : i32 {
      %mul3A_100 = arith.constant 1 : i32
      %mul3A_101 = arith.muli %scan3A_99, %mul3A_100 : i32
      %add3A_102 = arith.constant 0 : i32
      %add3A_103 = arith.addi %add3A_102, %mul3A_101 : i32
      %mul3A_104 = arith.constant 16 : i32
      %mul3A_105 = arith.muli %add3A_103, %mul3A_104 : i32
      %get3A = arith.index_cast %mul3A_105 : i32 to index
      %get3A_106 = tpu.vector_load %arg10[%get3A] {strides = array<i32>} : memref<5008xi32, #tpu.memory_space<vmem>>, vector<16xi32>,
      %mul3A_107 = arith.constant 16 : i32
      %mul3A_108 = arith.muli %add3A_103, %mul3A_107 : i32
      %get3A_109 = arith.index_cast %mul3A_108 : i32 to index
      %get3A_110 = tpu.vector_load %arg11[%get3A_109] {strides = array<i32>} : memref<5008xi32, #tpu.memory_space<vmem>>, vector<16xi32>,
      %broadcast_in_dim3A_111 = arith.constant 0.000000e+00 : f32
      %broadcast_in_dim3A_112 = vector.broadcast %broadcast_in_dim3A_111 : f32 to vector<16xf32>
      %broadcast_in_dim3A_113 = arith.constant 0 : i32
      %broadcast_in_dim3A_114 = vector.broadcast %broadcast_in_dim3A_113 : i32 to vector<16xi32>
      %gather3A = tpu.vector_load_idx %arg9[%get3A_106, %broadcast_in_dim3A_114] : memref<10000x4xf32, #tpu.memory_space<vmem>>[vector<16xi32>, vector<16xi32>], vector<16xf32>,
      %gather3A_115 = tpu.vector_load_idx %arg9[%get3A_110, %broadcast_in_dim3A_114] : memref<10000x4xf32, #tpu.memory_space<vmem>>[vector<16xi32>, vector<16xi32>], vector<16xf32>,
      %sub3A = arith.subf %gather3A, %gather3A_115 : vector<16xf32>
      %mul3A_116 = arith.mulf %sub3A, %sub3A : vector<16xf32>
      %add3A_117 = arith.addf %broadcast_in_dim3A_112, %mul3A_116 : vector<16xf32>
      %broadcast_in_dim3A_118 = arith.constant 1 : i32
      %broadcast_in_dim3A_119 = vector.broadcast %broadcast_in_dim3A_118 : i32 to vector<16xi32>
      %gather3A_120 = tpu.vector_load_idx %arg9[%get3A_106, %broadcast_in_dim3A_119] : memref<10000x4xf32, #tpu.memory_space<vmem>>[vector<16xi32>, vector<16xi32>], vector<16xf32>,
      %gather3A_121 = tpu.vector_load_idx %arg9[%get3A_110, %broadcast_in_dim3A_119] : memref<10000x4xf32, #tpu.memory_space<vmem>>[vector<16xi32>, vector<16xi32>], vector<16xf32>,
      %sub3A_122 = arith.subf %gather3A_120, %gather3A_121 : vector<16xf32>
      %mul3A_123 = arith.mulf %sub3A_122, %sub3A_122 : vector<16xf32>
      %add3A_124 = arith.addf %add3A_117, %mul3A_123 : vector<16xf32>
      %broadcast_in_dim3A_125 = arith.constant 2 : i32
      %broadcast_in_dim3A_126 = vector.broadcast %broadcast_in_dim3A_125 : i32 to vector<16xi32>
      %gather3A_127 = tpu.vector_load_idx %arg9[%get3A_106, %broadcast_in_dim3A_126] : memref<10000x4xf32, #tpu.memory_space<vmem>>[vector<16xi32>, vector<16xi32>], vector<16xf32>,
      %gather3A_128 = tpu.vector_load_idx %arg9[%get3A_110, %broadcast_in_dim3A_126] : memref<10000x4xf32, #tpu.memory_space<vmem>>[vector<16xi32>, vector<16xi32>], vector<16xf32>,
      %sub3A_129 = arith.subf %gather3A_127, %gather3A_128 : vector<16xf32>
      %mul3A_130 = arith.mulf %sub3A_129, %sub3A_129 : vector<16xf32>
      %add3A_131 = arith.addf %add3A_124, %mul3A_130 : vector<16xf32>
      %mul3A_132 = arith.constant 16 : i32
      %mul3A_133 = arith.muli %add3A_103, %mul3A_132 : i32
      %swap3A_134 = arith.index_cast %mul3A_133 : i32 to index
      %swap3A_135 = tpu.vector_load %arg12[%swap3A_134] {strides = array<i32>} : memref<5008xf32, #tpu.memory_space<vmem>>, vector<16xf32>,
      tpu.vector_store %arg12[%swap3A_134], %add3A_131 {strides = array<i32>} : memref<5008xf32, #tpu.memory_space<vmem>>, vector<16xf32>,
    }
    %scan3A_10 = arith.constant 313 : i32
    %mul3A_11 = arith.constant 5000 : i32
    %mul3A_12 = arith.muli %add3A, %mul3A_11 : i32
    "tpu.region"() ({
      %run_scoped3A = tpu.sem_alloc : memref<!tpu.dma_semaphore, #tpu.memory_space<semaphore_mem>>
      %dma_start3A_99 = arith.constant 0 : i32
      %dma_start3A_100 = tpu.memref_slice %arg12[%dma_start3A_99] : memref<5008xf32, #tpu.memory_space<vmem>> -> memref<5000xf32, #tpu.memory_space<vmem>>
      %dma_start3A_101 = tpu.memref_slice %arg7[%mul3A_12] : memref<160000xf32, #tpu.memory_space<hbm>> -> memref<5000xf32, #tpu.memory_space<hbm>>
      %dma_start3A_102 = tpu.memref_slice %arg7[%mul3A_12] : memref<160000xf32, #tpu.memory_space<hbm>> -> memref<5000xf32, #tpu.memory_space<hbm>>
      %dma_start3A_103 = arith.constant 0 : i32
      %dma_start3A_104 = tpu.memref_slice %arg12[%dma_start3A_103] : memref<5008xf32, #tpu.memory_space<vmem>> -> memref<5000xf32, #tpu.memory_space<vmem>>
      tpu.enqueue_dma source(%dma_start3A_104 : memref<5000xf32, #tpu.memory_space<vmem>>) target(%dma_start3A_102 : memref<5000xf32, #tpu.memory_space<hbm>>) target_semaphore(%run_scoped3A : memref<!tpu.dma_semaphore, #tpu.memory_space<semaphore_mem>>)
      %dma_wait3A_105 = arith.constant 0 : i32
      %dma_wait3A_106 = tpu.memref_slice %arg12[%dma_wait3A_105] : memref<5008xf32, #tpu.memory_space<vmem>> -> memref<5000xf32, #tpu.memory_space<vmem>>
      %dma_wait3A_107 = tpu.memref_slice %arg7[%mul3A_12] : memref<160000xf32, #tpu.memory_space<hbm>> -> memref<5000xf32, #tpu.memory_space<hbm>>
      %dma_wait3A_108 = tpu.memref_slice %arg7[%mul3A_12] : memref<160000xf32, #tpu.memory_space<hbm>> -> memref<5000xf32, #tpu.memory_space<hbm>>
      %dma_wait3A_109 = arith.constant 0 : i32
      %dma_wait3A_110 = tpu.memref_slice %arg12[%dma_wait3A_109] : memref<5008xf32, #tpu.memory_space<vmem>> -> memref<5000xf32, #tpu.memory_space<vmem>>
      tpu.wait_dma2 semaphore(%run_scoped3A : memref<!tpu.dma_semaphore, #tpu.memory_space<semaphore_mem>>) src(%dma_wait3A_110 : memref<5000xf32, #tpu.memory_space<vmem>>) dst(%dma_wait3A_108 : memref<5000xf32, #tpu.memory_space<hbm>>)
      tpu.yield
    }) : () -> ()
    "tpu.region"() ({
      %run_scoped3A = tpu.sem_alloc : memref<!tpu.dma_semaphore, #tpu.memory_space<semaphore_mem>>
      %dma_start3A_99 = arith.constant 0 : i32
      %dma_start3A_100 = arith.constant 0 : i32
      %dma_start3A_101 = tpu.memref_slice %arg5[%add3A, %dma_start3A_99, %dma_start3A_100] : memref<32x4x80xi32, #tpu.memory_space<hbm>> -> memref<1x4x80xi32, #tpu.memory_space<hbm>>
      %dma_start3A_102 = tpu.memref_squeeze %dma_start3A_101 : memref<1x4x80xi32, #tpu.memory_space<hbm>> -> memref<4x80xi32, #tpu.memory_space<hbm>>
      %dma_start3A_103 = arith.constant 0 : i32
      %dma_start3A_104 = arith.constant 0 : i32
      %dma_start3A_105 = tpu.memref_slice %arg5[%add3A, %dma_start3A_103, %dma_start3A_104] : memref<32x4x80xi32, #tpu.memory_space<hbm>> -> memref<1x4x80xi32, #tpu.memory_space<hbm>>
      %dma_start3A_106 = tpu.memref_squeeze %dma_start3A_105 : memref<1x4x80xi32, #tpu.memory_space<hbm>> -> memref<4x80xi32, #tpu.memory_space<hbm>>
      tpu.enqueue_dma source(%dma_start3A_106 : memref<4x80xi32, #tpu.memory_space<hbm>>) target(%arg13 : memref<4x80xi32, #tpu.memory_space<vmem>>) target_semaphore(%run_scoped3A : memref<!tpu.dma_semaphore, #tpu.memory_space<semaphore_mem>>)
      %dma_wait3A_107 = arith.constant 0 : i32
      %dma_wait3A_108 = arith.constant 0 : i32
      %dma_wait3A_109 = tpu.memref_slice %arg5[%add3A, %dma_wait3A_107, %dma_wait3A_108] : memref<32x4x80xi32, #tpu.memory_space<hbm>> -> memref<1x4x80xi32, #tpu.memory_space<hbm>>
      %dma_wait3A_110 = tpu.memref_squeeze %dma_wait3A_109 : memref<1x4x80xi32, #tpu.memory_space<hbm>> -> memref<4x80xi32, #tpu.memory_space<hbm>>
      %dma_wait3A_111 = arith.constant 0 : i32
      %dma_wait3A_112 = arith.constant 0 : i32
      %dma_wait3A_113 = tpu.memref_slice %arg5[%add3A, %dma_wait3A_111, %dma_wait3A_112] : memref<32x4x80xi32, #tpu.memory_space<hbm>> -> memref<1x4x80xi32, #tpu.memory_space<hbm>>
      %dma_wait3A_114 = tpu.memref_squeeze %dma_wait3A_113 : memref<1x4x80xi32, #tpu.memory_space<hbm>> -> memref<4x80xi32, #tpu.memory_space<hbm>>
      tpu.wait_dma2 semaphore(%run_scoped3A : memref<!tpu.dma_semaphore, #tpu.memory_space<semaphore_mem>>) src(%dma_wait3A_114 : memref<4x80xi32, #tpu.memory_space<hbm>>) dst(%arg13 : memref<4x80xi32, #tpu.memory_space<vmem>>)
      tpu.yield
    }) : () -> ()
    %dma_start3A = arith.constant 0 : i32
    %dma_start3A_13 = arith.constant 0 : i32
    %dma_start3A_14 = arith.constant 0 : i32
    %dma_start3A_15 = tpu.memref_slice %arg14[%dma_start3A_13, %dma_start3A_14] : memref<160x128xf32, #tpu.memory_space<vmem>> -> memref<80x128xf32, #tpu.memory_space<vmem>>
    %dma_start3A_16 = arith.constant 0 : i32
    %dma_start3A_17 = tpu.memref_slice %arg13[%dma_start3A, %dma_start3A_16] : memref<4x80xi32, #tpu.memory_space<vmem>> -> memref<1x80xi32, #tpu.memory_space<vmem>>
    %dma_start3A_18 = tpu.memref_squeeze %dma_start3A_17 : memref<1x80xi32, #tpu.memory_space<vmem>> -> memref<80xi32, #tpu.memory_space<vmem>>
    %dma_start3A_19 = arith.constant 0 : i32
    %dma_start3A_20 = arith.constant 0 : i32
    %dma_start3A_21 = tpu.memref_slice %arg6[%dma_start3A_19, %dma_start3A_20] : memref<95x128xf32, #tpu.memory_space<hbm>> -> memref<95x128xf32, #tpu.memory_space<hbm>>
    tpu.enqueue_indirect_dma source(%dma_start3A_21 : memref<95x128xf32, #tpu.memory_space<hbm>>) target(%dma_start3A_15 : memref<80x128xf32, #tpu.memory_space<vmem>>) offsets(%dma_start3A_18 : memref<80xi32, #tpu.memory_space<vmem>>) semaphore(%arg15 : memref<!tpu.dma_semaphore, #tpu.memory_space<semaphore_mem>>)
    %dma_wait3A = arith.constant 0 : i32
    %dma_wait3A_22 = arith.constant 0 : i32
    %dma_wait3A_23 = arith.constant 0 : i32
    %dma_wait3A_24 = tpu.memref_slice %arg14[%dma_wait3A_22, %dma_wait3A_23] : memref<160x128xf32, #tpu.memory_space<vmem>> -> memref<80x128xf32, #tpu.memory_space<vmem>>
    %dma_wait3A_25 = arith.constant 0 : i32
    %dma_wait3A_26 = tpu.memref_slice %arg13[%dma_wait3A, %dma_wait3A_25] : memref<4x80xi32, #tpu.memory_space<vmem>> -> memref<1x80xi32, #tpu.memory_space<vmem>>
    %dma_wait3A_27 = tpu.memref_squeeze %dma_wait3A_26 : memref<1x80xi32, #tpu.memory_space<vmem>> -> memref<80xi32, #tpu.memory_space<vmem>>
    %dma_wait3A_28 = arith.constant 0 : i32
    %dma_wait3A_29 = arith.constant 0 : i32
    %dma_wait3A_30 = tpu.memref_slice %arg6[%dma_wait3A_28, %dma_wait3A_29] : memref<95x128xf32, #tpu.memory_space<hbm>> -> memref<95x128xf32, #tpu.memory_space<hbm>>
    tpu.wait_indirect_dma semaphore(%arg15 : memref<!tpu.dma_semaphore, #tpu.memory_space<semaphore_mem>>) src(%dma_wait3A_30 : memref<95x128xf32, #tpu.memory_space<hbm>>) dst(%dma_wait3A_24 : memref<80x128xf32, #tpu.memory_space<vmem>>)
    %dma_start3A_31 = arith.constant 1 : i32
    %dma_start3A_32 = arith.constant 80 : i32
    %dma_start3A_33 = arith.constant 0 : i32
    %dma_start3A_34 = tpu.memref_slice %arg14[%dma_start3A_32, %dma_start3A_33] : memref<160x128xf32, #tpu.memory_space<vmem>> -> memref<80x128xf32, #tpu.memory_space<vmem>>
    %dma_start3A_35 = arith.constant 0 : i32
    %dma_start3A_36 = tpu.memref_slice %arg13[%dma_start3A_31, %dma_start3A_35] : memref<4x80xi32, #tpu.memory_space<vmem>> -> memref<1x80xi32, #tpu.memory_space<vmem>>
    %dma_start3A_37 = tpu.memref_squeeze %dma_start3A_36 : memref<1x80xi32, #tpu.memory_space<vmem>> -> memref<80xi32, #tpu.memory_space<vmem>>
    %dma_start3A_38 = arith.constant 0 : i32
    %dma_start3A_39 = arith.constant 0 : i32
    %dma_start3A_40 = tpu.memref_slice %arg6[%dma_start3A_38, %dma_start3A_39] : memref<95x128xf32, #tpu.memory_space<hbm>> -> memref<95x128xf32, #tpu.memory_space<hbm>>
    tpu.enqueue_indirect_dma source(%dma_start3A_40 : memref<95x128xf32, #tpu.memory_space<hbm>>) target(%dma_start3A_34 : memref<80x128xf32, #tpu.memory_space<vmem>>) offsets(%dma_start3A_37 : memref<80xi32, #tpu.memory_space<vmem>>) semaphore(%arg15 : memref<!tpu.dma_semaphore, #tpu.memory_space<semaphore_mem>>)
    %dma_wait3A_41 = arith.constant 1 : i32
    %dma_wait3A_42 = arith.constant 80 : i32
    %dma_wait3A_43 = arith.constant 0 : i32
    %dma_wait3A_44 = tpu.memref_slice %arg14[%dma_wait3A_42, %dma_wait3A_43] : memref<160x128xf32, #tpu.memory_space<vmem>> -> memref<80x128xf32, #tpu.memory_space<vmem>>
    %dma_wait3A_45 = arith.constant 0 : i32
    %dma_wait3A_46 = tpu.memref_slice %arg13[%dma_wait3A_41, %dma_wait3A_45] : memref<4x80xi32, #tpu.memory_space<vmem>> -> memref<1x80xi32, #tpu.memory_space<vmem>>
    %dma_wait3A_47 = tpu.memref_squeeze %dma_wait3A_46 : memref<1x80xi32, #tpu.memory_space<vmem>> -> memref<80xi32, #tpu.memory_space<vmem>>
    %dma_wait3A_48 = arith.constant 0 : i32
    %dma_wait3A_49 = arith.constant 0 : i32
    %dma_wait3A_50 = tpu.memref_slice %arg6[%dma_wait3A_48, %dma_wait3A_49] : memref<95x128xf32, #tpu.memory_space<hbm>> -> memref<95x128xf32, #tpu.memory_space<hbm>>
    tpu.wait_indirect_dma semaphore(%arg15 : memref<!tpu.dma_semaphore, #tpu.memory_space<semaphore_mem>>) src(%dma_wait3A_50 : memref<95x128xf32, #tpu.memory_space<hbm>>) dst(%dma_wait3A_44 : memref<80x128xf32, #tpu.memory_space<vmem>>)
    %mul3A_51 = arith.constant 320 : i32
    %mul3A_52 = arith.muli %add3A, %mul3A_51 : i32
    %add3A_53 = arith.constant 0 : i32
    %add3A_54 = arith.addi %mul3A_52, %add3A_53 : i32
    "tpu.region"() ({
      %run_scoped3A = tpu.sem_alloc : memref<!tpu.dma_semaphore, #tpu.memory_space<semaphore_mem>>
      %dma_start3A_99 = arith.constant 0 : i32
      %dma_start3A_100 = tpu.memref_slice %arg8[%add3A_54, %dma_start3A_99] : memref<10240x128xf32, #tpu.memory_space<hbm>> -> memref<160x128xf32, #tpu.memory_space<hbm>>
      %dma_start3A_101 = arith.constant 0 : i32
      %dma_start3A_102 = tpu.memref_slice %arg8[%add3A_54, %dma_start3A_101] : memref<10240x128xf32, #tpu.memory_space<hbm>> -> memref<160x128xf32, #tpu.memory_space<hbm>>
      tpu.enqueue_dma source(%arg14 : memref<160x128xf32, #tpu.memory_space<vmem>>) target(%dma_start3A_102 : memref<160x128xf32, #tpu.memory_space<hbm>>) target_semaphore(%run_scoped3A : memref<!tpu.dma_semaphore, #tpu.memory_space<semaphore_mem>>)
      %dma_wait3A_103 = arith.constant 0 : i32
      %dma_wait3A_104 = tpu.memref_slice %arg8[%add3A_54, %dma_wait3A_103] : memref<10240x128xf32, #tpu.memory_space<hbm>> -> memref<160x128xf32, #tpu.memory_space<hbm>>
      %dma_wait3A_105 = arith.constant 0 : i32
      %dma_wait3A_106 = tpu.memref_slice %arg8[%add3A_54, %dma_wait3A_105] : memref<10240x128xf32, #tpu.memory_space<hbm>> -> memref<160x128xf32, #tpu.memory_space<hbm>>
      tpu.wait_dma2 semaphore(%run_scoped3A : memref<!tpu.dma_semaphore, #tpu.memory_space<semaphore_mem>>) src(%arg14 : memref<160x128xf32, #tpu.memory_space<vmem>>) dst(%dma_wait3A_106 : memref<160x128xf32, #tpu.memory_space<hbm>>)
      tpu.yield
    }) : () -> ()
    %dma_start3A_55 = arith.constant 2 : i32
    %dma_start3A_56 = arith.constant 0 : i32
    %dma_start3A_57 = arith.constant 0 : i32
    %dma_start3A_58 = tpu.memref_slice %arg14[%dma_start3A_56, %dma_start3A_57] : memref<160x128xf32, #tpu.memory_space<vmem>> -> memref<80x128xf32, #tpu.memory_space<vmem>>
    %dma_start3A_59 = arith.constant 0 : i32
    %dma_start3A_60 = tpu.memref_slice %arg13[%dma_start3A_55, %dma_start3A_59] : memref<4x80xi32, #tpu.memory_space<vmem>> -> memref<1x80xi32, #tpu.memory_space<vmem>>
    %dma_start3A_61 = tpu.memref_squeeze %dma_start3A_60 : memref<1x80xi32, #tpu.memory_space<vmem>> -> memref<80xi32, #tpu.memory_space<vmem>>
    %dma_start3A_62 = arith.constant 0 : i32
    %dma_start3A_63 = arith.constant 0 : i32
    %dma_start3A_64 = tpu.memref_slice %arg6[%dma_start3A_62, %dma_start3A_63] : memref<95x128xf32, #tpu.memory_space<hbm>> -> memref<95x128xf32, #tpu.memory_space<hbm>>
    tpu.enqueue_indirect_dma source(%dma_start3A_64 : memref<95x128xf32, #tpu.memory_space<hbm>>) target(%dma_start3A_58 : memref<80x128xf32, #tpu.memory_space<vmem>>) offsets(%dma_start3A_61 : memref<80xi32, #tpu.memory_space<vmem>>) semaphore(%arg15 : memref<!tpu.dma_semaphore, #tpu.memory_space<semaphore_mem>>)
    %dma_wait3A_65 = arith.constant 2 : i32
    %dma_wait3A_66 = arith.constant 0 : i32
    %dma_wait3A_67 = arith.constant 0 : i32
    %dma_wait3A_68 = tpu.memref_slice %arg14[%dma_wait3A_66, %dma_wait3A_67] : memref<160x128xf32, #tpu.memory_space<vmem>> -> memref<80x128xf32, #tpu.memory_space<vmem>>
    %dma_wait3A_69 = arith.constant 0 : i32
    %dma_wait3A_70 = tpu.memref_slice %arg13[%dma_wait3A_65, %dma_wait3A_69] : memref<4x80xi32, #tpu.memory_space<vmem>> -> memref<1x80xi32, #tpu.memory_space<vmem>>
    %dma_wait3A_71 = tpu.memref_squeeze %dma_wait3A_70 : memref<1x80xi32, #tpu.memory_space<vmem>> -> memref<80xi32, #tpu.memory_space<vmem>>
    %dma_wait3A_72 = arith.constant 0 : i32
    %dma_wait3A_73 = arith.constant 0 : i32
    %dma_wait3A_74 = tpu.memref_slice %arg6[%dma_wait3A_72, %dma_wait3A_73] : memref<95x128xf32, #tpu.memory_space<hbm>> -> memref<95x128xf32, #tpu.memory_space<hbm>>
    tpu.wait_indirect_dma semaphore(%arg15 : memref<!tpu.dma_semaphore, #tpu.memory_space<semaphore_mem>>) src(%dma_wait3A_74 : memref<95x128xf32, #tpu.memory_space<hbm>>) dst(%dma_wait3A_68 : memref<80x128xf32, #tpu.memory_space<vmem>>)
    %dma_start3A_75 = arith.constant 3 : i32
    %dma_start3A_76 = arith.constant 80 : i32
    %dma_start3A_77 = arith.constant 0 : i32
    %dma_start3A_78 = tpu.memref_slice %arg14[%dma_start3A_76, %dma_start3A_77] : memref<160x128xf32, #tpu.memory_space<vmem>> -> memref<80x128xf32, #tpu.memory_space<vmem>>
    %dma_start3A_79 = arith.constant 0 : i32
    %dma_start3A_80 = tpu.memref_slice %arg13[%dma_start3A_75, %dma_start3A_79] : memref<4x80xi32, #tpu.memory_space<vmem>> -> memref<1x80xi32, #tpu.memory_space<vmem>>
    %dma_start3A_81 = tpu.memref_squeeze %dma_start3A_80 : memref<1x80xi32, #tpu.memory_space<vmem>> -> memref<80xi32, #tpu.memory_space<vmem>>
    %dma_start3A_82 = arith.constant 0 : i32
    %dma_start3A_83 = arith.constant 0 : i32
    %dma_start3A_84 = tpu.memref_slice %arg6[%dma_start3A_82, %dma_start3A_83] : memref<95x128xf32, #tpu.memory_space<hbm>> -> memref<95x128xf32, #tpu.memory_space<hbm>>
    tpu.enqueue_indirect_dma source(%dma_start3A_84 : memref<95x128xf32, #tpu.memory_space<hbm>>) target(%dma_start3A_78 : memref<80x128xf32, #tpu.memory_space<vmem>>) offsets(%dma_start3A_81 : memref<80xi32, #tpu.memory_space<vmem>>) semaphore(%arg15 : memref<!tpu.dma_semaphore, #tpu.memory_space<semaphore_mem>>)
    %dma_wait3A_85 = arith.constant 3 : i32
    %dma_wait3A_86 = arith.constant 80 : i32
    %dma_wait3A_87 = arith.constant 0 : i32
    %dma_wait3A_88 = tpu.memref_slice %arg14[%dma_wait3A_86, %dma_wait3A_87] : memref<160x128xf32, #tpu.memory_space<vmem>> -> memref<80x128xf32, #tpu.memory_space<vmem>>
    %dma_wait3A_89 = arith.constant 0 : i32
    %dma_wait3A_90 = tpu.memref_slice %arg13[%dma_wait3A_85, %dma_wait3A_89] : memref<4x80xi32, #tpu.memory_space<vmem>> -> memref<1x80xi32, #tpu.memory_space<vmem>>
    %dma_wait3A_91 = tpu.memref_squeeze %dma_wait3A_90 : memref<1x80xi32, #tpu.memory_space<vmem>> -> memref<80xi32, #tpu.memory_space<vmem>>
    %dma_wait3A_92 = arith.constant 0 : i32
    %dma_wait3A_93 = arith.constant 0 : i32
    %dma_wait3A_94 = tpu.memref_slice %arg6[%dma_wait3A_92, %dma_wait3A_93] : memref<95x128xf32, #tpu.memory_space<hbm>> -> memref<95x128xf32, #tpu.memory_space<hbm>>
    tpu.wait_indirect_dma semaphore(%arg15 : memref<!tpu.dma_semaphore, #tpu.memory_space<semaphore_mem>>) src(%dma_wait3A_94 : memref<95x128xf32, #tpu.memory_space<hbm>>) dst(%dma_wait3A_88 : memref<80x128xf32, #tpu.memory_space<vmem>>)
    %mul3A_95 = arith.constant 320 : i32
    %mul3A_96 = arith.muli %add3A, %mul3A_95 : i32
    %add3A_97 = arith.constant 160 : i32
    %add3A_98 = arith.addi %mul3A_96, %add3A_97 : i32
    "tpu.region"() ({
      %run_scoped3A = tpu.sem_alloc : memref<!tpu.dma_semaphore, #tpu.memory_space<semaphore_mem>>
      %dma_start3A_99 = arith.constant 0 : i32
      %dma_start3A_100 = tpu.memref_slice %arg8[%add3A_98, %dma_start3A_99] : memref<10240x128xf32, #tpu.memory_space<hbm>> -> memref<160x128xf32, #tpu.memory_space<hbm>>
      %dma_start3A_101 = arith.constant 0 : i32
      %dma_start3A_102 = tpu.memref_slice %arg8[%add3A_98, %dma_start3A_101] : memref<10240x128xf32, #tpu.memory_space<hbm>> -> memref<160x128xf32, #tpu.memory_space<hbm>>
      tpu.enqueue_dma source(%arg14 : memref<160x128xf32, #tpu.memory_space<vmem>>) target(%dma_start3A_102 : memref<160x128xf32, #tpu.memory_space<hbm>>) target_semaphore(%run_scoped3A : memref<!tpu.dma_semaphore, #tpu.memory_space<semaphore_mem>>)
      %dma_wait3A_103 = arith.constant 0 : i32
      %dma_wait3A_104 = tpu.memref_slice %arg8[%add3A_98, %dma_wait3A_103] : memref<10240x128xf32, #tpu.memory_space<hbm>> -> memref<160x128xf32, #tpu.memory_space<hbm>>
      %dma_wait3A_105 = arith.constant 0 : i32
      %dma_wait3A_106 = tpu.memref_slice %arg8[%add3A_98, %dma_wait3A_105] : memref<10240x128xf32, #tpu.memory_space<hbm>> -> memref<160x128xf32, #tpu.memory_space<hbm>>
      tpu.wait_dma2 semaphore(%run_scoped3A : memref<!tpu.dma_semaphore, #tpu.memory_space<semaphore_mem>>) src(%arg14 : memref<160x128xf32, #tpu.memory_space<vmem>>) dst(%dma_wait3A_106 : memref<160x128xf32, #tpu.memory_space<hbm>>)
      tpu.yield
    }) : () -> ()
    return
  }
}

#map = affine_map<(d0, d1) -> (0)>
#map1 = affine_map<(d0, d1) -> (0, 0)>
module attributes {stable_mosaic.version = 14 : i64} {
  func.func @_part_body(%arg0: i32, %arg1: i32, %arg2: memref<160000xi32, #tpu.memory_space<hbm>>, %arg3: memref<160000xi32, #tpu.memory_space<hbm>>, %arg4: memref<32x5632xi32, #tpu.memory_space<hbm>>, %arg5: memref<32x5632xi32, #tpu.memory_space<hbm>>, %arg6: memref<32x5632xi32, #tpu.memory_space<hbm>>, %arg7: memref<2000xi32, #tpu.memory_space<vmem>>, %arg8: memref<2000xi32, #tpu.memory_space<vmem>>, %arg9: memref<5648xi32, #tpu.memory_space<vmem>>, %arg10: memref<5648xi32, #tpu.memory_space<vmem>>, %arg11: memref<5648xi32, #tpu.memory_space<vmem>>) attributes {dimension_semantics = [#tpu.dimension_semantics<core_parallel>, #tpu.dimension_semantics<subcore_parallel>], iteration_bounds = array<i64: 2, 16>, scalar_prefetch = 0 : i64, scratch_operands = 5 : i64, tpu.core_type = #tpu.core_type<sc_vector_subcore>, window_params = [{transform_indices = #map}, {transform_indices = #map}, {transform_indices = #map1}, {transform_indices = #map1}, {transform_indices = #map1}]} {
    %mul3A = arith.constant 2 : i32
    %mul3A_0 = arith.muli %arg1, %mul3A : i32
    %add3A = arith.addi %mul3A_0, %arg0 : i32
    %mul3A_1 = arith.constant 313 : i32
    %mul3A_2 = arith.muli %add3A, %mul3A_1 : i32
    %scan3A = arith.constant 0 : i32
    %scan3A_3 = arith.constant 353 : i32
    %scan3A_4 = arith.addi %scan3A, %scan3A_3 : i32
    %scan3A_5 = arith.constant 1 : i32
    scf.for %scan3A_14 = %scan3A to %scan3A_4 step %scan3A_5  : i32 {
      %mul3A_15 = arith.constant 1 : i32
      %mul3A_16 = arith.muli %scan3A_14, %mul3A_15 : i32
      %add3A_17 = arith.constant 0 : i32
      %add3A_18 = arith.addi %add3A_17, %mul3A_16 : i32
      %mul3A_19 = arith.constant 16 : i32
      %mul3A_20 = arith.muli %add3A_18, %mul3A_19 : i32
      %broadcast_in_dim3A = arith.constant 0 : i32
      %broadcast_in_dim3A_21 = vector.broadcast %broadcast_in_dim3A : i32 to vector<16xi32>
      %swap3A = arith.index_cast %mul3A_20 : i32 to index
      %swap3A_22 = tpu.vector_load %arg9[%swap3A] {strides = array<i32>} : memref<5648xi32, #tpu.memory_space<vmem>>, vector<16xi32>,
      tpu.vector_store %arg9[%swap3A], %broadcast_in_dim3A_21 {strides = array<i32>} : memref<5648xi32, #tpu.memory_space<vmem>>, vector<16xi32>,
      %broadcast_in_dim3A_23 = arith.constant 0 : i32
      %broadcast_in_dim3A_24 = vector.broadcast %broadcast_in_dim3A_23 : i32 to vector<16xi32>
      %swap3A_25 = arith.index_cast %mul3A_20 : i32 to index
      %swap3A_26 = tpu.vector_load %arg10[%swap3A_25] {strides = array<i32>} : memref<5648xi32, #tpu.memory_space<vmem>>, vector<16xi32>,
      tpu.vector_store %arg10[%swap3A_25], %broadcast_in_dim3A_24 {strides = array<i32>} : memref<5648xi32, #tpu.memory_space<vmem>>, vector<16xi32>,
      %broadcast_in_dim3A_27 = arith.constant 313 : i32
      %broadcast_in_dim3A_28 = vector.broadcast %broadcast_in_dim3A_27 : i32 to vector<16xi32>
      %swap3A_29 = arith.index_cast %mul3A_20 : i32 to index
      %swap3A_30 = tpu.vector_load %arg11[%swap3A_29] {strides = array<i32>} : memref<5648xi32, #tpu.memory_space<vmem>>, vector<16xi32>,
      tpu.vector_store %arg11[%swap3A_29], %broadcast_in_dim3A_28 {strides = array<i32>} : memref<5648xi32, #tpu.memory_space<vmem>>, vector<16xi32>,
    }
    %scan3A_6 = arith.constant 353 : i32
    %scan3A_7 = arith.constant 0 : i32
    %scan3A_8 = arith.constant 0 : i32
    %scan3A_9 = arith.constant 80 : i32
    %scan3A_10 = arith.addi %scan3A_8, %scan3A_9 : i32
    %scan3A_11 = arith.constant 1 : i32
    %scan3A_12 = scf.for %scan3A_14 = %scan3A_8 to %scan3A_10 step %scan3A_11 iter_args(%scan3A_15 = %scan3A_7) -> (i32)  : i32 {
      %mul3A_16 = arith.constant 1 : i32
      %mul3A_17 = arith.muli %scan3A_14, %mul3A_16 : i32
      %add3A_18 = arith.constant 0 : i32
      %add3A_19 = arith.addi %add3A_18, %mul3A_17 : i32
      %mul3A_20 = arith.constant 2000 : i32
      %mul3A_21 = arith.muli %add3A_19, %mul3A_20 : i32
      "tpu.region"() ({
        %run_scoped3A = tpu.sem_alloc : memref<!tpu.dma_semaphore, #tpu.memory_space<semaphore_mem>>
        %dma_start3A = tpu.memref_slice %arg2[%mul3A_21] : memref<160000xi32, #tpu.memory_space<hbm>> -> memref<2000xi32, #tpu.memory_space<hbm>>
        %dma_start3A_30 = tpu.memref_slice %arg2[%mul3A_21] : memref<160000xi32, #tpu.memory_space<hbm>> -> memref<2000xi32, #tpu.memory_space<hbm>>
        tpu.enqueue_dma source(%dma_start3A_30 : memref<2000xi32, #tpu.memory_space<hbm>>) target(%arg7 : memref<2000xi32, #tpu.memory_space<vmem>>) target_semaphore(%run_scoped3A : memref<!tpu.dma_semaphore, #tpu.memory_space<semaphore_mem>>)
        %dma_wait3A = tpu.memref_slice %arg2[%mul3A_21] : memref<160000xi32, #tpu.memory_space<hbm>> -> memref<2000xi32, #tpu.memory_space<hbm>>
        %dma_wait3A_31 = tpu.memref_slice %arg2[%mul3A_21] : memref<160000xi32, #tpu.memory_space<hbm>> -> memref<2000xi32, #tpu.memory_space<hbm>>
        tpu.wait_dma2 semaphore(%run_scoped3A : memref<!tpu.dma_semaphore, #tpu.memory_space<semaphore_mem>>) src(%dma_wait3A_31 : memref<2000xi32, #tpu.memory_space<hbm>>) dst(%arg7 : memref<2000xi32, #tpu.memory_space<vmem>>)
        tpu.yield
      }) : () -> ()
      %mul3A_22 = arith.constant 2000 : i32
      %mul3A_23 = arith.muli %add3A_19, %mul3A_22 : i32
      "tpu.region"() ({
        %run_scoped3A = tpu.sem_alloc : memref<!tpu.dma_semaphore, #tpu.memory_space<semaphore_mem>>
        %dma_start3A = tpu.memref_slice %arg3[%mul3A_23] : memref<160000xi32, #tpu.memory_space<hbm>> -> memref<2000xi32, #tpu.memory_space<hbm>>
        %dma_start3A_30 = tpu.memref_slice %arg3[%mul3A_23] : memref<160000xi32, #tpu.memory_space<hbm>> -> memref<2000xi32, #tpu.memory_space<hbm>>
        tpu.enqueue_dma source(%dma_start3A_30 : memref<2000xi32, #tpu.memory_space<hbm>>) target(%arg8 : memref<2000xi32, #tpu.memory_space<vmem>>) target_semaphore(%run_scoped3A : memref<!tpu.dma_semaphore, #tpu.memory_space<semaphore_mem>>)
        %dma_wait3A = tpu.memref_slice %arg3[%mul3A_23] : memref<160000xi32, #tpu.memory_space<hbm>> -> memref<2000xi32, #tpu.memory_space<hbm>>
        %dma_wait3A_31 = tpu.memref_slice %arg3[%mul3A_23] : memref<160000xi32, #tpu.memory_space<hbm>> -> memref<2000xi32, #tpu.memory_space<hbm>>
        tpu.wait_dma2 semaphore(%run_scoped3A : memref<!tpu.dma_semaphore, #tpu.memory_space<semaphore_mem>>) src(%dma_wait3A_31 : memref<2000xi32, #tpu.memory_space<hbm>>) dst(%arg8 : memref<2000xi32, #tpu.memory_space<vmem>>)
        tpu.yield
      }) : () -> ()
      %scan3A_24 = arith.constant 0 : i32
      %scan3A_25 = arith.constant 125 : i32
      %scan3A_26 = arith.addi %scan3A_24, %scan3A_25 : i32
      %scan3A_27 = arith.constant 1 : i32
      %scan3A_28 = scf.for %scan3A_30 = %scan3A_24 to %scan3A_26 step %scan3A_27 iter_args(%scan3A_31 = %scan3A_15) -> (i32)  : i32 {
        %mul3A_32 = arith.constant 1 : i32
        %mul3A_33 = arith.muli %scan3A_30, %mul3A_32 : i32
        %add3A_34 = arith.constant 0 : i32
        %add3A_35 = arith.addi %add3A_34, %mul3A_33 : i32
        %mul3A_36 = arith.constant 16 : i32
        %mul3A_37 = arith.muli %add3A_35, %mul3A_36 : i32
        %get3A = arith.index_cast %mul3A_37 : i32 to index
        %get3A_38 = tpu.vector_load %arg7[%get3A] {strides = array<i32>} : memref<2000xi32, #tpu.memory_space<vmem>>, vector<16xi32>,
        %mul3A_39 = arith.constant 16 : i32
        %mul3A_40 = arith.muli %add3A_35, %mul3A_39 : i32
        %get3A_41 = arith.index_cast %mul3A_40 : i32 to index
        %get3A_42 = tpu.vector_load %arg8[%get3A_41] {strides = array<i32>} : memref<2000xi32, #tpu.memory_space<vmem>>, vector<16xi32>,
        %sub3A = vector.broadcast %mul3A_2 : i32 to vector<16xi32>
        %sub3A_43 = arith.subi %get3A_38, %sub3A : vector<16xi32>
        %ge3A = arith.constant 0 : i32
        %ge3A_44 = vector.broadcast %ge3A : i32 to vector<16xi32>
        %ge3A_45 = arith.cmpi sge, %sub3A_43, %ge3A_44 : vector<16xi32>
        %lt3A = arith.constant 313 : i32
        %lt3A_46 = vector.broadcast %lt3A : i32 to vector<16xi32>
        %lt3A_47 = arith.cmpi slt, %sub3A_43, %lt3A_46 : vector<16xi32>
        %and3A = arith.andi %ge3A_45, %lt3A_47 : vector<16xi1>
        %mul3A_48 = arith.constant 2000 : i32
        %mul3A_49 = arith.muli %add3A_19, %mul3A_48 : i32
        %mul3A_50 = arith.constant 16 : i32
        %mul3A_51 = arith.muli %add3A_35, %mul3A_50 : i32
        %add3A_52 = arith.addi %mul3A_49, %mul3A_51 : i32
        %iota3A = tpu.iota {dimensions = array<i32: 0>} : vector<16xi32>
        %add3A_53 = vector.broadcast %add3A_52 : i32 to vector<16xi32>
        %add3A_54 = arith.addi %add3A_53, %iota3A : vector<16xi32>
        %swap3A = arith.index_cast %scan3A_31 : i32 to index
        %swap3A_55 = tpu.vector_load %arg9[%swap3A] masked %and3A {strides = array<i32>} : memref<5648xi32, #tpu.memory_space<vmem>>, vector<16xi32>, vector<16xi1>
        tpu.vector_store %arg9[%swap3A], %add3A_54 masked %and3A {strides = array<i32>} : memref<5648xi32, #tpu.memory_space<vmem>>, vector<16xi32>, vector<16xi1>
        %swap3A_56 = arith.index_cast %scan3A_31 : i32 to index
        %swap3A_57 = tpu.vector_load %arg10[%swap3A_56] masked %and3A {strides = array<i32>} : memref<5648xi32, #tpu.memory_space<vmem>>, vector<16xi32>, vector<16xi1>
        tpu.vector_store %arg10[%swap3A_56], %get3A_42 masked %and3A {strides = array<i32>} : memref<5648xi32, #tpu.memory_space<vmem>>, vector<16xi32>, vector<16xi1>
        %swap3A_58 = arith.index_cast %scan3A_31 : i32 to index
        %swap3A_59 = tpu.vector_load %arg11[%swap3A_58] masked %and3A {strides = array<i32>} : memref<5648xi32, #tpu.memory_space<vmem>>, vector<16xi32>, vector<16xi1>
        tpu.vector_store %arg11[%swap3A_58], %sub3A_43 masked %and3A {strides = array<i32>} : memref<5648xi32, #tpu.memory_space<vmem>>, vector<16xi32>, vector<16xi1>
        %convert_element_type3A = arith.extui %and3A : vector<16xi1> to vector<16xi32>
        %reduce_sum3A = arith.constant true
        %reduce_sum3A_60 = vector.broadcast %reduce_sum3A : i1 to vector<16xi1>
        %reduce_sum3A_61 = tpu.scan <sum>, %convert_element_type3A masked %reduce_sum3A_60 : vector<16xi32>, vector<16xi1> -> vector<16xi32>
        %reduce_sum3A_62 = vector.extract %reduce_sum3A_61[15] : i32 from vector<16xi32>
        %add3A_63 = arith.addi %scan3A_31, %reduce_sum3A_62 : i32
        %min3A = arith.constant 5632 : i32
        %min3A_64 = arith.minsi %add3A_63, %min3A : i32
        scf.yield %min3A_64 : i32
      }
      %scan3A_29 = arith.constant 125 : i32
      scf.yield %scan3A_28 : i32
    }
    %scan3A_13 = arith.constant 80 : i32
    "tpu.region"() ({
      %run_scoped3A = tpu.sem_alloc : memref<!tpu.dma_semaphore, #tpu.memory_space<semaphore_mem>>
      %dma_start3A = arith.constant 0 : i32
      %dma_start3A_14 = tpu.memref_slice %arg9[%dma_start3A] : memref<5648xi32, #tpu.memory_space<vmem>> -> memref<5632xi32, #tpu.memory_space<vmem>>
      %dma_start3A_15 = arith.constant 0 : i32
      %dma_start3A_16 = tpu.memref_slice %arg4[%add3A, %dma_start3A_15] : memref<32x5632xi32, #tpu.memory_space<hbm>> -> memref<1x5632xi32, #tpu.memory_space<hbm>>
      %dma_start3A_17 = tpu.memref_squeeze %dma_start3A_16 : memref<1x5632xi32, #tpu.memory_space<hbm>> -> memref<5632xi32, #tpu.memory_space<hbm>>
      %dma_start3A_18 = arith.constant 0 : i32
      %dma_start3A_19 = tpu.memref_slice %arg4[%add3A, %dma_start3A_18] : memref<32x5632xi32, #tpu.memory_space<hbm>> -> memref<1x5632xi32, #tpu.memory_space<hbm>>
      %dma_start3A_20 = tpu.memref_squeeze %dma_start3A_19 : memref<1x5632xi32, #tpu.memory_space<hbm>> -> memref<5632xi32, #tpu.memory_space<hbm>>
      %dma_start3A_21 = arith.constant 0 : i32
      %dma_start3A_22 = tpu.memref_slice %arg9[%dma_start3A_21] : memref<5648xi32, #tpu.memory_space<vmem>> -> memref<5632xi32, #tpu.memory_space<vmem>>
      tpu.enqueue_dma source(%dma_start3A_22 : memref<5632xi32, #tpu.memory_space<vmem>>) target(%dma_start3A_20 : memref<5632xi32, #tpu.memory_space<hbm>>) target_semaphore(%run_scoped3A : memref<!tpu.dma_semaphore, #tpu.memory_space<semaphore_mem>>)
      %dma_wait3A = arith.constant 0 : i32
      %dma_wait3A_23 = tpu.memref_slice %arg9[%dma_wait3A] : memref<5648xi32, #tpu.memory_space<vmem>> -> memref<5632xi32, #tpu.memory_space<vmem>>
      %dma_wait3A_24 = arith.constant 0 : i32
      %dma_wait3A_25 = tpu.memref_slice %arg4[%add3A, %dma_wait3A_24] : memref<32x5632xi32, #tpu.memory_space<hbm>> -> memref<1x5632xi32, #tpu.memory_space<hbm>>
      %dma_wait3A_26 = tpu.memref_squeeze %dma_wait3A_25 : memref<1x5632xi32, #tpu.memory_space<hbm>> -> memref<5632xi32, #tpu.memory_space<hbm>>
      %dma_wait3A_27 = arith.constant 0 : i32
      %dma_wait3A_28 = tpu.memref_slice %arg4[%add3A, %dma_wait3A_27] : memref<32x5632xi32, #tpu.memory_space<hbm>> -> memref<1x5632xi32, #tpu.memory_space<hbm>>
      %dma_wait3A_29 = tpu.memref_squeeze %dma_wait3A_28 : memref<1x5632xi32, #tpu.memory_space<hbm>> -> memref<5632xi32, #tpu.memory_space<hbm>>
      %dma_wait3A_30 = arith.constant 0 : i32
      %dma_wait3A_31 = tpu.memref_slice %arg9[%dma_wait3A_30] : memref<5648xi32, #tpu.memory_space<vmem>> -> memref<5632xi32, #tpu.memory_space<vmem>>
      tpu.wait_dma2 semaphore(%run_scoped3A : memref<!tpu.dma_semaphore, #tpu.memory_space<semaphore_mem>>) src(%dma_wait3A_31 : memref<5632xi32, #tpu.memory_space<vmem>>) dst(%dma_wait3A_29 : memref<5632xi32, #tpu.memory_space<hbm>>)
      tpu.yield
    }) : () -> ()
    "tpu.region"() ({
      %run_scoped3A = tpu.sem_alloc : memref<!tpu.dma_semaphore, #tpu.memory_space<semaphore_mem>>
      %dma_start3A = arith.constant 0 : i32
      %dma_start3A_14 = tpu.memref_slice %arg10[%dma_start3A] : memref<5648xi32, #tpu.memory_space<vmem>> -> memref<5632xi32, #tpu.memory_space<vmem>>
      %dma_start3A_15 = arith.constant 0 : i32
      %dma_start3A_16 = tpu.memref_slice %arg5[%add3A, %dma_start3A_15] : memref<32x5632xi32, #tpu.memory_space<hbm>> -> memref<1x5632xi32, #tpu.memory_space<hbm>>
      %dma_start3A_17 = tpu.memref_squeeze %dma_start3A_16 : memref<1x5632xi32, #tpu.memory_space<hbm>> -> memref<5632xi32, #tpu.memory_space<hbm>>
      %dma_start3A_18 = arith.constant 0 : i32
      %dma_start3A_19 = tpu.memref_slice %arg5[%add3A, %dma_start3A_18] : memref<32x5632xi32, #tpu.memory_space<hbm>> -> memref<1x5632xi32, #tpu.memory_space<hbm>>
      %dma_start3A_20 = tpu.memref_squeeze %dma_start3A_19 : memref<1x5632xi32, #tpu.memory_space<hbm>> -> memref<5632xi32, #tpu.memory_space<hbm>>
      %dma_start3A_21 = arith.constant 0 : i32
      %dma_start3A_22 = tpu.memref_slice %arg10[%dma_start3A_21] : memref<5648xi32, #tpu.memory_space<vmem>> -> memref<5632xi32, #tpu.memory_space<vmem>>
      tpu.enqueue_dma source(%dma_start3A_22 : memref<5632xi32, #tpu.memory_space<vmem>>) target(%dma_start3A_20 : memref<5632xi32, #tpu.memory_space<hbm>>) target_semaphore(%run_scoped3A : memref<!tpu.dma_semaphore, #tpu.memory_space<semaphore_mem>>)
      %dma_wait3A = arith.constant 0 : i32
      %dma_wait3A_23 = tpu.memref_slice %arg10[%dma_wait3A] : memref<5648xi32, #tpu.memory_space<vmem>> -> memref<5632xi32, #tpu.memory_space<vmem>>
      %dma_wait3A_24 = arith.constant 0 : i32
      %dma_wait3A_25 = tpu.memref_slice %arg5[%add3A, %dma_wait3A_24] : memref<32x5632xi32, #tpu.memory_space<hbm>> -> memref<1x5632xi32, #tpu.memory_space<hbm>>
      %dma_wait3A_26 = tpu.memref_squeeze %dma_wait3A_25 : memref<1x5632xi32, #tpu.memory_space<hbm>> -> memref<5632xi32, #tpu.memory_space<hbm>>
      %dma_wait3A_27 = arith.constant 0 : i32
      %dma_wait3A_28 = tpu.memref_slice %arg5[%add3A, %dma_wait3A_27] : memref<32x5632xi32, #tpu.memory_space<hbm>> -> memref<1x5632xi32, #tpu.memory_space<hbm>>
      %dma_wait3A_29 = tpu.memref_squeeze %dma_wait3A_28 : memref<1x5632xi32, #tpu.memory_space<hbm>> -> memref<5632xi32, #tpu.memory_space<hbm>>
      %dma_wait3A_30 = arith.constant 0 : i32
      %dma_wait3A_31 = tpu.memref_slice %arg10[%dma_wait3A_30] : memref<5648xi32, #tpu.memory_space<vmem>> -> memref<5632xi32, #tpu.memory_space<vmem>>
      tpu.wait_dma2 semaphore(%run_scoped3A : memref<!tpu.dma_semaphore, #tpu.memory_space<semaphore_mem>>) src(%dma_wait3A_31 : memref<5632xi32, #tpu.memory_space<vmem>>) dst(%dma_wait3A_29 : memref<5632xi32, #tpu.memory_space<hbm>>)
      tpu.yield
    }) : () -> ()
    "tpu.region"() ({
      %run_scoped3A = tpu.sem_alloc : memref<!tpu.dma_semaphore, #tpu.memory_space<semaphore_mem>>
      %dma_start3A = arith.constant 0 : i32
      %dma_start3A_14 = tpu.memref_slice %arg11[%dma_start3A] : memref<5648xi32, #tpu.memory_space<vmem>> -> memref<5632xi32, #tpu.memory_space<vmem>>
      %dma_start3A_15 = arith.constant 0 : i32
      %dma_start3A_16 = tpu.memref_slice %arg6[%add3A, %dma_start3A_15] : memref<32x5632xi32, #tpu.memory_space<hbm>> -> memref<1x5632xi32, #tpu.memory_space<hbm>>
      %dma_start3A_17 = tpu.memref_squeeze %dma_start3A_16 : memref<1x5632xi32, #tpu.memory_space<hbm>> -> memref<5632xi32, #tpu.memory_space<hbm>>
      %dma_start3A_18 = arith.constant 0 : i32
      %dma_start3A_19 = tpu.memref_slice %arg6[%add3A, %dma_start3A_18] : memref<32x5632xi32, #tpu.memory_space<hbm>> -> memref<1x5632xi32, #tpu.memory_space<hbm>>
      %dma_start3A_20 = tpu.memref_squeeze %dma_start3A_19 : memref<1x5632xi32, #tpu.memory_space<hbm>> -> memref<5632xi32, #tpu.memory_space<hbm>>
      %dma_start3A_21 = arith.constant 0 : i32
      %dma_start3A_22 = tpu.memref_slice %arg11[%dma_start3A_21] : memref<5648xi32, #tpu.memory_space<vmem>> -> memref<5632xi32, #tpu.memory_space<vmem>>
      tpu.enqueue_dma source(%dma_start3A_22 : memref<5632xi32, #tpu.memory_space<vmem>>) target(%dma_start3A_20 : memref<5632xi32, #tpu.memory_space<hbm>>) target_semaphore(%run_scoped3A : memref<!tpu.dma_semaphore, #tpu.memory_space<semaphore_mem>>)
      %dma_wait3A = arith.constant 0 : i32
      %dma_wait3A_23 = tpu.memref_slice %arg11[%dma_wait3A] : memref<5648xi32, #tpu.memory_space<vmem>> -> memref<5632xi32, #tpu.memory_space<vmem>>
      %dma_wait3A_24 = arith.constant 0 : i32
      %dma_wait3A_25 = tpu.memref_slice %arg6[%add3A, %dma_wait3A_24] : memref<32x5632xi32, #tpu.memory_space<hbm>> -> memref<1x5632xi32, #tpu.memory_space<hbm>>
      %dma_wait3A_26 = tpu.memref_squeeze %dma_wait3A_25 : memref<1x5632xi32, #tpu.memory_space<hbm>> -> memref<5632xi32, #tpu.memory_space<hbm>>
      %dma_wait3A_27 = arith.constant 0 : i32
      %dma_wait3A_28 = tpu.memref_slice %arg6[%add3A, %dma_wait3A_27] : memref<32x5632xi32, #tpu.memory_space<hbm>> -> memref<1x5632xi32, #tpu.memory_space<hbm>>
      %dma_wait3A_29 = tpu.memref_squeeze %dma_wait3A_28 : memref<1x5632xi32, #tpu.memory_space<hbm>> -> memref<5632xi32, #tpu.memory_space<hbm>>
      %dma_wait3A_30 = arith.constant 0 : i32
      %dma_wait3A_31 = tpu.memref_slice %arg11[%dma_wait3A_30] : memref<5648xi32, #tpu.memory_space<vmem>> -> memref<5632xi32, #tpu.memory_space<vmem>>
      tpu.wait_dma2 semaphore(%run_scoped3A : memref<!tpu.dma_semaphore, #tpu.memory_space<semaphore_mem>>) src(%dma_wait3A_31 : memref<5632xi32, #tpu.memory_space<vmem>>) dst(%dma_wait3A_29 : memref<5632xi32, #tpu.memory_space<hbm>>)
      tpu.yield
    }) : () -> ()
    return
  }
}

module attributes {stable_mosaic.version = 14 : i64} {
  func.func @_proj_body(%arg0: i32, %arg1: memref<1000x128xf32, #tpu.memory_space<vmem>>, %arg2: memref<128x128xf32, #tpu.memory_space<vmem>>, %arg3: memref<128x128xf32, #tpu.memory_space<vmem>>, %arg4: memref<1000x128xf32, #tpu.memory_space<vmem>>, %arg5: memref<1000x128xf32, #tpu.memory_space<vmem>>) attributes {dimension_semantics = [#tpu.dimension_semantics<arbitrary>], iteration_bounds = array<i64: 10>, scalar_prefetch = 0 : i64, scratch_operands = 0 : i64, tpu.core_type = #tpu.core_type<tc>, window_params = [{transform_indices = @transform_0, window_bounds = array<i64: 1000, 128>}, {pipeline_mode = #tpu.pipeline_mode<synchronous>, transform_indices = @transform_1, window_bounds = array<i64: 128, 128>}, {pipeline_mode = #tpu.pipeline_mode<synchronous>, transform_indices = @transform_2, window_bounds = array<i64: 128, 128>}, {transform_indices = @transform_3, window_bounds = array<i64: 1000, 128>}, {transform_indices = @transform_4, window_bounds = array<i64: 1000, 128>}]} {
    %get3A = arith.constant 0 : index
    %get3A_0 = arith.constant 0 : index
    %get3A_1 = vector.load %arg1[%get3A, %get3A_0] : memref<1000x128xf32, #tpu.memory_space<vmem>>, vector<1000x128xf32>
    %max3A = arith.constant 0.000000e+00 : f32
    %max3A_2 = vector.broadcast %max3A : f32 to vector<1000x128xf32>
    %max3A_3 = arith.maximumf %get3A_1, %max3A_2 : vector<1000x128xf32>
    %abs3A = math.absf %get3A_1 : vector<1000x128xf32>
    %neg3A = arith.constant 0.000000e+00 : f32
    %neg3A_4 = vector.broadcast %neg3A : f32 to vector<1000x128xf32>
    %neg3A_5 = arith.subf %neg3A_4, %abs3A : vector<1000x128xf32>
    %exp3A = math.exp %neg3A_5 : vector<1000x128xf32>
    %log1p3A = math.log1p %exp3A : vector<1000x128xf32>
    %add3A = arith.addf %max3A_3, %log1p3A : vector<1000x128xf32>
    %sub3A = arith.constant 0.693147182 : f32
    %sub3A_6 = vector.broadcast %sub3A : f32 to vector<1000x128xf32>
    %sub3A_7 = arith.subf %add3A, %sub3A_6 : vector<1000x128xf32>
    %get3A_8 = arith.constant 0 : index
    %get3A_9 = arith.constant 0 : index
    %get3A_10 = vector.load %arg2[%get3A_8, %get3A_9] : memref<128x128xf32, #tpu.memory_space<vmem>>, vector<128x128xf32>
    %dot_general3A = arith.constant dense<0.000000e+00> : vector<1000x128xf32>
    %dot_general3A_11 = tpu.matmul %sub3A_7, %get3A_10, %dot_general3A {dimension_numbers = #tpu.dot_dimension_numbers<[1], [0], [0], [1], [0, 0, 1, 1], [], []>, precision = #tpu.contract_precision<fp32>, transpose_lhs_hint = false} : vector<1000x128xf32>, vector<128x128xf32>, vector<1000x128xf32> -> vector<1000x128xf32>
    %max3A_12 = arith.constant 0.000000e+00 : f32
    %max3A_13 = vector.broadcast %max3A_12 : f32 to vector<1000x128xf32>
    %max3A_14 = arith.maximumf %dot_general3A_11, %max3A_13 : vector<1000x128xf32>
    %abs3A_15 = math.absf %dot_general3A_11 : vector<1000x128xf32>
    %neg3A_16 = arith.constant 0.000000e+00 : f32
    %neg3A_17 = vector.broadcast %neg3A_16 : f32 to vector<1000x128xf32>
    %neg3A_18 = arith.subf %neg3A_17, %abs3A_15 : vector<1000x128xf32>
    %exp3A_19 = math.exp %neg3A_18 : vector<1000x128xf32>
    %log1p3A_20 = math.log1p %exp3A_19 : vector<1000x128xf32>
    %add3A_21 = arith.addf %max3A_14, %log1p3A_20 : vector<1000x128xf32>
    %sub3A_22 = arith.constant 0.693147182 : f32
    %sub3A_23 = vector.broadcast %sub3A_22 : f32 to vector<1000x128xf32>
    %sub3A_24 = arith.subf %add3A_21, %sub3A_23 : vector<1000x128xf32>
    %swap3A = arith.constant 0 : index
    %swap3A_25 = arith.constant 0 : index
    %swap3A_26 = vector.load %arg4[%swap3A, %swap3A_25] : memref<1000x128xf32, #tpu.memory_space<vmem>>, vector<1000x128xf32>
    tpu.vector_store %arg4[%swap3A, %swap3A_25], %sub3A_24 {strides = array<i32>} : memref<1000x128xf32, #tpu.memory_space<vmem>>, vector<1000x128xf32>,
    %get3A_27 = arith.constant 0 : index
    %get3A_28 = arith.constant 0 : index
    %get3A_29 = vector.load %arg3[%get3A_27, %get3A_28] : memref<128x128xf32, #tpu.memory_space<vmem>>, vector<128x128xf32>
    %dot_general3A_30 = arith.constant dense<0.000000e+00> : vector<1000x128xf32>
    %dot_general3A_31 = tpu.matmul %sub3A_7, %get3A_29, %dot_general3A_30 {dimension_numbers = #tpu.dot_dimension_numbers<[1], [0], [0], [1], [0, 0, 1, 1], [], []>, precision = #tpu.contract_precision<fp32>, transpose_lhs_hint = false} : vector<1000x128xf32>, vector<128x128xf32>, vector<1000x128xf32> -> vector<1000x128xf32>
    %max3A_32 = arith.constant 0.000000e+00 : f32
    %max3A_33 = vector.broadcast %max3A_32 : f32 to vector<1000x128xf32>
    %max3A_34 = arith.maximumf %dot_general3A_31, %max3A_33 : vector<1000x128xf32>
    %abs3A_35 = math.absf %dot_general3A_31 : vector<1000x128xf32>
    %neg3A_36 = arith.constant 0.000000e+00 : f32
    %neg3A_37 = vector.broadcast %neg3A_36 : f32 to vector<1000x128xf32>
    %neg3A_38 = arith.subf %neg3A_37, %abs3A_35 : vector<1000x128xf32>
    %exp3A_39 = math.exp %neg3A_38 : vector<1000x128xf32>
    %log1p3A_40 = math.log1p %exp3A_39 : vector<1000x128xf32>
    %add3A_41 = arith.addf %max3A_34, %log1p3A_40 : vector<1000x128xf32>
    %sub3A_42 = arith.constant 0.693147182 : f32
    %sub3A_43 = vector.broadcast %sub3A_42 : f32 to vector<1000x128xf32>
    %sub3A_44 = arith.subf %add3A_41, %sub3A_43 : vector<1000x128xf32>
    %swap3A_45 = arith.constant 0 : index
    %swap3A_46 = arith.constant 0 : index
    %swap3A_47 = vector.load %arg5[%swap3A_45, %swap3A_46] : memref<1000x128xf32, #tpu.memory_space<vmem>>, vector<1000x128xf32>
    tpu.vector_store %arg5[%swap3A_45, %swap3A_46], %sub3A_44 {strides = array<i32>} : memref<1000x128xf32, #tpu.memory_space<vmem>>, vector<1000x128xf32>,
    return
  }
  func.func @transform_0(%arg0: i32) -> (i32, i32) {
    %c0_i32 = arith.constant 0 : i32
    %c0_i32_0 = arith.constant 0 : i32
    return %arg0, %c0_i32 : i32, i32
  }
  func.func @transform_1(%arg0: i32) -> (i32, i32) {
    %c0_i32 = arith.constant 0 : i32
    %c0_i32_0 = arith.constant 0 : i32
    %c0_i32_1 = arith.constant 0 : i32
    return %c0_i32, %c0_i32_0 : i32, i32
  }
  func.func @transform_2(%arg0: i32) -> (i32, i32) {
    %c0_i32 = arith.constant 0 : i32
    %c0_i32_0 = arith.constant 0 : i32
    %c0_i32_1 = arith.constant 0 : i32
    return %c0_i32, %c0_i32_0 : i32, i32
  }
  func.func @transform_3(%arg0: i32) -> (i32, i32) {
    %c0_i32 = arith.constant 0 : i32
    %c0_i32_0 = arith.constant 0 : i32
    return %arg0, %c0_i32 : i32, i32
  }
  func.func @transform_4(%arg0: i32) -> (i32, i32) {
    %c0_i32 = arith.constant 0 : i32
    %c0_i32_0 = arith.constant 0 : i32
    return %arg0, %c0_i32 : i32, i32
  }
}

module attributes {stable_mosaic.version = 14 : i64} {
  func.func @_rbf_body(%arg0: i32, %arg1: memref<2000x1xf32, #tpu.memory_space<vmem>>, %arg2: memref<1x64xf32, #tpu.memory_space<vmem>>, %arg3: memref<2x64x128xf32, #tpu.memory_space<vmem>>, %arg4: memref<2000x1xf32, #tpu.memory_space<vmem>>, %arg5: memref<2000x128xf32, #tpu.memory_space<vmem>>, %arg6: memref<2000x128xf32, #tpu.memory_space<vmem>>) attributes {dimension_semantics = [#tpu.dimension_semantics<arbitrary>], iteration_bounds = array<i64: 80>, scalar_prefetch = 0 : i64, scratch_operands = 0 : i64, tpu.core_type = #tpu.core_type<tc>, window_params = [{transform_indices = @transform_0, window_bounds = array<i64: 2000, 1>}, {pipeline_mode = #tpu.pipeline_mode<synchronous>, transform_indices = @transform_1, window_bounds = array<i64: 1, 64>}, {pipeline_mode = #tpu.pipeline_mode<synchronous>, transform_indices = @transform_2, window_bounds = array<i64: 2, 64, 128>}, {transform_indices = @transform_3, window_bounds = array<i64: 2000, 1>}, {transform_indices = @transform_4, window_bounds = array<i64: 2000, 128>}, {transform_indices = @transform_5, window_bounds = array<i64: 2000, 128>}]} {
    %get3A = arith.constant 0 : index
    %get3A_0 = arith.constant 0 : index
    %get3A_1 = vector.load %arg1[%get3A, %get3A_0] : memref<2000x1xf32, #tpu.memory_space<vmem>>, vector<2000x1xf32>
    %max3A = arith.constant 0.000000e+00 : f32
    %max3A_2 = vector.broadcast %max3A : f32 to vector<2000x1xf32>
    %max3A_3 = arith.maximumf %get3A_1, %max3A_2 : vector<2000x1xf32>
    %sqrt3A = math.sqrt %max3A_3 : vector<2000x1xf32>
    %swap3A = arith.constant 0 : index
    %swap3A_4 = arith.constant 0 : index
    %swap3A_5 = vector.load %arg4[%swap3A, %swap3A_4] : memref<2000x1xf32, #tpu.memory_space<vmem>>, vector<2000x1xf32>
    tpu.vector_store %arg4[%swap3A, %swap3A_4], %sqrt3A {strides = array<i32>} : memref<2000x1xf32, #tpu.memory_space<vmem>>, vector<2000x1xf32>,
    %mul3A = arith.constant 1.000000e-01 : f32
    %mul3A_6 = vector.broadcast %mul3A : f32 to vector<2000x1xf32>
    %mul3A_7 = arith.mulf %sqrt3A, %mul3A_6 : vector<2000x1xf32>
    %mul3A_8 = arith.mulf %mul3A_7, %mul3A_7 : vector<2000x1xf32>
    %mul3A_9 = arith.mulf %mul3A_8, %mul3A_7 : vector<2000x1xf32>
    %mul3A_10 = arith.mulf %mul3A_8, %mul3A_8 : vector<2000x1xf32>
    %mul3A_11 = arith.mulf %mul3A_10, %mul3A_7 : vector<2000x1xf32>
    %lt3A = arith.constant 1.000000e+00 : f32
    %lt3A_12 = vector.broadcast %lt3A : f32 to vector<2000x1xf32>
    %lt3A_13 = arith.cmpf olt, %mul3A_7, %lt3A_12 : vector<2000x1xf32>
    %mul3A_14 = arith.constant 6.000000e+00 : f32
    %mul3A_15 = vector.broadcast %mul3A_14 : f32 to vector<2000x1xf32>
    %mul3A_16 = arith.mulf %mul3A_15, %mul3A_11 : vector<2000x1xf32>
    %sub3A = arith.constant 1.000000e+00 : f32
    %sub3A_17 = vector.broadcast %sub3A : f32 to vector<2000x1xf32>
    %sub3A_18 = arith.subf %sub3A_17, %mul3A_16 : vector<2000x1xf32>
    %mul3A_19 = arith.constant 1.500000e+01 : f32
    %mul3A_20 = vector.broadcast %mul3A_19 : f32 to vector<2000x1xf32>
    %mul3A_21 = arith.mulf %mul3A_20, %mul3A_10 : vector<2000x1xf32>
    %add3A = arith.addf %sub3A_18, %mul3A_21 : vector<2000x1xf32>
    %mul3A_22 = arith.constant 1.000000e+01 : f32
    %mul3A_23 = vector.broadcast %mul3A_22 : f32 to vector<2000x1xf32>
    %mul3A_24 = arith.mulf %mul3A_23, %mul3A_9 : vector<2000x1xf32>
    %sub3A_25 = arith.subf %add3A, %mul3A_24 : vector<2000x1xf32>
    %jit3A = arith.constant 0.000000e+00 : f32
    %broadcast_in_dim3A = vector.broadcast %jit3A : f32 to vector<2000x1xf32>
    %select_n3A = arith.select %lt3A_13, %sub3A_25, %broadcast_in_dim3A : vector<2000x1xi1>, vector<2000x1xf32>
    %neg3A = arith.constant 0.000000e+00 : f32
    %neg3A_26 = vector.broadcast %neg3A : f32 to vector<2000x1xf32>
    %neg3A_27 = arith.subf %neg3A_26, %sqrt3A : vector<2000x1xf32>
    %exp3A = math.exp %neg3A_27 : vector<2000x1xf32>
    %get3A_28 = arith.constant 0 : index
    %get3A_29 = arith.constant 0 : index
    %get3A_30 = vector.load %arg2[%get3A_28, %get3A_29] : memref<1x64xf32, #tpu.memory_space<vmem>>, vector<1x64xf32>
    %sub3A_31 = vector.broadcast %exp3A : vector<2000x1xf32> to vector<2000x64xf32>
    %sub3A_32 = vector.broadcast %get3A_30 : vector<1x64xf32> to vector<2000x64xf32>
    %sub3A_33 = arith.subf %sub3A_31, %sub3A_32 : vector<2000x64xf32>
    %mul3A_34 = arith.constant -1024.09302 : f32
    %mul3A_35 = vector.broadcast %mul3A_34 : f32 to vector<2000x64xf32>
    %mul3A_36 = arith.mulf %mul3A_35, %sub3A_33 : vector<2000x64xf32>
    %mul3A_37 = arith.mulf %mul3A_36, %sub3A_33 : vector<2000x64xf32>
    %exp3A_38 = math.exp %mul3A_37 : vector<2000x64xf32>
    %mul3A_39 = vector.broadcast %select_n3A : vector<2000x1xf32> to vector<2000x64xf32>
    %mul3A_40 = arith.mulf %mul3A_39, %exp3A_38 : vector<2000x64xf32>
    %get3A_41 = arith.constant 0 : index
    %get3A_42 = arith.constant 0 : index
    %get3A_43 = arith.constant 0 : index
    %get3A_44 = vector.load %arg3[%get3A_41, %get3A_42, %get3A_43] : memref<2x64x128xf32, #tpu.memory_space<vmem>>, vector<1x64x128xf32>
    %get3A_45 = vector.shape_cast %get3A_44 : vector<1x64x128xf32> to vector<64x128xf32>
    %dot_general3A = arith.constant dense<0.000000e+00> : vector<2000x128xf32>
    %dot_general3A_46 = tpu.matmul %mul3A_40, %get3A_45, %dot_general3A {dimension_numbers = #tpu.dot_dimension_numbers<[1], [0], [0], [1], [0, 0, 1, 1], [], []>, precision = #tpu.contract_precision<fp32>, transpose_lhs_hint = false} : vector<2000x64xf32>, vector<64x128xf32>, vector<2000x128xf32> -> vector<2000x128xf32>
    %swap3A_47 = arith.constant 0 : index
    %swap3A_48 = arith.constant 0 : index
    %swap3A_49 = vector.load %arg5[%swap3A_47, %swap3A_48] : memref<2000x128xf32, #tpu.memory_space<vmem>>, vector<2000x128xf32>
    tpu.vector_store %arg5[%swap3A_47, %swap3A_48], %dot_general3A_46 {strides = array<i32>} : memref<2000x128xf32, #tpu.memory_space<vmem>>, vector<2000x128xf32>,
    %get3A_50 = arith.constant 1 : index
    %get3A_51 = arith.constant 0 : index
    %get3A_52 = arith.constant 0 : index
    %get3A_53 = vector.load %arg3[%get3A_50, %get3A_51, %get3A_52] : memref<2x64x128xf32, #tpu.memory_space<vmem>>, vector<1x64x128xf32>
    %get3A_54 = vector.shape_cast %get3A_53 : vector<1x64x128xf32> to vector<64x128xf32>
    %dot_general3A_55 = arith.constant dense<0.000000e+00> : vector<2000x128xf32>
    %dot_general3A_56 = tpu.matmul %mul3A_40, %get3A_54, %dot_general3A_55 {dimension_numbers = #tpu.dot_dimension_numbers<[1], [0], [0], [1], [0, 0, 1, 1], [], []>, precision = #tpu.contract_precision<fp32>, transpose_lhs_hint = false} : vector<2000x64xf32>, vector<64x128xf32>, vector<2000x128xf32> -> vector<2000x128xf32>
    %swap3A_57 = arith.constant 0 : index
    %swap3A_58 = arith.constant 0 : index
    %swap3A_59 = vector.load %arg6[%swap3A_57, %swap3A_58] : memref<2000x128xf32, #tpu.memory_space<vmem>>, vector<2000x128xf32>
    tpu.vector_store %arg6[%swap3A_57, %swap3A_58], %dot_general3A_56 {strides = array<i32>} : memref<2000x128xf32, #tpu.memory_space<vmem>>, vector<2000x128xf32>,
    return
  }
  func.func @transform_0(%arg0: i32) -> (i32, i32) {
    %c0_i32 = arith.constant 0 : i32
    %c0_i32_0 = arith.constant 0 : i32
    return %arg0, %c0_i32 : i32, i32
  }
  func.func @transform_1(%arg0: i32) -> (i32, i32) {
    %c0_i32 = arith.constant 0 : i32
    %c0_i32_0 = arith.constant 0 : i32
    %c0_i32_1 = arith.constant 0 : i32
    return %c0_i32, %c0_i32_0 : i32, i32
  }
  func.func @transform_2(%arg0: i32) -> (i32, i32, i32) {
    %c0_i32 = arith.constant 0 : i32
    %c0_i32_0 = arith.constant 0 : i32
    %c0_i32_1 = arith.constant 0 : i32
    %c0_i32_2 = arith.constant 0 : i32
    return %c0_i32, %c0_i32_0, %c0_i32_1 : i32, i32, i32
  }
  func.func @transform_3(%arg0: i32) -> (i32, i32) {
    %c0_i32 = arith.constant 0 : i32
    %c0_i32_0 = arith.constant 0 : i32
    return %arg0, %c0_i32 : i32, i32
  }
  func.func @transform_4(%arg0: i32) -> (i32, i32) {
    %c0_i32 = arith.constant 0 : i32
    %c0_i32_0 = arith.constant 0 : i32
    return %arg0, %c0_i32 : i32, i32
  }
  func.func @transform_5(%arg0: i32) -> (i32, i32) {
    %c0_i32 = arith.constant 0 : i32
    %c0_i32_0 = arith.constant 0 : i32
    return %arg0, %c0_i32 : i32, i32
  }
}

module attributes {stable_mosaic.version = 14 : i64} {
  func.func @_node_body_first(%arg0: i32, %arg1: memref<1000x128xf32, #tpu.memory_space<vmem>>, %arg2: memref<1000x128xf32, #tpu.memory_space<vmem>>, %arg3: memref<1000x128xf32, #tpu.memory_space<vmem>>, %arg4: memref<3x2x128x128xf32, #tpu.memory_space<vmem>>, %arg5: memref<128x128xf32, #tpu.memory_space<vmem>>, %arg6: memref<2x2x128x128xf32, #tpu.memory_space<vmem>>, %arg7: memref<1x2x128x128xf32, #tpu.memory_space<vmem>>, %arg8: memref<128x2xf32, #tpu.memory_space<vmem>>, %arg9: memref<1000x128xf32, #tpu.memory_space<vmem>>, %arg10: memref<1000x2xf32, #tpu.memory_space<vmem>>) attributes {dimension_semantics = [#tpu.dimension_semantics<arbitrary>], iteration_bounds = array<i64: 10>, scalar_prefetch = 0 : i64, scratch_operands = 0 : i64, tpu.core_type = #tpu.core_type<tc>, window_params = [{transform_indices = @transform_0, window_bounds = array<i64: 1000, 128>}, {transform_indices = @transform_1, window_bounds = array<i64: 1000, 128>}, {transform_indices = @transform_2, window_bounds = array<i64: 1000, 128>}, {pipeline_mode = #tpu.pipeline_mode<synchronous>, transform_indices = @transform_3, window_bounds = array<i64: 3, 2, 128, 128>}, {pipeline_mode = #tpu.pipeline_mode<synchronous>, transform_indices = @transform_4, window_bounds = array<i64: 128, 128>}, {pipeline_mode = #tpu.pipeline_mode<synchronous>, transform_indices = @transform_5, window_bounds = array<i64: 2, 2, 128, 128>}, {pipeline_mode = #tpu.pipeline_mode<synchronous>, transform_indices = @transform_6, window_bounds = array<i64: 1, 2, 128, 128>}, {pipeline_mode = #tpu.pipeline_mode<synchronous>, transform_indices = @transform_7, window_bounds = array<i64: 128, 2>}, {transform_indices = @transform_8, window_bounds = array<i64: 1000, 128>}, {transform_indices = @transform_9, window_bounds = array<i64: 1000, 2>}]} {
    %get3A = arith.constant 0 : index
    %get3A_0 = arith.constant 0 : index
    %get3A_1 = vector.load %arg2[%get3A, %get3A_0] : memref<1000x128xf32, #tpu.memory_space<vmem>>, vector<1000x128xf32>
    %get3A_2 = arith.constant 0 : index
    %get3A_3 = arith.constant 0 : index
    %get3A_4 = vector.load %arg3[%get3A_2, %get3A_3] : memref<1000x128xf32, #tpu.memory_space<vmem>>, vector<1000x128xf32>
    %add3A = arith.addf %get3A_1, %get3A_4 : vector<1000x128xf32>
    %get3A_5 = arith.constant 0 : index
    %get3A_6 = arith.constant 0 : index
    %get3A_7 = arith.constant 0 : index
    %get3A_8 = arith.constant 0 : index
    %get3A_9 = vector.load %arg4[%get3A_5, %get3A_6, %get3A_7, %get3A_8] : memref<3x2x128x128xf32, #tpu.memory_space<vmem>>, vector<1x1x128x128xf32>
    %get3A_10 = vector.shape_cast %get3A_9 : vector<1x1x128x128xf32> to vector<128x128xf32>
    %get3A_11 = arith.constant 0 : index
    %get3A_12 = arith.constant 1 : index
    %get3A_13 = arith.constant 0 : index
    %get3A_14 = arith.constant 0 : index
    %get3A_15 = vector.load %arg4[%get3A_11, %get3A_12, %get3A_13, %get3A_14] : memref<3x2x128x128xf32, #tpu.memory_space<vmem>>, vector<1x1x128x128xf32>
    %get3A_16 = vector.shape_cast %get3A_15 : vector<1x1x128x128xf32> to vector<128x128xf32>
    %max3A = arith.constant 0.000000e+00 : f32
    %max3A_17 = vector.broadcast %max3A : f32 to vector<1000x128xf32>
    %max3A_18 = arith.maximumf %add3A, %max3A_17 : vector<1000x128xf32>
    %abs3A = math.absf %add3A : vector<1000x128xf32>
    %neg3A = arith.constant 0.000000e+00 : f32
    %neg3A_19 = vector.broadcast %neg3A : f32 to vector<1000x128xf32>
    %neg3A_20 = arith.subf %neg3A_19, %abs3A : vector<1000x128xf32>
    %exp3A = math.exp %neg3A_20 : vector<1000x128xf32>
    %log1p3A = math.log1p %exp3A : vector<1000x128xf32>
    %add3A_21 = arith.addf %max3A_18, %log1p3A : vector<1000x128xf32>
    %sub3A = arith.constant 0.693147182 : f32
    %sub3A_22 = vector.broadcast %sub3A : f32 to vector<1000x128xf32>
    %sub3A_23 = arith.subf %add3A_21, %sub3A_22 : vector<1000x128xf32>
    %dot_general3A = arith.constant dense<0.000000e+00> : vector<1000x128xf32>
    %dot_general3A_24 = tpu.matmul %sub3A_23, %get3A_10, %dot_general3A {dimension_numbers = #tpu.dot_dimension_numbers<[1], [0], [0], [1], [0, 0, 1, 1], [], []>, precision = #tpu.contract_precision<fp32>, transpose_lhs_hint = false} : vector<1000x128xf32>, vector<128x128xf32>, vector<1000x128xf32> -> vector<1000x128xf32>
    %max3A_25 = arith.constant 0.000000e+00 : f32
    %max3A_26 = vector.broadcast %max3A_25 : f32 to vector<1000x128xf32>
    %max3A_27 = arith.maximumf %dot_general3A_24, %max3A_26 : vector<1000x128xf32>
    %abs3A_28 = math.absf %dot_general3A_24 : vector<1000x128xf32>
    %neg3A_29 = arith.constant 0.000000e+00 : f32
    %neg3A_30 = vector.broadcast %neg3A_29 : f32 to vector<1000x128xf32>
    %neg3A_31 = arith.subf %neg3A_30, %abs3A_28 : vector<1000x128xf32>
    %exp3A_32 = math.exp %neg3A_31 : vector<1000x128xf32>
    %log1p3A_33 = math.log1p %exp3A_32 : vector<1000x128xf32>
    %add3A_34 = arith.addf %max3A_27, %log1p3A_33 : vector<1000x128xf32>
    %sub3A_35 = arith.constant 0.693147182 : f32
    %sub3A_36 = vector.broadcast %sub3A_35 : f32 to vector<1000x128xf32>
    %sub3A_37 = arith.subf %add3A_34, %sub3A_36 : vector<1000x128xf32>
    %dot_general3A_38 = arith.constant dense<0.000000e+00> : vector<1000x128xf32>
    %dot_general3A_39 = tpu.matmul %sub3A_37, %get3A_16, %dot_general3A_38 {dimension_numbers = #tpu.dot_dimension_numbers<[1], [0], [0], [1], [0, 0, 1, 1], [], []>, precision = #tpu.contract_precision<fp32>, transpose_lhs_hint = false} : vector<1000x128xf32>, vector<128x128xf32>, vector<1000x128xf32> -> vector<1000x128xf32>
    %add3A_40 = arith.addf %add3A, %dot_general3A_39 : vector<1000x128xf32>
    %get3A_41 = arith.constant 1 : index
    %get3A_42 = arith.constant 0 : index
    %get3A_43 = arith.constant 0 : index
    %get3A_44 = arith.constant 0 : index
    %get3A_45 = vector.load %arg4[%get3A_41, %get3A_42, %get3A_43, %get3A_44] : memref<3x2x128x128xf32, #tpu.memory_space<vmem>>, vector<1x1x128x128xf32>
    %get3A_46 = vector.shape_cast %get3A_45 : vector<1x1x128x128xf32> to vector<128x128xf32>
    %get3A_47 = arith.constant 1 : index
    %get3A_48 = arith.constant 1 : index
    %get3A_49 = arith.constant 0 : index
    %get3A_50 = arith.constant 0 : index
    %get3A_51 = vector.load %arg4[%get3A_47, %get3A_48, %get3A_49, %get3A_50] : memref<3x2x128x128xf32, #tpu.memory_space<vmem>>, vector<1x1x128x128xf32>
    %get3A_52 = vector.shape_cast %get3A_51 : vector<1x1x128x128xf32> to vector<128x128xf32>
    %max3A_53 = arith.constant 0.000000e+00 : f32
    %max3A_54 = vector.broadcast %max3A_53 : f32 to vector<1000x128xf32>
    %max3A_55 = arith.maximumf %add3A_40, %max3A_54 : vector<1000x128xf32>
    %abs3A_56 = math.absf %add3A_40 : vector<1000x128xf32>
    %neg3A_57 = arith.constant 0.000000e+00 : f32
    %neg3A_58 = vector.broadcast %neg3A_57 : f32 to vector<1000x128xf32>
    %neg3A_59 = arith.subf %neg3A_58, %abs3A_56 : vector<1000x128xf32>
    %exp3A_60 = math.exp %neg3A_59 : vector<1000x128xf32>
    %log1p3A_61 = math.log1p %exp3A_60 : vector<1000x128xf32>
    %add3A_62 = arith.addf %max3A_55, %log1p3A_61 : vector<1000x128xf32>
    %sub3A_63 = arith.constant 0.693147182 : f32
    %sub3A_64 = vector.broadcast %sub3A_63 : f32 to vector<1000x128xf32>
    %sub3A_65 = arith.subf %add3A_62, %sub3A_64 : vector<1000x128xf32>
    %dot_general3A_66 = arith.constant dense<0.000000e+00> : vector<1000x128xf32>
    %dot_general3A_67 = tpu.matmul %sub3A_65, %get3A_46, %dot_general3A_66 {dimension_numbers = #tpu.dot_dimension_numbers<[1], [0], [0], [1], [0, 0, 1, 1], [], []>, precision = #tpu.contract_precision<fp32>, transpose_lhs_hint = false} : vector<1000x128xf32>, vector<128x128xf32>, vector<1000x128xf32> -> vector<1000x128xf32>
    %max3A_68 = arith.constant 0.000000e+00 : f32
    %max3A_69 = vector.broadcast %max3A_68 : f32 to vector<1000x128xf32>
    %max3A_70 = arith.maximumf %dot_general3A_67, %max3A_69 : vector<1000x128xf32>
    %abs3A_71 = math.absf %dot_general3A_67 : vector<1000x128xf32>
    %neg3A_72 = arith.constant 0.000000e+00 : f32
    %neg3A_73 = vector.broadcast %neg3A_72 : f32 to vector<1000x128xf32>
    %neg3A_74 = arith.subf %neg3A_73, %abs3A_71 : vector<1000x128xf32>
    %exp3A_75 = math.exp %neg3A_74 : vector<1000x128xf32>
    %log1p3A_76 = math.log1p %exp3A_75 : vector<1000x128xf32>
    %add3A_77 = arith.addf %max3A_70, %log1p3A_76 : vector<1000x128xf32>
    %sub3A_78 = arith.constant 0.693147182 : f32
    %sub3A_79 = vector.broadcast %sub3A_78 : f32 to vector<1000x128xf32>
    %sub3A_80 = arith.subf %add3A_77, %sub3A_79 : vector<1000x128xf32>
    %dot_general3A_81 = arith.constant dense<0.000000e+00> : vector<1000x128xf32>
    %dot_general3A_82 = tpu.matmul %sub3A_80, %get3A_52, %dot_general3A_81 {dimension_numbers = #tpu.dot_dimension_numbers<[1], [0], [0], [1], [0, 0, 1, 1], [], []>, precision = #tpu.contract_precision<fp32>, transpose_lhs_hint = false} : vector<1000x128xf32>, vector<128x128xf32>, vector<1000x128xf32> -> vector<1000x128xf32>
    %add3A_83 = arith.addf %add3A_40, %dot_general3A_82 : vector<1000x128xf32>
    %get3A_84 = arith.constant 2 : index
    %get3A_85 = arith.constant 0 : index
    %get3A_86 = arith.constant 0 : index
    %get3A_87 = arith.constant 0 : index
    %get3A_88 = vector.load %arg4[%get3A_84, %get3A_85, %get3A_86, %get3A_87] : memref<3x2x128x128xf32, #tpu.memory_space<vmem>>, vector<1x1x128x128xf32>
    %get3A_89 = vector.shape_cast %get3A_88 : vector<1x1x128x128xf32> to vector<128x128xf32>
    %get3A_90 = arith.constant 2 : index
    %get3A_91 = arith.constant 1 : index
    %get3A_92 = arith.constant 0 : index
    %get3A_93 = arith.constant 0 : index
    %get3A_94 = vector.load %arg4[%get3A_90, %get3A_91, %get3A_92, %get3A_93] : memref<3x2x128x128xf32, #tpu.memory_space<vmem>>, vector<1x1x128x128xf32>
    %get3A_95 = vector.shape_cast %get3A_94 : vector<1x1x128x128xf32> to vector<128x128xf32>
    %max3A_96 = arith.constant 0.000000e+00 : f32
    %max3A_97 = vector.broadcast %max3A_96 : f32 to vector<1000x128xf32>
    %max3A_98 = arith.maximumf %add3A_83, %max3A_97 : vector<1000x128xf32>
    %abs3A_99 = math.absf %add3A_83 : vector<1000x128xf32>
    %neg3A_100 = arith.constant 0.000000e+00 : f32
    %neg3A_101 = vector.broadcast %neg3A_100 : f32 to vector<1000x128xf32>
    %neg3A_102 = arith.subf %neg3A_101, %abs3A_99 : vector<1000x128xf32>
    %exp3A_103 = math.exp %neg3A_102 : vector<1000x128xf32>
    %log1p3A_104 = math.log1p %exp3A_103 : vector<1000x128xf32>
    %add3A_105 = arith.addf %max3A_98, %log1p3A_104 : vector<1000x128xf32>
    %sub3A_106 = arith.constant 0.693147182 : f32
    %sub3A_107 = vector.broadcast %sub3A_106 : f32 to vector<1000x128xf32>
    %sub3A_108 = arith.subf %add3A_105, %sub3A_107 : vector<1000x128xf32>
    %dot_general3A_109 = arith.constant dense<0.000000e+00> : vector<1000x128xf32>
    %dot_general3A_110 = tpu.matmul %sub3A_108, %get3A_89, %dot_general3A_109 {dimension_numbers = #tpu.dot_dimension_numbers<[1], [0], [0], [1], [0, 0, 1, 1], [], []>, precision = #tpu.contract_precision<fp32>, transpose_lhs_hint = false} : vector<1000x128xf32>, vector<128x128xf32>, vector<1000x128xf32> -> vector<1000x128xf32>
    %max3A_111 = arith.constant 0.000000e+00 : f32
    %max3A_112 = vector.broadcast %max3A_111 : f32 to vector<1000x128xf32>
    %max3A_113 = arith.maximumf %dot_general3A_110, %max3A_112 : vector<1000x128xf32>
    %abs3A_114 = math.absf %dot_general3A_110 : vector<1000x128xf32>
    %neg3A_115 = arith.constant 0.000000e+00 : f32
    %neg3A_116 = vector.broadcast %neg3A_115 : f32 to vector<1000x128xf32>
    %neg3A_117 = arith.subf %neg3A_116, %abs3A_114 : vector<1000x128xf32>
    %exp3A_118 = math.exp %neg3A_117 : vector<1000x128xf32>
    %log1p3A_119 = math.log1p %exp3A_118 : vector<1000x128xf32>
    %add3A_120 = arith.addf %max3A_113, %log1p3A_119 : vector<1000x128xf32>
    %sub3A_121 = arith.constant 0.693147182 : f32
    %sub3A_122 = vector.broadcast %sub3A_121 : f32 to vector<1000x128xf32>
    %sub3A_123 = arith.subf %add3A_120, %sub3A_122 : vector<1000x128xf32>
    %dot_general3A_124 = arith.constant dense<0.000000e+00> : vector<1000x128xf32>
    %dot_general3A_125 = tpu.matmul %sub3A_123, %get3A_95, %dot_general3A_124 {dimension_numbers = #tpu.dot_dimension_numbers<[1], [0], [0], [1], [0, 0, 1, 1], [], []>, precision = #tpu.contract_precision<fp32>, transpose_lhs_hint = false} : vector<1000x128xf32>, vector<128x128xf32>, vector<1000x128xf32> -> vector<1000x128xf32>
    %add3A_126 = arith.addf %add3A_83, %dot_general3A_125 : vector<1000x128xf32>
    %max3A_127 = arith.constant 0.000000e+00 : f32
    %max3A_128 = vector.broadcast %max3A_127 : f32 to vector<1000x128xf32>
    %max3A_129 = arith.maximumf %add3A_126, %max3A_128 : vector<1000x128xf32>
    %abs3A_130 = math.absf %add3A_126 : vector<1000x128xf32>
    %neg3A_131 = arith.constant 0.000000e+00 : f32
    %neg3A_132 = vector.broadcast %neg3A_131 : f32 to vector<1000x128xf32>
    %neg3A_133 = arith.subf %neg3A_132, %abs3A_130 : vector<1000x128xf32>
    %exp3A_134 = math.exp %neg3A_133 : vector<1000x128xf32>
    %log1p3A_135 = math.log1p %exp3A_134 : vector<1000x128xf32>
    %add3A_136 = arith.addf %max3A_129, %log1p3A_135 : vector<1000x128xf32>
    %sub3A_137 = arith.constant 0.693147182 : f32
    %sub3A_138 = vector.broadcast %sub3A_137 : f32 to vector<1000x128xf32>
    %sub3A_139 = arith.subf %add3A_136, %sub3A_138 : vector<1000x128xf32>
    %get3A_140 = arith.constant 0 : index
    %get3A_141 = arith.constant 0 : index
    %get3A_142 = vector.load %arg1[%get3A_140, %get3A_141] : memref<1000x128xf32, #tpu.memory_space<vmem>>, vector<1000x128xf32>
    %get3A_143 = arith.constant 0 : index
    %get3A_144 = arith.constant 0 : index
    %get3A_145 = vector.load %arg5[%get3A_143, %get3A_144] : memref<128x128xf32, #tpu.memory_space<vmem>>, vector<128x128xf32>
    %dot_general3A_146 = arith.constant dense<0.000000e+00> : vector<1000x128xf32>
    %dot_general3A_147 = tpu.matmul %sub3A_139, %get3A_145, %dot_general3A_146 {dimension_numbers = #tpu.dot_dimension_numbers<[1], [0], [0], [1], [0, 0, 1, 1], [], []>, precision = #tpu.contract_precision<fp32>, transpose_lhs_hint = false} : vector<1000x128xf32>, vector<128x128xf32>, vector<1000x128xf32> -> vector<1000x128xf32>
    %add3A_148 = arith.addf %get3A_142, %dot_general3A_147 : vector<1000x128xf32>
    %get3A_149 = arith.constant 0 : index
    %get3A_150 = arith.constant 0 : index
    %get3A_151 = arith.constant 0 : index
    %get3A_152 = arith.constant 0 : index
    %get3A_153 = vector.load %arg6[%get3A_149, %get3A_150, %get3A_151, %get3A_152] : memref<2x2x128x128xf32, #tpu.memory_space<vmem>>, vector<1x1x128x128xf32>
    %get3A_154 = vector.shape_cast %get3A_153 : vector<1x1x128x128xf32> to vector<128x128xf32>
    %get3A_155 = arith.constant 0 : index
    %get3A_156 = arith.constant 1 : index
    %get3A_157 = arith.constant 0 : index
    %get3A_158 = arith.constant 0 : index
    %get3A_159 = vector.load %arg6[%get3A_155, %get3A_156, %get3A_157, %get3A_158] : memref<2x2x128x128xf32, #tpu.memory_space<vmem>>, vector<1x1x128x128xf32>
    %get3A_160 = vector.shape_cast %get3A_159 : vector<1x1x128x128xf32> to vector<128x128xf32>
    %max3A_161 = arith.constant 0.000000e+00 : f32
    %max3A_162 = vector.broadcast %max3A_161 : f32 to vector<1000x128xf32>
    %max3A_163 = arith.maximumf %add3A_148, %max3A_162 : vector<1000x128xf32>
    %abs3A_164 = math.absf %add3A_148 : vector<1000x128xf32>
    %neg3A_165 = arith.constant 0.000000e+00 : f32
    %neg3A_166 = vector.broadcast %neg3A_165 : f32 to vector<1000x128xf32>
    %neg3A_167 = arith.subf %neg3A_166, %abs3A_164 : vector<1000x128xf32>
    %exp3A_168 = math.exp %neg3A_167 : vector<1000x128xf32>
    %log1p3A_169 = math.log1p %exp3A_168 : vector<1000x128xf32>
    %add3A_170 = arith.addf %max3A_163, %log1p3A_169 : vector<1000x128xf32>
    %sub3A_171 = arith.constant 0.693147182 : f32
    %sub3A_172 = vector.broadcast %sub3A_171 : f32 to vector<1000x128xf32>
    %sub3A_173 = arith.subf %add3A_170, %sub3A_172 : vector<1000x128xf32>
    %dot_general3A_174 = arith.constant dense<0.000000e+00> : vector<1000x128xf32>
    %dot_general3A_175 = tpu.matmul %sub3A_173, %get3A_154, %dot_general3A_174 {dimension_numbers = #tpu.dot_dimension_numbers<[1], [0], [0], [1], [0, 0, 1, 1], [], []>, precision = #tpu.contract_precision<fp32>, transpose_lhs_hint = false} : vector<1000x128xf32>, vector<128x128xf32>, vector<1000x128xf32> -> vector<1000x128xf32>
    %max3A_176 = arith.constant 0.000000e+00 : f32
    %max3A_177 = vector.broadcast %max3A_176 : f32 to vector<1000x128xf32>
    %max3A_178 = arith.maximumf %dot_general3A_175, %max3A_177 : vector<1000x128xf32>
    %abs3A_179 = math.absf %dot_general3A_175 : vector<1000x128xf32>
    %neg3A_180 = arith.constant 0.000000e+00 : f32
    %neg3A_181 = vector.broadcast %neg3A_180 : f32 to vector<1000x128xf32>
    %neg3A_182 = arith.subf %neg3A_181, %abs3A_179 : vector<1000x128xf32>
    %exp3A_183 = math.exp %neg3A_182 : vector<1000x128xf32>
    %log1p3A_184 = math.log1p %exp3A_183 : vector<1000x128xf32>
    %add3A_185 = arith.addf %max3A_178, %log1p3A_184 : vector<1000x128xf32>
    %sub3A_186 = arith.constant 0.693147182 : f32
    %sub3A_187 = vector.broadcast %sub3A_186 : f32 to vector<1000x128xf32>
    %sub3A_188 = arith.subf %add3A_185, %sub3A_187 : vector<1000x128xf32>
    %dot_general3A_189 = arith.constant dense<0.000000e+00> : vector<1000x128xf32>
    %dot_general3A_190 = tpu.matmul %sub3A_188, %get3A_160, %dot_general3A_189 {dimension_numbers = #tpu.dot_dimension_numbers<[1], [0], [0], [1], [0, 0, 1, 1], [], []>, precision = #tpu.contract_precision<fp32>, transpose_lhs_hint = false} : vector<1000x128xf32>, vector<128x128xf32>, vector<1000x128xf32> -> vector<1000x128xf32>
    %add3A_191 = arith.addf %add3A_148, %dot_general3A_190 : vector<1000x128xf32>
    %get3A_192 = arith.constant 1 : index
    %get3A_193 = arith.constant 0 : index
    %get3A_194 = arith.constant 0 : index
    %get3A_195 = arith.constant 0 : index
    %get3A_196 = vector.load %arg6[%get3A_192, %get3A_193, %get3A_194, %get3A_195] : memref<2x2x128x128xf32, #tpu.memory_space<vmem>>, vector<1x1x128x128xf32>
    %get3A_197 = vector.shape_cast %get3A_196 : vector<1x1x128x128xf32> to vector<128x128xf32>
    %get3A_198 = arith.constant 1 : index
    %get3A_199 = arith.constant 1 : index
    %get3A_200 = arith.constant 0 : index
    %get3A_201 = arith.constant 0 : index
    %get3A_202 = vector.load %arg6[%get3A_198, %get3A_199, %get3A_200, %get3A_201] : memref<2x2x128x128xf32, #tpu.memory_space<vmem>>, vector<1x1x128x128xf32>
    %get3A_203 = vector.shape_cast %get3A_202 : vector<1x1x128x128xf32> to vector<128x128xf32>
    %max3A_204 = arith.constant 0.000000e+00 : f32
    %max3A_205 = vector.broadcast %max3A_204 : f32 to vector<1000x128xf32>
    %max3A_206 = arith.maximumf %add3A_191, %max3A_205 : vector<1000x128xf32>
    %abs3A_207 = math.absf %add3A_191 : vector<1000x128xf32>
    %neg3A_208 = arith.constant 0.000000e+00 : f32
    %neg3A_209 = vector.broadcast %neg3A_208 : f32 to vector<1000x128xf32>
    %neg3A_210 = arith.subf %neg3A_209, %abs3A_207 : vector<1000x128xf32>
    %exp3A_211 = math.exp %neg3A_210 : vector<1000x128xf32>
    %log1p3A_212 = math.log1p %exp3A_211 : vector<1000x128xf32>
    %add3A_213 = arith.addf %max3A_206, %log1p3A_212 : vector<1000x128xf32>
    %sub3A_214 = arith.constant 0.693147182 : f32
    %sub3A_215 = vector.broadcast %sub3A_214 : f32 to vector<1000x128xf32>
    %sub3A_216 = arith.subf %add3A_213, %sub3A_215 : vector<1000x128xf32>
    %dot_general3A_217 = arith.constant dense<0.000000e+00> : vector<1000x128xf32>
    %dot_general3A_218 = tpu.matmul %sub3A_216, %get3A_197, %dot_general3A_217 {dimension_numbers = #tpu.dot_dimension_numbers<[1], [0], [0], [1], [0, 0, 1, 1], [], []>, precision = #tpu.contract_precision<fp32>, transpose_lhs_hint = false} : vector<1000x128xf32>, vector<128x128xf32>, vector<1000x128xf32> -> vector<1000x128xf32>
    %max3A_219 = arith.constant 0.000000e+00 : f32
    %max3A_220 = vector.broadcast %max3A_219 : f32 to vector<1000x128xf32>
    %max3A_221 = arith.maximumf %dot_general3A_218, %max3A_220 : vector<1000x128xf32>
    %abs3A_222 = math.absf %dot_general3A_218 : vector<1000x128xf32>
    %neg3A_223 = arith.constant 0.000000e+00 : f32
    %neg3A_224 = vector.broadcast %neg3A_223 : f32 to vector<1000x128xf32>
    %neg3A_225 = arith.subf %neg3A_224, %abs3A_222 : vector<1000x128xf32>
    %exp3A_226 = math.exp %neg3A_225 : vector<1000x128xf32>
    %log1p3A_227 = math.log1p %exp3A_226 : vector<1000x128xf32>
    %add3A_228 = arith.addf %max3A_221, %log1p3A_227 : vector<1000x128xf32>
    %sub3A_229 = arith.constant 0.693147182 : f32
    %sub3A_230 = vector.broadcast %sub3A_229 : f32 to vector<1000x128xf32>
    %sub3A_231 = arith.subf %add3A_228, %sub3A_230 : vector<1000x128xf32>
    %dot_general3A_232 = arith.constant dense<0.000000e+00> : vector<1000x128xf32>
    %dot_general3A_233 = tpu.matmul %sub3A_231, %get3A_203, %dot_general3A_232 {dimension_numbers = #tpu.dot_dimension_numbers<[1], [0], [0], [1], [0, 0, 1, 1], [], []>, precision = #tpu.contract_precision<fp32>, transpose_lhs_hint = false} : vector<1000x128xf32>, vector<128x128xf32>, vector<1000x128xf32> -> vector<1000x128xf32>
    %add3A_234 = arith.addf %add3A_191, %dot_general3A_233 : vector<1000x128xf32>
    %get3A_235 = arith.constant 0 : index
    %get3A_236 = arith.constant 0 : index
    %get3A_237 = arith.constant 0 : index
    %get3A_238 = arith.constant 0 : index
    %get3A_239 = vector.load %arg7[%get3A_235, %get3A_236, %get3A_237, %get3A_238] : memref<1x2x128x128xf32, #tpu.memory_space<vmem>>, vector<1x1x128x128xf32>
    %get3A_240 = vector.shape_cast %get3A_239 : vector<1x1x128x128xf32> to vector<128x128xf32>
    %get3A_241 = arith.constant 0 : index
    %get3A_242 = arith.constant 1 : index
    %get3A_243 = arith.constant 0 : index
    %get3A_244 = arith.constant 0 : index
    %get3A_245 = vector.load %arg7[%get3A_241, %get3A_242, %get3A_243, %get3A_244] : memref<1x2x128x128xf32, #tpu.memory_space<vmem>>, vector<1x1x128x128xf32>
    %get3A_246 = vector.shape_cast %get3A_245 : vector<1x1x128x128xf32> to vector<128x128xf32>
    %max3A_247 = arith.constant 0.000000e+00 : f32
    %max3A_248 = vector.broadcast %max3A_247 : f32 to vector<1000x128xf32>
    %max3A_249 = arith.maximumf %add3A_234, %max3A_248 : vector<1000x128xf32>
    %abs3A_250 = math.absf %add3A_234 : vector<1000x128xf32>
    %neg3A_251 = arith.constant 0.000000e+00 : f32
    %neg3A_252 = vector.broadcast %neg3A_251 : f32 to vector<1000x128xf32>
    %neg3A_253 = arith.subf %neg3A_252, %abs3A_250 : vector<1000x128xf32>
    %exp3A_254 = math.exp %neg3A_253 : vector<1000x128xf32>
    %log1p3A_255 = math.log1p %exp3A_254 : vector<1000x128xf32>
    %add3A_256 = arith.addf %max3A_249, %log1p3A_255 : vector<1000x128xf32>
    %sub3A_257 = arith.constant 0.693147182 : f32
    %sub3A_258 = vector.broadcast %sub3A_257 : f32 to vector<1000x128xf32>
    %sub3A_259 = arith.subf %add3A_256, %sub3A_258 : vector<1000x128xf32>
    %dot_general3A_260 = arith.constant dense<0.000000e+00> : vector<1000x128xf32>
    %dot_general3A_261 = tpu.matmul %sub3A_259, %get3A_240, %dot_general3A_260 {dimension_numbers = #tpu.dot_dimension_numbers<[1], [0], [0], [1], [0, 0, 1, 1], [], []>, precision = #tpu.contract_precision<fp32>, transpose_lhs_hint = false} : vector<1000x128xf32>, vector<128x128xf32>, vector<1000x128xf32> -> vector<1000x128xf32>
    %max3A_262 = arith.constant 0.000000e+00 : f32
    %max3A_263 = vector.broadcast %max3A_262 : f32 to vector<1000x128xf32>
    %max3A_264 = arith.maximumf %dot_general3A_261, %max3A_263 : vector<1000x128xf32>
    %abs3A_265 = math.absf %dot_general3A_261 : vector<1000x128xf32>
    %neg3A_266 = arith.constant 0.000000e+00 : f32
    %neg3A_267 = vector.broadcast %neg3A_266 : f32 to vector<1000x128xf32>
    %neg3A_268 = arith.subf %neg3A_267, %abs3A_265 : vector<1000x128xf32>
    %exp3A_269 = math.exp %neg3A_268 : vector<1000x128xf32>
    %log1p3A_270 = math.log1p %exp3A_269 : vector<1000x128xf32>
    %add3A_271 = arith.addf %max3A_264, %log1p3A_270 : vector<1000x128xf32>
    %sub3A_272 = arith.constant 0.693147182 : f32
    %sub3A_273 = vector.broadcast %sub3A_272 : f32 to vector<1000x128xf32>
    %sub3A_274 = arith.subf %add3A_271, %sub3A_273 : vector<1000x128xf32>
    %dot_general3A_275 = arith.constant dense<0.000000e+00> : vector<1000x128xf32>
    %dot_general3A_276 = tpu.matmul %sub3A_274, %get3A_246, %dot_general3A_275 {dimension_numbers = #tpu.dot_dimension_numbers<[1], [0], [0], [1], [0, 0, 1, 1], [], []>, precision = #tpu.contract_precision<fp32>, transpose_lhs_hint = false} : vector<1000x128xf32>, vector<128x128xf32>, vector<1000x128xf32> -> vector<1000x128xf32>
    %add3A_277 = arith.addf %add3A_234, %dot_general3A_276 : vector<1000x128xf32>
    %max3A_278 = arith.constant 0.000000e+00 : f32
    %max3A_279 = vector.broadcast %max3A_278 : f32 to vector<1000x128xf32>
    %max3A_280 = arith.maximumf %add3A_277, %max3A_279 : vector<1000x128xf32>
    %abs3A_281 = math.absf %add3A_277 : vector<1000x128xf32>
    %neg3A_282 = arith.constant 0.000000e+00 : f32
    %neg3A_283 = vector.broadcast %neg3A_282 : f32 to vector<1000x128xf32>
    %neg3A_284 = arith.subf %neg3A_283, %abs3A_281 : vector<1000x128xf32>
    %exp3A_285 = math.exp %neg3A_284 : vector<1000x128xf32>
    %log1p3A_286 = math.log1p %exp3A_285 : vector<1000x128xf32>
    %add3A_287 = arith.addf %max3A_280, %log1p3A_286 : vector<1000x128xf32>
    %sub3A_288 = arith.constant 0.693147182 : f32
    %sub3A_289 = vector.broadcast %sub3A_288 : f32 to vector<1000x128xf32>
    %sub3A_290 = arith.subf %add3A_287, %sub3A_289 : vector<1000x128xf32>
    %get3A_291 = arith.constant 0 : index
    %get3A_292 = arith.constant 0 : index
    %get3A_293 = vector.load %arg8[%get3A_291, %get3A_292] : memref<128x2xf32, #tpu.memory_space<vmem>>, vector<128x2xf32>
    %dot_general3A_294 = arith.constant dense<0.000000e+00> : vector<1000x2xf32>
    %dot_general3A_295 = tpu.matmul %sub3A_290, %get3A_293, %dot_general3A_294 {dimension_numbers = #tpu.dot_dimension_numbers<[1], [0], [0], [1], [0, 0, 1, 1], [], []>, precision = #tpu.contract_precision<fp32>, transpose_lhs_hint = false} : vector<1000x128xf32>, vector<128x2xf32>, vector<1000x2xf32> -> vector<1000x2xf32>
    %swap3A = arith.constant 0 : index
    %swap3A_296 = arith.constant 0 : index
    %swap3A_297 = vector.load %arg9[%swap3A, %swap3A_296] : memref<1000x128xf32, #tpu.memory_space<vmem>>, vector<1000x128xf32>
    tpu.vector_store %arg9[%swap3A, %swap3A_296], %add3A_234 {strides = array<i32>} : memref<1000x128xf32, #tpu.memory_space<vmem>>, vector<1000x128xf32>,
    %swap3A_298 = arith.constant 0 : index
    %swap3A_299 = arith.constant 0 : index
    %swap3A_300 = vector.load %arg10[%swap3A_298, %swap3A_299] : memref<1000x2xf32, #tpu.memory_space<vmem>>, vector<1000x2xf32>
    tpu.vector_store %arg10[%swap3A_298, %swap3A_299], %dot_general3A_295 {strides = array<i32>} : memref<1000x2xf32, #tpu.memory_space<vmem>>, vector<1000x2xf32>,
    return
  }
  func.func @transform_0(%arg0: i32) -> (i32, i32) {
    %c0_i32 = arith.constant 0 : i32
    %c0_i32_0 = arith.constant 0 : i32
    return %arg0, %c0_i32 : i32, i32
  }
  func.func @transform_1(%arg0: i32) -> (i32, i32) {
    %c0_i32 = arith.constant 0 : i32
    %c0_i32_0 = arith.constant 0 : i32
    return %arg0, %c0_i32 : i32, i32
  }
  func.func @transform_2(%arg0: i32) -> (i32, i32) {
    %c0_i32 = arith.constant 0 : i32
    %c0_i32_0 = arith.constant 0 : i32
    return %arg0, %c0_i32 : i32, i32
  }
  func.func @transform_3(%arg0: i32) -> (i32, i32, i32, i32) {
    %c0_i32 = arith.constant 0 : i32
    %c0_i32_0 = arith.constant 0 : i32
    %c0_i32_1 = arith.constant 0 : i32
    %c0_i32_2 = arith.constant 0 : i32
    %c0_i32_3 = arith.constant 0 : i32
    return %c0_i32, %c0_i32_0, %c0_i32_1, %c0_i32_2 : i32, i32, i32, i32
  }
  func.func @transform_4(%arg0: i32) -> (i32, i32) {
    %c0_i32 = arith.constant 0 : i32
    %c0_i32_0 = arith.constant 0 : i32
    %c0_i32_1 = arith.constant 0 : i32
    return %c0_i32, %c0_i32_0 : i32, i32
  }
  func.func @transform_5(%arg0: i32) -> (i32, i32, i32, i32) {
    %c0_i32 = arith.constant 0 : i32
    %c0_i32_0 = arith.constant 0 : i32
    %c0_i32_1 = arith.constant 0 : i32
    %c0_i32_2 = arith.constant 0 : i32
    %c0_i32_3 = arith.constant 0 : i32
    return %c0_i32, %c0_i32_0, %c0_i32_1, %c0_i32_2 : i32, i32, i32, i32
  }
  func.func @transform_6(%arg0: i32) -> (i32, i32, i32, i32) {
    %c0_i32 = arith.constant 0 : i32
    %c0_i32_0 = arith.constant 0 : i32
    %c0_i32_1 = arith.constant 0 : i32
    %c0_i32_2 = arith.constant 0 : i32
    %c0_i32_3 = arith.constant 0 : i32
    return %c0_i32, %c0_i32_0, %c0_i32_1, %c0_i32_2 : i32, i32, i32, i32
  }
  func.func @transform_7(%arg0: i32) -> (i32, i32) {
    %c0_i32 = arith.constant 0 : i32
    %c0_i32_0 = arith.constant 0 : i32
    %c0_i32_1 = arith.constant 0 : i32
    return %c0_i32, %c0_i32_0 : i32, i32
  }
  func.func @transform_8(%arg0: i32) -> (i32, i32) {
    %c0_i32 = arith.constant 0 : i32
    %c0_i32_0 = arith.constant 0 : i32
    return %arg0, %c0_i32 : i32, i32
  }
  func.func @transform_9(%arg0: i32) -> (i32, i32) {
    %c0_i32 = arith.constant 0 : i32
    %c0_i32_0 = arith.constant 0 : i32
    return %arg0, %c0_i32 : i32, i32
  }
}

module attributes {stable_mosaic.version = 14 : i64} {
  func.func @_proj_body(%arg0: i32, %arg1: memref<1000x128xf32, #tpu.memory_space<vmem>>, %arg2: memref<128x128xf32, #tpu.memory_space<vmem>>, %arg3: memref<128x128xf32, #tpu.memory_space<vmem>>, %arg4: memref<1000x128xf32, #tpu.memory_space<vmem>>, %arg5: memref<1000x128xf32, #tpu.memory_space<vmem>>) attributes {dimension_semantics = [#tpu.dimension_semantics<arbitrary>], iteration_bounds = array<i64: 10>, scalar_prefetch = 0 : i64, scratch_operands = 0 : i64, tpu.core_type = #tpu.core_type<tc>, window_params = [{transform_indices = @transform_0, window_bounds = array<i64: 1000, 128>}, {pipeline_mode = #tpu.pipeline_mode<synchronous>, transform_indices = @transform_1, window_bounds = array<i64: 128, 128>}, {pipeline_mode = #tpu.pipeline_mode<synchronous>, transform_indices = @transform_2, window_bounds = array<i64: 128, 128>}, {transform_indices = @transform_3, window_bounds = array<i64: 1000, 128>}, {transform_indices = @transform_4, window_bounds = array<i64: 1000, 128>}]} {
    %get3A = arith.constant 0 : index
    %get3A_0 = arith.constant 0 : index
    %get3A_1 = vector.load %arg1[%get3A, %get3A_0] : memref<1000x128xf32, #tpu.memory_space<vmem>>, vector<1000x128xf32>
    %max3A = arith.constant 0.000000e+00 : f32
    %max3A_2 = vector.broadcast %max3A : f32 to vector<1000x128xf32>
    %max3A_3 = arith.maximumf %get3A_1, %max3A_2 : vector<1000x128xf32>
    %abs3A = math.absf %get3A_1 : vector<1000x128xf32>
    %neg3A = arith.constant 0.000000e+00 : f32
    %neg3A_4 = vector.broadcast %neg3A : f32 to vector<1000x128xf32>
    %neg3A_5 = arith.subf %neg3A_4, %abs3A : vector<1000x128xf32>
    %exp3A = math.exp %neg3A_5 : vector<1000x128xf32>
    %log1p3A = math.log1p %exp3A : vector<1000x128xf32>
    %add3A = arith.addf %max3A_3, %log1p3A : vector<1000x128xf32>
    %sub3A = arith.constant 0.693147182 : f32
    %sub3A_6 = vector.broadcast %sub3A : f32 to vector<1000x128xf32>
    %sub3A_7 = arith.subf %add3A, %sub3A_6 : vector<1000x128xf32>
    %get3A_8 = arith.constant 0 : index
    %get3A_9 = arith.constant 0 : index
    %get3A_10 = vector.load %arg2[%get3A_8, %get3A_9] : memref<128x128xf32, #tpu.memory_space<vmem>>, vector<128x128xf32>
    %dot_general3A = arith.constant dense<0.000000e+00> : vector<1000x128xf32>
    %dot_general3A_11 = tpu.matmul %sub3A_7, %get3A_10, %dot_general3A {dimension_numbers = #tpu.dot_dimension_numbers<[1], [0], [0], [1], [0, 0, 1, 1], [], []>, precision = #tpu.contract_precision<fp32>, transpose_lhs_hint = false} : vector<1000x128xf32>, vector<128x128xf32>, vector<1000x128xf32> -> vector<1000x128xf32>
    %max3A_12 = arith.constant 0.000000e+00 : f32
    %max3A_13 = vector.broadcast %max3A_12 : f32 to vector<1000x128xf32>
    %max3A_14 = arith.maximumf %dot_general3A_11, %max3A_13 : vector<1000x128xf32>
    %abs3A_15 = math.absf %dot_general3A_11 : vector<1000x128xf32>
    %neg3A_16 = arith.constant 0.000000e+00 : f32
    %neg3A_17 = vector.broadcast %neg3A_16 : f32 to vector<1000x128xf32>
    %neg3A_18 = arith.subf %neg3A_17, %abs3A_15 : vector<1000x128xf32>
    %exp3A_19 = math.exp %neg3A_18 : vector<1000x128xf32>
    %log1p3A_20 = math.log1p %exp3A_19 : vector<1000x128xf32>
    %add3A_21 = arith.addf %max3A_14, %log1p3A_20 : vector<1000x128xf32>
    %sub3A_22 = arith.constant 0.693147182 : f32
    %sub3A_23 = vector.broadcast %sub3A_22 : f32 to vector<1000x128xf32>
    %sub3A_24 = arith.subf %add3A_21, %sub3A_23 : vector<1000x128xf32>
    %swap3A = arith.constant 0 : index
    %swap3A_25 = arith.constant 0 : index
    %swap3A_26 = vector.load %arg4[%swap3A, %swap3A_25] : memref<1000x128xf32, #tpu.memory_space<vmem>>, vector<1000x128xf32>
    tpu.vector_store %arg4[%swap3A, %swap3A_25], %sub3A_24 {strides = array<i32>} : memref<1000x128xf32, #tpu.memory_space<vmem>>, vector<1000x128xf32>,
    %get3A_27 = arith.constant 0 : index
    %get3A_28 = arith.constant 0 : index
    %get3A_29 = vector.load %arg3[%get3A_27, %get3A_28] : memref<128x128xf32, #tpu.memory_space<vmem>>, vector<128x128xf32>
    %dot_general3A_30 = arith.constant dense<0.000000e+00> : vector<1000x128xf32>
    %dot_general3A_31 = tpu.matmul %sub3A_7, %get3A_29, %dot_general3A_30 {dimension_numbers = #tpu.dot_dimension_numbers<[1], [0], [0], [1], [0, 0, 1, 1], [], []>, precision = #tpu.contract_precision<fp32>, transpose_lhs_hint = false} : vector<1000x128xf32>, vector<128x128xf32>, vector<1000x128xf32> -> vector<1000x128xf32>
    %max3A_32 = arith.constant 0.000000e+00 : f32
    %max3A_33 = vector.broadcast %max3A_32 : f32 to vector<1000x128xf32>
    %max3A_34 = arith.maximumf %dot_general3A_31, %max3A_33 : vector<1000x128xf32>
    %abs3A_35 = math.absf %dot_general3A_31 : vector<1000x128xf32>
    %neg3A_36 = arith.constant 0.000000e+00 : f32
    %neg3A_37 = vector.broadcast %neg3A_36 : f32 to vector<1000x128xf32>
    %neg3A_38 = arith.subf %neg3A_37, %abs3A_35 : vector<1000x128xf32>
    %exp3A_39 = math.exp %neg3A_38 : vector<1000x128xf32>
    %log1p3A_40 = math.log1p %exp3A_39 : vector<1000x128xf32>
    %add3A_41 = arith.addf %max3A_34, %log1p3A_40 : vector<1000x128xf32>
    %sub3A_42 = arith.constant 0.693147182 : f32
    %sub3A_43 = vector.broadcast %sub3A_42 : f32 to vector<1000x128xf32>
    %sub3A_44 = arith.subf %add3A_41, %sub3A_43 : vector<1000x128xf32>
    %swap3A_45 = arith.constant 0 : index
    %swap3A_46 = arith.constant 0 : index
    %swap3A_47 = vector.load %arg5[%swap3A_45, %swap3A_46] : memref<1000x128xf32, #tpu.memory_space<vmem>>, vector<1000x128xf32>
    tpu.vector_store %arg5[%swap3A_45, %swap3A_46], %sub3A_44 {strides = array<i32>} : memref<1000x128xf32, #tpu.memory_space<vmem>>, vector<1000x128xf32>,
    return
  }
  func.func @transform_0(%arg0: i32) -> (i32, i32) {
    %c0_i32 = arith.constant 0 : i32
    %c0_i32_0 = arith.constant 0 : i32
    return %arg0, %c0_i32 : i32, i32
  }
  func.func @transform_1(%arg0: i32) -> (i32, i32) {
    %c0_i32 = arith.constant 0 : i32
    %c0_i32_0 = arith.constant 0 : i32
    %c0_i32_1 = arith.constant 0 : i32
    return %c0_i32, %c0_i32_0 : i32, i32
  }
  func.func @transform_2(%arg0: i32) -> (i32, i32) {
    %c0_i32 = arith.constant 0 : i32
    %c0_i32_0 = arith.constant 0 : i32
    %c0_i32_1 = arith.constant 0 : i32
    return %c0_i32, %c0_i32_0 : i32, i32
  }
  func.func @transform_3(%arg0: i32) -> (i32, i32) {
    %c0_i32 = arith.constant 0 : i32
    %c0_i32_0 = arith.constant 0 : i32
    return %arg0, %c0_i32 : i32, i32
  }
  func.func @transform_4(%arg0: i32) -> (i32, i32) {
    %c0_i32 = arith.constant 0 : i32
    %c0_i32_0 = arith.constant 0 : i32
    return %arg0, %c0_i32 : i32, i32
  }
}

module attributes {stable_mosaic.version = 14 : i64} {
  func.func @_node_body_last(%arg0: i32, %arg1: memref<1000x128xf32, #tpu.memory_space<vmem>>, %arg2: memref<1000x128xf32, #tpu.memory_space<vmem>>, %arg3: memref<1000x128xf32, #tpu.memory_space<vmem>>, %arg4: memref<3x2x128x128xf32, #tpu.memory_space<vmem>>, %arg5: memref<128x128xf32, #tpu.memory_space<vmem>>, %arg6: memref<2x2x128x128xf32, #tpu.memory_space<vmem>>, %arg7: memref<1x2x128x128xf32, #tpu.memory_space<vmem>>, %arg8: memref<128x2xf32, #tpu.memory_space<vmem>>, %arg9: memref<1000x2xf32, #tpu.memory_space<vmem>>, %arg10: memref<1000x2xf32, #tpu.memory_space<vmem>>, %arg11: memref<1x1xf32, #tpu.memory_space<vmem>>) attributes {dimension_semantics = [#tpu.dimension_semantics<arbitrary>], iteration_bounds = array<i64: 10>, scalar_prefetch = 0 : i64, scratch_operands = 0 : i64, tpu.core_type = #tpu.core_type<tc>, window_params = [{transform_indices = @transform_0, window_bounds = array<i64: 1000, 128>}, {transform_indices = @transform_1, window_bounds = array<i64: 1000, 128>}, {transform_indices = @transform_2, window_bounds = array<i64: 1000, 128>}, {pipeline_mode = #tpu.pipeline_mode<synchronous>, transform_indices = @transform_3, window_bounds = array<i64: 3, 2, 128, 128>}, {pipeline_mode = #tpu.pipeline_mode<synchronous>, transform_indices = @transform_4, window_bounds = array<i64: 128, 128>}, {pipeline_mode = #tpu.pipeline_mode<synchronous>, transform_indices = @transform_5, window_bounds = array<i64: 2, 2, 128, 128>}, {pipeline_mode = #tpu.pipeline_mode<synchronous>, transform_indices = @transform_6, window_bounds = array<i64: 1, 2, 128, 128>}, {pipeline_mode = #tpu.pipeline_mode<synchronous>, transform_indices = @transform_7, window_bounds = array<i64: 128, 2>}, {transform_indices = @transform_8, window_bounds = array<i64: 1000, 2>}, {transform_indices = @transform_9, window_bounds = array<i64: 1000, 2>}, {pipeline_mode = #tpu.pipeline_mode<synchronous>, transform_indices = @transform_10, window_bounds = array<i64: 1, 1>}]} {
    %get3A = arith.constant 0 : index
    %get3A_0 = arith.constant 0 : index
    %get3A_1 = vector.load %arg2[%get3A, %get3A_0] : memref<1000x128xf32, #tpu.memory_space<vmem>>, vector<1000x128xf32>
    %get3A_2 = arith.constant 0 : index
    %get3A_3 = arith.constant 0 : index
    %get3A_4 = vector.load %arg3[%get3A_2, %get3A_3] : memref<1000x128xf32, #tpu.memory_space<vmem>>, vector<1000x128xf32>
    %add3A = arith.addf %get3A_1, %get3A_4 : vector<1000x128xf32>
    %get3A_5 = arith.constant 0 : index
    %get3A_6 = arith.constant 0 : index
    %get3A_7 = arith.constant 0 : index
    %get3A_8 = arith.constant 0 : index
    %get3A_9 = vector.load %arg4[%get3A_5, %get3A_6, %get3A_7, %get3A_8] : memref<3x2x128x128xf32, #tpu.memory_space<vmem>>, vector<1x1x128x128xf32>
    %get3A_10 = vector.shape_cast %get3A_9 : vector<1x1x128x128xf32> to vector<128x128xf32>
    %get3A_11 = arith.constant 0 : index
    %get3A_12 = arith.constant 1 : index
    %get3A_13 = arith.constant 0 : index
    %get3A_14 = arith.constant 0 : index
    %get3A_15 = vector.load %arg4[%get3A_11, %get3A_12, %get3A_13, %get3A_14] : memref<3x2x128x128xf32, #tpu.memory_space<vmem>>, vector<1x1x128x128xf32>
    %get3A_16 = vector.shape_cast %get3A_15 : vector<1x1x128x128xf32> to vector<128x128xf32>
    %max3A = arith.constant 0.000000e+00 : f32
    %max3A_17 = vector.broadcast %max3A : f32 to vector<1000x128xf32>
    %max3A_18 = arith.maximumf %add3A, %max3A_17 : vector<1000x128xf32>
    %abs3A = math.absf %add3A : vector<1000x128xf32>
    %neg3A = arith.constant 0.000000e+00 : f32
    %neg3A_19 = vector.broadcast %neg3A : f32 to vector<1000x128xf32>
    %neg3A_20 = arith.subf %neg3A_19, %abs3A : vector<1000x128xf32>
    %exp3A = math.exp %neg3A_20 : vector<1000x128xf32>
    %log1p3A = math.log1p %exp3A : vector<1000x128xf32>
    %add3A_21 = arith.addf %max3A_18, %log1p3A : vector<1000x128xf32>
    %sub3A = arith.constant 0.693147182 : f32
    %sub3A_22 = vector.broadcast %sub3A : f32 to vector<1000x128xf32>
    %sub3A_23 = arith.subf %add3A_21, %sub3A_22 : vector<1000x128xf32>
    %dot_general3A = arith.constant dense<0.000000e+00> : vector<1000x128xf32>
    %dot_general3A_24 = tpu.matmul %sub3A_23, %get3A_10, %dot_general3A {dimension_numbers = #tpu.dot_dimension_numbers<[1], [0], [0], [1], [0, 0, 1, 1], [], []>, precision = #tpu.contract_precision<fp32>, transpose_lhs_hint = false} : vector<1000x128xf32>, vector<128x128xf32>, vector<1000x128xf32> -> vector<1000x128xf32>
    %max3A_25 = arith.constant 0.000000e+00 : f32
    %max3A_26 = vector.broadcast %max3A_25 : f32 to vector<1000x128xf32>
    %max3A_27 = arith.maximumf %dot_general3A_24, %max3A_26 : vector<1000x128xf32>
    %abs3A_28 = math.absf %dot_general3A_24 : vector<1000x128xf32>
    %neg3A_29 = arith.constant 0.000000e+00 : f32
    %neg3A_30 = vector.broadcast %neg3A_29 : f32 to vector<1000x128xf32>
    %neg3A_31 = arith.subf %neg3A_30, %abs3A_28 : vector<1000x128xf32>
    %exp3A_32 = math.exp %neg3A_31 : vector<1000x128xf32>
    %log1p3A_33 = math.log1p %exp3A_32 : vector<1000x128xf32>
    %add3A_34 = arith.addf %max3A_27, %log1p3A_33 : vector<1000x128xf32>
    %sub3A_35 = arith.constant 0.693147182 : f32
    %sub3A_36 = vector.broadcast %sub3A_35 : f32 to vector<1000x128xf32>
    %sub3A_37 = arith.subf %add3A_34, %sub3A_36 : vector<1000x128xf32>
    %dot_general3A_38 = arith.constant dense<0.000000e+00> : vector<1000x128xf32>
    %dot_general3A_39 = tpu.matmul %sub3A_37, %get3A_16, %dot_general3A_38 {dimension_numbers = #tpu.dot_dimension_numbers<[1], [0], [0], [1], [0, 0, 1, 1], [], []>, precision = #tpu.contract_precision<fp32>, transpose_lhs_hint = false} : vector<1000x128xf32>, vector<128x128xf32>, vector<1000x128xf32> -> vector<1000x128xf32>
    %add3A_40 = arith.addf %add3A, %dot_general3A_39 : vector<1000x128xf32>
    %get3A_41 = arith.constant 1 : index
    %get3A_42 = arith.constant 0 : index
    %get3A_43 = arith.constant 0 : index
    %get3A_44 = arith.constant 0 : index
    %get3A_45 = vector.load %arg4[%get3A_41, %get3A_42, %get3A_43, %get3A_44] : memref<3x2x128x128xf32, #tpu.memory_space<vmem>>, vector<1x1x128x128xf32>
    %get3A_46 = vector.shape_cast %get3A_45 : vector<1x1x128x128xf32> to vector<128x128xf32>
    %get3A_47 = arith.constant 1 : index
    %get3A_48 = arith.constant 1 : index
    %get3A_49 = arith.constant 0 : index
    %get3A_50 = arith.constant 0 : index
    %get3A_51 = vector.load %arg4[%get3A_47, %get3A_48, %get3A_49, %get3A_50] : memref<3x2x128x128xf32, #tpu.memory_space<vmem>>, vector<1x1x128x128xf32>
    %get3A_52 = vector.shape_cast %get3A_51 : vector<1x1x128x128xf32> to vector<128x128xf32>
    %max3A_53 = arith.constant 0.000000e+00 : f32
    %max3A_54 = vector.broadcast %max3A_53 : f32 to vector<1000x128xf32>
    %max3A_55 = arith.maximumf %add3A_40, %max3A_54 : vector<1000x128xf32>
    %abs3A_56 = math.absf %add3A_40 : vector<1000x128xf32>
    %neg3A_57 = arith.constant 0.000000e+00 : f32
    %neg3A_58 = vector.broadcast %neg3A_57 : f32 to vector<1000x128xf32>
    %neg3A_59 = arith.subf %neg3A_58, %abs3A_56 : vector<1000x128xf32>
    %exp3A_60 = math.exp %neg3A_59 : vector<1000x128xf32>
    %log1p3A_61 = math.log1p %exp3A_60 : vector<1000x128xf32>
    %add3A_62 = arith.addf %max3A_55, %log1p3A_61 : vector<1000x128xf32>
    %sub3A_63 = arith.constant 0.693147182 : f32
    %sub3A_64 = vector.broadcast %sub3A_63 : f32 to vector<1000x128xf32>
    %sub3A_65 = arith.subf %add3A_62, %sub3A_64 : vector<1000x128xf32>
    %dot_general3A_66 = arith.constant dense<0.000000e+00> : vector<1000x128xf32>
    %dot_general3A_67 = tpu.matmul %sub3A_65, %get3A_46, %dot_general3A_66 {dimension_numbers = #tpu.dot_dimension_numbers<[1], [0], [0], [1], [0, 0, 1, 1], [], []>, precision = #tpu.contract_precision<fp32>, transpose_lhs_hint = false} : vector<1000x128xf32>, vector<128x128xf32>, vector<1000x128xf32> -> vector<1000x128xf32>
    %max3A_68 = arith.constant 0.000000e+00 : f32
    %max3A_69 = vector.broadcast %max3A_68 : f32 to vector<1000x128xf32>
    %max3A_70 = arith.maximumf %dot_general3A_67, %max3A_69 : vector<1000x128xf32>
    %abs3A_71 = math.absf %dot_general3A_67 : vector<1000x128xf32>
    %neg3A_72 = arith.constant 0.000000e+00 : f32
    %neg3A_73 = vector.broadcast %neg3A_72 : f32 to vector<1000x128xf32>
    %neg3A_74 = arith.subf %neg3A_73, %abs3A_71 : vector<1000x128xf32>
    %exp3A_75 = math.exp %neg3A_74 : vector<1000x128xf32>
    %log1p3A_76 = math.log1p %exp3A_75 : vector<1000x128xf32>
    %add3A_77 = arith.addf %max3A_70, %log1p3A_76 : vector<1000x128xf32>
    %sub3A_78 = arith.constant 0.693147182 : f32
    %sub3A_79 = vector.broadcast %sub3A_78 : f32 to vector<1000x128xf32>
    %sub3A_80 = arith.subf %add3A_77, %sub3A_79 : vector<1000x128xf32>
    %dot_general3A_81 = arith.constant dense<0.000000e+00> : vector<1000x128xf32>
    %dot_general3A_82 = tpu.matmul %sub3A_80, %get3A_52, %dot_general3A_81 {dimension_numbers = #tpu.dot_dimension_numbers<[1], [0], [0], [1], [0, 0, 1, 1], [], []>, precision = #tpu.contract_precision<fp32>, transpose_lhs_hint = false} : vector<1000x128xf32>, vector<128x128xf32>, vector<1000x128xf32> -> vector<1000x128xf32>
    %add3A_83 = arith.addf %add3A_40, %dot_general3A_82 : vector<1000x128xf32>
    %get3A_84 = arith.constant 2 : index
    %get3A_85 = arith.constant 0 : index
    %get3A_86 = arith.constant 0 : index
    %get3A_87 = arith.constant 0 : index
    %get3A_88 = vector.load %arg4[%get3A_84, %get3A_85, %get3A_86, %get3A_87] : memref<3x2x128x128xf32, #tpu.memory_space<vmem>>, vector<1x1x128x128xf32>
    %get3A_89 = vector.shape_cast %get3A_88 : vector<1x1x128x128xf32> to vector<128x128xf32>
    %get3A_90 = arith.constant 2 : index
    %get3A_91 = arith.constant 1 : index
    %get3A_92 = arith.constant 0 : index
    %get3A_93 = arith.constant 0 : index
    %get3A_94 = vector.load %arg4[%get3A_90, %get3A_91, %get3A_92, %get3A_93] : memref<3x2x128x128xf32, #tpu.memory_space<vmem>>, vector<1x1x128x128xf32>
    %get3A_95 = vector.shape_cast %get3A_94 : vector<1x1x128x128xf32> to vector<128x128xf32>
    %max3A_96 = arith.constant 0.000000e+00 : f32
    %max3A_97 = vector.broadcast %max3A_96 : f32 to vector<1000x128xf32>
    %max3A_98 = arith.maximumf %add3A_83, %max3A_97 : vector<1000x128xf32>
    %abs3A_99 = math.absf %add3A_83 : vector<1000x128xf32>
    %neg3A_100 = arith.constant 0.000000e+00 : f32
    %neg3A_101 = vector.broadcast %neg3A_100 : f32 to vector<1000x128xf32>
    %neg3A_102 = arith.subf %neg3A_101, %abs3A_99 : vector<1000x128xf32>
    %exp3A_103 = math.exp %neg3A_102 : vector<1000x128xf32>
    %log1p3A_104 = math.log1p %exp3A_103 : vector<1000x128xf32>
    %add3A_105 = arith.addf %max3A_98, %log1p3A_104 : vector<1000x128xf32>
    %sub3A_106 = arith.constant 0.693147182 : f32
    %sub3A_107 = vector.broadcast %sub3A_106 : f32 to vector<1000x128xf32>
    %sub3A_108 = arith.subf %add3A_105, %sub3A_107 : vector<1000x128xf32>
    %dot_general3A_109 = arith.constant dense<0.000000e+00> : vector<1000x128xf32>
    %dot_general3A_110 = tpu.matmul %sub3A_108, %get3A_89, %dot_general3A_109 {dimension_numbers = #tpu.dot_dimension_numbers<[1], [0], [0], [1], [0, 0, 1, 1], [], []>, precision = #tpu.contract_precision<fp32>, transpose_lhs_hint = false} : vector<1000x128xf32>, vector<128x128xf32>, vector<1000x128xf32> -> vector<1000x128xf32>
    %max3A_111 = arith.constant 0.000000e+00 : f32
    %max3A_112 = vector.broadcast %max3A_111 : f32 to vector<1000x128xf32>
    %max3A_113 = arith.maximumf %dot_general3A_110, %max3A_112 : vector<1000x128xf32>
    %abs3A_114 = math.absf %dot_general3A_110 : vector<1000x128xf32>
    %neg3A_115 = arith.constant 0.000000e+00 : f32
    %neg3A_116 = vector.broadcast %neg3A_115 : f32 to vector<1000x128xf32>
    %neg3A_117 = arith.subf %neg3A_116, %abs3A_114 : vector<1000x128xf32>
    %exp3A_118 = math.exp %neg3A_117 : vector<1000x128xf32>
    %log1p3A_119 = math.log1p %exp3A_118 : vector<1000x128xf32>
    %add3A_120 = arith.addf %max3A_113, %log1p3A_119 : vector<1000x128xf32>
    %sub3A_121 = arith.constant 0.693147182 : f32
    %sub3A_122 = vector.broadcast %sub3A_121 : f32 to vector<1000x128xf32>
    %sub3A_123 = arith.subf %add3A_120, %sub3A_122 : vector<1000x128xf32>
    %dot_general3A_124 = arith.constant dense<0.000000e+00> : vector<1000x128xf32>
    %dot_general3A_125 = tpu.matmul %sub3A_123, %get3A_95, %dot_general3A_124 {dimension_numbers = #tpu.dot_dimension_numbers<[1], [0], [0], [1], [0, 0, 1, 1], [], []>, precision = #tpu.contract_precision<fp32>, transpose_lhs_hint = false} : vector<1000x128xf32>, vector<128x128xf32>, vector<1000x128xf32> -> vector<1000x128xf32>
    %add3A_126 = arith.addf %add3A_83, %dot_general3A_125 : vector<1000x128xf32>
    %max3A_127 = arith.constant 0.000000e+00 : f32
    %max3A_128 = vector.broadcast %max3A_127 : f32 to vector<1000x128xf32>
    %max3A_129 = arith.maximumf %add3A_126, %max3A_128 : vector<1000x128xf32>
    %abs3A_130 = math.absf %add3A_126 : vector<1000x128xf32>
    %neg3A_131 = arith.constant 0.000000e+00 : f32
    %neg3A_132 = vector.broadcast %neg3A_131 : f32 to vector<1000x128xf32>
    %neg3A_133 = arith.subf %neg3A_132, %abs3A_130 : vector<1000x128xf32>
    %exp3A_134 = math.exp %neg3A_133 : vector<1000x128xf32>
    %log1p3A_135 = math.log1p %exp3A_134 : vector<1000x128xf32>
    %add3A_136 = arith.addf %max3A_129, %log1p3A_135 : vector<1000x128xf32>
    %sub3A_137 = arith.constant 0.693147182 : f32
    %sub3A_138 = vector.broadcast %sub3A_137 : f32 to vector<1000x128xf32>
    %sub3A_139 = arith.subf %add3A_136, %sub3A_138 : vector<1000x128xf32>
    %get3A_140 = arith.constant 0 : index
    %get3A_141 = arith.constant 0 : index
    %get3A_142 = vector.load %arg1[%get3A_140, %get3A_141] : memref<1000x128xf32, #tpu.memory_space<vmem>>, vector<1000x128xf32>
    %get3A_143 = arith.constant 0 : index
    %get3A_144 = arith.constant 0 : index
    %get3A_145 = vector.load %arg5[%get3A_143, %get3A_144] : memref<128x128xf32, #tpu.memory_space<vmem>>, vector<128x128xf32>
    %dot_general3A_146 = arith.constant dense<0.000000e+00> : vector<1000x128xf32>
    %dot_general3A_147 = tpu.matmul %sub3A_139, %get3A_145, %dot_general3A_146 {dimension_numbers = #tpu.dot_dimension_numbers<[1], [0], [0], [1], [0, 0, 1, 1], [], []>, precision = #tpu.contract_precision<fp32>, transpose_lhs_hint = false} : vector<1000x128xf32>, vector<128x128xf32>, vector<1000x128xf32> -> vector<1000x128xf32>
    %add3A_148 = arith.addf %get3A_142, %dot_general3A_147 : vector<1000x128xf32>
    %get3A_149 = arith.constant 0 : index
    %get3A_150 = arith.constant 0 : index
    %get3A_151 = arith.constant 0 : index
    %get3A_152 = arith.constant 0 : index
    %get3A_153 = vector.load %arg6[%get3A_149, %get3A_150, %get3A_151, %get3A_152] : memref<2x2x128x128xf32, #tpu.memory_space<vmem>>, vector<1x1x128x128xf32>
    %get3A_154 = vector.shape_cast %get3A_153 : vector<1x1x128x128xf32> to vector<128x128xf32>
    %get3A_155 = arith.constant 0 : index
    %get3A_156 = arith.constant 1 : index
    %get3A_157 = arith.constant 0 : index
    %get3A_158 = arith.constant 0 : index
    %get3A_159 = vector.load %arg6[%get3A_155, %get3A_156, %get3A_157, %get3A_158] : memref<2x2x128x128xf32, #tpu.memory_space<vmem>>, vector<1x1x128x128xf32>
    %get3A_160 = vector.shape_cast %get3A_159 : vector<1x1x128x128xf32> to vector<128x128xf32>
    %max3A_161 = arith.constant 0.000000e+00 : f32
    %max3A_162 = vector.broadcast %max3A_161 : f32 to vector<1000x128xf32>
    %max3A_163 = arith.maximumf %add3A_148, %max3A_162 : vector<1000x128xf32>
    %abs3A_164 = math.absf %add3A_148 : vector<1000x128xf32>
    %neg3A_165 = arith.constant 0.000000e+00 : f32
    %neg3A_166 = vector.broadcast %neg3A_165 : f32 to vector<1000x128xf32>
    %neg3A_167 = arith.subf %neg3A_166, %abs3A_164 : vector<1000x128xf32>
    %exp3A_168 = math.exp %neg3A_167 : vector<1000x128xf32>
    %log1p3A_169 = math.log1p %exp3A_168 : vector<1000x128xf32>
    %add3A_170 = arith.addf %max3A_163, %log1p3A_169 : vector<1000x128xf32>
    %sub3A_171 = arith.constant 0.693147182 : f32
    %sub3A_172 = vector.broadcast %sub3A_171 : f32 to vector<1000x128xf32>
    %sub3A_173 = arith.subf %add3A_170, %sub3A_172 : vector<1000x128xf32>
    %dot_general3A_174 = arith.constant dense<0.000000e+00> : vector<1000x128xf32>
    %dot_general3A_175 = tpu.matmul %sub3A_173, %get3A_154, %dot_general3A_174 {dimension_numbers = #tpu.dot_dimension_numbers<[1], [0], [0], [1], [0, 0, 1, 1], [], []>, precision = #tpu.contract_precision<fp32>, transpose_lhs_hint = false} : vector<1000x128xf32>, vector<128x128xf32>, vector<1000x128xf32> -> vector<1000x128xf32>
    %max3A_176 = arith.constant 0.000000e+00 : f32
    %max3A_177 = vector.broadcast %max3A_176 : f32 to vector<1000x128xf32>
    %max3A_178 = arith.maximumf %dot_general3A_175, %max3A_177 : vector<1000x128xf32>
    %abs3A_179 = math.absf %dot_general3A_175 : vector<1000x128xf32>
    %neg3A_180 = arith.constant 0.000000e+00 : f32
    %neg3A_181 = vector.broadcast %neg3A_180 : f32 to vector<1000x128xf32>
    %neg3A_182 = arith.subf %neg3A_181, %abs3A_179 : vector<1000x128xf32>
    %exp3A_183 = math.exp %neg3A_182 : vector<1000x128xf32>
    %log1p3A_184 = math.log1p %exp3A_183 : vector<1000x128xf32>
    %add3A_185 = arith.addf %max3A_178, %log1p3A_184 : vector<1000x128xf32>
    %sub3A_186 = arith.constant 0.693147182 : f32
    %sub3A_187 = vector.broadcast %sub3A_186 : f32 to vector<1000x128xf32>
    %sub3A_188 = arith.subf %add3A_185, %sub3A_187 : vector<1000x128xf32>
    %dot_general3A_189 = arith.constant dense<0.000000e+00> : vector<1000x128xf32>
    %dot_general3A_190 = tpu.matmul %sub3A_188, %get3A_160, %dot_general3A_189 {dimension_numbers = #tpu.dot_dimension_numbers<[1], [0], [0], [1], [0, 0, 1, 1], [], []>, precision = #tpu.contract_precision<fp32>, transpose_lhs_hint = false} : vector<1000x128xf32>, vector<128x128xf32>, vector<1000x128xf32> -> vector<1000x128xf32>
    %add3A_191 = arith.addf %add3A_148, %dot_general3A_190 : vector<1000x128xf32>
    %get3A_192 = arith.constant 1 : index
    %get3A_193 = arith.constant 0 : index
    %get3A_194 = arith.constant 0 : index
    %get3A_195 = arith.constant 0 : index
    %get3A_196 = vector.load %arg6[%get3A_192, %get3A_193, %get3A_194, %get3A_195] : memref<2x2x128x128xf32, #tpu.memory_space<vmem>>, vector<1x1x128x128xf32>
    %get3A_197 = vector.shape_cast %get3A_196 : vector<1x1x128x128xf32> to vector<128x128xf32>
    %get3A_198 = arith.constant 1 : index
    %get3A_199 = arith.constant 1 : index
    %get3A_200 = arith.constant 0 : index
    %get3A_201 = arith.constant 0 : index
    %get3A_202 = vector.load %arg6[%get3A_198, %get3A_199, %get3A_200, %get3A_201] : memref<2x2x128x128xf32, #tpu.memory_space<vmem>>, vector<1x1x128x128xf32>
    %get3A_203 = vector.shape_cast %get3A_202 : vector<1x1x128x128xf32> to vector<128x128xf32>
    %max3A_204 = arith.constant 0.000000e+00 : f32
    %max3A_205 = vector.broadcast %max3A_204 : f32 to vector<1000x128xf32>
    %max3A_206 = arith.maximumf %add3A_191, %max3A_205 : vector<1000x128xf32>
    %abs3A_207 = math.absf %add3A_191 : vector<1000x128xf32>
    %neg3A_208 = arith.constant 0.000000e+00 : f32
    %neg3A_209 = vector.broadcast %neg3A_208 : f32 to vector<1000x128xf32>
    %neg3A_210 = arith.subf %neg3A_209, %abs3A_207 : vector<1000x128xf32>
    %exp3A_211 = math.exp %neg3A_210 : vector<1000x128xf32>
    %log1p3A_212 = math.log1p %exp3A_211 : vector<1000x128xf32>
    %add3A_213 = arith.addf %max3A_206, %log1p3A_212 : vector<1000x128xf32>
    %sub3A_214 = arith.constant 0.693147182 : f32
    %sub3A_215 = vector.broadcast %sub3A_214 : f32 to vector<1000x128xf32>
    %sub3A_216 = arith.subf %add3A_213, %sub3A_215 : vector<1000x128xf32>
    %dot_general3A_217 = arith.constant dense<0.000000e+00> : vector<1000x128xf32>
    %dot_general3A_218 = tpu.matmul %sub3A_216, %get3A_197, %dot_general3A_217 {dimension_numbers = #tpu.dot_dimension_numbers<[1], [0], [0], [1], [0, 0, 1, 1], [], []>, precision = #tpu.contract_precision<fp32>, transpose_lhs_hint = false} : vector<1000x128xf32>, vector<128x128xf32>, vector<1000x128xf32> -> vector<1000x128xf32>
    %max3A_219 = arith.constant 0.000000e+00 : f32
    %max3A_220 = vector.broadcast %max3A_219 : f32 to vector<1000x128xf32>
    %max3A_221 = arith.maximumf %dot_general3A_218, %max3A_220 : vector<1000x128xf32>
    %abs3A_222 = math.absf %dot_general3A_218 : vector<1000x128xf32>
    %neg3A_223 = arith.constant 0.000000e+00 : f32
    %neg3A_224 = vector.broadcast %neg3A_223 : f32 to vector<1000x128xf32>
    %neg3A_225 = arith.subf %neg3A_224, %abs3A_222 : vector<1000x128xf32>
    %exp3A_226 = math.exp %neg3A_225 : vector<1000x128xf32>
    %log1p3A_227 = math.log1p %exp3A_226 : vector<1000x128xf32>
    %add3A_228 = arith.addf %max3A_221, %log1p3A_227 : vector<1000x128xf32>
    %sub3A_229 = arith.constant 0.693147182 : f32
    %sub3A_230 = vector.broadcast %sub3A_229 : f32 to vector<1000x128xf32>
    %sub3A_231 = arith.subf %add3A_228, %sub3A_230 : vector<1000x128xf32>
    %dot_general3A_232 = arith.constant dense<0.000000e+00> : vector<1000x128xf32>
    %dot_general3A_233 = tpu.matmul %sub3A_231, %get3A_203, %dot_general3A_232 {dimension_numbers = #tpu.dot_dimension_numbers<[1], [0], [0], [1], [0, 0, 1, 1], [], []>, precision = #tpu.contract_precision<fp32>, transpose_lhs_hint = false} : vector<1000x128xf32>, vector<128x128xf32>, vector<1000x128xf32> -> vector<1000x128xf32>
    %add3A_234 = arith.addf %add3A_191, %dot_general3A_233 : vector<1000x128xf32>
    %get3A_235 = arith.constant 0 : index
    %get3A_236 = arith.constant 0 : index
    %get3A_237 = arith.constant 0 : index
    %get3A_238 = arith.constant 0 : index
    %get3A_239 = vector.load %arg7[%get3A_235, %get3A_236, %get3A_237, %get3A_238] : memref<1x2x128x128xf32, #tpu.memory_space<vmem>>, vector<1x1x128x128xf32>
    %get3A_240 = vector.shape_cast %get3A_239 : vector<1x1x128x128xf32> to vector<128x128xf32>
    %get3A_241 = arith.constant 0 : index
    %get3A_242 = arith.constant 1 : index
    %get3A_243 = arith.constant 0 : index
    %get3A_244 = arith.constant 0 : index
    %get3A_245 = vector.load %arg7[%get3A_241, %get3A_242, %get3A_243, %get3A_244] : memref<1x2x128x128xf32, #tpu.memory_space<vmem>>, vector<1x1x128x128xf32>
    %get3A_246 = vector.shape_cast %get3A_245 : vector<1x1x128x128xf32> to vector<128x128xf32>
    %max3A_247 = arith.constant 0.000000e+00 : f32
    %max3A_248 = vector.broadcast %max3A_247 : f32 to vector<1000x128xf32>
    %max3A_249 = arith.maximumf %add3A_234, %max3A_248 : vector<1000x128xf32>
    %abs3A_250 = math.absf %add3A_234 : vector<1000x128xf32>
    %neg3A_251 = arith.constant 0.000000e+00 : f32
    %neg3A_252 = vector.broadcast %neg3A_251 : f32 to vector<1000x128xf32>
    %neg3A_253 = arith.subf %neg3A_252, %abs3A_250 : vector<1000x128xf32>
    %exp3A_254 = math.exp %neg3A_253 : vector<1000x128xf32>
    %log1p3A_255 = math.log1p %exp3A_254 : vector<1000x128xf32>
    %add3A_256 = arith.addf %max3A_249, %log1p3A_255 : vector<1000x128xf32>
    %sub3A_257 = arith.constant 0.693147182 : f32
    %sub3A_258 = vector.broadcast %sub3A_257 : f32 to vector<1000x128xf32>
    %sub3A_259 = arith.subf %add3A_256, %sub3A_258 : vector<1000x128xf32>
    %dot_general3A_260 = arith.constant dense<0.000000e+00> : vector<1000x128xf32>
    %dot_general3A_261 = tpu.matmul %sub3A_259, %get3A_240, %dot_general3A_260 {dimension_numbers = #tpu.dot_dimension_numbers<[1], [0], [0], [1], [0, 0, 1, 1], [], []>, precision = #tpu.contract_precision<fp32>, transpose_lhs_hint = false} : vector<1000x128xf32>, vector<128x128xf32>, vector<1000x128xf32> -> vector<1000x128xf32>
    %max3A_262 = arith.constant 0.000000e+00 : f32
    %max3A_263 = vector.broadcast %max3A_262 : f32 to vector<1000x128xf32>
    %max3A_264 = arith.maximumf %dot_general3A_261, %max3A_263 : vector<1000x128xf32>
    %abs3A_265 = math.absf %dot_general3A_261 : vector<1000x128xf32>
    %neg3A_266 = arith.constant 0.000000e+00 : f32
    %neg3A_267 = vector.broadcast %neg3A_266 : f32 to vector<1000x128xf32>
    %neg3A_268 = arith.subf %neg3A_267, %abs3A_265 : vector<1000x128xf32>
    %exp3A_269 = math.exp %neg3A_268 : vector<1000x128xf32>
    %log1p3A_270 = math.log1p %exp3A_269 : vector<1000x128xf32>
    %add3A_271 = arith.addf %max3A_264, %log1p3A_270 : vector<1000x128xf32>
    %sub3A_272 = arith.constant 0.693147182 : f32
    %sub3A_273 = vector.broadcast %sub3A_272 : f32 to vector<1000x128xf32>
    %sub3A_274 = arith.subf %add3A_271, %sub3A_273 : vector<1000x128xf32>
    %dot_general3A_275 = arith.constant dense<0.000000e+00> : vector<1000x128xf32>
    %dot_general3A_276 = tpu.matmul %sub3A_274, %get3A_246, %dot_general3A_275 {dimension_numbers = #tpu.dot_dimension_numbers<[1], [0], [0], [1], [0, 0, 1, 1], [], []>, precision = #tpu.contract_precision<fp32>, transpose_lhs_hint = false} : vector<1000x128xf32>, vector<128x128xf32>, vector<1000x128xf32> -> vector<1000x128xf32>
    %add3A_277 = arith.addf %add3A_234, %dot_general3A_276 : vector<1000x128xf32>
    %max3A_278 = arith.constant 0.000000e+00 : f32
    %max3A_279 = vector.broadcast %max3A_278 : f32 to vector<1000x128xf32>
    %max3A_280 = arith.maximumf %add3A_277, %max3A_279 : vector<1000x128xf32>
    %abs3A_281 = math.absf %add3A_277 : vector<1000x128xf32>
    %neg3A_282 = arith.constant 0.000000e+00 : f32
    %neg3A_283 = vector.broadcast %neg3A_282 : f32 to vector<1000x128xf32>
    %neg3A_284 = arith.subf %neg3A_283, %abs3A_281 : vector<1000x128xf32>
    %exp3A_285 = math.exp %neg3A_284 : vector<1000x128xf32>
    %log1p3A_286 = math.log1p %exp3A_285 : vector<1000x128xf32>
    %add3A_287 = arith.addf %max3A_280, %log1p3A_286 : vector<1000x128xf32>
    %sub3A_288 = arith.constant 0.693147182 : f32
    %sub3A_289 = vector.broadcast %sub3A_288 : f32 to vector<1000x128xf32>
    %sub3A_290 = arith.subf %add3A_287, %sub3A_289 : vector<1000x128xf32>
    %get3A_291 = arith.constant 0 : index
    %get3A_292 = arith.constant 0 : index
    %get3A_293 = vector.load %arg8[%get3A_291, %get3A_292] : memref<128x2xf32, #tpu.memory_space<vmem>>, vector<128x2xf32>
    %dot_general3A_294 = arith.constant dense<0.000000e+00> : vector<1000x2xf32>
    %dot_general3A_295 = tpu.matmul %sub3A_290, %get3A_293, %dot_general3A_294 {dimension_numbers = #tpu.dot_dimension_numbers<[1], [0], [0], [1], [0, 0, 1, 1], [], []>, precision = #tpu.contract_precision<fp32>, transpose_lhs_hint = false} : vector<1000x128xf32>, vector<128x2xf32>, vector<1000x2xf32> -> vector<1000x2xf32>
    %get3A_296 = arith.constant 0 : index
    %get3A_297 = arith.constant 0 : index
    %get3A_298 = vector.load %arg9[%get3A_296, %get3A_297] : memref<1000x2xf32, #tpu.memory_space<vmem>>, vector<1000x2xf32>
    %add3A_299 = arith.addf %get3A_298, %dot_general3A_295 : vector<1000x2xf32>
    %slice3A = vector.extract_strided_slice %add3A_299 {offsets = [0, 0], sizes = [1000, 1], strides = [1, 1]} : vector<1000x2xf32> to vector<1000x1xf32>
    %slice3A_300 = vector.extract_strided_slice %add3A_299 {offsets = [0, 1], sizes = [1000, 1], strides = [1, 1]} : vector<1000x2xf32> to vector<1000x1xf32>
    %max3A_301 = arith.constant 0.000000e+00 : f32
    %max3A_302 = vector.broadcast %max3A_301 : f32 to vector<1000x1xf32>
    %max3A_303 = arith.maximumf %slice3A_300, %max3A_302 : vector<1000x1xf32>
    %concatenate3A = tpu.concatenate %slice3A, %max3A_303 in 1 : vector<1000x1xf32>, vector<1000x1xf32> -> vector<1000x2xf32>
    %swap3A = arith.constant 0 : index
    %swap3A_304 = arith.constant 0 : index
    %swap3A_305 = vector.load %arg10[%swap3A, %swap3A_304] : memref<1000x2xf32, #tpu.memory_space<vmem>>, vector<1000x2xf32>
    tpu.vector_store %arg10[%swap3A, %swap3A_304], %concatenate3A {strides = array<i32>} : memref<1000x2xf32, #tpu.memory_space<vmem>>, vector<1000x2xf32>,
    %mul3A = arith.mulf %dot_general3A_295, %dot_general3A_295 : vector<1000x2xf32>
    %mul3A_306 = arith.mulf %get3A_298, %get3A_298 : vector<1000x2xf32>
    %add3A_307 = arith.addf %mul3A, %mul3A_306 : vector<1000x2xf32>
    %add3A_308 = arith.constant 1.000000e-07 : f32
    %add3A_309 = vector.broadcast %add3A_308 : f32 to vector<1000x2xf32>
    %add3A_310 = arith.addf %add3A_307, %add3A_309 : vector<1000x2xf32>
    %div3A = arith.divf %mul3A, %add3A_310 : vector<1000x2xf32>
    %reduce_sum3A = vector.shape_cast %div3A : vector<1000x2xf32> to vector<1x1000x2xf32>
    %reduce_sum3A_311 = arith.constant dense<0.000000e+00> : vector<1xf32>
    %reduce_sum3A_312 = vector.multi_reduction <add>, %reduce_sum3A, %reduce_sum3A_311 [1, 2] : vector<1x1000x2xf32> to vector<1xf32>
    %reduce_sum3A_313 = vector.shape_cast %reduce_sum3A_312 : vector<1xf32> to vector<1x1x1xf32>
    %reduce_sum3A_314 = vector.extract %reduce_sum3A_313[0, 0, 0] : f32 from vector<1x1x1xf32>
    %mul3A_315 = arith.constant 5.000000e-05 : f32
    %mul3A_316 = arith.mulf %reduce_sum3A_314, %mul3A_315 : f32
    %eq3A = arith.constant 0 : i32
    %eq3A_317 = arith.cmpi eq, %arg0, %eq3A : i32
    %convert_element_type3A = arith.extui %eq3A_317 : i1 to i32
    %cond3A = arith.constant 0 : i32
    %cond3A_318 = arith.cmpi ne, %convert_element_type3A, %cond3A : i32
    scf.if %cond3A_318 {
      %broadcast_in_dim3A = arith.constant 0.000000e+00 : f32
      %broadcast_in_dim3A_326 = vector.broadcast %broadcast_in_dim3A : f32 to vector<1x1xf32>
      %swap3A_327 = arith.constant 0 : index
      %swap3A_328 = arith.constant 0 : index
      %swap3A_329 = vector.load %arg11[%swap3A_327, %swap3A_328] : memref<1x1xf32, #tpu.memory_space<vmem>>, vector<1x1xf32>
      tpu.vector_store %arg11[%swap3A_327, %swap3A_328], %broadcast_in_dim3A_326 {strides = array<i32>} : memref<1x1xf32, #tpu.memory_space<vmem>>, vector<1x1xf32>,
    } else {
    }
    %get3A_319 = arith.constant 0 : index
    %get3A_320 = arith.constant 0 : index
    %get3A_321 = vector.load %arg11[%get3A_319, %get3A_320] : memref<1x1xf32, #tpu.memory_space<vmem>>, vector<1x1xf32>
    %reshape3A = vector.broadcast %mul3A_316 : f32 to vector<1x1xf32>
    %add3A_322 = arith.addf %get3A_321, %reshape3A : vector<1x1xf32>
    %swap3A_323 = arith.constant 0 : index
    %swap3A_324 = arith.constant 0 : index
    %swap3A_325 = vector.load %arg11[%swap3A_323, %swap3A_324] : memref<1x1xf32, #tpu.memory_space<vmem>>, vector<1x1xf32>
    tpu.vector_store %arg11[%swap3A_323, %swap3A_324], %add3A_322 {strides = array<i32>} : memref<1x1xf32, #tpu.memory_space<vmem>>, vector<1x1xf32>,
    return
  }
  func.func @transform_0(%arg0: i32) -> (i32, i32) {
    %c0_i32 = arith.constant 0 : i32
    %c0_i32_0 = arith.constant 0 : i32
    return %arg0, %c0_i32 : i32, i32
  }
  func.func @transform_1(%arg0: i32) -> (i32, i32) {
    %c0_i32 = arith.constant 0 : i32
    %c0_i32_0 = arith.constant 0 : i32
    return %arg0, %c0_i32 : i32, i32
  }
  func.func @transform_2(%arg0: i32) -> (i32, i32) {
    %c0_i32 = arith.constant 0 : i32
    %c0_i32_0 = arith.constant 0 : i32
    return %arg0, %c0_i32 : i32, i32
  }
  func.func @transform_3(%arg0: i32) -> (i32, i32, i32, i32) {
    %c0_i32 = arith.constant 0 : i32
    %c0_i32_0 = arith.constant 0 : i32
    %c0_i32_1 = arith.constant 0 : i32
    %c0_i32_2 = arith.constant 0 : i32
    %c0_i32_3 = arith.constant 0 : i32
    return %c0_i32, %c0_i32_0, %c0_i32_1, %c0_i32_2 : i32, i32, i32, i32
  }
  func.func @transform_4(%arg0: i32) -> (i32, i32) {
    %c0_i32 = arith.constant 0 : i32
    %c0_i32_0 = arith.constant 0 : i32
    %c0_i32_1 = arith.constant 0 : i32
    return %c0_i32, %c0_i32_0 : i32, i32
  }
  func.func @transform_5(%arg0: i32) -> (i32, i32, i32, i32) {
    %c0_i32 = arith.constant 0 : i32
    %c0_i32_0 = arith.constant 0 : i32
    %c0_i32_1 = arith.constant 0 : i32
    %c0_i32_2 = arith.constant 0 : i32
    %c0_i32_3 = arith.constant 0 : i32
    return %c0_i32, %c0_i32_0, %c0_i32_1, %c0_i32_2 : i32, i32, i32, i32
  }
  func.func @transform_6(%arg0: i32) -> (i32, i32, i32, i32) {
    %c0_i32 = arith.constant 0 : i32
    %c0_i32_0 = arith.constant 0 : i32
    %c0_i32_1 = arith.constant 0 : i32
    %c0_i32_2 = arith.constant 0 : i32
    %c0_i32_3 = arith.constant 0 : i32
    return %c0_i32, %c0_i32_0, %c0_i32_1, %c0_i32_2 : i32, i32, i32, i32
  }
  func.func @transform_7(%arg0: i32) -> (i32, i32) {
    %c0_i32 = arith.constant 0 : i32
    %c0_i32_0 = arith.constant 0 : i32
    %c0_i32_1 = arith.constant 0 : i32
    return %c0_i32, %c0_i32_0 : i32, i32
  }
  func.func @transform_8(%arg0: i32) -> (i32, i32) {
    %c0_i32 = arith.constant 0 : i32
    %c0_i32_0 = arith.constant 0 : i32
    return %arg0, %c0_i32 : i32, i32
  }
  func.func @transform_9(%arg0: i32) -> (i32, i32) {
    %c0_i32 = arith.constant 0 : i32
    %c0_i32_0 = arith.constant 0 : i32
    return %arg0, %c0_i32 : i32, i32
  }
  func.func @transform_10(%arg0: i32) -> (i32, i32) {
    %c0_i32 = arith.constant 0 : i32
    %c0_i32_0 = arith.constant 0 : i32
    %c0_i32_1 = arith.constant 0 : i32
    return %c0_i32, %c0_i32_0 : i32, i32
  }
}

</mosaic_0001>

<sc_bundles>
// kernel: kernel.11.cloned.1.call-start
scs
__scs_entry_jumppad:
0x0: {  	(pc) =	sbr.rel $0x88, $3  }
0x1: {  	(tag) =	ssettag $0x0;
	lr =	simm.s32 $0x1  }
0x2: {  	[smem:$0x3F94] =	sst lr;
	_ =	strace $0xD0000000  }
0x3: {  	_ = 	snop  }
0x4: {  	_ = 	snop  }
0x5: {  	_ = 	snop  }
0x6: {  	_ = 	snop  }
0x7: {  	_ = 	snop  }
__scs_overlays_trampoline_lowered:
0x8: {  	[smem:$0x3FA3] =	sst s0  }
0x9: {  	[smem:$0x3FA4] =	sst s1  }
0xa: {  	[smem:$0x3FA5] =	sst s2  }
0xb: {  	[smem:$0x3FA6] =	sst s3  }
0xc: {  	[smem:$0x3FA7] =	sst s4  }
0xd: {  	[smem:$0x3FA8] =	sst s5  }
0xe: {  	[smem:$0x3FA9] =	sst s6  }
0xf: {  	[smem:$0x3FAA] =	sst s7  }
0x10: {  	[smem:$0x3FAB] =	sst s8  }
0x11: {  	[smem:$0x3FAC] =	sst s9;
	s0 =	simm.s32 @!p0 $0x0  }
0x12: {  	s1 =	sld [smem:$0x3F92];
	s0 =	simm.s32 @p0 $0x1  }
0x13: {  	[smem:$0x3FAD] =	sst s0;
	s0 =	simm.s32 @!p1 $0x0  }
0x14: {  	s2 =	sld [smem:$0x3F91];
	s0 =	simm.s32 @p1 $0x1  }
0x15: {  	[smem:$0x3FAE] =	sst s0;
	s0 =	simm.s32 @!p2 $0x0  }
0x16: {  	s3 =	sld [smem:$0x3FDB];
	s0 =	simm.s32 @p2 $0x1  }
0x17: {  	s4 =	simm.s32 $0x1BF5;
	[smem:$0x3FB0] =	sst s0  }
0x18: {  	s0 =	sld [smem:$0x3F93];
	_ =	swait.ge [sflag:s4], $0x0  }
0x19: {  	s7 =	sld [smem:$0x3F94]  }
0x1a: {  	s8 =	sadd.s32 $0xFFFFE003, lr  }
0x1b: {  	s9 =	sadd.s32 $0xFFFFFEF7, lr;
	s5 =	simm.s32 $0xFFFFFFFF;
	p2 =	slt.u32 s8, $0xFFFFF086  }
0x1c: {  	p1 =	slt.u32 s9, $0xF7A;
	s5 =	simm.s32 @!p2 $0x0  }
0x1d: {  	s5 =	simm.s32 @p1 $0x1;
	p0 =	seq.s32 s7, s2  }
0x1e: {  	s7 =	smul.u32 @!p0 $0xF7A, s2;
	p2 =	seq.s32 @!p0 s5, $0x0  }
0x1f: {  	s9 =	smul.u32 $0xF7A, s1;
	s8 =	simm.s32 @!p0 $0x1BF5;
	p2 =	por !p2, p0  }
0x20: {  	[sflag:s8] =	ssyncset.s32 @!p0 $0xFFFFF086;
	s6 =	sadd.s32 @!p0 s3, s7;
	s7 =	simm.s32 @!p0 $0x108  }
0x21: {  	s3 =	sadd.s32 s3, s9;
	s6 =	sadd.s32 @!p0 $0x88, s6;
	s7 =	simm.s32 @p2 $0x1082  }
0x22: {  	[simem:s7], [sflag:s8] =	dma.local @!p0 [hbm:s6], $0xF7A  }
0x23: {  	s9 =	sor.u32 $0xD0000000, s2;
	s6 =	simm.s32 $0x108;
	_ =	swait.ge @!p0 [sflag:s8], $0x0  }
0x24: {  	s3 =	sadd.s32 $0x88, s3;
	s6 =	simm.s32 @!p1 $0x1082;
	[sflag:s4] =	ssyncset.s32 $0xFFFFF086  }
0x25: {  	[simem:s6], [sflag:s4] =	dma.local [hbm:s3], $0xF7A  }
0x26: {  	[smem:$0x3F94] =	sst s1;
	(tag) =	ssettag s2;
	_ =	strace s9  }
0x27: {  	s1 =	sld [smem:$0x3FA4]  }
0x28: {  	s2 =	sld [smem:$0x3FA5]  }
0x29: {  	s4 =	sld [smem:$0x3FA7]  }
0x2a: {  	p0 =	seq.s32 s5, $0x0;
	s5 =	sld [smem:$0x3FA8]  }
0x2b: {  	s6 =	sld [smem:$0x3FA9]  }
0x2c: {  	s7 =	sld [smem:$0x3FAA]  }
0x2d: {  	s3 =	simm.s32 $0x108;
	s8 =	sld [smem:$0x3FAB]  }
0x2e: {  	s3 =	simm.s32 @!p0 $0x1082;
	s9 =	sld [smem:$0x3FAC]  }
0x2f: {  	lr =	sadd.s32 s0, s3;
	s0 =	sld [smem:$0x3FA3]  }
0x30: {  	s3 =	sld [smem:$0x3FA6]  }
0x31: {  	[smem:$0x3FAF] =	sst s10  }
0x32: {  	s10 =	sld [smem:$0x3FAD];
	_ =	sdelay $0x3  }
0x33: {  	p0 =	seq.s32 s10, $0x1;
	s10 =	sld [smem:$0x3FAF];
	_ =	sdelay $0x3  }
0x34: {  	[smem:$0x3FAF] =	sst s10  }
0x35: {  	s10 =	sld [smem:$0x3FAE];
	_ =	sdelay $0x3  }
0x36: {  	p1 =	seq.s32 s10, $0x1;
	s10 =	sld [smem:$0x3FAF];
	_ =	sdelay $0x3  }
0x37: {  	[smem:$0x3FAF] =	sst s10  }
0x38: {  	s10 =	sld [smem:$0x3FB0]  }
0x39: {  	_ = 	snop;
	(pc) =	sbr.ind lr, $3  }
0x3a: {  	_ = 	snop  }
0x3b: {  	_ = 	snop  }
0x3c: {  	p2 =	seq.s32 s10, $0x1;
	s10 =	sld [smem:$0x3FAF]  }
0x3d: {  	_ =	shalt  }
0x3e: {  	_ =	shalt  }
0x3f: {  	_ =	shalt  }
0x40: {  	_ =	shalt  }
0x41: {  	_ =	shalt  }
0x42: {  	_ =	shalt  }
0x43: {  	_ =	shalt  }
0x44: {  	_ =	shalt  }
0x45: {  	_ =	shalt  }
0x46: {  	_ =	shalt  }
0x47: {  	_ =	shalt  }
0x48: {  	_ =	shalt  }
0x49: {  	_ =	shalt  }
0x4a: {  	_ =	shalt  }
0x4b: {  	_ =	shalt  }
0x4c: {  	_ =	shalt  }
0x4d: {  	_ =	shalt  }
0x4e: {  	_ =	shalt  }
0x4f: {  	_ =	shalt  }
0x50: {  	_ =	shalt  }
0x51: {  	_ =	shalt  }
0x52: {  	_ =	shalt  }
0x53: {  	_ =	shalt  }
0x54: {  	_ =	shalt  }
0x55: {  	_ =	shalt  }
0x56: {  	_ =	shalt  }
0x57: {  	_ =	shalt  }
0x58: {  	_ =	shalt  }
0x59: {  	_ =	shalt  }
0x5a: {  	_ =	shalt  }
0x5b: {  	_ =	shalt  }
0x5c: {  	_ =	shalt  }
0x5d: {  	_ =	shalt  }
0x5e: {  	_ =	shalt  }
0x5f: {  	_ =	shalt  }
0x60: {  	_ =	shalt  }
0x61: {  	_ =	shalt  }
0x62: {  	_ =	shalt  }
0x63: {  	_ =	shalt  }
0x64: {  	_ =	shalt  }
0x65: {  	_ =	shalt  }
0x66: {  	_ =	shalt  }
0x67: {  	_ =	shalt  }
0x68: {  	_ =	shalt  }
0x69: {  	_ =	shalt  }
0x6a: {  	_ =	shalt  }
0x6b: {  	_ =	shalt  }
0x6c: {  	_ =	shalt  }
0x6d: {  	_ =	shalt  }
0x6e: {  	_ =	shalt  }
0x6f: {  	_ =	shalt  }
0x70: {  	_ =	shalt  }
0x71: {  	_ =	shalt  }
0x72: {  	_ =	shalt  }
0x73: {  	_ =	shalt  }
0x74: {  	_ =	shalt  }
0x75: {  	_ =	shalt  }
0x76: {  	_ =	shalt  }
0x77: {  	_ =	shalt  }
0x78: {  	_ =	shalt  }
0x79: {  	_ =	shalt  }
0x7a: {  	_ =	shalt  }
0x7b: {  	_ =	shalt  }
0x7c: {  	_ =	shalt  }
0x7d: {  	_ =	shalt  }
0x7e: {  	_ =	shalt  }
0x7f: {  	_ =	shalt  }
0x80: {  	_ =	shalt  }
0x81: {  	_ =	shalt  }
0x82: {  	_ =	shalt  }
0x83: {  	_ =	shalt  }
0x84: {  	_ =	shalt  }
0x85: {  	_ =	shalt  }
0x86: {  	_ =	shalt  }
0x87: {  	_ =	shalt  }
.Lfunc_end0:
.L_simem_size_0:
called_computation_lowered:
.L_overlay_start_0:
0x88: {  	s2 =	sld [smem:$0x3FD9]  }
0x89: {  	s3 =	sld [smem:$0x3FFE];
	_ =	sdelay $0x1  }
0x8a: {  	s1 =	srdreg.scid  }
0x8b: {  	s0 =	sand.u32 $0x1, s1  }
0x8c: {  	s14 =	sshll.u32 s0, $0xA;
	s2 =	sadd.s32 s3, s2  }
0x8d: {  	s2 =	sadd.s32 s2, s14  }
0x8e: {  	[smem:$0x3FBB] =	sst s2  }
0x8f: {  	_ = 	snop  }
0x90: {  	s2 =	sld [smem:$0x3FD0]  }
0x91: {  	s15 =	sld [smem:$0x3FC7]  }
0x92: {  	s4 =	sld [smem:$0x3FC6]  }
0x93: {  	s6 =	simm.s32 $0xB;
	s7 =	simm.s32 $0x10;
	s5 =	sld [smem:$0x3FC5]  }
0x94: {  	[smem:s7], [sflag:s6] =	dma.local [hbm:s2], $0x1  }
0x95: {  	_ =	swait.eq [sflag:s6], $0x1  }
0x96: {  	[sflag:s6] =	ssyncset.done $0x0  }
0x97: {  	s16 =	sld [smem:$0x10];
	[sflag:s6] =	ssyncadd.s32 $0xFFFFFFFF  }
0x98: {  	s17 =	sld [smem:$0x11];
	(tm) =	ssettm $0x1  }
0x99: {  	s18 =	sld [smem:$0x3FFB];
	_ =	sdelay $0x3  }
0x9a: {  	_ =	strace s18  }
0x9b: {  	s7 =	sld [smem:$0x3FFC];
	_ =	sdelay $0x3  }
0x9c: {  	_ =	strace s7  }
0x9d: {  	s7 =	sld [smem:$0x3FFD];
	_ =	sdelay $0x3  }
0x9e: {  	_ =	strace s7  }
0x9f: {  	_ =	strace $0x8FFFFFFF  }
0xa0: {  	s19 =	sld [smem:$0x3FDB];
	_ =	sdelay $0x1  }
0xa1: {  	s8 =	simm.s32 $_scs_section_size  }
0xa2: {  	s9 =	simm.s32 $_size__tile_overlayer_lowered;
	s10 =	simm.s32 $_tile_overlayer_lowered  }
0xa3: {  	s22 =	simm.s32 $0x1BFF;
	s21 =	sshll.u32 s10, $0x1;
	s7 =	sadd.s32 s8, s19  }
0xa4: {  	s11 =	simm.s32 $0x0;
	s20 =	sshll.u32 s9, $0x1;
	s9 =	sadd.s32 s21, s7  }
0xa5: {  	[timem:s11], [sflag:s22] =	dma.local [hbm:s9], s20  }
0xa6: {  	_ =	swait.ge [sflag:s22], s20  }
0xa7: {  	s8 =	ssub.s32 $0x0, s20;
	[sflag:s22] =	ssyncset.done $0x0  }
0xa8: {  	[sflag:s22] =	ssyncadd.s32 s8;
	_ =	sdelay $0x1  }
0xa9: {  	s23 =	simm.s32 $0x1B8B  }
0xaa: {  	_ =	swait.ge [sflag:s23], $0x1  }
0xab: {  	[sflag:s23] =	ssyncset.done $0x0  }
0xac: {  	s25 =	simm.s32 $0x1B8E;
	s24 =	sld [smem:$0x3FFE];
	[sflag:s23] =	ssyncadd.s32 $0xFFFFFFFF  }
0xad: {  	s26 =	simm.s32 $execute0_lowered;
	[smem:$0x3FD2] =	sst s25  }
0xae: {  	s9 =	sshll.u32 s26, $0x1;
	_ =	strace $0x80000046;
	[dreg:$0x1] =	wrdreg $0xFFFFFFFF  }
0xaf: {  	s28 =	simm.s32 $_size_execute0_lowered;
	s7 =	sadd.s32 s7, s9;
	[dreg:$0x0] =	wrdreg $0x0  }
0xb0: {  	s9 =	sshll.u32 s28, $0x1;
	[dreg:$0x2] =	wrdreg s7  }
0xb1: {  	[dreg:$0x3] =	wrdreg s9  }
0xb2: {  	[dreg:$0x4] =	wrdreg $0xC0  }
0xb3: {  	_ =	task [dreg:s11], $0x5FFFF  }
0xb4: {  	[dreg:$0x1] =	wrdreg $0xFFFFFFFF  }
0xb5: {  	[dreg:$0x0] =	wrdreg $0x60  }
0xb6: {  	[dreg:$0x2] =	wrdreg s24  }
0xb7: {  	[dreg:$0x3] =	wrdreg s15  }
0xb8: {  	[dreg:$0x4] =	wrdreg s4  }
0xb9: {  	[dreg:$0x5] =	wrdreg s16  }
0xba: {  	[dreg:$0x6] =	wrdreg s5  }
0xbb: {  	[dreg:$0x7] =	wrdreg s17  }
0xbc: {  	[dreg:$0x8] =	wrdreg $0x9  }
0xbd: {  	_ =	task.clear_ibuf [dreg:s11], $0x9FFFF;
	_ =	strace $0x90000046  }
0xbe: {  	s29 =	simm.s32 $0x9;
	_ =	strace $0x80000048  }
0xbf: {  	_ =	swait.ge [sflag:s29], $0x1  }
0xc0: {  	[sflag:s29] =	ssyncadd.s32 $0xFFFFFFFF  }
0xc1: {  	_ =	strace $0x90000048  }
0xc2: {  	_ =	sfence  }
0xc3: {  	s30 =	sld [smem:$0x0];
	_ =	sdelay $0x2  }
0xc4: {  	s31 =	sshll.u32 s1, $0xD;
	s1 =	sshrl.u32 s1, $0x2  }
0xc5: {  	s3 =	sand.u32 $0x4000, s31;
	s1 =	sadd.s32 s1, s30  }
0xc6: {  	s0 =	sor.u32 s3, s0;
	s1 =	sshll.u32 s1, $0x11  }
0xc7: {  	s0 =	sor.u32 s1, s0  }
0xc8: {  	s0 =	sadd.s32 $0x8F2B, s0  }
0xc9: {  	[sflag:s0] =	ssyncadd.remote.s32 $0x1  }
0xca: {  	_ =	sfence.sel $0xFFFF  }
0xcb: {  	[dreg:$0x0] =	wrdreg $0xFFFFFFFF;
	(pc) =	sbr.abs _section_cstart, $3  }
0xcc: {  	[dreg:$0x1] =	wrdreg $0xFFFFFFFF  }
0xcd: {  	_ =	task.clear_ibuf [dreg:s11], $0x2FFFF;
	_ =	strace $0x9FFFFFFF  }
0xce: {  	(tm) =	ssettm $0x7FFFFFFF  }
0xcf: {  	_ =	shalt  }
tec
execute0_lowered:
.L_overlay_start_1:
0x0: {  	(tag) =	ssettag $0x1  }
0x1: {  	s5 =	rddreg [dreg:$0x0]  }
0x2: {  	s6 =	rddreg [dreg:$0x1]  }
0x3: {  	s7 =	rddreg [dreg:$0x2]  }
0x4: {  	s8 =	rddreg [dreg:$0x3]  }
0x5: {  	s2 =	rddreg [dreg:$0x4]  }
0x6: {  	s9 =	rddreg [dreg:$0x5]  }
0x7: {  	s0 =	rddreg [dreg:$0x6]  }
0x8: {  	s4 =	srdreg.scid;
	s1 =	stileid.u32;
	s3 =	simm.s32 $0x0  }
0x9: {  	s17 =	simm.s32 $0x50;
	s18 =	simm.s32 $0x17470;
	s19 =	simm.s32 $0x1  }
0xa: {  	s20 =	simm.s32 $0x17380;
	s10 =	sand.u32 $0x1, s4;
	s26 =	sshll.u32 s1, $0x1  }
0xb: {  	s21 =	simm.s32 $0x19C70;
	s22 =	simm.s32 $0x173D0;
	s11 =	sor.u32 s10, s26  }
0xc: {  	s23 =	simm.s32 $0x17420;
	s24 =	simm.s32 $0x0;
	s12 =	smul.u32 $0x271, s11  }
0xd: {  	[smem:$0x7FF] =	sst s3;
	s4 =	sadd.s32 $0x4600, s5;
	s13 =	smul.u32 $0x28, s11  }
0xe: {  	s14 =	sadd.s32 $0x6E00, s5;
	s10 =	ssub.s32 $0x2, s10;
	s15 =	smul.u32 $0xA000, s11  }
0xf: {  	_ =	strace $0x80000047;
	s28 =	sshrl.u32 s10, $0x1;
	s29 =	smul.u32 $0x1400, s11  }
0x10: {  	s16 =	ssub.s32 s10, s28;
	s5 =	sadd.s32 s6, s12;
	s6 =	sadd.s32 s7, s12  }
0x11: {  	s7 =	sadd.s32 s9, s12;
	s30 =	sshrl.u32 s15, $0x3;
	s8 =	sadd.s32 s8, s13  }
0x12: {  	s9 =	sadd.s32 s14, s29;
	s11 =	smax.u32 s16, $0x1;
	s12 =	simm.s32 $0x2  }
0x13: {  	s13 =	simm.s32 $0x13880;
	s15 =	simm.s32 $0x15FA0;
	s31 =	sadd.s32 s14, s30  }
0x14: {  	v0 =	vimm.s32 $0x0;
	s16 =	simm.s32 $0x17330;
	s14 =	simm.s32 $0x14C10;
	s10 =	sadd.s32 $0xA00, s31  }
.LBB2_1:
0x15: {  	[tilespmem:$0x14C00] =	vst v0  }
0x16: {  	[tilespmem:$0x15F90] =	vst v0  }
0x17: {  	[tilespmem:s3], [sflag:$0x2] =	stream.linear.gather [hbm4b:s4+s3], $0x13880, $0x38;
	[tilespmem:$0x1C470] =	vst v63  }
0x18: {  	_ =	swait.ge [sflag:s12], $0x13880  }
0x19: {  	[sflag:s12] =	ssyncset.done $0x0  }
0x1a: {  	[sflag:s12] =	ssyncadd.s32 $0xFFFEC780  }
0x1b: {  	[tilespmem:s13], [sflag:$0x2] =	stream.linear.gather [hbm4b:s5+s3], $0x1388, $0x38;
	[tilespmem:$0x1C470] =	vst v63  }
0x1c: {  	_ =	swait.ge [sflag:s12], $0x1388  }
0x1d: {  	[sflag:s12] =	ssyncset.done $0x0  }
0x1e: {  	[sflag:s12] =	ssyncadd.s32 $0xFFFFEC78  }
0x1f: {  	[tilespmem:s14], [sflag:$0x2] =	stream.linear.gather [hbm4b:s6+s3], $0x1388, $0x38;
	[tilespmem:$0x1C470] =	vst v63  }
0x20: {  	_ =	swait.ge [sflag:s12], $0x1388  }
0x21: {  	[sflag:s12] =	ssyncset.done $0x0  }
0x22: {  	s25 =	simm.s32 $0x0;
	[sflag:s12] =	ssyncadd.s32 $0xFFFFEC78  }
0x23: {  	v1 =	vld [tilespmem:s25+$0x14C10]  }
0x24: {  	v2 =	vld [tilespmem:s25+$0x13880];
	_ =	sdelay $0x3  }
0x25: {  	v1 =	vshll.u32 v1, $0x3  }
0x26: {  	v2 =	vshll.u32 v2, $0x3  }
0x27: {  	v3 =	vor.u32 $0x1, v2  }
0x28: {  	v4 =	vor.u32 $0x1, v1  }
0x29: {  	v5 =	vor.u32 $0x2, v2  }
0x2a: {  	v7 =	vor.u32 $0x2, v1;
	v6 =	vld.idx.msk [tilespmem:v1+s3+$0x0], $0xffff  }
0x2b: {  	v8 =	vld.idx.msk [tilespmem:v2+s3+$0x0], $0xffff  }
0x2c: {  	v9 =	vld.idx.msk [tilespmem:v3+s3+$0x0], $0xffff  }
0x2d: {  	v10 =	vld.idx.msk [tilespmem:v4+s3+$0x0], $0xffff  }
0x2e: {  	v1 =	vld.idx.msk [tilespmem:v5+s3+$0x0], $0xffff  }
0x2f: {  	v3 =	vld.idx.msk [tilespmem:v7+s3+$0x0], $0xffff  }
0x30: {  	s26 =	simm.s32 $0x10  }
0x31: {  	v4 =	vld [tilespmem:s26+$0x14C10]  }
0x32: {  	s28 =	simm.s32 $0x80;
	v2 =	vld [tilespmem:s26+$0x13880];
	v5 =	vsub.f32 v8, v6;
	v6 =	vsub.f32 v9, v10  }
.LBB2_2:
0x33: {  	p0 =	sne.s32 s28, $0x4E00  }
0x34: {  	v1 =	vsub.f32 v1, v3;
	v5 =	vmul.f32 v5, v5;
	v6 =	vmul.f32 v6, v6;
	_ =	sdelay $0x1  }
0x35: {  	v1 =	vmul.f32 v1, v1;
	v3 =	vshll.u32 v4, $0x3;
	v4 =	vadd.f32 v6, v5  }
0x36: {  	v2 =	vshll.u32 v2, $0x3  }
0x37: {  	v5 =	vor.u32 $0x1, v2;
	v1 =	vadd.f32 v1, v4  }
0x38: {  	v4 =	vor.u32 $0x1, v3  }
0x39: {  	v6 =	vor.u32 $0x2, v2;
	[tilespmem:s25+$0x15FA0] =	vst v1;
	s25 =	smov.u32 s26  }
0x3a: {  	v7 =	vld.idx.msk [tilespmem:v3+s3+$0x0], $0xffff;
	v3 =	vor.u32 $0x2, v3  }
0x3b: {  	v8 =	vld.idx.msk [tilespmem:v2+s3+$0x0], $0xffff  }
0x3c: {  	v9 =	vld.idx.msk [tilespmem:v5+s3+$0x0], $0xffff  }
0x3d: {  	v10 =	vld.idx.msk [tilespmem:v4+s3+$0x0], $0xffff  }
0x3e: {  	v1 =	vld.idx.msk [tilespmem:v6+s3+$0x0], $0xffff  }
.Ltmp0:
0x3f: {  	v3 =	vld.idx.msk [tilespmem:v3+s3+$0x0], $0xffff;
	(pc) =	sbr.rel @p0 .LBB2_2-.Ltmp0, $4  }
0x40: {  	_ = 	snop  }
0x41: {  	s26 =	sshra.s32 s28, $0x2  }
0x42: {  	v4 =	vld [tilespmem:s26+$0x14C10]  }
0x43: {  	s28 =	sadd.s32 $0x40, s28;
	v5 =	vsub.f32 v8, v7;
	v6 =	vsub.f32 v9, v10;
	v2 =	vld [tilespmem:s26+$0x13880]  }
0x44: {  	_ = 	snop  }
0x45: {  	v1 =	vsub.f32 v1, v3;
	v5 =	vmul.f32 v5, v5;
	v6 =	vmul.f32 v6, v6;
	_ =	sdelay $0x1  }
0x46: {  	v1 =	vmul.f32 v1, v1;
	v3 =	vshll.u32 v4, $0x3;
	v60 =	vadd.f32 v6, v5  }
0x47: {  	v2 =	vshll.u32 v2, $0x3  }
0x48: {  	v62 =	vor.u32 $0x1, v3;
	v1 =	vadd.f32 v1, v60  }
0x49: {  	v61 =	vor.u32 $0x1, v2  }
0x4a: {  	v63 =	vor.u32 $0x2, v2;
	[tilespmem:s25+$0x15FA0] =	vst v1  }
0x4b: {  	v1 =	vld.idx.msk [tilespmem:v3+s3+$0x0], $0xffff;
	v3 =	vor.u32 $0x2, v3  }
0x4c: {  	v2 =	vld.idx.msk [tilespmem:v2+s3+$0x0], $0xffff  }
0x4d: {  	v4 =	vld.idx.msk [tilespmem:v62+s3+$0x0], $0xffff  }
0x4e: {  	v5 =	vld.idx.msk [tilespmem:v61+s3+$0x0], $0xffff  }
0x4f: {  	v6 =	vld.idx.msk [tilespmem:v63+s3+$0x0], $0xffff  }
0x50: {  	v3 =	vld.idx.msk [tilespmem:v3+s3+$0x0], $0xffff;
	_ =	sdelay $0x2  }
0x51: {  	v1 =	vsub.f32 v2, v1;
	v2 =	vsub.f32 v5, v4;
	_ =	sdelay $0x1  }
0x52: {  	v1 =	vmul.f32 v1, v1;
	v2 =	vmul.f32 v2, v2;
	v3 =	vsub.f32 v6, v3;
	_ =	sdelay $0x1  }
0x53: {  	v1 =	vadd.f32 v2, v1;
	v2 =	vmul.f32 v3, v3;
	_ =	sdelay $0x1  }
0x54: {  	v1 =	vadd.f32 v2, v1;
	_ =	sdelay $0x1  }
0x55: {  	[tilespmem:s26+$0x15FA0] =	vst v1  }
0x56: {  	[hbm4b:s7+s3] =	stream.linear.scatter [tilespmem:s15], [sflag:$0x2], $0x1388, $0x38;
	[tilespmem:$0x1C470] =	vst v63  }
0x57: {  	_ =	swait.ge [sflag:s12], $0x1388  }
0x58: {  	[sflag:s12] =	ssyncset.done $0x0  }
0x59: {  	[sflag:s12] =	ssyncadd.s32 $0xFFFFEC78  }
0x5a: {  	[tilespmem:s16], [sflag:$0x2] =	stream.linear.gather [hbm4b:s8+s3], $0x140, $0x38;
	[tilespmem:$0x1C470] =	vst v63  }
0x5b: {  	_ =	swait.ge [sflag:s12], $0x140  }
0x5c: {  	[sflag:s12] =	ssyncset.done $0x0  }
0x5d: {  	[sflag:s12] =	ssyncadd.s32 $0xFFFFFEC0  }
0x5e: {  	[tilespmem:s18], [sflag:$0x1] =	stream.indirect.gather [hbm4b:s2+s17], $0x80, s16, s17, $0xb8;
	[tilespmem:$0x1C470] =	vst v63  }
0x5f: {  	_ =	swait.ge [sflag:s19], $0x2800  }
0x60: {  	[sflag:s19] =	ssyncset.done $0x0  }
0x61: {  	[sflag:s19] =	ssyncadd.s32 $0xFFFFD800  }
0x62: {  	[tilespmem:s21], [sflag:$0x1] =	stream.indirect.gather [hbm4b:s2+s17], $0x80, s20, s17, $0xb8;
	[tilespmem:$0x1C470] =	vst v63  }
0x63: {  	_ =	swait.ge [sflag:s19], $0x2800  }
0x64: {  	[sflag:s19] =	ssyncset.done $0x0  }
0x65: {  	[sflag:s19] =	ssyncadd.s32 $0xFFFFD800  }
0x66: {  	[hbm4b:s9+s3] =	stream.linear.scatter [tilespmem:s18], [sflag:$0x2], $0x5000, $0x38;
	[tilespmem:$0x1C470] =	vst v63  }
0x67: {  	_ =	swait.ge [sflag:s12], $0x5000  }
0x68: {  	[sflag:s12] =	ssyncset.done $0x0  }
0x69: {  	[sflag:s12] =	ssyncadd.s32 $0xFFFFB000  }
0x6a: {  	[tilespmem:s18], [sflag:$0x1] =	stream.indirect.gather [hbm4b:s2+s17], $0x80, s22, s17, $0xb8;
	[tilespmem:$0x1C470] =	vst v63  }
0x6b: {  	_ =	swait.ge [sflag:s19], $0x2800  }
0x6c: {  	[sflag:s19] =	ssyncset.done $0x0  }
0x6d: {  	[sflag:s19] =	ssyncadd.s32 $0xFFFFD800  }
0x6e: {  	[tilespmem:s21], [sflag:$0x1] =	stream.indirect.gather [hbm4b:s2+s17], $0x80, s23, s17, $0xb8;
	[tilespmem:$0x1C470] =	vst v63  }
0x6f: {  	s24 =	sadd.s32 $0x1, s24;
	_ =	swait.ge [sflag:s19], $0x2800  }
0x70: {  	p0 =	sne.s32 s24, s11;
	[sflag:s19] =	ssyncset.done $0x0  }
.Ltmp1:
0x71: {  	[sflag:s19] =	ssyncadd.s32 $0xFFFFD800;
	(pc) =	sbr.rel @p0 .LBB2_1-.Ltmp1, $4  }
0x72: {  	[hbm4b:s10+s3] =	stream.linear.scatter [tilespmem:s18], [sflag:$0x2], $0x5000, $0x38;
	[tilespmem:$0x1C470] =	vst v63  }
0x73: {  	_ =	swait.ge [sflag:s12], $0x5000  }
0x74: {  	[sflag:s12] =	ssyncset.done $0x0  }
0x75: {  	[sflag:s12] =	ssyncadd.s32 $0xFFFFB000  }
0x76: {  	_ =	sfence.sel $0x180000  }
0x77: {  	[bflag:$0x0] =	sbarrier.arrive $0xFFFF  }
0x78: {  	p0 =	sne.s32 s1, $0x0;
	_ =	strace $0x90000047  }
0x79: {  	s0 =	sadd.s32 @!p0 $0x100000, s0;
	[bflag:$0x2] =	sbarrier.arrive $0xFFFF  }
0x7a: {  	[sflag:s0] =	ssyncadd.tile.s32 @!p0 $0x1;
	_ =	shalt  }
.Lfunc_end2:
_tile_overlayer_lowered:
.L_overlay_start_2:
0x7b: {  	(tag) =	ssettag $0x2  }
0x7c: {  	s0 =	rddreg [dreg:$0x0];
	s2 =	stileid.u32  }
0x7d: {  	s1 =	rddreg [dreg:$0x1];
	p0 =	sne.s32 s2, $0x0  }
0x7e: {  	s3 =	rddreg [dreg:$0x2];
	[bflag:$0x3] =	sbarrier.arrive $0xFFFF;
	s2 =	simm.s32 @!p0 $0x1C02  }
0x7f: {  	[timem:s3], [sflag:s2] =	dma.local @!p0 [hbm:s0], s1  }
0x80: {  	s0 =	simm.s32 @!p0 $0x2  }
0x81: {  	_ =	swait.ge @!p0 [sflag:s0], s1  }
0x82: {  	s1 =	ssub.s32 @!p0 $0x0, s1;
	[sflag:s0] =	ssyncset.done @!p0 $0x0  }
0x83: {  	[sflag:s0] =	ssyncadd.s32 @!p0 s1  }
0x84: {  	[bflag:$0x3] =	sbarrier.arrive $0xFFFF  }
0x85: {  	_ =	shalt  }

// kernel: kernel.14.cloned.1.call-start
scs
__scs_entry_jumppad:
0x0: {  	(pc) =	sbr.rel $0x88, $3  }
0x1: {  	(tag) =	ssettag $0x0;
	lr =	simm.s32 $0x1  }
0x2: {  	[smem:$0x3F94] =	sst lr;
	_ =	strace $0xD0000000  }
0x3: {  	_ = 	snop  }
0x4: {  	_ = 	snop  }
0x5: {  	_ = 	snop  }
0x6: {  	_ = 	snop  }
0x7: {  	_ = 	snop  }
__scs_overlays_trampoline_lowered:
0x8: {  	[smem:$0x3FA3] =	sst s0  }
0x9: {  	[smem:$0x3FA4] =	sst s1  }
0xa: {  	[smem:$0x3FA5] =	sst s2  }
0xb: {  	[smem:$0x3FA6] =	sst s3  }
0xc: {  	[smem:$0x3FA7] =	sst s4  }
0xd: {  	[smem:$0x3FA8] =	sst s5  }
0xe: {  	[smem:$0x3FA9] =	sst s6  }
0xf: {  	[smem:$0x3FAA] =	sst s7  }
0x10: {  	[smem:$0x3FAB] =	sst s8  }
0x11: {  	[smem:$0x3FAC] =	sst s9;
	s0 =	simm.s32 @!p0 $0x0  }
0x12: {  	s1 =	sld [smem:$0x3F92];
	s0 =	simm.s32 @p0 $0x1  }
0x13: {  	[smem:$0x3FAD] =	sst s0;
	s0 =	simm.s32 @!p1 $0x0  }
0x14: {  	s2 =	sld [smem:$0x3F91];
	s0 =	simm.s32 @p1 $0x1  }
0x15: {  	[smem:$0x3FAE] =	sst s0;
	s0 =	simm.s32 @!p2 $0x0  }
0x16: {  	s3 =	sld [smem:$0x3FDB];
	s0 =	simm.s32 @p2 $0x1  }
0x17: {  	s4 =	simm.s32 $0x1BF5;
	[smem:$0x3FB0] =	sst s0  }
0x18: {  	s0 =	sld [smem:$0x3F93];
	_ =	swait.ge [sflag:s4], $0x0  }
0x19: {  	s7 =	sld [smem:$0x3F94]  }
0x1a: {  	s8 =	sadd.s32 $0xFFFFE003, lr  }
0x1b: {  	s9 =	sadd.s32 $0xFFFFFEF7, lr;
	s5 =	simm.s32 $0xFFFFFFFF;
	p2 =	slt.u32 s8, $0xFFFFF086  }
0x1c: {  	p1 =	slt.u32 s9, $0xF7A;
	s5 =	simm.s32 @!p2 $0x0  }
0x1d: {  	s5 =	simm.s32 @p1 $0x1;
	p0 =	seq.s32 s7, s2  }
0x1e: {  	s7 =	smul.u32 @!p0 $0xF7A, s2;
	p2 =	seq.s32 @!p0 s5, $0x0  }
0x1f: {  	s9 =	smul.u32 $0xF7A, s1;
	s8 =	simm.s32 @!p0 $0x1BF5;
	p2 =	por !p2, p0  }
0x20: {  	[sflag:s8] =	ssyncset.s32 @!p0 $0xFFFFF086;
	s6 =	sadd.s32 @!p0 s3, s7;
	s7 =	simm.s32 @!p0 $0x108  }
0x21: {  	s3 =	sadd.s32 s3, s9;
	s6 =	sadd.s32 @!p0 $0x88, s6;
	s7 =	simm.s32 @p2 $0x1082  }
0x22: {  	[simem:s7], [sflag:s8] =	dma.local @!p0 [hbm:s6], $0xF7A  }
0x23: {  	s9 =	sor.u32 $0xD0000000, s2;
	s6 =	simm.s32 $0x108;
	_ =	swait.ge @!p0 [sflag:s8], $0x0  }
0x24: {  	s3 =	sadd.s32 $0x88, s3;
	s6 =	simm.s32 @!p1 $0x1082;
	[sflag:s4] =	ssyncset.s32 $0xFFFFF086  }
0x25: {  	[simem:s6], [sflag:s4] =	dma.local [hbm:s3], $0xF7A  }
0x26: {  	[smem:$0x3F94] =	sst s1;
	(tag) =	ssettag s2;
	_ =	strace s9  }
0x27: {  	s1 =	sld [smem:$0x3FA4]  }
0x28: {  	s2 =	sld [smem:$0x3FA5]  }
0x29: {  	s4 =	sld [smem:$0x3FA7]  }
0x2a: {  	p0 =	seq.s32 s5, $0x0;
	s5 =	sld [smem:$0x3FA8]  }
0x2b: {  	s6 =	sld [smem:$0x3FA9]  }
0x2c: {  	s7 =	sld [smem:$0x3FAA]  }
0x2d: {  	s3 =	simm.s32 $0x108;
	s8 =	sld [smem:$0x3FAB]  }
0x2e: {  	s3 =	simm.s32 @!p0 $0x1082;
	s9 =	sld [smem:$0x3FAC]  }
0x2f: {  	lr =	sadd.s32 s0, s3;
	s0 =	sld [smem:$0x3FA3]  }
0x30: {  	s3 =	sld [smem:$0x3FA6]  }
0x31: {  	[smem:$0x3FAF] =	sst s10  }
0x32: {  	s10 =	sld [smem:$0x3FAD];
	_ =	sdelay $0x3  }
0x33: {  	p0 =	seq.s32 s10, $0x1;
	s10 =	sld [smem:$0x3FAF];
	_ =	sdelay $0x3  }
0x34: {  	[smem:$0x3FAF] =	sst s10  }
0x35: {  	s10 =	sld [smem:$0x3FAE];
	_ =	sdelay $0x3  }
0x36: {  	p1 =	seq.s32 s10, $0x1;
	s10 =	sld [smem:$0x3FAF];
	_ =	sdelay $0x3  }
0x37: {  	[smem:$0x3FAF] =	sst s10  }
0x38: {  	s10 =	sld [smem:$0x3FB0]  }
0x39: {  	_ = 	snop;
	(pc) =	sbr.ind lr, $3  }
0x3a: {  	_ = 	snop  }
0x3b: {  	_ = 	snop  }
0x3c: {  	p2 =	seq.s32 s10, $0x1;
	s10 =	sld [smem:$0x3FAF]  }
0x3d: {  	_ =	shalt  }
0x3e: {  	_ =	shalt  }
0x3f: {  	_ =	shalt  }
0x40: {  	_ =	shalt  }
0x41: {  	_ =	shalt  }
0x42: {  	_ =	shalt  }
0x43: {  	_ =	shalt  }
0x44: {  	_ =	shalt  }
0x45: {  	_ =	shalt  }
0x46: {  	_ =	shalt  }
0x47: {  	_ =	shalt  }
0x48: {  	_ =	shalt  }
0x49: {  	_ =	shalt  }
0x4a: {  	_ =	shalt  }
0x4b: {  	_ =	shalt  }
0x4c: {  	_ =	shalt  }
0x4d: {  	_ =	shalt  }
0x4e: {  	_ =	shalt  }
0x4f: {  	_ =	shalt  }
0x50: {  	_ =	shalt  }
0x51: {  	_ =	shalt  }
0x52: {  	_ =	shalt  }
0x53: {  	_ =	shalt  }
0x54: {  	_ =	shalt  }
0x55: {  	_ =	shalt  }
0x56: {  	_ =	shalt  }
0x57: {  	_ =	shalt  }
0x58: {  	_ =	shalt  }
0x59: {  	_ =	shalt  }
0x5a: {  	_ =	shalt  }
0x5b: {  	_ =	shalt  }
0x5c: {  	_ =	shalt  }
0x5d: {  	_ =	shalt  }
0x5e: {  	_ =	shalt  }
0x5f: {  	_ =	shalt  }
0x60: {  	_ =	shalt  }
0x61: {  	_ =	shalt  }
0x62: {  	_ =	shalt  }
0x63: {  	_ =	shalt  }
0x64: {  	_ =	shalt  }
0x65: {  	_ =	shalt  }
0x66: {  	_ =	shalt  }
0x67: {  	_ =	shalt  }
0x68: {  	_ =	shalt  }
0x69: {  	_ =	shalt  }
0x6a: {  	_ =	shalt  }
0x6b: {  	_ =	shalt  }
0x6c: {  	_ =	shalt  }
0x6d: {  	_ =	shalt  }
0x6e: {  	_ =	shalt  }
0x6f: {  	_ =	shalt  }
0x70: {  	_ =	shalt  }
0x71: {  	_ =	shalt  }
0x72: {  	_ =	shalt  }
0x73: {  	_ =	shalt  }
0x74: {  	_ =	shalt  }
0x75: {  	_ =	shalt  }
0x76: {  	_ =	shalt  }
0x77: {  	_ =	shalt  }
0x78: {  	_ =	shalt  }
0x79: {  	_ =	shalt  }
0x7a: {  	_ =	shalt  }
0x7b: {  	_ =	shalt  }
0x7c: {  	_ =	shalt  }
0x7d: {  	_ =	shalt  }
0x7e: {  	_ =	shalt  }
0x7f: {  	_ =	shalt  }
0x80: {  	_ =	shalt  }
0x81: {  	_ =	shalt  }
0x82: {  	_ =	shalt  }
0x83: {  	_ =	shalt  }
0x84: {  	_ =	shalt  }
0x85: {  	_ =	shalt  }
0x86: {  	_ =	shalt  }
0x87: {  	_ =	shalt  }
.Lfunc_end0:
.L_simem_size_0:
called_computation.1_lowered:
.L_overlay_start_0:
0x88: {  	s2 =	sld [smem:$0x3FD9]  }
0x89: {  	s3 =	sld [smem:$0x3FFE];
	_ =	sdelay $0x1  }
0x8a: {  	s1 =	srdreg.scid  }
0x8b: {  	s0 =	sand.u32 $0x1, s1  }
0x8c: {  	s17 =	sshll.u32 s0, $0xA;
	s2 =	sadd.s32 s3, s2  }
0x8d: {  	s2 =	sadd.s32 s2, s17  }
0x8e: {  	[smem:$0x3FBB] =	sst s2  }
0x8f: {  	_ = 	snop  }
0x90: {  	s18 =	sld [smem:$0x3FC7]  }
0x91: {  	s4 =	sld [smem:$0x3FC6];
	(tm) =	ssettm $0x1  }
0x92: {  	s19 =	sld [smem:$0x3FFB];
	_ =	sdelay $0x3  }
0x93: {  	_ =	strace s19  }
0x94: {  	s2 =	sld [smem:$0x3FFC];
	_ =	sdelay $0x3  }
0x95: {  	_ =	strace s2  }
0x96: {  	s2 =	sld [smem:$0x3FFD];
	_ =	sdelay $0x3  }
0x97: {  	_ =	strace s2  }
0x98: {  	_ =	strace $0x8FFFFFFF  }
0x99: {  	s20 =	sld [smem:$0x3FDB];
	_ =	sdelay $0x1  }
0x9a: {  	s5 =	simm.s32 $_scs_section_size  }
0x9b: {  	s6 =	simm.s32 $_size__tile_overlayer_lowered;
	s7 =	simm.s32 $_tile_overlayer_lowered  }
0x9c: {  	s8 =	simm.s32 $0x1BFF;
	s21 =	sshll.u32 s7, $0x1;
	s5 =	sadd.s32 s5, s20  }
0x9d: {  	s22 =	simm.s32 $0x0;
	s6 =	sshll.u32 s6, $0x1;
	s7 =	sadd.s32 s21, s5  }
0x9e: {  	[timem:s22], [sflag:s8] =	dma.local [hbm:s7], s6  }
0x9f: {  	_ =	swait.ge [sflag:s8], s6  }
0xa0: {  	s6 =	ssub.s32 $0x0, s6;
	[sflag:s8] =	ssyncset.done $0x0  }
0xa1: {  	[sflag:s8] =	ssyncadd.s32 s6;
	_ =	sdelay $0x1  }
0xa2: {  	s23 =	simm.s32 $0x1B8B  }
0xa3: {  	_ =	swait.ge [sflag:s23], $0x1  }
0xa4: {  	[sflag:s23] =	ssyncset.done $0x0  }
0xa5: {  	[sflag:s23] =	ssyncadd.s32 $0xFFFFFFFF  }
0xa6: {  	s6 =	sld [smem:$0x0]  }
0xa7: {  	s7 =	sand.u32 $0xFFFFFFFE, s1  }
0xa8: {  	p0 =	sne.s32 s1, s7  }
0xa9: {  	s7 =	sshll.u32 @p0 s7, $0xE  }
0xaa: {  	s7 =	sadd.s32 @p0 $0x11B8D, s7;
	s8 =	sshll.u32 @p0 s6, $0x11  }
0xab: {  	s7 =	sor.u32 @p0 s8, s7  }
0xac: {  	[sflag:s7] =	ssyncadd.remote.s32 @p0 $0x1;
	_ =	sdelay $0x1  }
0xad: {  	s7 =	simm.s32 @p0 $0x1B8D  }
0xae: {  	_ =	swait.eq @p0 [sflag:s7], $0x1  }
0xaf: {  	[sflag:s7] =	ssyncadd.s32 @p0 $0xFFFFFFFF  }
0xb0: {  	s8 =	sshll.u32 @!p0 s1, $0xE  }
0xb1: {  	s8 =	sor.u32 @!p0 $0x4000, s8;
	s7 =	simm.s32 @!p0 $0x1B8D  }
0xb2: {  	s6 =	sshll.u32 @!p0 s6, $0x11;
	s8 =	sadd.s32 @!p0 $0x11B8D, s8;
	_ =	swait.eq @!p0 [sflag:s7], $0x1  }
0xb3: {  	s6 =	sor.u32 @!p0 s6, s8;
	[sflag:s7] =	ssyncadd.s32 @!p0 $0xFFFFFFFF  }
0xb4: {  	s25 =	simm.s32 $0x1B8E;
	s24 =	sld [smem:$0x3FFE];
	[sflag:s6] =	ssyncadd.remote.s32 @!p0 $0x1  }
0xb5: {  	s26 =	simm.s32 $execute0_lowered;
	[smem:$0x3FD2] =	sst s25  }
0xb6: {  	s7 =	sshll.u32 s26, $0x1;
	_ =	strace $0x80000049;
	[dreg:$0x1] =	wrdreg $0xFFFFFFFF  }
0xb7: {  	s28 =	simm.s32 $_size_execute0_lowered;
	s5 =	sadd.s32 s5, s7;
	[dreg:$0x0] =	wrdreg $0x0  }
0xb8: {  	s7 =	sshll.u32 s28, $0x1;
	[dreg:$0x2] =	wrdreg s5  }
0xb9: {  	[dreg:$0x3] =	wrdreg s7  }
0xba: {  	[dreg:$0x4] =	wrdreg $0xC0  }
0xbb: {  	_ =	task [dreg:s22], $0x5FFFF  }
0xbc: {  	[dreg:$0x1] =	wrdreg $0xFFFFFFFF  }
0xbd: {  	[dreg:$0x0] =	wrdreg $0x60  }
0xbe: {  	[dreg:$0x2] =	wrdreg s18  }
0xbf: {  	[dreg:$0x3] =	wrdreg s4  }
0xc0: {  	[dreg:$0x4] =	wrdreg s24  }
0xc1: {  	[dreg:$0x5] =	wrdreg $0xA  }
0xc2: {  	_ =	task.clear_ibuf [dreg:s22], $0x6FFFF;
	_ =	strace $0x90000049  }
0xc3: {  	s29 =	simm.s32 $0xA;
	_ =	strace $0x8000004B  }
0xc4: {  	_ =	swait.ge [sflag:s29], $0x1  }
0xc5: {  	[sflag:s29] =	ssyncadd.s32 $0xFFFFFFFF  }
0xc6: {  	_ =	strace $0x9000004B  }
0xc7: {  	_ =	sfence  }
0xc8: {  	s30 =	sld [smem:$0x0];
	_ =	sdelay $0x2  }
0xc9: {  	s31 =	sshll.u32 s1, $0xD;
	s1 =	sshrl.u32 s1, $0x2  }
0xca: {  	s4 =	sand.u32 $0x4000, s31;
	s1 =	sadd.s32 s1, s30  }
0xcb: {  	s0 =	sor.u32 s4, s0;
	s1 =	sshll.u32 s1, $0x11  }
0xcc: {  	s0 =	sor.u32 s1, s0  }
0xcd: {  	s0 =	sadd.s32 $0x8F2B, s0  }
0xce: {  	[sflag:s0] =	ssyncadd.remote.s32 $0x1  }
0xcf: {  	_ =	sfence.sel $0xFFFF  }
0xd0: {  	[dreg:$0x0] =	wrdreg $0xFFFFFFFF;
	(pc) =	sbr.abs _section_cstart, $3  }
0xd1: {  	[dreg:$0x1] =	wrdreg $0xFFFFFFFF  }
0xd2: {  	_ =	task.clear_ibuf [dreg:s22], $0x2FFFF;
	_ =	strace $0x9FFFFFFF  }
0xd3: {  	(tm) =	ssettm $0x7FFFFFFF  }
tec
execute0_lowered:
.L_overlay_start_1:
0x0: {  	(tag) =	ssettag $0x1  }
0x1: {  	s1 =	rddreg [dreg:$0x0];
	s2 =	srdreg.scid  }
0x2: {  	s0 =	stileid.u32;
	s3 =	rddreg [dreg:$0x1]  }
0x3: {  	s6 =	rddreg [dreg:$0x2];
	s4 =	simm.s32 $0x0;
	s11 =	simm.s32 $0xFA0  }
0x4: {  	s12 =	simm.s32 $0x25B0;
	s5 =	sand.u32 $0x1, s2;
	s30 =	sshll.u32 s0, $0x1  }
0x5: {  	s13 =	simm.s32 $0x3BC0;
	s14 =	simm.s32 $0x0;
	s7 =	sor.u32 s5, s30  }
0x6: {  	s2 =	rddreg [dreg:$0x3];
	s5 =	ssub.s32 $0x2, s5;
	s8 =	smul.u32 $0x2C0, s7  }
0x7: {  	[smem:$0x7FF] =	sst s4;
	s31 =	sshrl.u32 s5, $0x1;
	s10 =	smul.u32 $0xFFFFFEC7, s7  }
0x8: {  	_ =	strace $0x8000004A;
	s9 =	ssub.s32 s5, s31;
	s8 =	sadd.s32 s8, s6  }
0x9: {  	v0 =	vmov s10;
	s10 =	simm.s32 $0x7D0;
	s5 =	sadd.s32 $0x2EE00, s8;
	s6 =	sadd.s32 $0x34600, s8  }
0xa: {  	v1 =	vimm.s32 $0x0;
	v2 =	vimm.s32 $0x139;
	v3 =	vlaneseq.u32;
	s7 =	sadd.s32 $0x39E00, s8;
	s8 =	smax.u32 s9, $0x1;
	s9 =	simm.s32 $0x1  }
.LBB2_1:
0xb: {  	s15 =	simm.s32 $0x40;
	s16 =	simm.s32 $0x0  }
.LBB2_2:
0xc: {  	p0 =	sne.s32 s15, $0x5800;
	[tilespmem:s16+$0x3BC0] =	vst v2;
	s17 =	smov.u32 s15;
	s15 =	sadd.s32 $0x40, s15  }
.Ltmp0:
0xd: {  	[tilespmem:s16+$0xFA0] =	vst v1;
	(pc) =	sbr.rel @p0 .LBB2_2-.Ltmp0, $2  }
0xe: {  	[tilespmem:s16+$0x25B0] =	vst v1;
	_ =	sdelay $0x2  }
0xf: {  	s16 =	sshra.s32 s17, $0x2  }
0x10: {  	[tilespmem:s16+$0x3BC0] =	vst v2  }
0x11: {  	s15 =	simm.s32 $0x0;
	[tilespmem:s16+$0xFA0] =	vst v1  }
0x12: {  	[tilespmem:s16+$0x25B0] =	vst v1;
	s16 =	simm.s32 $0x0;
	s18 =	simm.s32 $0x0;
	s17 =	simm.s32 $0x0  }
.LBB2_4:
0x13: {  	s19 =	smul.u32 $0x7D0, s17;
	_ =	sdelay $0x1  }
0x14: {  	s19 =	sshrl.u32 s19, $0x3  }
0x15: {  	s20 =	sadd.s32 s1, s19  }
0x16: {  	[tilespmem:s15], [sflag:$0x1] =	stream.linear.gather [hbm4b:s20+s15], $0x7D0, $0x38;
	[tilespmem:$0x51D0] =	vst v63  }
0x17: {  	_ =	swait.ge [sflag:s9], $0x7D0  }
0x18: {  	[sflag:s9] =	ssyncset.done $0x0  }
0x19: {  	s19 =	sadd.s32 s3, s19;
	[sflag:s9] =	ssyncadd.s32 $0xFFFFF830  }
0x1a: {  	[tilespmem:s10], [sflag:$0x1] =	stream.linear.gather [hbm4b:s19+s15], $0x7D0, $0x38;
	[tilespmem:$0x51D0] =	vst v63  }
0x1b: {  	_ =	swait.ge [sflag:s9], $0x7D0  }
0x1c: {  	[sflag:s9] =	ssyncset.done $0x0  }
0x1d: {  	s31 =	simm.s32 $0x0;
	[sflag:s9] =	ssyncadd.s32 $0xFFFFF830  }
0x1e: {  	v4 =	vld [tilespmem:s31+$0x0];
	_ =	sdelay $0x4  }
0x1f: {  	v4 =	vadd.s32 v0, v4  }
0x20: {  	vm0 =	vlt.u32 v4, $0x139  }
0x21: {  	v5 =	vsel vm0, $0x1, v1  }
0x22: {  	(xrf0) =	vadd.scan.msk.s32 $0xffff, v5;
	_ =	sdelay $0x2  }
0x23: {  	v6 =	vld [tilespmem:s31+$0x7D0];
	v5 =	vor.u32 s16, v3;
	_ =	sdelay $0x2  }
0x24: {  	[tilespmem:s18+$0xFA0] =	vst.msk vm0, v5;
	v5, _, _ =	vpop (xrf0)  }
0x25: {  	(v2sf) =	vpush v5, $0xF  }
0x26: {  	[tilespmem:s18+$0x25B0] =	vst.msk vm0, v6  }
0x27: {  	s21 =	simm.s32 $0x10;
	[tilespmem:s18+$0x3BC0] =	vst.msk vm0, v4  }
0x28: {  	s20 =	simm.s32 $0x80;
	s19 =	smov.u32 s16;
	v4 =	vld [tilespmem:s21+$0x7D0]  }
.LBB2_5:
0x29: {  	p0 =	sne.s32 s20, $0x1F00;
	v5 =	vld [tilespmem:s21+$0x0];
	_ =	sdelay $0x4  }
0x2a: {  	v5 =	vadd.s32 v0, v5  }
0x2b: {  	vm0 =	vlt.u32 v5, $0x139  }
0x2c: {  	v6 =	vsel vm0, $0x1, v1  }
0x2d: {  	(xrf0) =	vadd.scan.msk.s32 $0xffff, v6;
	_ =	sdelay $0x2  }
0x2e: {  	s21 =	spop (v2sf)  }
0x2f: {  	s18 =	sadd.s32 s18, s21  }
0x30: {  	s19 =	sadd.s32 $0x10, s19;
	p1 =	slt.s32 s18, $0x1600  }
.Ltmp1:
0x31: {  	v6 =	vor.u32 s19, v3;
	v7, _, _ =	vpop (xrf0);
	s18 =	simm.s32 @!p1 $0x1600;
	(pc) =	sbr.rel @p0 .LBB2_5-.Ltmp1, $4  }
0x32: {  	[tilespmem:s18+$0xFA0] =	vst.msk vm0, v6;
	(v2sf) =	vpush v7, $0xF  }
0x33: {  	[tilespmem:s18+$0x25B0] =	vst.msk vm0, v4  }
0x34: {  	s21 =	sshra.s32 s20, $0x2;
	[tilespmem:s18+$0x3BC0] =	vst.msk vm0, v5  }
0x35: {  	s20 =	sadd.s32 $0x40, s20;
	v4 =	vld [tilespmem:s21+$0x7D0]  }
0x36: {  	v5 =	vld [tilespmem:s21+$0x0];
	_ =	sdelay $0x4  }
0x37: {  	v5 =	vadd.s32 v0, v5  }
0x38: {  	vm0 =	vlt.u32 v5, $0x139  }
0x39: {  	v6 =	vsel vm0, $0x1, v1  }
0x3a: {  	(xrf0) =	vadd.scan.msk.s32 $0xffff, v6;
	_ =	sdelay $0x5  }
0x3b: {  	v6, _, _ =	vpop (xrf0)  }
0x3c: {  	(v2sf) =	vpush v6, $0xF;
	_ =	sdelay $0xb  }
0x3d: {  	s17 =	sadd.s32 $0x1, s17;
	s20 =	spop (v2sf)  }
0x3e: {  	p1 =	sne.s32 s17, $0x50;
	s20 =	sadd.s32 s18, s20  }
.Ltmp2:
0x3f: {  	s30 =	sadd.s32 $0x10, s19;
	p0 =	slt.s32 s20, $0x1600;
	(pc) =	sbr.rel @p1 .LBB2_4-.Ltmp2, $4  }
0x40: {  	v63 =	vor.u32 s30, v3;
	s20 =	simm.s32 @!p0 $0x1600;
	s31 =	spop (v2sf)  }
0x41: {  	[tilespmem:s20+$0xFA0] =	vst.msk vm0, v63;
	s18 =	sadd.s32 s20, s31  }
0x42: {  	[tilespmem:s20+$0x25B0] =	vst.msk vm0, v4;
	p0 =	slt.s32 s18, $0x1600  }
0x43: {  	s16 =	sadd.s32 $0x7D0, s16;
	[tilespmem:s20+$0x3BC0] =	vst.msk vm0, v5;
	s18 =	simm.s32 @!p0 $0x1600  }
0x44: {  	[hbm4b:s5+s4] =	stream.linear.scatter [tilespmem:s11], [sflag:$0x1], $0x1600, $0x38;
	[tilespmem:$0x51D0] =	vst v63  }
0x45: {  	_ =	swait.ge [sflag:s9], $0x1600  }
0x46: {  	[sflag:s9] =	ssyncset.done $0x0  }
0x47: {  	[sflag:s9] =	ssyncadd.s32 $0xFFFFEA00  }
0x48: {  	[hbm4b:s6+s4] =	stream.linear.scatter [tilespmem:s12], [sflag:$0x1], $0x1600, $0x38;
	[tilespmem:$0x51D0] =	vst v63  }
0x49: {  	s14 =	sadd.s32 $0x1, s14;
	_ =	swait.ge [sflag:s9], $0x1600  }
0x4a: {  	p0 =	sne.s32 s14, s8;
	[sflag:s9] =	ssyncset.done $0x0  }
.Ltmp3:
0x4b: {  	[sflag:s9] =	ssyncadd.s32 $0xFFFFEA00;
	(pc) =	sbr.rel @p0 .LBB2_1-.Ltmp3, $4  }
0x4c: {  	[hbm4b:s7+s4] =	stream.linear.scatter [tilespmem:s13], [sflag:$0x1], $0x1600, $0x38;
	[tilespmem:$0x51D0] =	vst v63  }
0x4d: {  	_ =	swait.ge [sflag:s9], $0x1600  }
0x4e: {  	[sflag:s9] =	ssyncset.done $0x0  }
0x4f: {  	[sflag:s9] =	ssyncadd.s32 $0xFFFFEA00  }
0x50: {  	_ =	sfence.sel $0x180000  }
0x51: {  	[bflag:$0x0] =	sbarrier.arrive $0xFFFF  }
0x52: {  	p0 =	sne.s32 s0, $0x0;
	_ =	strace $0x9000004A  }
0x53: {  	s0 =	sadd.s32 @!p0 $0x100000, s2;
	[bflag:$0x2] =	sbarrier.arrive $0xFFFF  }
0x54: {  	[sflag:s0] =	ssyncadd.tile.s32 @!p0 $0x1;
	_ =	shalt  }
.Lfunc_end2:
_tile_overlayer_lowered:
.L_overlay_start_2:
0x55: {  	(tag) =	ssettag $0x2  }
0x56: {  	s0 =	rddreg [dreg:$0x0];
	s2 =	stileid.u32  }
0x57: {  	s1 =	rddreg [dreg:$0x1];
	p0 =	sne.s32 s2, $0x0  }
0x58: {  	s3 =	rddreg [dreg:$0x2];
	[bflag:$0x3] =	sbarrier.arrive $0xFFFF;
	s2 =	simm.s32 @!p0 $0x1C01  }
0x59: {  	[timem:s3], [sflag:s2] =	dma.local @!p0 [hbm:s0], s1  }
0x5a: {  	s0 =	simm.s32 @!p0 $0x1  }
0x5b: {  	_ =	swait.ge @!p0 [sflag:s0], s1  }
0x5c: {  	s1 =	ssub.s32 @!p0 $0x0, s1;
	[sflag:s0] =	ssyncset.done @!p0 $0x0  }
0x5d: {  	[sflag:s0] =	ssyncadd.s32 @!p0 s1  }
0x5e: {  	[bflag:$0x3] =	sbarrier.arrive $0xFFFF  }
0x5f: {  	_ =	shalt  }

// kernel: kernel.17.cloned.1.call-start
scs
__scs_entry_jumppad:
0x0: {  	(pc) =	sbr.rel $0x88, $3  }
0x1: {  	(tag) =	ssettag $0x0;
	lr =	simm.s32 $0x1  }
0x2: {  	[smem:$0x3F94] =	sst lr;
	_ =	strace $0xD0000000  }
0x3: {  	_ = 	snop  }
0x4: {  	_ = 	snop  }
0x5: {  	_ = 	snop  }
0x6: {  	_ = 	snop  }
0x7: {  	_ = 	snop  }
__scs_overlays_trampoline_lowered:
0x8: {  	[smem:$0x3FA3] =	sst s0  }
0x9: {  	[smem:$0x3FA4] =	sst s1  }
0xa: {  	[smem:$0x3FA5] =	sst s2  }
0xb: {  	[smem:$0x3FA6] =	sst s3  }
0xc: {  	[smem:$0x3FA7] =	sst s4  }
0xd: {  	[smem:$0x3FA8] =	sst s5  }
0xe: {  	[smem:$0x3FA9] =	sst s6  }
0xf: {  	[smem:$0x3FAA] =	sst s7  }
0x10: {  	[smem:$0x3FAB] =	sst s8  }
0x11: {  	[smem:$0x3FAC] =	sst s9;
	s0 =	simm.s32 @!p0 $0x0  }
0x12: {  	s1 =	sld [smem:$0x3F92];
	s0 =	simm.s32 @p0 $0x1  }
0x13: {  	[smem:$0x3FAD] =	sst s0;
	s0 =	simm.s32 @!p1 $0x0  }
0x14: {  	s2 =	sld [smem:$0x3F91];
	s0 =	simm.s32 @p1 $0x1  }
0x15: {  	[smem:$0x3FAE] =	sst s0;
	s0 =	simm.s32 @!p2 $0x0  }
0x16: {  	s3 =	sld [smem:$0x3FDB];
	s0 =	simm.s32 @p2 $0x1  }
0x17: {  	s4 =	simm.s32 $0x1BF5;
	[smem:$0x3FB0] =	sst s0  }
0x18: {  	s0 =	sld [smem:$0x3F93];
	_ =	swait.ge [sflag:s4], $0x0  }
0x19: {  	s7 =	sld [smem:$0x3F94]  }
0x1a: {  	s8 =	sadd.s32 $0xFFFFE003, lr  }
0x1b: {  	s9 =	sadd.s32 $0xFFFFFEF7, lr;
	s5 =	simm.s32 $0xFFFFFFFF;
	p2 =	slt.u32 s8, $0xFFFFF086  }
0x1c: {  	p1 =	slt.u32 s9, $0xF7A;
	s5 =	simm.s32 @!p2 $0x0  }
0x1d: {  	s5 =	simm.s32 @p1 $0x1;
	p0 =	seq.s32 s7, s2  }
0x1e: {  	s7 =	smul.u32 @!p0 $0xF7A, s2;
	p2 =	seq.s32 @!p0 s5, $0x0  }
0x1f: {  	s9 =	smul.u32 $0xF7A, s1;
	s8 =	simm.s32 @!p0 $0x1BF5;
	p2 =	por !p2, p0  }
0x20: {  	[sflag:s8] =	ssyncset.s32 @!p0 $0xFFFFF086;
	s6 =	sadd.s32 @!p0 s3, s7;
	s7 =	simm.s32 @!p0 $0x108  }
0x21: {  	s3 =	sadd.s32 s3, s9;
	s6 =	sadd.s32 @!p0 $0x88, s6;
	s7 =	simm.s32 @p2 $0x1082  }
0x22: {  	[simem:s7], [sflag:s8] =	dma.local @!p0 [hbm:s6], $0xF7A  }
0x23: {  	s9 =	sor.u32 $0xD0000000, s2;
	s6 =	simm.s32 $0x108;
	_ =	swait.ge @!p0 [sflag:s8], $0x0  }
0x24: {  	s3 =	sadd.s32 $0x88, s3;
	s6 =	simm.s32 @!p1 $0x1082;
	[sflag:s4] =	ssyncset.s32 $0xFFFFF086  }
0x25: {  	[simem:s6], [sflag:s4] =	dma.local [hbm:s3], $0xF7A  }
0x26: {  	[smem:$0x3F94] =	sst s1;
	(tag) =	ssettag s2;
	_ =	strace s9  }
0x27: {  	s1 =	sld [smem:$0x3FA4]  }
0x28: {  	s2 =	sld [smem:$0x3FA5]  }
0x29: {  	s4 =	sld [smem:$0x3FA7]  }
0x2a: {  	p0 =	seq.s32 s5, $0x0;
	s5 =	sld [smem:$0x3FA8]  }
0x2b: {  	s6 =	sld [smem:$0x3FA9]  }
0x2c: {  	s7 =	sld [smem:$0x3FAA]  }
0x2d: {  	s3 =	simm.s32 $0x108;
	s8 =	sld [smem:$0x3FAB]  }
0x2e: {  	s3 =	simm.s32 @!p0 $0x1082;
	s9 =	sld [smem:$0x3FAC]  }
0x2f: {  	lr =	sadd.s32 s0, s3;
	s0 =	sld [smem:$0x3FA3]  }
0x30: {  	s3 =	sld [smem:$0x3FA6]  }
0x31: {  	[smem:$0x3FAF] =	sst s10  }
0x32: {  	s10 =	sld [smem:$0x3FAD];
	_ =	sdelay $0x3  }
0x33: {  	p0 =	seq.s32 s10, $0x1;
	s10 =	sld [smem:$0x3FAF];
	_ =	sdelay $0x3  }
0x34: {  	[smem:$0x3FAF] =	sst s10  }
0x35: {  	s10 =	sld [smem:$0x3FAE];
	_ =	sdelay $0x3  }
0x36: {  	p1 =	seq.s32 s10, $0x1;
	s10 =	sld [smem:$0x3FAF];
	_ =	sdelay $0x3  }
0x37: {  	[smem:$0x3FAF] =	sst s10  }
0x38: {  	s10 =	sld [smem:$0x3FB0]  }
0x39: {  	_ = 	snop;
	(pc) =	sbr.ind lr, $3  }
0x3a: {  	_ = 	snop  }
0x3b: {  	_ = 	snop  }
0x3c: {  	p2 =	seq.s32 s10, $0x1;
	s10 =	sld [smem:$0x3FAF]  }
0x3d: {  	_ =	shalt  }
0x3e: {  	_ =	shalt  }
0x3f: {  	_ =	shalt  }
0x40: {  	_ =	shalt  }
0x41: {  	_ =	shalt  }
0x42: {  	_ =	shalt  }
0x43: {  	_ =	shalt  }
0x44: {  	_ =	shalt  }
0x45: {  	_ =	shalt  }
0x46: {  	_ =	shalt  }
0x47: {  	_ =	shalt  }
0x48: {  	_ =	shalt  }
0x49: {  	_ =	shalt  }
0x4a: {  	_ =	shalt  }
0x4b: {  	_ =	shalt  }
0x4c: {  	_ =	shalt  }
0x4d: {  	_ =	shalt  }
0x4e: {  	_ =	shalt  }
0x4f: {  	_ =	shalt  }
0x50: {  	_ =	shalt  }
0x51: {  	_ =	shalt  }
0x52: {  	_ =	shalt  }
0x53: {  	_ =	shalt  }
0x54: {  	_ =	shalt  }
0x55: {  	_ =	shalt  }
0x56: {  	_ =	shalt  }
0x57: {  	_ =	shalt  }
0x58: {  	_ =	shalt  }
0x59: {  	_ =	shalt  }
0x5a: {  	_ =	shalt  }
0x5b: {  	_ =	shalt  }
0x5c: {  	_ =	shalt  }
0x5d: {  	_ =	shalt  }
0x5e: {  	_ =	shalt  }
0x5f: {  	_ =	shalt  }
0x60: {  	_ =	shalt  }
0x61: {  	_ =	shalt  }
0x62: {  	_ =	shalt  }
0x63: {  	_ =	shalt  }
0x64: {  	_ =	shalt  }
0x65: {  	_ =	shalt  }
0x66: {  	_ =	shalt  }
0x67: {  	_ =	shalt  }
0x68: {  	_ =	shalt  }
0x69: {  	_ =	shalt  }
0x6a: {  	_ =	shalt  }
0x6b: {  	_ =	shalt  }
0x6c: {  	_ =	shalt  }
0x6d: {  	_ =	shalt  }
0x6e: {  	_ =	shalt  }
0x6f: {  	_ =	shalt  }
0x70: {  	_ =	shalt  }
0x71: {  	_ =	shalt  }
0x72: {  	_ =	shalt  }
0x73: {  	_ =	shalt  }
0x74: {  	_ =	shalt  }
0x75: {  	_ =	shalt  }
0x76: {  	_ =	shalt  }
0x77: {  	_ =	shalt  }
0x78: {  	_ =	shalt  }
0x79: {  	_ =	shalt  }
0x7a: {  	_ =	shalt  }
0x7b: {  	_ =	shalt  }
0x7c: {  	_ =	shalt  }
0x7d: {  	_ =	shalt  }
0x7e: {  	_ =	shalt  }
0x7f: {  	_ =	shalt  }
0x80: {  	_ =	shalt  }
0x81: {  	_ =	shalt  }
0x82: {  	_ =	shalt  }
0x83: {  	_ =	shalt  }
0x84: {  	_ =	shalt  }
0x85: {  	_ =	shalt  }
0x86: {  	_ =	shalt  }
0x87: {  	_ =	shalt  }
.Lfunc_end0:
.L_simem_size_0:
called_computation.2_lowered:
.L_overlay_start_0:
0x88: {  	s2 =	sld [smem:$0x3FD9]  }
0x89: {  	s3 =	sld [smem:$0x3FFE];
	_ =	sdelay $0x1  }
0x8a: {  	s1 =	srdreg.scid  }
0x8b: {  	s0 =	sand.u32 $0x1, s1  }
0x8c: {  	s16 =	sshll.u32 s0, $0xA;
	s2 =	sadd.s32 s3, s2  }
0x8d: {  	s2 =	sadd.s32 s2, s16  }
0x8e: {  	[smem:$0x3FBB] =	sst s2  }
0x8f: {  	_ = 	snop  }
0x90: {  	(tm) =	ssettm $0x1  }
0x91: {  	s17 =	sld [smem:$0x3FFB];
	_ =	sdelay $0x3  }
0x92: {  	_ =	strace s17  }
0x93: {  	s2 =	sld [smem:$0x3FFC];
	_ =	sdelay $0x3  }
0x94: {  	_ =	strace s2  }
0x95: {  	s2 =	sld [smem:$0x3FFD];
	_ =	sdelay $0x3  }
0x96: {  	_ =	strace s2  }
0x97: {  	_ =	strace $0x8FFFFFFF  }
0x98: {  	s18 =	sld [smem:$0x3FDB];
	_ =	sdelay $0x1  }
0x99: {  	s19 =	simm.s32 $_scs_section_size  }
0x9a: {  	s4 =	simm.s32 $_size__tile_overlayer_lowered;
	s5 =	simm.s32 $_tile_overlayer_lowered  }
0x9b: {  	s22 =	simm.s32 $0x1BFF;
	s21 =	sshll.u32 s5, $0x1;
	s2 =	sadd.s32 s19, s18  }
0x9c: {  	s6 =	simm.s32 $0x0;
	s20 =	sshll.u32 s4, $0x1;
	s4 =	sadd.s32 s21, s2  }
0x9d: {  	[timem:s6], [sflag:s22] =	dma.local [hbm:s4], s20  }
0x9e: {  	_ =	swait.ge [sflag:s22], s20  }
0x9f: {  	s3 =	ssub.s32 $0x0, s20;
	[sflag:s22] =	ssyncset.done $0x0  }
0xa0: {  	[sflag:s22] =	ssyncadd.s32 s3;
	_ =	sdelay $0x1  }
0xa1: {  	s23 =	simm.s32 $0x1B8B  }
0xa2: {  	_ =	swait.ge [sflag:s23], $0x1  }
0xa3: {  	[sflag:s23] =	ssyncset.done $0x0  }
0xa4: {  	s25 =	simm.s32 $0x1B8E;
	s24 =	sld [smem:$0x3FFE];
	[sflag:s23] =	ssyncadd.s32 $0xFFFFFFFF  }
0xa5: {  	s26 =	simm.s32 $execute0_lowered;
	[smem:$0x3FD2] =	sst s25  }
0xa6: {  	s4 =	sshll.u32 s26, $0x1;
	_ =	strace $0x8000004C;
	[dreg:$0x1] =	wrdreg $0xFFFFFFFF  }
0xa7: {  	s28 =	simm.s32 $_size_execute0_lowered;
	s2 =	sadd.s32 s2, s4;
	[dreg:$0x0] =	wrdreg $0x0  }
0xa8: {  	s4 =	sshll.u32 s28, $0x1;
	[dreg:$0x2] =	wrdreg s2  }
0xa9: {  	[dreg:$0x3] =	wrdreg s4  }
0xaa: {  	[dreg:$0x4] =	wrdreg $0xC0  }
0xab: {  	_ =	task [dreg:s6], $0x5FFFF  }
0xac: {  	[dreg:$0x1] =	wrdreg $0xFFFFFFFF  }
0xad: {  	[dreg:$0x0] =	wrdreg $0x60  }
0xae: {  	[dreg:$0x2] =	wrdreg s24  }
0xaf: {  	[dreg:$0x3] =	wrdreg $0x9  }
0xb0: {  	_ =	task.clear_ibuf [dreg:s6], $0x4FFFF;
	_ =	strace $0x9000004C  }
0xb1: {  	s29 =	simm.s32 $0x9;
	_ =	strace $0x8000004E  }
0xb2: {  	_ =	swait.ge [sflag:s29], $0x1  }
0xb3: {  	[sflag:s29] =	ssyncadd.s32 $0xFFFFFFFF  }
0xb4: {  	_ =	strace $0x9000004E  }
0xb5: {  	_ =	sfence  }
0xb6: {  	s30 =	sld [smem:$0x0];
	_ =	sdelay $0x2  }
0xb7: {  	s31 =	sshll.u32 s1, $0xD;
	s1 =	sshrl.u32 s1, $0x2  }
0xb8: {  	s3 =	sand.u32 $0x4000, s31;
	s1 =	sadd.s32 s1, s30  }
0xb9: {  	s0 =	sor.u32 s3, s0;
	s1 =	sshll.u32 s1, $0x11  }
0xba: {  	s0 =	sor.u32 s1, s0  }
0xbb: {  	s0 =	sadd.s32 $0x8F2B, s0  }
0xbc: {  	[sflag:s0] =	ssyncadd.remote.s32 $0x1  }
0xbd: {  	_ =	sfence.sel $0xFFFF  }
0xbe: {  	[dreg:$0x0] =	wrdreg $0xFFFFFFFF;
	(pc) =	sbr.abs _section_cstart, $3  }
0xbf: {  	[dreg:$0x1] =	wrdreg $0xFFFFFFFF  }
0xc0: {  	_ =	task.clear_ibuf [dreg:s6], $0x2FFFF;
	_ =	strace $0x9FFFFFFF  }
0xc1: {  	(tm) =	ssettm $0x7FFFFFFF  }
tec
execute0_lowered:
.L_overlay_start_1:
0x0: {  	(tag) =	ssettag $0x1  }
0x1: {  	s5 =	rddreg [dreg:$0x0]  }
0x2: {  	s3 =	srdreg.scid;
	s0 =	stileid.u32;
	s2 =	simm.s32 $0x0  }
0x3: {  	s11 =	simm.s32 $0x5;
	s12 =	simm.s32 $0x11600;
	s13 =	simm.s32 $0x12C00  }
0x4: {  	s14 =	simm.s32 $0x80;
	s15 =	simm.s32 $0x4000;
	s16 =	simm.s32 $0x1  }
0x5: {  	s17 =	simm.s32 $0x2;
	s18 =	simm.s32 $0x8000;
	s19 =	simm.s32 $0xC000  }
0x6: {  	s20 =	simm.s32 $0x14200;
	s4 =	sand.u32 $0x1, s3;
	s31 =	sshll.u32 s0, $0x1  }
0x7: {  	s21 =	simm.s32 $0x3;
	s22 =	simm.s32 $0x4;
	s6 =	sor.u32 s4, s31  }
0x8: {  	s23 =	simm.s32 $0x0;
	[smem:$0x7FF] =	sst s2;
	s7 =	smul.u32 $0x2C0, s6  }
0x9: {  	s3 =	sadd.s32 $0x2D7800, s5;
	s8 =	ssub.s32 $0x2, s4;
	s6 =	smul.u32 $0x1390, s6  }
0xa: {  	_ =	strace $0x8000004D;
	s4 =	sadd.s32 $0x2B0600, s5;
	s9 =	sshrl.u32 s8, $0x1  }
0xb: {  	s9 =	ssub.s32 s8, s9;
	s7 =	sadd.s32 s7, s5;
	s10 =	sadd.s32 s6, s5  }
0xc: {  	v1 =	vlaneseq.u32;
	v2 =	vimm.s32 $0x0;
	vm0 =	vcmask $0x300;
	s9 =	smax.u32 s9, $0x1;
	s5 =	sadd.s32 $0x2EE00, s7;
	s6 =	sadd.s32 $0x34600, s7  }
0xd: {  	v0 =	vimm.f32 $0.0e+00;
	v1 =	vmul.u32 $0x80, v1;
	v2 =	vsel vm0, $0x3, v2;
	s7 =	sadd.s32 $0x39E00, s7;
	s8 =	sadd.s32 $0x3F600, s10;
	s10 =	simm.s32 $0x10000  }
.LBB2_1:
0xe: {  	s24 =	simm.s32 $0x0;
	s25 =	simm.s32 $0x200  }
.LBB2_2:
0xf: {  	p0 =	sne.s32 s25, $0x27200;
	[tilespmem:s24+$0x14270] =	vst v0  }
0x10: {  	[tilespmem:s24+$0x14200] =	vst v0  }
0x11: {  	[tilespmem:s24+$0x14210] =	vst v0  }
.Ltmp0:
0x12: {  	[tilespmem:s24+$0x14220] =	vst v0;
	(pc) =	sbr.rel @p0 .LBB2_2-.Ltmp0, $4  }
0x13: {  	[tilespmem:s24+$0x14230] =	vst v0  }
0x14: {  	[tilespmem:s24+$0x14240] =	vst v0  }
0x15: {  	[tilespmem:s24+$0x14250] =	vst v0  }
0x16: {  	[tilespmem:s24+$0x14260] =	vst v0;
	s24 =	sshra.s32 s25, $0x2;
	s25 =	sadd.s32 $0x200, s25  }
0x17: {  	[tilespmem:s24+$0x14270] =	vst v0  }
0x18: {  	[tilespmem:s24+$0x14200] =	vst v0  }
0x19: {  	[tilespmem:s24+$0x14210] =	vst v0  }
0x1a: {  	[tilespmem:s24+$0x14220] =	vst v0  }
0x1b: {  	[tilespmem:s24+$0x14230] =	vst v0  }
0x1c: {  	[tilespmem:s24+$0x14240] =	vst v0  }
0x1d: {  	[tilespmem:s24+$0x14250] =	vst v0  }
0x1e: {  	[tilespmem:s24+$0x14260] =	vst v0;
	s24 =	simm.s32 $0x0  }
0x1f: {  	[tilespmem:s10], [sflag:$0x5] =	stream.linear.gather [hbm4b:s5+s24], $0x1600, $0x38;
	[tilespmem:$0x1DF00] =	vst v63  }
0x20: {  	_ =	swait.ge [sflag:s11], $0x1600  }
0x21: {  	[sflag:s11] =	ssyncset.done $0x0  }
0x22: {  	[sflag:s11] =	ssyncadd.s32 $0xFFFFEA00  }
0x23: {  	[tilespmem:s12], [sflag:$0x5] =	stream.linear.gather [hbm4b:s6+s24], $0x1600, $0x38;
	[tilespmem:$0x1DF00] =	vst v63  }
0x24: {  	_ =	swait.ge [sflag:s11], $0x1600  }
0x25: {  	[sflag:s11] =	ssyncset.done $0x0  }
0x26: {  	[sflag:s11] =	ssyncadd.s32 $0xFFFFEA00  }
0x27: {  	[tilespmem:s13], [sflag:$0x5] =	stream.linear.gather [hbm4b:s7+s24], $0x1600, $0x38;
	[tilespmem:$0x1DF00] =	vst v63  }
0x28: {  	_ =	swait.ge [sflag:s11], $0x1600  }
0x29: {  	[sflag:s11] =	ssyncset.done $0x0  }
0x2a: {  	[sflag:s11] =	ssyncadd.s32 $0xFFFFEA00  }
0x2b: {  	[tilespmem:s24], [sflag:$0x1] =	stream.indirect.gather [hbm4b:s3+s14], $0x80, s10, s14, $0xb8;
	[tilespmem:$0x1DF00] =	vst v63  }
0x2c: {  	_ = 	snop  }
0x2d: {  	[tilespmem:s15], [sflag:$0x2] =	stream.indirect.gather [hbm4b:s4+s14], $0x80, s12, s14, $0xb8;
	[tilespmem:$0x1DF00] =	vst v63  }
.LBB2_4:
0x2e: {  	_ =	swait.ge [sflag:s16], $0x4000  }
0x2f: {  	[sflag:s16] =	ssyncset.done $0x0  }
0x30: {  	[sflag:s16] =	ssyncadd.s32 $0xFFFFC000  }
0x31: {  	s25 =	sshll.u32 s24, $0x8;
	_ =	swait.ge [sflag:s17], $0x4000  }
0x32: {  	s31 =	sand.u32 $0x3FFFFF00, s25;
	[sflag:s17] =	ssyncset.done $0x0  }
0x33: {  	s26 =	sadd.s32 $0x10080, s25;
	s28 =	sadd.s32 $0x12C00, s31;
	[sflag:s17] =	ssyncadd.s32 $0xFFFFC000  }
0x34: {  	[tilespmem:s18], [sflag:$0x3] =	stream.indirect.gather [hbm4b:s3+s14], $0x80, s26, s14, $0xb8;
	[tilespmem:$0x1DF00] =	vst v63  }
0x35: {  	s30 =	sadd.s32 $0x11680, s25;
	v3 =	vmov s28;
	s28 =	simm.s32 $0x0;
	s26 =	sor.u32 $0x80, s25  }
0x36: {  	[tilespmem:s19], [sflag:$0x4] =	stream.indirect.gather [hbm4b:s4+s14], $0x80, s30, s14, $0xb8;
	[tilespmem:$0x1DF00] =	vst v63  }
.LBB2_5:
0x37: {  	s30 =	simm.s32 $0x9  }
0x38: {  	s29 =	sshll.u32 s28, $0x4;
	s0 =	simm.s32 $0x8;
	v5 =	vmov s30  }
0x39: {  	s31 =	simm.s32 $0x0;
	v4 =	vmov s29;
	v7 =	vmov s0;
	v6 =	vshrl.u32 v5, $0x3  }
0x3a: {  	v8 =	vmov s31;
	v4 =	vshll.u32 v4, $0x7;
	v6 =	vshll.u32 v6, v2  }
0x3b: {  	v7 =	vshrl.u32 v7, $0x3;
	v4 =	vor.u32 v1, v4;
	v19 =	vbroadcast v6, $0x0  }
0x3c: {  	v7 =	vshll.u32 v7, v2;
	v5 =	vor.u32 $0x1, v4;
	v6 =	vshrl.u32 v8, $0x3  }
0x3d: {  	s1 =	simm.s32 $0xF;
	v23 =	vbroadcast v7, $0x0;
	v6 =	vshll.u32 v6, v2;
	v9 =	vor.u32 v19, v5  }
0x3e: {  	v8 =	vmov s1;
	v15 =	vbroadcast v6, $0x0  }
0x3f: {  	v7 =	vshrl.u32 v8, $0x3;
	v6 =	vor.u32 $0x6, v4;
	v18 =	vor.u32 v4, v23  }
0x40: {  	v7 =	vshll.u32 v7, v2;
	v8 =	vor.u32 v15, v6  }
0x41: {  	v10 =	vld.idx.msk [tilespmem:v3+s29+$0x0 ss:$0x1], $0xffff;
	v11 =	vbroadcast v7, $0x0;
	v7 =	vor.u32 $0x7, v4  }
0x42: {  	v14 =	vor.u32 v15, v7;
	v20 =	vld.idx.msk [tilespmem:v9+s15+$0x0], $0xffff  }
0x43: {  	v17 =	vor.u32 v15, v5;
	v21 =	vld.idx.msk [tilespmem:v9+s2+$0x0], $0xffff  }
0x44: {  	v16 =	vld.idx.msk [tilespmem:v18+s2+$0x0], $0xffff  }
0x45: {  	v29 =	vor.u32 v4, v15;
	v22 =	vld.idx.msk [tilespmem:v8+s15+$0x0], $0xffff  }
0x46: {  	s29 =	simm.s32 $0xB;
	v12 =	vor.u32 v11, v7;
	v24 =	vld.idx.msk [tilespmem:v8+s2+$0x0], $0xffff  }
0x47: {  	v13 =	vmov s29;
	v44 =	vld.idx.msk [tilespmem:v14+s15+$0x0], $0xffff  }
0x48: {  	v28 =	vshrl.u32 v13, $0x3;
	v31 =	vld.idx.msk [tilespmem:v17+s15+$0x0], $0xffff  }
0x49: {  	v28 =	vshll.u32 v28, v2;
	v9 =	vor.u32 $0x2, v4;
	v39 =	vld.idx.msk [tilespmem:v17+s2+$0x0], $0xffff  }
0x4a: {  	v32 =	vbroadcast v28, $0x0;
	v25 =	vor.u32 v15, v9;
	v40 =	vld.idx.msk [tilespmem:v29+s15+$0x0], $0xffff  }
0x4b: {  	s29 =	simm.s32 $0xC;
	v8 =	vshll.u32 v10, $0x7;
	v10 =	vor.u32 $0x3, v4;
	v26 =	vld.idx.msk [tilespmem:v12+s15+$0x0], $0xffff  }
0x4c: {  	v30 =	vmov s29;
	v27 =	vld.idx.msk [tilespmem:v12+s2+$0x0], $0xffff;
	v36 =	vor.u32 v32, v10  }
0x4d: {  	s31 =	simm.s32 $0xA;
	v30 =	vshrl.u32 v30, $0x3;
	v42 =	vld.idx.msk [tilespmem:v29+s2+$0x0], $0xffff;
	v12 =	vor.u32 $0x5, v4;
	v29 =	vor.u32 v15, v10  }
0x4e: {  	v51 =	vld.idx.msk [tilespmem:v14+s2+$0x0], $0xffff;
	v14 =	vmov s31;
	v13 =	vor.u32 $0x7, v8;
	v34 =	vor.u32 v15, v12  }
0x4f: {  	v33 =	vshrl.u32 v14, $0x3;
	v14 =	vshll.u32 v30, v2;
	v28 =	vor.u32 v11, v13;
	v35 =	vld.idx.msk [tilespmem:v25+s15+$0x0], $0xffff  }
0x50: {  	v11 =	vor.u32 $0x6, v8;
	v38 =	vbroadcast v14, $0x0;
	v14 =	vor.u32 $0x4, v4;
	v25 =	vld.idx.msk [tilespmem:v25+s2+$0x0], $0xffff  }
0x51: {  	v17 =	vmul.f32 v26, v27;
	v26 =	vshll.u32 v33, v2;
	v27 =	vor.u32 v15, v11;
	v33 =	vld.idx.msk [tilespmem:v36+s15+$0x0], $0xffff  }
0x52: {  	v43 =	vor.u32 v15, v14;
	v31 =	vmul.f32 v31, v39;
	v39 =	vld.idx.msk [tilespmem:v29+s15+$0x0], $0xffff  }
0x53: {  	s29 =	simm.s32 $0xE;
	v37 =	vor.u32 v38, v14;
	v46 =	vld.idx.msk [tilespmem:v34+s2+$0x0], $0xffff  }
0x54: {  	v30 =	vmov s29;
	v22 =	vmul.f32 v22, v24;
	v41 =	vbroadcast v26, $0x0;
	v48 =	vld.idx.msk [tilespmem:v34+s15+$0x0], $0xffff  }
0x55: {  	s29 =	simm.s32 $0xD;
	[tilespmem:v28+s20+$0x0] =	vst.idx.add.f32.msk $0xffff, v17;
	v17 =	vshrl.u32 v30, $0x3  }
0x56: {  	v17 =	vshll.u32 v17, v2;
	v24 =	vor.u32 v41, v9;
	[tilespmem:v27+s20+$0x0] =	vst.idx.add.f32.msk $0xffff, v22;
	v22 =	vmov s29  }
0x57: {  	v47 =	vld.idx.msk [tilespmem:v43+s2+$0x0], $0xffff;
	v30 =	vbroadcast v17, $0x0;
	v17 =	vor.u32 $0x1, v8;
	v22 =	vshrl.u32 v22, $0x3  }
0x58: {  	v50 =	vld.idx.msk [tilespmem:v37+s15+$0x0], $0xffff;
	v26 =	vor.u32 v19, v17;
	v19 =	vshll.u32 v22, v2  }
0x59: {  	v53 =	vld.idx.msk [tilespmem:v37+s2+$0x0], $0xffff;
	v27 =	vbroadcast v19, $0x0  }
0x5a: {  	v23 =	vor.u32 v8, v23;
	v51 =	vmul.f32 v44, v51;
	v37 =	vld.idx.msk [tilespmem:v43+s15+$0x0], $0xffff;
	v28 =	vor.u32 v30, v6  }
0x5b: {  	v25 =	vmul.f32 v35, v25;
	v35 =	vmul.f32 v40, v42;
	v49 =	vld.idx.msk [tilespmem:v24+s2+$0x0], $0xffff;
	v54 =	vor.u32 v27, v12  }
0x5c: {  	v40 =	vor.u32 v15, v17;
	v46 =	vmul.f32 v48, v46;
	v52 =	vld.idx.msk [tilespmem:v24+s15+$0x0], $0xffff;
	v24 =	vmul.f32 v20, v21  }
0x5d: {  	v43 =	vld.idx.msk [tilespmem:v36+s2+$0x0], $0xffff;
	v22 =	vor.u32 $0x5, v8;
	v19 =	vor.u32 $0x2, v8;
	v20 =	vor.u32 $0x3, v8  }
0x5e: {  	v21 =	vor.u32 $0x4, v8;
	v48 =	vor.u32 v15, v22;
	v42 =	vmul.f32 v50, v53;
	[tilespmem:v26+s20+$0x0] =	vst.idx.add.f32.msk $0xffff, v24  }
0x5f: {  	v50 =	vor.u32 v15, v13;
	v45 =	vor.u32 v41, v19;
	v36 =	vor.u32 v15, v20;
	v34 =	vld.idx.msk [tilespmem:v28+s15+$0x0], $0xffff  }
0x60: {  	v26 =	vor.u32 v15, v21;
	v24 =	vor.u32 v32, v20;
	v32 =	vor.u32 v38, v21;
	v41 =	vld.idx.msk [tilespmem:v54+s15+$0x0], $0xffff  }
0x61: {  	s29 =	simm.s32 $0x10;
	v27 =	vor.u32 v27, v22;
	v38 =	vor.u32 v15, v19;
	v49 =	vmul.f32 v52, v49;
	v44 =	vld.idx.msk [tilespmem:v54+s2+$0x0], $0xffff  }
.LBB2_6:
0x62: {  	s30 =	sadd.s32 $0x8, s29  }
0x63: {  	v52 =	vmov s29;
	s31 =	sadd.s32 $0x9, s29;
	s0 =	sadd.s32 $0xC, s29;
	v15 =	vor.u32 v8, v15;
	v18 =	vld.idx.msk [tilespmem:v18+s15+$0x0], $0xffff;
	v30 =	vor.u32 v30, v11;
	s1 =	smov.u32 s29  }
0x64: {  	p0 =	slt.u32 s29, $0x70;
	s29 =	sadd.s32 $0x10, s29;
	v47 =	vmul.f32 v37, v47;
	v53 =	vmov s30;
	v54 =	vmov s31;
	s30 =	sadd.s32 $0xF, s1;
	[tilespmem:v45+s20+$0x0] =	vst.idx.add.f32.msk $0xffff, v49  }
0x65: {  	v45 =	vshrl.u32 v52, $0x3;
	s31 =	sadd.s32 $0xE, s1;
	v37 =	vshrl.u32 v53, $0x3;
	v49 =	vshrl.u32 v54, $0x3;
	[tilespmem:v48+s20+$0x0] =	vst.idx.add.f32.msk $0xffff, v46  }
0x66: {  	v48 =	vmov s30;
	v46 =	vshll.u32 v37, v2;
	v37 =	vshll.u32 v49, v2;
	[tilespmem:v50+s20+$0x0] =	vst.idx.add.f32.msk $0xffff, v51  }
0x67: {  	v33 =	vmul.f32 v33, v43;
	s30 =	sadd.s32 $0xA, s1;
	v49 =	vmov s31;
	v37 =	vbroadcast v37, $0x0;
	v28 =	vld.idx.msk [tilespmem:v28+s2+$0x0], $0xffff  }
0x68: {  	v43 =	vmov s30;
	v50 =	vmov s0;
	v49 =	vshrl.u32 v49, $0x3;
	[tilespmem:v26+s20+$0x0] =	vst.idx.add.f32.msk $0xffff, v47  }
0x69: {  	s0 =	sadd.s32 $0xB, s1;
	v26 =	vshrl.u32 v43, $0x3;
	v43 =	vshrl.u32 v50, $0x3;
	v16 =	vmul.f32 v18, v16;
	v29 =	vld.idx.msk [tilespmem:v29+s2+$0x0], $0xffff  }
0x6a: {  	v18 =	vmov s0;
	v47 =	vshll.u32 v26, v2;
	v26 =	vmul.f32 v41, v44;
	[tilespmem:v32+s20+$0x0] =	vst.idx.add.f32.msk $0xffff, v42  }
0x6b: {  	v18 =	vshrl.u32 v18, $0x3;
	v41 =	vshrl.u32 v48, $0x3;
	v32 =	vor.u32 v37, v5;
	[tilespmem:v24+s20+$0x0] =	vst.idx.add.f32.msk $0xffff, v33  }
0x6c: {  	v18 =	vshll.u32 v18, v2;
	v24 =	vbroadcast v46, $0x0;
	v33 =	vshll.u32 v43, v2;
	[tilespmem:v23+s20+$0x0] =	vst.idx.add.f32.msk $0xffff, v16  }
0x6d: {  	s0 =	sadd.s32 $0xD, s1;
	v42 =	vbroadcast v18, $0x0;
	v16 =	vshll.u32 v45, v2;
	v23 =	vmul.f32 v34, v28;
	[tilespmem:v15+s20+$0x0] =	vst.idx.add.f32.msk $0xffff, v35  }
0x6e: {  	v28 =	vshll.u32 v41, v2;
	v15 =	vbroadcast v16, $0x0;
	v16 =	vmov s0;
	[tilespmem:v27+s20+$0x0] =	vst.idx.add.f32.msk $0xffff, v26  }
0x6f: {  	v41 =	vor.u32 v42, v10;
	v16 =	vshrl.u32 v16, $0x3;
	v26 =	vmul.f32 v39, v29;
	[tilespmem:v40+s20+$0x0] =	vst.idx.add.f32.msk $0xffff, v31  }
0x70: {  	v18 =	vor.u32 v4, v24;
	v27 =	vbroadcast v33, $0x0;
	v16 =	vshll.u32 v16, v2;
	[tilespmem:v30+s20+$0x0] =	vst.idx.add.f32.msk $0xffff, v23  }
0x71: {  	v33 =	vbroadcast v28, $0x0;
	v29 =	vor.u32 v15, v6;
	v31 =	vbroadcast v16, $0x0;
	[tilespmem:v38+s20+$0x0] =	vst.idx.add.f32.msk $0xffff, v25  }
0x72: {  	v23 =	vor.u32 v8, v24;
	v34 =	vor.u32 v27, v14;
	[tilespmem:v36+s20+$0x0] =	vst.idx.add.f32.msk $0xffff, v26  }
0x73: {  	v28 =	vor.u32 v33, v7;
	v26 =	vor.u32 v15, v21;
	v44 =	vor.u32 v31, v12;
	v25 =	vld.idx.msk [tilespmem:v32+s15+$0x0], $0xffff  }
0x74: {  	v35 =	vor.u32 v4, v15;
	v36 =	vor.u32 v15, v7;
	v38 =	vld.idx.msk [tilespmem:v32+s2+$0x0], $0xffff  }
0x75: {  	v16 =	vld.idx.msk [tilespmem:v18+s2+$0x0], $0xffff  }
0x76: {  	v39 =	vor.u32 v15, v5;
	v32 =	vld.idx.msk [tilespmem:v29+s15+$0x0], $0xffff  }
0x77: {  	v40 =	vld.idx.msk [tilespmem:v29+s2+$0x0], $0xffff;
	v29 =	vshll.u32 v49, v2  }
0x78: {  	v43 =	vor.u32 v15, v9;
	v24 =	vor.u32 v42, v20;
	v30 =	vbroadcast v29, $0x0;
	v42 =	vld.idx.msk [tilespmem:v28+s15+$0x0], $0xffff  }
0x79: {  	v45 =	vld.idx.msk [tilespmem:v28+s2+$0x0], $0xffff  }
0x7a: {  	v29 =	vor.u32 v15, v10;
	v51 =	vld.idx.msk [tilespmem:v36+s15+$0x0], $0xffff;
	v28 =	vor.u32 v30, v6  }
0x7b: {  	v47 =	vbroadcast v47, $0x0;
	v48 =	vor.u32 v15, v11;
	v46 =	vld.idx.msk [tilespmem:v39+s15+$0x0], $0xffff  }
0x7c: {  	v33 =	vor.u32 v33, v13;
	v49 =	vor.u32 v15, v12;
	v52 =	vld.idx.msk [tilespmem:v36+s2+$0x0], $0xffff  }
0x7d: {  	v50 =	vor.u32 v47, v9;
	v40 =	vmul.f32 v32, v40;
	v32 =	vor.u32 v27, v21;
	v36 =	vld.idx.msk [tilespmem:v43+s15+$0x0], $0xffff  }
0x7e: {  	v53 =	vor.u32 v15, v14;
	v27 =	vor.u32 v31, v22;
	v43 =	vld.idx.msk [tilespmem:v43+s2+$0x0], $0xffff  }
0x7f: {  	v31 =	vld.idx.msk [tilespmem:v39+s2+$0x0], $0xffff;
	v39 =	vmul.f32 v42, v45  }
0x80: {  	v42 =	vld.idx.msk [tilespmem:v35+s15+$0x0], $0xffff  }
0x81: {  	[tilespmem:v33+s20+$0x0] =	vst.idx.add.f32.msk $0xffff, v39  }
0x82: {  	v38 =	vmul.f32 v25, v38;
	v35 =	vld.idx.msk [tilespmem:v35+s2+$0x0], $0xffff  }
0x83: {  	v33 =	vld.idx.msk [tilespmem:v41+s15+$0x0], $0xffff  }
0x84: {  	v25 =	vmul.f32 v36, v43;
	v36 =	vld.idx.msk [tilespmem:v49+s2+$0x0], $0xffff  }
0x85: {  	v31 =	vmul.f32 v46, v31;
	[tilespmem:v48+s20+$0x0] =	vst.idx.add.f32.msk $0xffff, v40  }
0x86: {  	v39 =	vld.idx.msk [tilespmem:v34+s15+$0x0], $0xffff  }
0x87: {  	v40 =	vld.idx.msk [tilespmem:v49+s15+$0x0], $0xffff  }
0x88: {  	v45 =	vor.u32 v47, v19;
	v35 =	vmul.f32 v42, v35;
	v42 =	vor.u32 v37, v17;
	v43 =	vld.idx.msk [tilespmem:v50+s2+$0x0], $0xffff  }
0x89: {  	v48 =	vld.idx.msk [tilespmem:v50+s15+$0x0], $0xffff  }
0x8a: {  	v50 =	vld.idx.msk [tilespmem:v34+s2+$0x0], $0xffff  }
0x8b: {  	v34 =	vld.idx.msk [tilespmem:v28+s15+$0x0], $0xffff  }
0x8c: {  	v37 =	vld.idx.msk [tilespmem:v53+s15+$0x0], $0xffff  }
0x8d: {  	v46 =	vmul.f32 v40, v36;
	[tilespmem:v42+s20+$0x0] =	vst.idx.add.f32.msk $0xffff, v38  }
.Ltmp1:
0x8e: {  	v47 =	vld.idx.msk [tilespmem:v53+s2+$0x0], $0xffff;
	(pc) =	sbr.rel @p0 .LBB2_6-.Ltmp1, $4  }
0x8f: {  	v49 =	vmul.f32 v48, v43;
	v43 =	vld.idx.msk [tilespmem:v41+s2+$0x0], $0xffff  }
0x90: {  	v48 =	vor.u32 v15, v22;
	v42 =	vmul.f32 v39, v50;
	v41 =	vld.idx.msk [tilespmem:v44+s15+$0x0], $0xffff  }
0x91: {  	v36 =	vor.u32 v15, v20;
	v50 =	vor.u32 v15, v13;
	v39 =	vld.idx.msk [tilespmem:v29+s15+$0x0], $0xffff  }
0x92: {  	v51 =	vmul.f32 v51, v52;
	v40 =	vor.u32 v15, v17;
	v38 =	vor.u32 v15, v19;
	v44 =	vld.idx.msk [tilespmem:v44+s2+$0x0], $0xffff  }
0x93: {  	_ =	sdelay $0x3  }
0x94: {  	v4 =	vld.idx.msk [tilespmem:v18+s15+$0x0], $0xffff  }
0x95: {  	[tilespmem:v45+s20+$0x0] =	vst.idx.add.f32.msk $0xffff, v49  }
0x96: {  	[tilespmem:v48+s20+$0x0] =	vst.idx.add.f32.msk $0xffff, v46  }
0x97: {  	v6 =	vld.idx.msk [tilespmem:v28+s2+$0x0], $0xffff  }
0x98: {  	v63 =	vld.idx.msk [tilespmem:v29+s2+$0x0], $0xffff  }
0x99: {  	[tilespmem:v32+s20+$0x0] =	vst.idx.add.f32.msk $0xffff, v42  }
0x9a: {  	v5 =	vmul.f32 v37, v47;
	v7 =	vor.u32 v8, v15;
	[tilespmem:v40+s20+$0x0] =	vst.idx.add.f32.msk $0xffff, v31  }
0x9b: {  	[tilespmem:v38+s20+$0x0] =	vst.idx.add.f32.msk $0xffff, v25  }
0x9c: {  	[tilespmem:v26+s20+$0x0] =	vst.idx.add.f32.msk $0xffff, v5;
	v5 =	vmul.f32 v33, v43  }
0x9d: {  	s28 =	sadd.s32 $0x1, s28;
	[tilespmem:v50+s20+$0x0] =	vst.idx.add.f32.msk $0xffff, v51  }
0x9e: {  	v9 =	vor.u32 v30, v11;
	p0 =	sne.s32 s28, $0x8;
	[tilespmem:v24+s20+$0x0] =	vst.idx.add.f32.msk $0xffff, v5;
	v5 =	vmul.f32 v41, v44  }
.Ltmp2:
0x9f: {  	v4 =	vmul.f32 v4, v16;
	[tilespmem:v7+s20+$0x0] =	vst.idx.add.f32.msk $0xffff, v35;
	(pc) =	sbr.rel @p0 .LBB2_5-.Ltmp2, $4  }
0xa0: {  	[tilespmem:v27+s20+$0x0] =	vst.idx.add.f32.msk $0xffff, v5;
	v5 =	vmul.f32 v39, v63  }
0xa1: {  	[tilespmem:v23+s20+$0x0] =	vst.idx.add.f32.msk $0xffff, v4;
	v4 =	vmul.f32 v34, v6  }
0xa2: {  	[tilespmem:v36+s20+$0x0] =	vst.idx.add.f32.msk $0xffff, v5  }
0xa3: {  	[tilespmem:v9+s20+$0x0] =	vst.idx.add.f32.msk $0xffff, v4  }
0xa4: {  	_ =	swait.ge [sflag:s21], $0x4000  }
0xa5: {  	[sflag:s21] =	ssyncset.done $0x0  }
0xa6: {  	[sflag:s21] =	ssyncadd.s32 $0xFFFFC000  }
0xa7: {  	p0 =	seq.s32 s24, $0x15;
	_ =	swait.ge [sflag:s22], $0x4000  }
0xa8: {  	s0 =	sadd.s32 @!p0 $0x10100, s25;
	[sflag:s22] =	ssyncset.done $0x0  }
0xa9: {  	s1 =	simm.s32 @!p0 $0x80;
	s28 =	simm.s32 @!p0 $0x0;
	[sflag:s22] =	ssyncadd.s32 $0xFFFFC000  }
0xaa: {  	[tilespmem:s28], [sflag:$0x1] =	stream.indirect.gather @!p0 [hbm4b:s3+s1], $0x80, s0, s1, $0xb8;
	[tilespmem:$0x1DF00] =	vst v63  }
0xab: {  	s31 =	sadd.s32 $0x12C00, s26;
	s0 =	sadd.s32 @!p0 $0x11700, s25;
	s25 =	simm.s32 @!p0 $0x4000  }
0xac: {  	[tilespmem:s25], [sflag:$0x2] =	stream.indirect.gather @!p0 [hbm4b:s4+s1], $0x80, s0, s1, $0xb8;
	[tilespmem:$0x1DF00] =	vst v63  }
0xad: {  	s26 =	simm.s32 $0x0;
	v3 =	vmov s31;
	s25 =	simm.s32 $0x0  }
.LBB2_9:
0xae: {  	s1 =	simm.s32 $0x9  }
0xaf: {  	s0 =	sshll.u32 s26, $0x4;
	v5 =	vmov s1  }
0xb0: {  	s29 =	simm.s32 $0x8;
	v8 =	vmov s25;
	v4 =	vmov s0;
	v6 =	vshrl.u32 v5, $0x3  }
0xb1: {  	v7 =	vmov s29;
	v4 =	vshll.u32 v4, $0x7;
	v6 =	vshll.u32 v6, v2  }
0xb2: {  	v7 =	vshrl.u32 v7, $0x3;
	v4 =	vor.u32 v1, v4;
	v19 =	vbroadcast v6, $0x0  }
0xb3: {  	v7 =	vshll.u32 v7, v2;
	v5 =	vor.u32 $0x1, v4;
	v6 =	vshrl.u32 v8, $0x3  }
0xb4: {  	s30 =	simm.s32 $0xF;
	v23 =	vbroadcast v7, $0x0;
	v6 =	vshll.u32 v6, v2;
	v9 =	vor.u32 v19, v5  }
0xb5: {  	v8 =	vmov s30;
	v15 =	vbroadcast v6, $0x0  }
0xb6: {  	v7 =	vshrl.u32 v8, $0x3;
	v6 =	vor.u32 $0x6, v4;
	v18 =	vor.u32 v4, v23  }
0xb7: {  	v7 =	vshll.u32 v7, v2;
	v8 =	vor.u32 v15, v6  }
0xb8: {  	v10 =	vld.idx.msk [tilespmem:v3+s0+$0x0 ss:$0x1], $0xffff;
	v11 =	vbroadcast v7, $0x0;
	v7 =	vor.u32 $0x7, v4  }
0xb9: {  	v14 =	vor.u32 v15, v7;
	v20 =	vld.idx.msk [tilespmem:v9+s19+$0x0], $0xffff  }
0xba: {  	v17 =	vor.u32 v15, v5;
	v21 =	vld.idx.msk [tilespmem:v9+s18+$0x0], $0xffff  }
0xbb: {  	v16 =	vld.idx.msk [tilespmem:v18+s18+$0x0], $0xffff  }
0xbc: {  	v29 =	vor.u32 v4, v15;
	v22 =	vld.idx.msk [tilespmem:v8+s19+$0x0], $0xffff  }
0xbd: {  	s31 =	simm.s32 $0xB;
	v12 =	vor.u32 v11, v7;
	v24 =	vld.idx.msk [tilespmem:v8+s18+$0x0], $0xffff  }
0xbe: {  	v13 =	vmov s31;
	v44 =	vld.idx.msk [tilespmem:v14+s19+$0x0], $0xffff  }
0xbf: {  	v28 =	vshrl.u32 v13, $0x3;
	v31 =	vld.idx.msk [tilespmem:v17+s19+$0x0], $0xffff  }
0xc0: {  	v28 =	vshll.u32 v28, v2;
	v9 =	vor.u32 $0x2, v4;
	v39 =	vld.idx.msk [tilespmem:v17+s18+$0x0], $0xffff  }
0xc1: {  	v32 =	vbroadcast v28, $0x0;
	v25 =	vor.u32 v15, v9;
	v40 =	vld.idx.msk [tilespmem:v29+s19+$0x0], $0xffff  }
0xc2: {  	s1 =	simm.s32 $0xC;
	v8 =	vshll.u32 v10, $0x7;
	v10 =	vor.u32 $0x3, v4;
	v26 =	vld.idx.msk [tilespmem:v12+s19+$0x0], $0xffff  }
0xc3: {  	v30 =	vmov s1;
	v27 =	vld.idx.msk [tilespmem:v12+s18+$0x0], $0xffff;
	v36 =	vor.u32 v32, v10  }
0xc4: {  	s29 =	simm.s32 $0xA;
	v30 =	vshrl.u32 v30, $0x3;
	v42 =	vld.idx.msk [tilespmem:v29+s18+$0x0], $0xffff;
	v12 =	vor.u32 $0x5, v4;
	v29 =	vor.u32 v15, v10  }
0xc5: {  	v51 =	vld.idx.msk [tilespmem:v14+s18+$0x0], $0xffff;
	v14 =	vmov s29;
	v13 =	vor.u32 $0x7, v8;
	v34 =	vor.u32 v15, v12  }
0xc6: {  	v33 =	vshrl.u32 v14, $0x3;
	v14 =	vshll.u32 v30, v2;
	v28 =	vor.u32 v11, v13;
	v35 =	vld.idx.msk [tilespmem:v25+s19+$0x0], $0xffff  }
0xc7: {  	v11 =	vor.u32 $0x6, v8;
	v38 =	vbroadcast v14, $0x0;
	v14 =	vor.u32 $0x4, v4;
	v25 =	vld.idx.msk [tilespmem:v25+s18+$0x0], $0xffff  }
0xc8: {  	v17 =	vmul.f32 v26, v27;
	v26 =	vshll.u32 v33, v2;
	v27 =	vor.u32 v15, v11;
	v33 =	vld.idx.msk [tilespmem:v36+s19+$0x0], $0xffff  }
0xc9: {  	v43 =	vor.u32 v15, v14;
	v31 =	vmul.f32 v31, v39;
	v39 =	vld.idx.msk [tilespmem:v29+s19+$0x0], $0xffff  }
0xca: {  	s30 =	simm.s32 $0xE;
	v37 =	vor.u32 v38, v14;
	v46 =	vld.idx.msk [tilespmem:v34+s18+$0x0], $0xffff  }
0xcb: {  	v30 =	vmov s30;
	v22 =	vmul.f32 v22, v24;
	v41 =	vbroadcast v26, $0x0;
	v48 =	vld.idx.msk [tilespmem:v34+s19+$0x0], $0xffff  }
0xcc: {  	s31 =	simm.s32 $0xD;
	[tilespmem:v28+s20+$0x0] =	vst.idx.add.f32.msk $0xffff, v17;
	v17 =	vshrl.u32 v30, $0x3  }
0xcd: {  	v17 =	vshll.u32 v17, v2;
	v24 =	vor.u32 v41, v9;
	[tilespmem:v27+s20+$0x0] =	vst.idx.add.f32.msk $0xffff, v22;
	v22 =	vmov s31  }
0xce: {  	v47 =	vld.idx.msk [tilespmem:v43+s18+$0x0], $0xffff;
	v30 =	vbroadcast v17, $0x0;
	v17 =	vor.u32 $0x1, v8;
	v22 =	vshrl.u32 v22, $0x3  }
0xcf: {  	v50 =	vld.idx.msk [tilespmem:v37+s19+$0x0], $0xffff;
	v26 =	vor.u32 v19, v17;
	v19 =	vshll.u32 v22, v2  }
0xd0: {  	v53 =	vld.idx.msk [tilespmem:v37+s18+$0x0], $0xffff;
	v27 =	vbroadcast v19, $0x0  }
0xd1: {  	v23 =	vor.u32 v8, v23;
	v51 =	vmul.f32 v44, v51;
	v37 =	vld.idx.msk [tilespmem:v43+s19+$0x0], $0xffff;
	v28 =	vor.u32 v30, v6  }
0xd2: {  	v25 =	vmul.f32 v35, v25;
	v35 =	vmul.f32 v40, v42;
	v49 =	vld.idx.msk [tilespmem:v24+s18+$0x0], $0xffff;
	v54 =	vor.u32 v27, v12  }
0xd3: {  	v40 =	vor.u32 v15, v17;
	v46 =	vmul.f32 v48, v46;
	v52 =	vld.idx.msk [tilespmem:v24+s19+$0x0], $0xffff;
	v24 =	vmul.f32 v20, v21  }
0xd4: {  	v43 =	vld.idx.msk [tilespmem:v36+s18+$0x0], $0xffff;
	v22 =	vor.u32 $0x5, v8;
	v19 =	vor.u32 $0x2, v8;
	v20 =	vor.u32 $0x3, v8  }
0xd5: {  	v21 =	vor.u32 $0x4, v8;
	v48 =	vor.u32 v15, v22;
	v42 =	vmul.f32 v50, v53;
	[tilespmem:v26+s20+$0x0] =	vst.idx.add.f32.msk $0xffff, v24  }
0xd6: {  	v50 =	vor.u32 v15, v13;
	v45 =	vor.u32 v41, v19;
	v36 =	vor.u32 v15, v20;
	v34 =	vld.idx.msk [tilespmem:v28+s19+$0x0], $0xffff  }
0xd7: {  	v26 =	vor.u32 v15, v21;
	v24 =	vor.u32 v32, v20;
	v32 =	vor.u32 v38, v21;
	v41 =	vld.idx.msk [tilespmem:v54+s19+$0x0], $0xffff  }
0xd8: {  	s28 =	simm.s32 $0x10;
	v27 =	vor.u32 v27, v22;
	v38 =	vor.u32 v15, v19;
	v49 =	vmul.f32 v52, v49;
	v44 =	vld.idx.msk [tilespmem:v54+s18+$0x0], $0xffff  }
.LBB2_10:
0xd9: {  	s0 =	sadd.s32 $0x8, s28  }
0xda: {  	v52 =	vmov s28;
	s1 =	sadd.s32 $0x9, s28;
	s29 =	sadd.s32 $0xC, s28;
	v15 =	vor.u32 v8, v15;
	v18 =	vld.idx.msk [tilespmem:v18+s19+$0x0], $0xffff;
	v30 =	vor.u32 v30, v11;
	s30 =	smov.u32 s28  }
0xdb: {  	p0 =	slt.u32 s28, $0x70;
	s28 =	sadd.s32 $0x10, s28;
	v47 =	vmul.f32 v37, v47;
	v53 =	vmov s0;
	v54 =	vmov s1;
	s0 =	sadd.s32 $0xF, s30;
	[tilespmem:v45+s20+$0x0] =	vst.idx.add.f32.msk $0xffff, v49  }
0xdc: {  	v45 =	vshrl.u32 v52, $0x3;
	s1 =	sadd.s32 $0xE, s30;
	v37 =	vshrl.u32 v53, $0x3;
	v49 =	vshrl.u32 v54, $0x3;
	[tilespmem:v48+s20+$0x0] =	vst.idx.add.f32.msk $0xffff, v46  }
0xdd: {  	v48 =	vmov s0;
	v46 =	vshll.u32 v37, v2;
	v37 =	vshll.u32 v49, v2;
	[tilespmem:v50+s20+$0x0] =	vst.idx.add.f32.msk $0xffff, v51  }
0xde: {  	v33 =	vmul.f32 v33, v43;
	s0 =	sadd.s32 $0xA, s30;
	v49 =	vmov s1;
	v37 =	vbroadcast v37, $0x0;
	v28 =	vld.idx.msk [tilespmem:v28+s18+$0x0], $0xffff  }
0xdf: {  	v43 =	vmov s0;
	v50 =	vmov s29;
	v49 =	vshrl.u32 v49, $0x3;
	[tilespmem:v26+s20+$0x0] =	vst.idx.add.f32.msk $0xffff, v47  }
0xe0: {  	s0 =	sadd.s32 $0xB, s30;
	v26 =	vshrl.u32 v43, $0x3;
	v43 =	vshrl.u32 v50, $0x3;
	v16 =	vmul.f32 v18, v16;
	v29 =	vld.idx.msk [tilespmem:v29+s18+$0x0], $0xffff  }
0xe1: {  	v18 =	vmov s0;
	v47 =	vshll.u32 v26, v2;
	v26 =	vmul.f32 v41, v44;
	[tilespmem:v32+s20+$0x0] =	vst.idx.add.f32.msk $0xffff, v42  }
0xe2: {  	v18 =	vshrl.u32 v18, $0x3;
	v41 =	vshrl.u32 v48, $0x3;
	v32 =	vor.u32 v37, v5;
	[tilespmem:v24+s20+$0x0] =	vst.idx.add.f32.msk $0xffff, v33  }
0xe3: {  	v18 =	vshll.u32 v18, v2;
	v24 =	vbroadcast v46, $0x0;
	v33 =	vshll.u32 v43, v2;
	[tilespmem:v23+s20+$0x0] =	vst.idx.add.f32.msk $0xffff, v16  }
0xe4: {  	s0 =	sadd.s32 $0xD, s30;
	v42 =	vbroadcast v18, $0x0;
	v16 =	vshll.u32 v45, v2;
	v23 =	vmul.f32 v34, v28;
	[tilespmem:v15+s20+$0x0] =	vst.idx.add.f32.msk $0xffff, v35  }
0xe5: {  	v28 =	vshll.u32 v41, v2;
	v15 =	vbroadcast v16, $0x0;
	v16 =	vmov s0;
	[tilespmem:v27+s20+$0x0] =	vst.idx.add.f32.msk $0xffff, v26  }
0xe6: {  	v41 =	vor.u32 v42, v10;
	v16 =	vshrl.u32 v16, $0x3;
	v26 =	vmul.f32 v39, v29;
	[tilespmem:v40+s20+$0x0] =	vst.idx.add.f32.msk $0xffff, v31  }
0xe7: {  	v18 =	vor.u32 v4, v24;
	v27 =	vbroadcast v33, $0x0;
	v16 =	vshll.u32 v16, v2;
	[tilespmem:v30+s20+$0x0] =	vst.idx.add.f32.msk $0xffff, v23  }
0xe8: {  	v33 =	vbroadcast v28, $0x0;
	v29 =	vor.u32 v15, v6;
	v31 =	vbroadcast v16, $0x0;
	[tilespmem:v38+s20+$0x0] =	vst.idx.add.f32.msk $0xffff, v25  }
0xe9: {  	v23 =	vor.u32 v8, v24;
	v34 =	vor.u32 v27, v14;
	[tilespmem:v36+s20+$0x0] =	vst.idx.add.f32.msk $0xffff, v26  }
0xea: {  	v28 =	vor.u32 v33, v7;
	v26 =	vor.u32 v15, v21;
	v44 =	vor.u32 v31, v12;
	v25 =	vld.idx.msk [tilespmem:v32+s19+$0x0], $0xffff  }
0xeb: {  	v35 =	vor.u32 v4, v15;
	v36 =	vor.u32 v15, v7;
	v38 =	vld.idx.msk [tilespmem:v32+s18+$0x0], $0xffff  }
0xec: {  	v16 =	vld.idx.msk [tilespmem:v18+s18+$0x0], $0xffff  }
0xed: {  	v39 =	vor.u32 v15, v5;
	v32 =	vld.idx.msk [tilespmem:v29+s19+$0x0], $0xffff  }
0xee: {  	v40 =	vld.idx.msk [tilespmem:v29+s18+$0x0], $0xffff;
	v29 =	vshll.u32 v49, v2  }
0xef: {  	v43 =	vor.u32 v15, v9;
	v24 =	vor.u32 v42, v20;
	v30 =	vbroadcast v29, $0x0;
	v42 =	vld.idx.msk [tilespmem:v28+s19+$0x0], $0xffff  }
0xf0: {  	v45 =	vld.idx.msk [tilespmem:v28+s18+$0x0], $0xffff  }
0xf1: {  	v29 =	vor.u32 v15, v10;
	v51 =	vld.idx.msk [tilespmem:v36+s19+$0x0], $0xffff;
	v28 =	vor.u32 v30, v6  }
0xf2: {  	v47 =	vbroadcast v47, $0x0;
	v48 =	vor.u32 v15, v11;
	v46 =	vld.idx.msk [tilespmem:v39+s19+$0x0], $0xffff  }
0xf3: {  	v33 =	vor.u32 v33, v13;
	v49 =	vor.u32 v15, v12;
	v52 =	vld.idx.msk [tilespmem:v36+s18+$0x0], $0xffff  }
0xf4: {  	v50 =	vor.u32 v47, v9;
	v40 =	vmul.f32 v32, v40;
	v32 =	vor.u32 v27, v21;
	v36 =	vld.idx.msk [tilespmem:v43+s19+$0x0], $0xffff  }
0xf5: {  	v53 =	vor.u32 v15, v14;
	v27 =	vor.u32 v31, v22;
	v43 =	vld.idx.msk [tilespmem:v43+s18+$0x0], $0xffff  }
0xf6: {  	v31 =	vld.idx.msk [tilespmem:v39+s18+$0x0], $0xffff;
	v39 =	vmul.f32 v42, v45  }
0xf7: {  	v42 =	vld.idx.msk [tilespmem:v35+s19+$0x0], $0xffff  }
0xf8: {  	[tilespmem:v33+s20+$0x0] =	vst.idx.add.f32.msk $0xffff, v39  }
0xf9: {  	v38 =	vmul.f32 v25, v38;
	v35 =	vld.idx.msk [tilespmem:v35+s18+$0x0], $0xffff  }
0xfa: {  	v33 =	vld.idx.msk [tilespmem:v41+s19+$0x0], $0xffff  }
0xfb: {  	v25 =	vmul.f32 v36, v43;
	v36 =	vld.idx.msk [tilespmem:v49+s18+$0x0], $0xffff  }
0xfc: {  	v31 =	vmul.f32 v46, v31;
	[tilespmem:v48+s20+$0x0] =	vst.idx.add.f32.msk $0xffff, v40  }
0xfd: {  	v39 =	vld.idx.msk [tilespmem:v34+s19+$0x0], $0xffff  }
0xfe: {  	v40 =	vld.idx.msk [tilespmem:v49+s19+$0x0], $0xffff  }
0xff: {  	v45 =	vor.u32 v47, v19;
	v35 =	vmul.f32 v42, v35;
	v42 =	vor.u32 v37, v17;
	v43 =	vld.idx.msk [tilespmem:v50+s18+$0x0], $0xffff  }
0x100: {  	v48 =	vld.idx.msk [tilespmem:v50+s19+$0x0], $0xffff  }
0x101: {  	v50 =	vld.idx.msk [tilespmem:v34+s18+$0x0], $0xffff  }
0x102: {  	v34 =	vld.idx.msk [tilespmem:v28+s19+$0x0], $0xffff  }
0x103: {  	v37 =	vld.idx.msk [tilespmem:v53+s19+$0x0], $0xffff  }
0x104: {  	v46 =	vmul.f32 v40, v36;
	[tilespmem:v42+s20+$0x0] =	vst.idx.add.f32.msk $0xffff, v38  }
.Ltmp3:
0x105: {  	v47 =	vld.idx.msk [tilespmem:v53+s18+$0x0], $0xffff;
	(pc) =	sbr.rel @p0 .LBB2_10-.Ltmp3, $4  }
0x106: {  	v49 =	vmul.f32 v48, v43;
	v43 =	vld.idx.msk [tilespmem:v41+s18+$0x0], $0xffff  }
0x107: {  	v48 =	vor.u32 v15, v22;
	v42 =	vmul.f32 v39, v50;
	v41 =	vld.idx.msk [tilespmem:v44+s19+$0x0], $0xffff  }
0x108: {  	v36 =	vor.u32 v15, v20;
	v50 =	vor.u32 v15, v13;
	v39 =	vld.idx.msk [tilespmem:v29+s19+$0x0], $0xffff  }
0x109: {  	v51 =	vmul.f32 v51, v52;
	v40 =	vor.u32 v15, v17;
	v38 =	vor.u32 v15, v19;
	v44 =	vld.idx.msk [tilespmem:v44+s18+$0x0], $0xffff  }
0x10a: {  	_ =	sdelay $0x3  }
0x10b: {  	v4 =	vld.idx.msk [tilespmem:v18+s19+$0x0], $0xffff  }
0x10c: {  	[tilespmem:v45+s20+$0x0] =	vst.idx.add.f32.msk $0xffff, v49  }
0x10d: {  	[tilespmem:v48+s20+$0x0] =	vst.idx.add.f32.msk $0xffff, v46  }
0x10e: {  	v6 =	vld.idx.msk [tilespmem:v28+s18+$0x0], $0xffff  }
0x10f: {  	v63 =	vld.idx.msk [tilespmem:v29+s18+$0x0], $0xffff  }
0x110: {  	[tilespmem:v32+s20+$0x0] =	vst.idx.add.f32.msk $0xffff, v42  }
0x111: {  	v5 =	vmul.f32 v37, v47;
	v7 =	vor.u32 v8, v15;
	[tilespmem:v40+s20+$0x0] =	vst.idx.add.f32.msk $0xffff, v31  }
0x112: {  	[tilespmem:v38+s20+$0x0] =	vst.idx.add.f32.msk $0xffff, v25  }
0x113: {  	[tilespmem:v26+s20+$0x0] =	vst.idx.add.f32.msk $0xffff, v5;
	v5 =	vmul.f32 v33, v43  }
0x114: {  	s26 =	sadd.s32 $0x1, s26;
	[tilespmem:v50+s20+$0x0] =	vst.idx.add.f32.msk $0xffff, v51  }
0x115: {  	v9 =	vor.u32 v30, v11;
	p0 =	sne.s32 s26, $0x8;
	[tilespmem:v24+s20+$0x0] =	vst.idx.add.f32.msk $0xffff, v5;
	v5 =	vmul.f32 v41, v44  }
.Ltmp4:
0x116: {  	v4 =	vmul.f32 v4, v16;
	[tilespmem:v7+s20+$0x0] =	vst.idx.add.f32.msk $0xffff, v35;
	(pc) =	sbr.rel @p0 .LBB2_9-.Ltmp4, $4  }
0x117: {  	[tilespmem:v27+s20+$0x0] =	vst.idx.add.f32.msk $0xffff, v5;
	v5 =	vmul.f32 v39, v63  }
0x118: {  	[tilespmem:v23+s20+$0x0] =	vst.idx.add.f32.msk $0xffff, v4;
	v4 =	vmul.f32 v34, v6  }
0x119: {  	[tilespmem:v36+s20+$0x0] =	vst.idx.add.f32.msk $0xffff, v5  }
0x11a: {  	[tilespmem:v9+s20+$0x0] =	vst.idx.add.f32.msk $0xffff, v4  }
0x11b: {  	s24 =	sadd.s32 $0x1, s24  }
0x11c: {  	p0 =	sne.s32 s24, $0x16  }
.Ltmp5:
0x11d: {  	_ = 	snop;
	(pc) =	sbr.rel @p0 .LBB2_4-.Ltmp5, $1  }
0x11e: {  	_ =	sdelay $0x3  }
0x11f: {  	s23 =	sadd.s32 $0x1, s23  }
0x120: {  	p0 =	sne.s32 s23, s9  }
.Ltmp6:
0x121: {  	_ = 	snop;
	(pc) =	sbr.rel @p0 .LBB2_1-.Ltmp6, $4  }
0x122: {  	[hbm4b:s8+s2] =	stream.linear.scatter [tilespmem:s20], [sflag:$0x5], $0x9C80, $0x38;
	[tilespmem:$0x1DF00] =	vst v63  }
0x123: {  	_ =	swait.ge [sflag:s11], $0x9C80  }
0x124: {  	[sflag:s11] =	ssyncset.done $0x0  }
0x125: {  	[sflag:s11] =	ssyncadd.s32 $0xFFFF6380  }
0x126: {  	_ =	sfence.sel $0x180000  }
0x127: {  	[bflag:$0x0] =	sbarrier.arrive $0xFFFF  }
0x128: {  	_ =	strace $0x9000004D  }
0x129: {  	s0 =	stileid.u32;
	[bflag:$0x2] =	sbarrier.arrive $0xFFFF  }
0x12a: {  	p0 =	sne.s32 s0, $0x0;
	s0 =	rddreg [dreg:$0x1]  }
0x12b: {  	s0 =	sadd.s32 @!p0 $0x100000, s0  }
0x12c: {  	[sflag:s0] =	ssyncadd.tile.s32 @!p0 $0x1;
	_ =	shalt  }
.Lfunc_end2:
_tile_overlayer_lowered:
.L_overlay_start_2:
0x12d: {  	(tag) =	ssettag $0x2  }
0x12e: {  	s0 =	rddreg [dreg:$0x0];
	s2 =	stileid.u32  }
0x12f: {  	s1 =	rddreg [dreg:$0x1];
	p0 =	sne.s32 s2, $0x0  }
0x130: {  	s3 =	rddreg [dreg:$0x2];
	[bflag:$0x3] =	sbarrier.arrive $0xFFFF;
	s2 =	simm.s32 @!p0 $0x1C05  }
0x131: {  	[timem:s3], [sflag:s2] =	dma.local @!p0 [hbm:s0], s1  }
0x132: {  	s0 =	simm.s32 @!p0 $0x5  }
0x133: {  	_ =	swait.ge @!p0 [sflag:s0], s1  }
0x134: {  	s1 =	ssub.s32 @!p0 $0x0, s1;
	[sflag:s0] =	ssyncset.done @!p0 $0x0  }
0x135: {  	[sflag:s0] =	ssyncadd.s32 @!p0 s1  }
0x136: {  	[bflag:$0x3] =	sbarrier.arrive $0xFFFF  }
0x137: {  	_ =	shalt  }

// kernel: kernel.20.cloned.1.call-start
scs
__scs_entry_jumppad:
0x0: {  	(pc) =	sbr.rel $0x88, $3  }
0x1: {  	(tag) =	ssettag $0x0;
	lr =	simm.s32 $0x1  }
0x2: {  	[smem:$0x3F94] =	sst lr;
	_ =	strace $0xD0000000  }
0x3: {  	_ = 	snop  }
0x4: {  	_ = 	snop  }
0x5: {  	_ = 	snop  }
0x6: {  	_ = 	snop  }
0x7: {  	_ = 	snop  }
__scs_overlays_trampoline_lowered:
0x8: {  	[smem:$0x3FA3] =	sst s0  }
0x9: {  	[smem:$0x3FA4] =	sst s1  }
0xa: {  	[smem:$0x3FA5] =	sst s2  }
0xb: {  	[smem:$0x3FA6] =	sst s3  }
0xc: {  	[smem:$0x3FA7] =	sst s4  }
0xd: {  	[smem:$0x3FA8] =	sst s5  }
0xe: {  	[smem:$0x3FA9] =	sst s6  }
0xf: {  	[smem:$0x3FAA] =	sst s7  }
0x10: {  	[smem:$0x3FAB] =	sst s8  }
0x11: {  	[smem:$0x3FAC] =	sst s9;
	s0 =	simm.s32 @!p0 $0x0  }
0x12: {  	s1 =	sld [smem:$0x3F92];
	s0 =	simm.s32 @p0 $0x1  }
0x13: {  	[smem:$0x3FAD] =	sst s0;
	s0 =	simm.s32 @!p1 $0x0  }
0x14: {  	s2 =	sld [smem:$0x3F91];
	s0 =	simm.s32 @p1 $0x1  }
0x15: {  	[smem:$0x3FAE] =	sst s0;
	s0 =	simm.s32 @!p2 $0x0  }
0x16: {  	s3 =	sld [smem:$0x3FDB];
	s0 =	simm.s32 @p2 $0x1  }
0x17: {  	s4 =	simm.s32 $0x1BF5;
	[smem:$0x3FB0] =	sst s0  }
0x18: {  	s0 =	sld [smem:$0x3F93];
	_ =	swait.ge [sflag:s4], $0x0  }
0x19: {  	s7 =	sld [smem:$0x3F94]  }
0x1a: {  	s8 =	sadd.s32 $0xFFFFE003, lr  }
0x1b: {  	s9 =	sadd.s32 $0xFFFFFEF7, lr;
	s5 =	simm.s32 $0xFFFFFFFF;
	p2 =	slt.u32 s8, $0xFFFFF086  }
0x1c: {  	p1 =	slt.u32 s9, $0xF7A;
	s5 =	simm.s32 @!p2 $0x0  }
0x1d: {  	s5 =	simm.s32 @p1 $0x1;
	p0 =	seq.s32 s7, s2  }
0x1e: {  	s7 =	smul.u32 @!p0 $0xF7A, s2;
	p2 =	seq.s32 @!p0 s5, $0x0  }
0x1f: {  	s9 =	smul.u32 $0xF7A, s1;
	s8 =	simm.s32 @!p0 $0x1BF5;
	p2 =	por !p2, p0  }
0x20: {  	[sflag:s8] =	ssyncset.s32 @!p0 $0xFFFFF086;
	s6 =	sadd.s32 @!p0 s3, s7;
	s7 =	simm.s32 @!p0 $0x108  }
0x21: {  	s3 =	sadd.s32 s3, s9;
	s6 =	sadd.s32 @!p0 $0x88, s6;
	s7 =	simm.s32 @p2 $0x1082  }
0x22: {  	[simem:s7], [sflag:s8] =	dma.local @!p0 [hbm:s6], $0xF7A  }
0x23: {  	s9 =	sor.u32 $0xD0000000, s2;
	s6 =	simm.s32 $0x108;
	_ =	swait.ge @!p0 [sflag:s8], $0x0  }
0x24: {  	s3 =	sadd.s32 $0x88, s3;
	s6 =	simm.s32 @!p1 $0x1082;
	[sflag:s4] =	ssyncset.s32 $0xFFFFF086  }
0x25: {  	[simem:s6], [sflag:s4] =	dma.local [hbm:s3], $0xF7A  }
0x26: {  	[smem:$0x3F94] =	sst s1;
	(tag) =	ssettag s2;
	_ =	strace s9  }
0x27: {  	s1 =	sld [smem:$0x3FA4]  }
0x28: {  	s2 =	sld [smem:$0x3FA5]  }
0x29: {  	s4 =	sld [smem:$0x3FA7]  }
0x2a: {  	p0 =	seq.s32 s5, $0x0;
	s5 =	sld [smem:$0x3FA8]  }
0x2b: {  	s6 =	sld [smem:$0x3FA9]  }
0x2c: {  	s7 =	sld [smem:$0x3FAA]  }
0x2d: {  	s3 =	simm.s32 $0x108;
	s8 =	sld [smem:$0x3FAB]  }
0x2e: {  	s3 =	simm.s32 @!p0 $0x1082;
	s9 =	sld [smem:$0x3FAC]  }
0x2f: {  	lr =	sadd.s32 s0, s3;
	s0 =	sld [smem:$0x3FA3]  }
0x30: {  	s3 =	sld [smem:$0x3FA6]  }
0x31: {  	[smem:$0x3FAF] =	sst s10  }
0x32: {  	s10 =	sld [smem:$0x3FAD];
	_ =	sdelay $0x3  }
0x33: {  	p0 =	seq.s32 s10, $0x1;
	s10 =	sld [smem:$0x3FAF];
	_ =	sdelay $0x3  }
0x34: {  	[smem:$0x3FAF] =	sst s10  }
0x35: {  	s10 =	sld [smem:$0x3FAE];
	_ =	sdelay $0x3  }
0x36: {  	p1 =	seq.s32 s10, $0x1;
	s10 =	sld [smem:$0x3FAF];
	_ =	sdelay $0x3  }
0x37: {  	[smem:$0x3FAF] =	sst s10  }
0x38: {  	s10 =	sld [smem:$0x3FB0]  }
0x39: {  	_ = 	snop;
	(pc) =	sbr.ind lr, $3  }
0x3a: {  	_ = 	snop  }
0x3b: {  	_ = 	snop  }
0x3c: {  	p2 =	seq.s32 s10, $0x1;
	s10 =	sld [smem:$0x3FAF]  }
0x3d: {  	_ =	shalt  }
0x3e: {  	_ =	shalt  }
0x3f: {  	_ =	shalt  }
0x40: {  	_ =	shalt  }
0x41: {  	_ =	shalt  }
0x42: {  	_ =	shalt  }
0x43: {  	_ =	shalt  }
0x44: {  	_ =	shalt  }
0x45: {  	_ =	shalt  }
0x46: {  	_ =	shalt  }
0x47: {  	_ =	shalt  }
0x48: {  	_ =	shalt  }
0x49: {  	_ =	shalt  }
0x4a: {  	_ =	shalt  }
0x4b: {  	_ =	shalt  }
0x4c: {  	_ =	shalt  }
0x4d: {  	_ =	shalt  }
0x4e: {  	_ =	shalt  }
0x4f: {  	_ =	shalt  }
0x50: {  	_ =	shalt  }
0x51: {  	_ =	shalt  }
0x52: {  	_ =	shalt  }
0x53: {  	_ =	shalt  }
0x54: {  	_ =	shalt  }
0x55: {  	_ =	shalt  }
0x56: {  	_ =	shalt  }
0x57: {  	_ =	shalt  }
0x58: {  	_ =	shalt  }
0x59: {  	_ =	shalt  }
0x5a: {  	_ =	shalt  }
0x5b: {  	_ =	shalt  }
0x5c: {  	_ =	shalt  }
0x5d: {  	_ =	shalt  }
0x5e: {  	_ =	shalt  }
0x5f: {  	_ =	shalt  }
0x60: {  	_ =	shalt  }
0x61: {  	_ =	shalt  }
0x62: {  	_ =	shalt  }
0x63: {  	_ =	shalt  }
0x64: {  	_ =	shalt  }
0x65: {  	_ =	shalt  }
0x66: {  	_ =	shalt  }
0x67: {  	_ =	shalt  }
0x68: {  	_ =	shalt  }
0x69: {  	_ =	shalt  }
0x6a: {  	_ =	shalt  }
0x6b: {  	_ =	shalt  }
0x6c: {  	_ =	shalt  }
0x6d: {  	_ =	shalt  }
0x6e: {  	_ =	shalt  }
0x6f: {  	_ =	shalt  }
0x70: {  	_ =	shalt  }
0x71: {  	_ =	shalt  }
0x72: {  	_ =	shalt  }
0x73: {  	_ =	shalt  }
0x74: {  	_ =	shalt  }
0x75: {  	_ =	shalt  }
0x76: {  	_ =	shalt  }
0x77: {  	_ =	shalt  }
0x78: {  	_ =	shalt  }
0x79: {  	_ =	shalt  }
0x7a: {  	_ =	shalt  }
0x7b: {  	_ =	shalt  }
0x7c: {  	_ =	shalt  }
0x7d: {  	_ =	shalt  }
0x7e: {  	_ =	shalt  }
0x7f: {  	_ =	shalt  }
0x80: {  	_ =	shalt  }
0x81: {  	_ =	shalt  }
0x82: {  	_ =	shalt  }
0x83: {  	_ =	shalt  }
0x84: {  	_ =	shalt  }
0x85: {  	_ =	shalt  }
0x86: {  	_ =	shalt  }
0x87: {  	_ =	shalt  }
.Lfunc_end0:
.L_simem_size_0:
called_computation.3_lowered:
.L_overlay_start_0:
0x88: {  	s2 =	sld [smem:$0x3FD9]  }
0x89: {  	s3 =	sld [smem:$0x3FFE];
	_ =	sdelay $0x1  }
0x8a: {  	s1 =	srdreg.scid  }
0x8b: {  	s0 =	sand.u32 $0x1, s1  }
0x8c: {  	s16 =	sshll.u32 s0, $0xA;
	s2 =	sadd.s32 s3, s2  }
0x8d: {  	s2 =	sadd.s32 s2, s16  }
0x8e: {  	[smem:$0x3FBB] =	sst s2  }
0x8f: {  	_ = 	snop  }
0x90: {  	(tm) =	ssettm $0x1  }
0x91: {  	s17 =	sld [smem:$0x3FFB];
	_ =	sdelay $0x3  }
0x92: {  	_ =	strace s17  }
0x93: {  	s2 =	sld [smem:$0x3FFC];
	_ =	sdelay $0x3  }
0x94: {  	_ =	strace s2  }
0x95: {  	s2 =	sld [smem:$0x3FFD];
	_ =	sdelay $0x3  }
0x96: {  	_ =	strace s2  }
0x97: {  	_ =	strace $0x8FFFFFFF  }
0x98: {  	s18 =	sld [smem:$0x3FDB];
	_ =	sdelay $0x1  }
0x99: {  	s19 =	simm.s32 $_scs_section_size  }
0x9a: {  	s4 =	simm.s32 $_size__tile_overlayer_lowered;
	s5 =	simm.s32 $_tile_overlayer_lowered  }
0x9b: {  	s22 =	simm.s32 $0x1BFF;
	s21 =	sshll.u32 s5, $0x1;
	s2 =	sadd.s32 s19, s18  }
0x9c: {  	s6 =	simm.s32 $0x0;
	s20 =	sshll.u32 s4, $0x1;
	s4 =	sadd.s32 s21, s2  }
0x9d: {  	[timem:s6], [sflag:s22] =	dma.local [hbm:s4], s20  }
0x9e: {  	_ =	swait.ge [sflag:s22], s20  }
0x9f: {  	s3 =	ssub.s32 $0x0, s20;
	[sflag:s22] =	ssyncset.done $0x0  }
0xa0: {  	[sflag:s22] =	ssyncadd.s32 s3;
	_ =	sdelay $0x1  }
0xa1: {  	s23 =	simm.s32 $0x1B8B  }
0xa2: {  	_ =	swait.ge [sflag:s23], $0x1  }
0xa3: {  	[sflag:s23] =	ssyncset.done $0x0  }
0xa4: {  	s25 =	simm.s32 $0x1B8E;
	s24 =	sld [smem:$0x3FFE];
	[sflag:s23] =	ssyncadd.s32 $0xFFFFFFFF  }
0xa5: {  	s26 =	simm.s32 $execute0_lowered;
	[smem:$0x3FD2] =	sst s25  }
0xa6: {  	s4 =	sshll.u32 s26, $0x1;
	_ =	strace $0x8000004F;
	[dreg:$0x1] =	wrdreg $0xFFFFFFFF  }
0xa7: {  	s28 =	simm.s32 $_size_execute0_lowered;
	s2 =	sadd.s32 s2, s4;
	[dreg:$0x0] =	wrdreg $0x0  }
0xa8: {  	s4 =	sshll.u32 s28, $0x1;
	[dreg:$0x2] =	wrdreg s2  }
0xa9: {  	[dreg:$0x3] =	wrdreg s4  }
0xaa: {  	[dreg:$0x4] =	wrdreg $0xC0  }
0xab: {  	_ =	task [dreg:s6], $0x5FFFF  }
0xac: {  	[dreg:$0x1] =	wrdreg $0xFFFFFFFF  }
0xad: {  	[dreg:$0x0] =	wrdreg $0x60  }
0xae: {  	[dreg:$0x2] =	wrdreg s24  }
0xaf: {  	[dreg:$0x3] =	wrdreg $0x9  }
0xb0: {  	_ =	task.clear_ibuf [dreg:s6], $0x4FFFF;
	_ =	strace $0x9000004F  }
0xb1: {  	s29 =	simm.s32 $0x9;
	_ =	strace $0x80000051  }
0xb2: {  	_ =	swait.ge [sflag:s29], $0x1  }
0xb3: {  	[sflag:s29] =	ssyncadd.s32 $0xFFFFFFFF  }
0xb4: {  	_ =	strace $0x90000051  }
0xb5: {  	_ =	sfence  }
0xb6: {  	s30 =	sld [smem:$0x0];
	_ =	sdelay $0x2  }
0xb7: {  	s31 =	sshll.u32 s1, $0xD;
	s1 =	sshrl.u32 s1, $0x2  }
0xb8: {  	s3 =	sand.u32 $0x4000, s31;
	s1 =	sadd.s32 s1, s30  }
0xb9: {  	s0 =	sor.u32 s3, s0;
	s1 =	sshll.u32 s1, $0x11  }
0xba: {  	s0 =	sor.u32 s1, s0  }
0xbb: {  	s0 =	sadd.s32 $0x8F2B, s0  }
0xbc: {  	[sflag:s0] =	ssyncadd.remote.s32 $0x1  }
0xbd: {  	_ =	sfence.sel $0xFFFF  }
0xbe: {  	[dreg:$0x0] =	wrdreg $0xFFFFFFFF;
	(pc) =	sbr.abs _section_cstart, $3  }
0xbf: {  	[dreg:$0x1] =	wrdreg $0xFFFFFFFF  }
0xc0: {  	_ =	task.clear_ibuf [dreg:s6], $0x2FFFF;
	_ =	strace $0x9FFFFFFF  }
0xc1: {  	(tm) =	ssettm $0x7FFFFFFF  }
tec
execute0_lowered:
.L_overlay_start_1:
0x0: {  	(tag) =	ssettag $0x1  }
0x1: {  	s5 =	rddreg [dreg:$0x0]  }
0x2: {  	s3 =	srdreg.scid;
	s0 =	stileid.u32;
	s2 =	simm.s32 $0x0  }
0x3: {  	s11 =	simm.s32 $0x5;
	s12 =	simm.s32 $0x11600;
	s13 =	simm.s32 $0x12C00  }
0x4: {  	s14 =	simm.s32 $0x80;
	s15 =	simm.s32 $0x4000;
	s16 =	simm.s32 $0x1  }
0x5: {  	s17 =	simm.s32 $0x2;
	s18 =	simm.s32 $0x8000;
	s19 =	simm.s32 $0xC000  }
0x6: {  	s20 =	simm.s32 $0x14200;
	s4 =	sand.u32 $0x1, s3;
	s31 =	sshll.u32 s0, $0x1  }
0x7: {  	s21 =	simm.s32 $0x3;
	s22 =	simm.s32 $0x4;
	s6 =	sor.u32 s4, s31  }
0x8: {  	s23 =	simm.s32 $0x0;
	[smem:$0x7FF] =	sst s2;
	s7 =	smul.u32 $0x2C0, s6  }
0x9: {  	s3 =	sadd.s32 $0x7B9800, s5;
	s8 =	ssub.s32 $0x2, s4;
	s6 =	smul.u32 $0x1390, s6  }
0xa: {  	_ =	strace $0x80000050;
	s4 =	sadd.s32 $0x4600, s5;
	s9 =	sshrl.u32 s8, $0x1  }
0xb: {  	s9 =	ssub.s32 s8, s9;
	s7 =	sadd.s32 s7, s5;
	s10 =	sadd.s32 s6, s5  }
0xc: {  	v1 =	vlaneseq.u32;
	v2 =	vimm.s32 $0x0;
	vm0 =	vcmask $0x300;
	s9 =	smax.u32 s9, $0x1;
	s5 =	sadd.s32 $0x2EE00, s7;
	s6 =	sadd.s32 $0x34600, s7  }
0xd: {  	v0 =	vimm.f32 $0.0e+00;
	v1 =	vmul.u32 $0x80, v1;
	v2 =	vsel vm0, $0x3, v2;
	s7 =	sadd.s32 $0x39E00, s7;
	s8 =	sadd.s32 $0x3F600, s10;
	s10 =	simm.s32 $0x10000  }
.LBB2_1:
0xe: {  	s24 =	simm.s32 $0x0;
	s25 =	simm.s32 $0x200  }
.LBB2_2:
0xf: {  	p0 =	sne.s32 s25, $0x27200;
	[tilespmem:s24+$0x14270] =	vst v0  }
0x10: {  	[tilespmem:s24+$0x14200] =	vst v0  }
0x11: {  	[tilespmem:s24+$0x14210] =	vst v0  }
.Ltmp0:
0x12: {  	[tilespmem:s24+$0x14220] =	vst v0;
	(pc) =	sbr.rel @p0 .LBB2_2-.Ltmp0, $4  }
0x13: {  	[tilespmem:s24+$0x14230] =	vst v0  }
0x14: {  	[tilespmem:s24+$0x14240] =	vst v0  }
0x15: {  	[tilespmem:s24+$0x14250] =	vst v0  }
0x16: {  	[tilespmem:s24+$0x14260] =	vst v0;
	s24 =	sshra.s32 s25, $0x2;
	s25 =	sadd.s32 $0x200, s25  }
0x17: {  	[tilespmem:s24+$0x14270] =	vst v0  }
0x18: {  	[tilespmem:s24+$0x14200] =	vst v0  }
0x19: {  	[tilespmem:s24+$0x14210] =	vst v0  }
0x1a: {  	[tilespmem:s24+$0x14220] =	vst v0  }
0x1b: {  	[tilespmem:s24+$0x14230] =	vst v0  }
0x1c: {  	[tilespmem:s24+$0x14240] =	vst v0  }
0x1d: {  	[tilespmem:s24+$0x14250] =	vst v0  }
0x1e: {  	[tilespmem:s24+$0x14260] =	vst v0;
	s24 =	simm.s32 $0x0  }
0x1f: {  	[tilespmem:s10], [sflag:$0x5] =	stream.linear.gather [hbm4b:s5+s24], $0x1600, $0x38;
	[tilespmem:$0x1DF00] =	vst v63  }
0x20: {  	_ =	swait.ge [sflag:s11], $0x1600  }
0x21: {  	[sflag:s11] =	ssyncset.done $0x0  }
0x22: {  	[sflag:s11] =	ssyncadd.s32 $0xFFFFEA00  }
0x23: {  	[tilespmem:s12], [sflag:$0x5] =	stream.linear.gather [hbm4b:s6+s24], $0x1600, $0x38;
	[tilespmem:$0x1DF00] =	vst v63  }
0x24: {  	_ =	swait.ge [sflag:s11], $0x1600  }
0x25: {  	[sflag:s11] =	ssyncset.done $0x0  }
0x26: {  	[sflag:s11] =	ssyncadd.s32 $0xFFFFEA00  }
0x27: {  	[tilespmem:s13], [sflag:$0x5] =	stream.linear.gather [hbm4b:s7+s24], $0x1600, $0x38;
	[tilespmem:$0x1DF00] =	vst v63  }
0x28: {  	_ =	swait.ge [sflag:s11], $0x1600  }
0x29: {  	[sflag:s11] =	ssyncset.done $0x0  }
0x2a: {  	[sflag:s11] =	ssyncadd.s32 $0xFFFFEA00  }
0x2b: {  	[tilespmem:s24], [sflag:$0x1] =	stream.indirect.gather [hbm4b:s3+s14], $0x80, s10, s14, $0xb8;
	[tilespmem:$0x1DF00] =	vst v63  }
0x2c: {  	_ = 	snop  }
0x2d: {  	[tilespmem:s15], [sflag:$0x2] =	stream.indirect.gather [hbm4b:s4+s14], $0x80, s12, s14, $0xb8;
	[tilespmem:$0x1DF00] =	vst v63  }
.LBB2_4:
0x2e: {  	_ =	swait.ge [sflag:s16], $0x4000  }
0x2f: {  	[sflag:s16] =	ssyncset.done $0x0  }
0x30: {  	[sflag:s16] =	ssyncadd.s32 $0xFFFFC000  }
0x31: {  	s25 =	sshll.u32 s24, $0x8;
	_ =	swait.ge [sflag:s17], $0x4000  }
0x32: {  	s31 =	sand.u32 $0x3FFFFF00, s25;
	[sflag:s17] =	ssyncset.done $0x0  }
0x33: {  	s26 =	sadd.s32 $0x10080, s25;
	s28 =	sadd.s32 $0x12C00, s31;
	[sflag:s17] =	ssyncadd.s32 $0xFFFFC000  }
0x34: {  	[tilespmem:s18], [sflag:$0x3] =	stream.indirect.gather [hbm4b:s3+s14], $0x80, s26, s14, $0xb8;
	[tilespmem:$0x1DF00] =	vst v63  }
0x35: {  	s30 =	sadd.s32 $0x11680, s25;
	v3 =	vmov s28;
	s28 =	simm.s32 $0x0;
	s26 =	sor.u32 $0x80, s25  }
0x36: {  	[tilespmem:s19], [sflag:$0x4] =	stream.indirect.gather [hbm4b:s4+s14], $0x80, s30, s14, $0xb8;
	[tilespmem:$0x1DF00] =	vst v63  }
.LBB2_5:
0x37: {  	s30 =	simm.s32 $0x9  }
0x38: {  	s29 =	sshll.u32 s28, $0x4;
	s0 =	simm.s32 $0x8;
	v5 =	vmov s30  }
0x39: {  	s31 =	simm.s32 $0x0;
	v4 =	vmov s29;
	v7 =	vmov s0;
	v6 =	vshrl.u32 v5, $0x3  }
0x3a: {  	v8 =	vmov s31;
	v4 =	vshll.u32 v4, $0x7;
	v6 =	vshll.u32 v6, v2  }
0x3b: {  	v7 =	vshrl.u32 v7, $0x3;
	v4 =	vor.u32 v1, v4;
	v19 =	vbroadcast v6, $0x0  }
0x3c: {  	v7 =	vshll.u32 v7, v2;
	v5 =	vor.u32 $0x1, v4;
	v6 =	vshrl.u32 v8, $0x3  }
0x3d: {  	s1 =	simm.s32 $0xF;
	v23 =	vbroadcast v7, $0x0;
	v6 =	vshll.u32 v6, v2;
	v9 =	vor.u32 v19, v5  }
0x3e: {  	v8 =	vmov s1;
	v15 =	vbroadcast v6, $0x0  }
0x3f: {  	v7 =	vshrl.u32 v8, $0x3;
	v6 =	vor.u32 $0x6, v4;
	v18 =	vor.u32 v4, v23  }
0x40: {  	v7 =	vshll.u32 v7, v2;
	v8 =	vor.u32 v15, v6  }
0x41: {  	v10 =	vld.idx.msk [tilespmem:v3+s29+$0x0 ss:$0x1], $0xffff;
	v11 =	vbroadcast v7, $0x0;
	v7 =	vor.u32 $0x7, v4  }
0x42: {  	v14 =	vor.u32 v15, v7;
	v20 =	vld.idx.msk [tilespmem:v9+s15+$0x0], $0xffff  }
0x43: {  	v17 =	vor.u32 v15, v5;
	v21 =	vld.idx.msk [tilespmem:v9+s2+$0x0], $0xffff  }
0x44: {  	v16 =	vld.idx.msk [tilespmem:v18+s2+$0x0], $0xffff  }
0x45: {  	v29 =	vor.u32 v4, v15;
	v22 =	vld.idx.msk [tilespmem:v8+s15+$0x0], $0xffff  }
0x46: {  	s29 =	simm.s32 $0xB;
	v12 =	vor.u32 v11, v7;
	v24 =	vld.idx.msk [tilespmem:v8+s2+$0x0], $0xffff  }
0x47: {  	v13 =	vmov s29;
	v44 =	vld.idx.msk [tilespmem:v14+s15+$0x0], $0xffff  }
0x48: {  	v28 =	vshrl.u32 v13, $0x3;
	v31 =	vld.idx.msk [tilespmem:v17+s15+$0x0], $0xffff  }
0x49: {  	v28 =	vshll.u32 v28, v2;
	v9 =	vor.u32 $0x2, v4;
	v39 =	vld.idx.msk [tilespmem:v17+s2+$0x0], $0xffff  }
0x4a: {  	v32 =	vbroadcast v28, $0x0;
	v25 =	vor.u32 v15, v9;
	v40 =	vld.idx.msk [tilespmem:v29+s15+$0x0], $0xffff  }
0x4b: {  	s29 =	simm.s32 $0xC;
	v8 =	vshll.u32 v10, $0x7;
	v10 =	vor.u32 $0x3, v4;
	v26 =	vld.idx.msk [tilespmem:v12+s15+$0x0], $0xffff  }
0x4c: {  	v30 =	vmov s29;
	v27 =	vld.idx.msk [tilespmem:v12+s2+$0x0], $0xffff;
	v36 =	vor.u32 v32, v10  }
0x4d: {  	s31 =	simm.s32 $0xA;
	v30 =	vshrl.u32 v30, $0x3;
	v42 =	vld.idx.msk [tilespmem:v29+s2+$0x0], $0xffff;
	v12 =	vor.u32 $0x5, v4;
	v29 =	vor.u32 v15, v10  }
0x4e: {  	v51 =	vld.idx.msk [tilespmem:v14+s2+$0x0], $0xffff;
	v14 =	vmov s31;
	v13 =	vor.u32 $0x7, v8;
	v34 =	vor.u32 v15, v12  }
0x4f: {  	v33 =	vshrl.u32 v14, $0x3;
	v14 =	vshll.u32 v30, v2;
	v28 =	vor.u32 v11, v13;
	v35 =	vld.idx.msk [tilespmem:v25+s15+$0x0], $0xffff  }
0x50: {  	v11 =	vor.u32 $0x6, v8;
	v38 =	vbroadcast v14, $0x0;
	v14 =	vor.u32 $0x4, v4;
	v25 =	vld.idx.msk [tilespmem:v25+s2+$0x0], $0xffff  }
0x51: {  	v17 =	vmul.f32 v26, v27;
	v26 =	vshll.u32 v33, v2;
	v27 =	vor.u32 v15, v11;
	v33 =	vld.idx.msk [tilespmem:v36+s15+$0x0], $0xffff  }
0x52: {  	v43 =	vor.u32 v15, v14;
	v31 =	vmul.f32 v31, v39;
	v39 =	vld.idx.msk [tilespmem:v29+s15+$0x0], $0xffff  }
0x53: {  	s29 =	simm.s32 $0xE;
	v37 =	vor.u32 v38, v14;
	v46 =	vld.idx.msk [tilespmem:v34+s2+$0x0], $0xffff  }
0x54: {  	v30 =	vmov s29;
	v22 =	vmul.f32 v22, v24;
	v41 =	vbroadcast v26, $0x0;
	v48 =	vld.idx.msk [tilespmem:v34+s15+$0x0], $0xffff  }
0x55: {  	s29 =	simm.s32 $0xD;
	[tilespmem:v28+s20+$0x0] =	vst.idx.add.f32.msk $0xffff, v17;
	v17 =	vshrl.u32 v30, $0x3  }
0x56: {  	v17 =	vshll.u32 v17, v2;
	v24 =	vor.u32 v41, v9;
	[tilespmem:v27+s20+$0x0] =	vst.idx.add.f32.msk $0xffff, v22;
	v22 =	vmov s29  }
0x57: {  	v47 =	vld.idx.msk [tilespmem:v43+s2+$0x0], $0xffff;
	v30 =	vbroadcast v17, $0x0;
	v17 =	vor.u32 $0x1, v8;
	v22 =	vshrl.u32 v22, $0x3  }
0x58: {  	v50 =	vld.idx.msk [tilespmem:v37+s15+$0x0], $0xffff;
	v26 =	vor.u32 v19, v17;
	v19 =	vshll.u32 v22, v2  }
0x59: {  	v53 =	vld.idx.msk [tilespmem:v37+s2+$0x0], $0xffff;
	v27 =	vbroadcast v19, $0x0  }
0x5a: {  	v23 =	vor.u32 v8, v23;
	v51 =	vmul.f32 v44, v51;
	v37 =	vld.idx.msk [tilespmem:v43+s15+$0x0], $0xffff;
	v28 =	vor.u32 v30, v6  }
0x5b: {  	v25 =	vmul.f32 v35, v25;
	v35 =	vmul.f32 v40, v42;
	v49 =	vld.idx.msk [tilespmem:v24+s2+$0x0], $0xffff;
	v54 =	vor.u32 v27, v12  }
0x5c: {  	v40 =	vor.u32 v15, v17;
	v46 =	vmul.f32 v48, v46;
	v52 =	vld.idx.msk [tilespmem:v24+s15+$0x0], $0xffff;
	v24 =	vmul.f32 v20, v21  }
0x5d: {  	v43 =	vld.idx.msk [tilespmem:v36+s2+$0x0], $0xffff;
	v22 =	vor.u32 $0x5, v8;
	v19 =	vor.u32 $0x2, v8;
	v20 =	vor.u32 $0x3, v8  }
0x5e: {  	v21 =	vor.u32 $0x4, v8;
	v48 =	vor.u32 v15, v22;
	v42 =	vmul.f32 v50, v53;
	[tilespmem:v26+s20+$0x0] =	vst.idx.add.f32.msk $0xffff, v24  }
0x5f: {  	v50 =	vor.u32 v15, v13;
	v45 =	vor.u32 v41, v19;
	v36 =	vor.u32 v15, v20;
	v34 =	vld.idx.msk [tilespmem:v28+s15+$0x0], $0xffff  }
0x60: {  	v26 =	vor.u32 v15, v21;
	v24 =	vor.u32 v32, v20;
	v32 =	vor.u32 v38, v21;
	v41 =	vld.idx.msk [tilespmem:v54+s15+$0x0], $0xffff  }
0x61: {  	s29 =	simm.s32 $0x10;
	v27 =	vor.u32 v27, v22;
	v38 =	vor.u32 v15, v19;
	v49 =	vmul.f32 v52, v49;
	v44 =	vld.idx.msk [tilespmem:v54+s2+$0x0], $0xffff  }
.LBB2_6:
0x62: {  	s30 =	sadd.s32 $0x8, s29  }
0x63: {  	v52 =	vmov s29;
	s31 =	sadd.s32 $0x9, s29;
	s0 =	sadd.s32 $0xC, s29;
	v15 =	vor.u32 v8, v15;
	v18 =	vld.idx.msk [tilespmem:v18+s15+$0x0], $0xffff;
	v30 =	vor.u32 v30, v11;
	s1 =	smov.u32 s29  }
0x64: {  	p0 =	slt.u32 s29, $0x70;
	s29 =	sadd.s32 $0x10, s29;
	v47 =	vmul.f32 v37, v47;
	v53 =	vmov s30;
	v54 =	vmov s31;
	s30 =	sadd.s32 $0xF, s1;
	[tilespmem:v45+s20+$0x0] =	vst.idx.add.f32.msk $0xffff, v49  }
0x65: {  	v45 =	vshrl.u32 v52, $0x3;
	s31 =	sadd.s32 $0xE, s1;
	v37 =	vshrl.u32 v53, $0x3;
	v49 =	vshrl.u32 v54, $0x3;
	[tilespmem:v48+s20+$0x0] =	vst.idx.add.f32.msk $0xffff, v46  }
0x66: {  	v48 =	vmov s30;
	v46 =	vshll.u32 v37, v2;
	v37 =	vshll.u32 v49, v2;
	[tilespmem:v50+s20+$0x0] =	vst.idx.add.f32.msk $0xffff, v51  }
0x67: {  	v33 =	vmul.f32 v33, v43;
	s30 =	sadd.s32 $0xA, s1;
	v49 =	vmov s31;
	v37 =	vbroadcast v37, $0x0;
	v28 =	vld.idx.msk [tilespmem:v28+s2+$0x0], $0xffff  }
0x68: {  	v43 =	vmov s30;
	v50 =	vmov s0;
	v49 =	vshrl.u32 v49, $0x3;
	[tilespmem:v26+s20+$0x0] =	vst.idx.add.f32.msk $0xffff, v47  }
0x69: {  	s0 =	sadd.s32 $0xB, s1;
	v26 =	vshrl.u32 v43, $0x3;
	v43 =	vshrl.u32 v50, $0x3;
	v16 =	vmul.f32 v18, v16;
	v29 =	vld.idx.msk [tilespmem:v29+s2+$0x0], $0xffff  }
0x6a: {  	v18 =	vmov s0;
	v47 =	vshll.u32 v26, v2;
	v26 =	vmul.f32 v41, v44;
	[tilespmem:v32+s20+$0x0] =	vst.idx.add.f32.msk $0xffff, v42  }
0x6b: {  	v18 =	vshrl.u32 v18, $0x3;
	v41 =	vshrl.u32 v48, $0x3;
	v32 =	vor.u32 v37, v5;
	[tilespmem:v24+s20+$0x0] =	vst.idx.add.f32.msk $0xffff, v33  }
0x6c: {  	v18 =	vshll.u32 v18, v2;
	v24 =	vbroadcast v46, $0x0;
	v33 =	vshll.u32 v43, v2;
	[tilespmem:v23+s20+$0x0] =	vst.idx.add.f32.msk $0xffff, v16  }
0x6d: {  	s0 =	sadd.s32 $0xD, s1;
	v42 =	vbroadcast v18, $0x0;
	v16 =	vshll.u32 v45, v2;
	v23 =	vmul.f32 v34, v28;
	[tilespmem:v15+s20+$0x0] =	vst.idx.add.f32.msk $0xffff, v35  }
0x6e: {  	v28 =	vshll.u32 v41, v2;
	v15 =	vbroadcast v16, $0x0;
	v16 =	vmov s0;
	[tilespmem:v27+s20+$0x0] =	vst.idx.add.f32.msk $0xffff, v26  }
0x6f: {  	v41 =	vor.u32 v42, v10;
	v16 =	vshrl.u32 v16, $0x3;
	v26 =	vmul.f32 v39, v29;
	[tilespmem:v40+s20+$0x0] =	vst.idx.add.f32.msk $0xffff, v31  }
0x70: {  	v18 =	vor.u32 v4, v24;
	v27 =	vbroadcast v33, $0x0;
	v16 =	vshll.u32 v16, v2;
	[tilespmem:v30+s20+$0x0] =	vst.idx.add.f32.msk $0xffff, v23  }
0x71: {  	v33 =	vbroadcast v28, $0x0;
	v29 =	vor.u32 v15, v6;
	v31 =	vbroadcast v16, $0x0;
	[tilespmem:v38+s20+$0x0] =	vst.idx.add.f32.msk $0xffff, v25  }
0x72: {  	v23 =	vor.u32 v8, v24;
	v34 =	vor.u32 v27, v14;
	[tilespmem:v36+s20+$0x0] =	vst.idx.add.f32.msk $0xffff, v26  }
0x73: {  	v28 =	vor.u32 v33, v7;
	v26 =	vor.u32 v15, v21;
	v44 =	vor.u32 v31, v12;
	v25 =	vld.idx.msk [tilespmem:v32+s15+$0x0], $0xffff  }
0x74: {  	v35 =	vor.u32 v4, v15;
	v36 =	vor.u32 v15, v7;
	v38 =	vld.idx.msk [tilespmem:v32+s2+$0x0], $0xffff  }
0x75: {  	v16 =	vld.idx.msk [tilespmem:v18+s2+$0x0], $0xffff  }
0x76: {  	v39 =	vor.u32 v15, v5;
	v32 =	vld.idx.msk [tilespmem:v29+s15+$0x0], $0xffff  }
0x77: {  	v40 =	vld.idx.msk [tilespmem:v29+s2+$0x0], $0xffff;
	v29 =	vshll.u32 v49, v2  }
0x78: {  	v43 =	vor.u32 v15, v9;
	v24 =	vor.u32 v42, v20;
	v30 =	vbroadcast v29, $0x0;
	v42 =	vld.idx.msk [tilespmem:v28+s15+$0x0], $0xffff  }
0x79: {  	v45 =	vld.idx.msk [tilespmem:v28+s2+$0x0], $0xffff  }
0x7a: {  	v29 =	vor.u32 v15, v10;
	v51 =	vld.idx.msk [tilespmem:v36+s15+$0x0], $0xffff;
	v28 =	vor.u32 v30, v6  }
0x7b: {  	v47 =	vbroadcast v47, $0x0;
	v48 =	vor.u32 v15, v11;
	v46 =	vld.idx.msk [tilespmem:v39+s15+$0x0], $0xffff  }
0x7c: {  	v33 =	vor.u32 v33, v13;
	v49 =	vor.u32 v15, v12;
	v52 =	vld.idx.msk [tilespmem:v36+s2+$0x0], $0xffff  }
0x7d: {  	v50 =	vor.u32 v47, v9;
	v40 =	vmul.f32 v32, v40;
	v32 =	vor.u32 v27, v21;
	v36 =	vld.idx.msk [tilespmem:v43+s15+$0x0], $0xffff  }
0x7e: {  	v53 =	vor.u32 v15, v14;
	v27 =	vor.u32 v31, v22;
	v43 =	vld.idx.msk [tilespmem:v43+s2+$0x0], $0xffff  }
0x7f: {  	v31 =	vld.idx.msk [tilespmem:v39+s2+$0x0], $0xffff;
	v39 =	vmul.f32 v42, v45  }
0x80: {  	v42 =	vld.idx.msk [tilespmem:v35+s15+$0x0], $0xffff  }
0x81: {  	[tilespmem:v33+s20+$0x0] =	vst.idx.add.f32.msk $0xffff, v39  }
0x82: {  	v38 =	vmul.f32 v25, v38;
	v35 =	vld.idx.msk [tilespmem:v35+s2+$0x0], $0xffff  }
0x83: {  	v33 =	vld.idx.msk [tilespmem:v41+s15+$0x0], $0xffff  }
0x84: {  	v25 =	vmul.f32 v36, v43;
	v36 =	vld.idx.msk [tilespmem:v49+s2+$0x0], $0xffff  }
0x85: {  	v31 =	vmul.f32 v46, v31;
	[tilespmem:v48+s20+$0x0] =	vst.idx.add.f32.msk $0xffff, v40  }
0x86: {  	v39 =	vld.idx.msk [tilespmem:v34+s15+$0x0], $0xffff  }
0x87: {  	v40 =	vld.idx.msk [tilespmem:v49+s15+$0x0], $0xffff  }
0x88: {  	v45 =	vor.u32 v47, v19;
	v35 =	vmul.f32 v42, v35;
	v42 =	vor.u32 v37, v17;
	v43 =	vld.idx.msk [tilespmem:v50+s2+$0x0], $0xffff  }
0x89: {  	v48 =	vld.idx.msk [tilespmem:v50+s15+$0x0], $0xffff  }
0x8a: {  	v50 =	vld.idx.msk [tilespmem:v34+s2+$0x0], $0xffff  }
0x8b: {  	v34 =	vld.idx.msk [tilespmem:v28+s15+$0x0], $0xffff  }
0x8c: {  	v37 =	vld.idx.msk [tilespmem:v53+s15+$0x0], $0xffff  }
0x8d: {  	v46 =	vmul.f32 v40, v36;
	[tilespmem:v42+s20+$0x0] =	vst.idx.add.f32.msk $0xffff, v38  }
.Ltmp1:
0x8e: {  	v47 =	vld.idx.msk [tilespmem:v53+s2+$0x0], $0xffff;
	(pc) =	sbr.rel @p0 .LBB2_6-.Ltmp1, $4  }
0x8f: {  	v49 =	vmul.f32 v48, v43;
	v43 =	vld.idx.msk [tilespmem:v41+s2+$0x0], $0xffff  }
0x90: {  	v48 =	vor.u32 v15, v22;
	v42 =	vmul.f32 v39, v50;
	v41 =	vld.idx.msk [tilespmem:v44+s15+$0x0], $0xffff  }
0x91: {  	v36 =	vor.u32 v15, v20;
	v50 =	vor.u32 v15, v13;
	v39 =	vld.idx.msk [tilespmem:v29+s15+$0x0], $0xffff  }
0x92: {  	v51 =	vmul.f32 v51, v52;
	v40 =	vor.u32 v15, v17;
	v38 =	vor.u32 v15, v19;
	v44 =	vld.idx.msk [tilespmem:v44+s2+$0x0], $0xffff  }
0x93: {  	_ =	sdelay $0x3  }
0x94: {  	v4 =	vld.idx.msk [tilespmem:v18+s15+$0x0], $0xffff  }
0x95: {  	[tilespmem:v45+s20+$0x0] =	vst.idx.add.f32.msk $0xffff, v49  }
0x96: {  	[tilespmem:v48+s20+$0x0] =	vst.idx.add.f32.msk $0xffff, v46  }
0x97: {  	v6 =	vld.idx.msk [tilespmem:v28+s2+$0x0], $0xffff  }
0x98: {  	v63 =	vld.idx.msk [tilespmem:v29+s2+$0x0], $0xffff  }
0x99: {  	[tilespmem:v32+s20+$0x0] =	vst.idx.add.f32.msk $0xffff, v42  }
0x9a: {  	v5 =	vmul.f32 v37, v47;
	v7 =	vor.u32 v8, v15;
	[tilespmem:v40+s20+$0x0] =	vst.idx.add.f32.msk $0xffff, v31  }
0x9b: {  	[tilespmem:v38+s20+$0x0] =	vst.idx.add.f32.msk $0xffff, v25  }
0x9c: {  	[tilespmem:v26+s20+$0x0] =	vst.idx.add.f32.msk $0xffff, v5;
	v5 =	vmul.f32 v33, v43  }
0x9d: {  	s28 =	sadd.s32 $0x1, s28;
	[tilespmem:v50+s20+$0x0] =	vst.idx.add.f32.msk $0xffff, v51  }
0x9e: {  	v9 =	vor.u32 v30, v11;
	p0 =	sne.s32 s28, $0x8;
	[tilespmem:v24+s20+$0x0] =	vst.idx.add.f32.msk $0xffff, v5;
	v5 =	vmul.f32 v41, v44  }
.Ltmp2:
0x9f: {  	v4 =	vmul.f32 v4, v16;
	[tilespmem:v7+s20+$0x0] =	vst.idx.add.f32.msk $0xffff, v35;
	(pc) =	sbr.rel @p0 .LBB2_5-.Ltmp2, $4  }
0xa0: {  	[tilespmem:v27+s20+$0x0] =	vst.idx.add.f32.msk $0xffff, v5;
	v5 =	vmul.f32 v39, v63  }
0xa1: {  	[tilespmem:v23+s20+$0x0] =	vst.idx.add.f32.msk $0xffff, v4;
	v4 =	vmul.f32 v34, v6  }
0xa2: {  	[tilespmem:v36+s20+$0x0] =	vst.idx.add.f32.msk $0xffff, v5  }
0xa3: {  	[tilespmem:v9+s20+$0x0] =	vst.idx.add.f32.msk $0xffff, v4  }
0xa4: {  	_ =	swait.ge [sflag:s21], $0x4000  }
0xa5: {  	[sflag:s21] =	ssyncset.done $0x0  }
0xa6: {  	[sflag:s21] =	ssyncadd.s32 $0xFFFFC000  }
0xa7: {  	p0 =	seq.s32 s24, $0x15;
	_ =	swait.ge [sflag:s22], $0x4000  }
0xa8: {  	s0 =	sadd.s32 @!p0 $0x10100, s25;
	[sflag:s22] =	ssyncset.done $0x0  }
0xa9: {  	s1 =	simm.s32 @!p0 $0x80;
	s28 =	simm.s32 @!p0 $0x0;
	[sflag:s22] =	ssyncadd.s32 $0xFFFFC000  }
0xaa: {  	[tilespmem:s28], [sflag:$0x1] =	stream.indirect.gather @!p0 [hbm4b:s3+s1], $0x80, s0, s1, $0xb8;
	[tilespmem:$0x1DF00] =	vst v63  }
0xab: {  	s31 =	sadd.s32 $0x12C00, s26;
	s0 =	sadd.s32 @!p0 $0x11700, s25;
	s25 =	simm.s32 @!p0 $0x4000  }
0xac: {  	[tilespmem:s25], [sflag:$0x2] =	stream.indirect.gather @!p0 [hbm4b:s4+s1], $0x80, s0, s1, $0xb8;
	[tilespmem:$0x1DF00] =	vst v63  }
0xad: {  	s26 =	simm.s32 $0x0;
	v3 =	vmov s31;
	s25 =	simm.s32 $0x0  }
.LBB2_9:
0xae: {  	s1 =	simm.s32 $0x9  }
0xaf: {  	s0 =	sshll.u32 s26, $0x4;
	v5 =	vmov s1  }
0xb0: {  	s29 =	simm.s32 $0x8;
	v8 =	vmov s25;
	v4 =	vmov s0;
	v6 =	vshrl.u32 v5, $0x3  }
0xb1: {  	v7 =	vmov s29;
	v4 =	vshll.u32 v4, $0x7;
	v6 =	vshll.u32 v6, v2  }
0xb2: {  	v7 =	vshrl.u32 v7, $0x3;
	v4 =	vor.u32 v1, v4;
	v19 =	vbroadcast v6, $0x0  }
0xb3: {  	v7 =	vshll.u32 v7, v2;
	v5 =	vor.u32 $0x1, v4;
	v6 =	vshrl.u32 v8, $0x3  }
0xb4: {  	s30 =	simm.s32 $0xF;
	v23 =	vbroadcast v7, $0x0;
	v6 =	vshll.u32 v6, v2;
	v9 =	vor.u32 v19, v5  }
0xb5: {  	v8 =	vmov s30;
	v15 =	vbroadcast v6, $0x0  }
0xb6: {  	v7 =	vshrl.u32 v8, $0x3;
	v6 =	vor.u32 $0x6, v4;
	v18 =	vor.u32 v4, v23  }
0xb7: {  	v7 =	vshll.u32 v7, v2;
	v8 =	vor.u32 v15, v6  }
0xb8: {  	v10 =	vld.idx.msk [tilespmem:v3+s0+$0x0 ss:$0x1], $0xffff;
	v11 =	vbroadcast v7, $0x0;
	v7 =	vor.u32 $0x7, v4  }
0xb9: {  	v14 =	vor.u32 v15, v7;
	v20 =	vld.idx.msk [tilespmem:v9+s19+$0x0], $0xffff  }
0xba: {  	v17 =	vor.u32 v15, v5;
	v21 =	vld.idx.msk [tilespmem:v9+s18+$0x0], $0xffff  }
0xbb: {  	v16 =	vld.idx.msk [tilespmem:v18+s18+$0x0], $0xffff  }
0xbc: {  	v29 =	vor.u32 v4, v15;
	v22 =	vld.idx.msk [tilespmem:v8+s19+$0x0], $0xffff  }
0xbd: {  	s31 =	simm.s32 $0xB;
	v12 =	vor.u32 v11, v7;
	v24 =	vld.idx.msk [tilespmem:v8+s18+$0x0], $0xffff  }
0xbe: {  	v13 =	vmov s31;
	v44 =	vld.idx.msk [tilespmem:v14+s19+$0x0], $0xffff  }
0xbf: {  	v28 =	vshrl.u32 v13, $0x3;
	v31 =	vld.idx.msk [tilespmem:v17+s19+$0x0], $0xffff  }
0xc0: {  	v28 =	vshll.u32 v28, v2;
	v9 =	vor.u32 $0x2, v4;
	v39 =	vld.idx.msk [tilespmem:v17+s18+$0x0], $0xffff  }
0xc1: {  	v32 =	vbroadcast v28, $0x0;
	v25 =	vor.u32 v15, v9;
	v40 =	vld.idx.msk [tilespmem:v29+s19+$0x0], $0xffff  }
0xc2: {  	s1 =	simm.s32 $0xC;
	v8 =	vshll.u32 v10, $0x7;
	v10 =	vor.u32 $0x3, v4;
	v26 =	vld.idx.msk [tilespmem:v12+s19+$0x0], $0xffff  }
0xc3: {  	v30 =	vmov s1;
	v27 =	vld.idx.msk [tilespmem:v12+s18+$0x0], $0xffff;
	v36 =	vor.u32 v32, v10  }
0xc4: {  	s29 =	simm.s32 $0xA;
	v30 =	vshrl.u32 v30, $0x3;
	v42 =	vld.idx.msk [tilespmem:v29+s18+$0x0], $0xffff;
	v12 =	vor.u32 $0x5, v4;
	v29 =	vor.u32 v15, v10  }
0xc5: {  	v51 =	vld.idx.msk [tilespmem:v14+s18+$0x0], $0xffff;
	v14 =	vmov s29;
	v13 =	vor.u32 $0x7, v8;
	v34 =	vor.u32 v15, v12  }
0xc6: {  	v33 =	vshrl.u32 v14, $0x3;
	v14 =	vshll.u32 v30, v2;
	v28 =	vor.u32 v11, v13;
	v35 =	vld.idx.msk [tilespmem:v25+s19+$0x0], $0xffff  }
0xc7: {  	v11 =	vor.u32 $0x6, v8;
	v38 =	vbroadcast v14, $0x0;
	v14 =	vor.u32 $0x4, v4;
	v25 =	vld.idx.msk [tilespmem:v25+s18+$0x0], $0xffff  }
0xc8: {  	v17 =	vmul.f32 v26, v27;
	v26 =	vshll.u32 v33, v2;
	v27 =	vor.u32 v15, v11;
	v33 =	vld.idx.msk [tilespmem:v36+s19+$0x0], $0xffff  }
0xc9: {  	v43 =	vor.u32 v15, v14;
	v31 =	vmul.f32 v31, v39;
	v39 =	vld.idx.msk [tilespmem:v29+s19+$0x0], $0xffff  }
0xca: {  	s30 =	simm.s32 $0xE;
	v37 =	vor.u32 v38, v14;
	v46 =	vld.idx.msk [tilespmem:v34+s18+$0x0], $0xffff  }
0xcb: {  	v30 =	vmov s30;
	v22 =	vmul.f32 v22, v24;
	v41 =	vbroadcast v26, $0x0;
	v48 =	vld.idx.msk [tilespmem:v34+s19+$0x0], $0xffff  }
0xcc: {  	s31 =	simm.s32 $0xD;
	[tilespmem:v28+s20+$0x0] =	vst.idx.add.f32.msk $0xffff, v17;
	v17 =	vshrl.u32 v30, $0x3  }
0xcd: {  	v17 =	vshll.u32 v17, v2;
	v24 =	vor.u32 v41, v9;
	[tilespmem:v27+s20+$0x0] =	vst.idx.add.f32.msk $0xffff, v22;
	v22 =	vmov s31  }
0xce: {  	v47 =	vld.idx.msk [tilespmem:v43+s18+$0x0], $0xffff;
	v30 =	vbroadcast v17, $0x0;
	v17 =	vor.u32 $0x1, v8;
	v22 =	vshrl.u32 v22, $0x3  }
0xcf: {  	v50 =	vld.idx.msk [tilespmem:v37+s19+$0x0], $0xffff;
	v26 =	vor.u32 v19, v17;
	v19 =	vshll.u32 v22, v2  }
0xd0: {  	v53 =	vld.idx.msk [tilespmem:v37+s18+$0x0], $0xffff;
	v27 =	vbroadcast v19, $0x0  }
0xd1: {  	v23 =	vor.u32 v8, v23;
	v51 =	vmul.f32 v44, v51;
	v37 =	vld.idx.msk [tilespmem:v43+s19+$0x0], $0xffff;
	v28 =	vor.u32 v30, v6  }
0xd2: {  	v25 =	vmul.f32 v35, v25;
	v35 =	vmul.f32 v40, v42;
	v49 =	vld.idx.msk [tilespmem:v24+s18+$0x0], $0xffff;
	v54 =	vor.u32 v27, v12  }
0xd3: {  	v40 =	vor.u32 v15, v17;
	v46 =	vmul.f32 v48, v46;
	v52 =	vld.idx.msk [tilespmem:v24+s19+$0x0], $0xffff;
	v24 =	vmul.f32 v20, v21  }
0xd4: {  	v43 =	vld.idx.msk [tilespmem:v36+s18+$0x0], $0xffff;
	v22 =	vor.u32 $0x5, v8;
	v19 =	vor.u32 $0x2, v8;
	v20 =	vor.u32 $0x3, v8  }
0xd5: {  	v21 =	vor.u32 $0x4, v8;
	v48 =	vor.u32 v15, v22;
	v42 =	vmul.f32 v50, v53;
	[tilespmem:v26+s20+$0x0] =	vst.idx.add.f32.msk $0xffff, v24  }
0xd6: {  	v50 =	vor.u32 v15, v13;
	v45 =	vor.u32 v41, v19;
	v36 =	vor.u32 v15, v20;
	v34 =	vld.idx.msk [tilespmem:v28+s19+$0x0], $0xffff  }
0xd7: {  	v26 =	vor.u32 v15, v21;
	v24 =	vor.u32 v32, v20;
	v32 =	vor.u32 v38, v21;
	v41 =	vld.idx.msk [tilespmem:v54+s19+$0x0], $0xffff  }
0xd8: {  	s28 =	simm.s32 $0x10;
	v27 =	vor.u32 v27, v22;
	v38 =	vor.u32 v15, v19;
	v49 =	vmul.f32 v52, v49;
	v44 =	vld.idx.msk [tilespmem:v54+s18+$0x0], $0xffff  }
.LBB2_10:
0xd9: {  	s0 =	sadd.s32 $0x8, s28  }
0xda: {  	v52 =	vmov s28;
	s1 =	sadd.s32 $0x9, s28;
	s29 =	sadd.s32 $0xC, s28;
	v15 =	vor.u32 v8, v15;
	v18 =	vld.idx.msk [tilespmem:v18+s19+$0x0], $0xffff;
	v30 =	vor.u32 v30, v11;
	s30 =	smov.u32 s28  }
0xdb: {  	p0 =	slt.u32 s28, $0x70;
	s28 =	sadd.s32 $0x10, s28;
	v47 =	vmul.f32 v37, v47;
	v53 =	vmov s0;
	v54 =	vmov s1;
	s0 =	sadd.s32 $0xF, s30;
	[tilespmem:v45+s20+$0x0] =	vst.idx.add.f32.msk $0xffff, v49  }
0xdc: {  	v45 =	vshrl.u32 v52, $0x3;
	s1 =	sadd.s32 $0xE, s30;
	v37 =	vshrl.u32 v53, $0x3;
	v49 =	vshrl.u32 v54, $0x3;
	[tilespmem:v48+s20+$0x0] =	vst.idx.add.f32.msk $0xffff, v46  }
0xdd: {  	v48 =	vmov s0;
	v46 =	vshll.u32 v37, v2;
	v37 =	vshll.u32 v49, v2;
	[tilespmem:v50+s20+$0x0] =	vst.idx.add.f32.msk $0xffff, v51  }
0xde: {  	v33 =	vmul.f32 v33, v43;
	s0 =	sadd.s32 $0xA, s30;
	v49 =	vmov s1;
	v37 =	vbroadcast v37, $0x0;
	v28 =	vld.idx.msk [tilespmem:v28+s18+$0x0], $0xffff  }
0xdf: {  	v43 =	vmov s0;
	v50 =	vmov s29;
	v49 =	vshrl.u32 v49, $0x3;
	[tilespmem:v26+s20+$0x0] =	vst.idx.add.f32.msk $0xffff, v47  }
0xe0: {  	s0 =	sadd.s32 $0xB, s30;
	v26 =	vshrl.u32 v43, $0x3;
	v43 =	vshrl.u32 v50, $0x3;
	v16 =	vmul.f32 v18, v16;
	v29 =	vld.idx.msk [tilespmem:v29+s18+$0x0], $0xffff  }
0xe1: {  	v18 =	vmov s0;
	v47 =	vshll.u32 v26, v2;
	v26 =	vmul.f32 v41, v44;
	[tilespmem:v32+s20+$0x0] =	vst.idx.add.f32.msk $0xffff, v42  }
0xe2: {  	v18 =	vshrl.u32 v18, $0x3;
	v41 =	vshrl.u32 v48, $0x3;
	v32 =	vor.u32 v37, v5;
	[tilespmem:v24+s20+$0x0] =	vst.idx.add.f32.msk $0xffff, v33  }
0xe3: {  	v18 =	vshll.u32 v18, v2;
	v24 =	vbroadcast v46, $0x0;
	v33 =	vshll.u32 v43, v2;
	[tilespmem:v23+s20+$0x0] =	vst.idx.add.f32.msk $0xffff, v16  }
0xe4: {  	s0 =	sadd.s32 $0xD, s30;
	v42 =	vbroadcast v18, $0x0;
	v16 =	vshll.u32 v45, v2;
	v23 =	vmul.f32 v34, v28;
	[tilespmem:v15+s20+$0x0] =	vst.idx.add.f32.msk $0xffff, v35  }
0xe5: {  	v28 =	vshll.u32 v41, v2;
	v15 =	vbroadcast v16, $0x0;
	v16 =	vmov s0;
	[tilespmem:v27+s20+$0x0] =	vst.idx.add.f32.msk $0xffff, v26  }
0xe6: {  	v41 =	vor.u32 v42, v10;
	v16 =	vshrl.u32 v16, $0x3;
	v26 =	vmul.f32 v39, v29;
	[tilespmem:v40+s20+$0x0] =	vst.idx.add.f32.msk $0xffff, v31  }
0xe7: {  	v18 =	vor.u32 v4, v24;
	v27 =	vbroadcast v33, $0x0;
	v16 =	vshll.u32 v16, v2;
	[tilespmem:v30+s20+$0x0] =	vst.idx.add.f32.msk $0xffff, v23  }
0xe8: {  	v33 =	vbroadcast v28, $0x0;
	v29 =	vor.u32 v15, v6;
	v31 =	vbroadcast v16, $0x0;
	[tilespmem:v38+s20+$0x0] =	vst.idx.add.f32.msk $0xffff, v25  }
0xe9: {  	v23 =	vor.u32 v8, v24;
	v34 =	vor.u32 v27, v14;
	[tilespmem:v36+s20+$0x0] =	vst.idx.add.f32.msk $0xffff, v26  }
0xea: {  	v28 =	vor.u32 v33, v7;
	v26 =	vor.u32 v15, v21;
	v44 =	vor.u32 v31, v12;
	v25 =	vld.idx.msk [tilespmem:v32+s19+$0x0], $0xffff  }
0xeb: {  	v35 =	vor.u32 v4, v15;
	v36 =	vor.u32 v15, v7;
	v38 =	vld.idx.msk [tilespmem:v32+s18+$0x0], $0xffff  }
0xec: {  	v16 =	vld.idx.msk [tilespmem:v18+s18+$0x0], $0xffff  }
0xed: {  	v39 =	vor.u32 v15, v5;
	v32 =	vld.idx.msk [tilespmem:v29+s19+$0x0], $0xffff  }
0xee: {  	v40 =	vld.idx.msk [tilespmem:v29+s18+$0x0], $0xffff;
	v29 =	vshll.u32 v49, v2  }
0xef: {  	v43 =	vor.u32 v15, v9;
	v24 =	vor.u32 v42, v20;
	v30 =	vbroadcast v29, $0x0;
	v42 =	vld.idx.msk [tilespmem:v28+s19+$0x0], $0xffff  }
0xf0: {  	v45 =	vld.idx.msk [tilespmem:v28+s18+$0x0], $0xffff  }
0xf1: {  	v29 =	vor.u32 v15, v10;
	v51 =	vld.idx.msk [tilespmem:v36+s19+$0x0], $0xffff;
	v28 =	vor.u32 v30, v6  }
0xf2: {  	v47 =	vbroadcast v47, $0x0;
	v48 =	vor.u32 v15, v11;
	v46 =	vld.idx.msk [tilespmem:v39+s19+$0x0], $0xffff  }
0xf3: {  	v33 =	vor.u32 v33, v13;
	v49 =	vor.u32 v15, v12;
	v52 =	vld.idx.msk [tilespmem:v36+s18+$0x0], $0xffff  }
0xf4: {  	v50 =	vor.u32 v47, v9;
	v40 =	vmul.f32 v32, v40;
	v32 =	vor.u32 v27, v21;
	v36 =	vld.idx.msk [tilespmem:v43+s19+$0x0], $0xffff  }
0xf5: {  	v53 =	vor.u32 v15, v14;
	v27 =	vor.u32 v31, v22;
	v43 =	vld.idx.msk [tilespmem:v43+s18+$0x0], $0xffff  }
0xf6: {  	v31 =	vld.idx.msk [tilespmem:v39+s18+$0x0], $0xffff;
	v39 =	vmul.f32 v42, v45  }
0xf7: {  	v42 =	vld.idx.msk [tilespmem:v35+s19+$0x0], $0xffff  }
0xf8: {  	[tilespmem:v33+s20+$0x0] =	vst.idx.add.f32.msk $0xffff, v39  }
0xf9: {  	v38 =	vmul.f32 v25, v38;
	v35 =	vld.idx.msk [tilespmem:v35+s18+$0x0], $0xffff  }
0xfa: {  	v33 =	vld.idx.msk [tilespmem:v41+s19+$0x0], $0xffff  }
0xfb: {  	v25 =	vmul.f32 v36, v43;
	v36 =	vld.idx.msk [tilespmem:v49+s18+$0x0], $0xffff  }
0xfc: {  	v31 =	vmul.f32 v46, v31;
	[tilespmem:v48+s20+$0x0] =	vst.idx.add.f32.msk $0xffff, v40  }
0xfd: {  	v39 =	vld.idx.msk [tilespmem:v34+s19+$0x0], $0xffff  }
0xfe: {  	v40 =	vld.idx.msk [tilespmem:v49+s19+$0x0], $0xffff  }
0xff: {  	v45 =	vor.u32 v47, v19;
	v35 =	vmul.f32 v42, v35;
	v42 =	vor.u32 v37, v17;
	v43 =	vld.idx.msk [tilespmem:v50+s18+$0x0], $0xffff  }
0x100: {  	v48 =	vld.idx.msk [tilespmem:v50+s19+$0x0], $0xffff  }
0x101: {  	v50 =	vld.idx.msk [tilespmem:v34+s18+$0x0], $0xffff  }
0x102: {  	v34 =	vld.idx.msk [tilespmem:v28+s19+$0x0], $0xffff  }
0x103: {  	v37 =	vld.idx.msk [tilespmem:v53+s19+$0x0], $0xffff  }
0x104: {  	v46 =	vmul.f32 v40, v36;
	[tilespmem:v42+s20+$0x0] =	vst.idx.add.f32.msk $0xffff, v38  }
.Ltmp3:
0x105: {  	v47 =	vld.idx.msk [tilespmem:v53+s18+$0x0], $0xffff;
	(pc) =	sbr.rel @p0 .LBB2_10-.Ltmp3, $4  }
0x106: {  	v49 =	vmul.f32 v48, v43;
	v43 =	vld.idx.msk [tilespmem:v41+s18+$0x0], $0xffff  }
0x107: {  	v48 =	vor.u32 v15, v22;
	v42 =	vmul.f32 v39, v50;
	v41 =	vld.idx.msk [tilespmem:v44+s19+$0x0], $0xffff  }
0x108: {  	v36 =	vor.u32 v15, v20;
	v50 =	vor.u32 v15, v13;
	v39 =	vld.idx.msk [tilespmem:v29+s19+$0x0], $0xffff  }
0x109: {  	v51 =	vmul.f32 v51, v52;
	v40 =	vor.u32 v15, v17;
	v38 =	vor.u32 v15, v19;
	v44 =	vld.idx.msk [tilespmem:v44+s18+$0x0], $0xffff  }
0x10a: {  	_ =	sdelay $0x3  }
0x10b: {  	v4 =	vld.idx.msk [tilespmem:v18+s19+$0x0], $0xffff  }
0x10c: {  	[tilespmem:v45+s20+$0x0] =	vst.idx.add.f32.msk $0xffff, v49  }
0x10d: {  	[tilespmem:v48+s20+$0x0] =	vst.idx.add.f32.msk $0xffff, v46  }
0x10e: {  	v6 =	vld.idx.msk [tilespmem:v28+s18+$0x0], $0xffff  }
0x10f: {  	v63 =	vld.idx.msk [tilespmem:v29+s18+$0x0], $0xffff  }
0x110: {  	[tilespmem:v32+s20+$0x0] =	vst.idx.add.f32.msk $0xffff, v42  }
0x111: {  	v5 =	vmul.f32 v37, v47;
	v7 =	vor.u32 v8, v15;
	[tilespmem:v40+s20+$0x0] =	vst.idx.add.f32.msk $0xffff, v31  }
0x112: {  	[tilespmem:v38+s20+$0x0] =	vst.idx.add.f32.msk $0xffff, v25  }
0x113: {  	[tilespmem:v26+s20+$0x0] =	vst.idx.add.f32.msk $0xffff, v5;
	v5 =	vmul.f32 v33, v43  }
0x114: {  	s26 =	sadd.s32 $0x1, s26;
	[tilespmem:v50+s20+$0x0] =	vst.idx.add.f32.msk $0xffff, v51  }
0x115: {  	v9 =	vor.u32 v30, v11;
	p0 =	sne.s32 s26, $0x8;
	[tilespmem:v24+s20+$0x0] =	vst.idx.add.f32.msk $0xffff, v5;
	v5 =	vmul.f32 v41, v44  }
.Ltmp4:
0x116: {  	v4 =	vmul.f32 v4, v16;
	[tilespmem:v7+s20+$0x0] =	vst.idx.add.f32.msk $0xffff, v35;
	(pc) =	sbr.rel @p0 .LBB2_9-.Ltmp4, $4  }
0x117: {  	[tilespmem:v27+s20+$0x0] =	vst.idx.add.f32.msk $0xffff, v5;
	v5 =	vmul.f32 v39, v63  }
0x118: {  	[tilespmem:v23+s20+$0x0] =	vst.idx.add.f32.msk $0xffff, v4;
	v4 =	vmul.f32 v34, v6  }
0x119: {  	[tilespmem:v36+s20+$0x0] =	vst.idx.add.f32.msk $0xffff, v5  }
0x11a: {  	[tilespmem:v9+s20+$0x0] =	vst.idx.add.f32.msk $0xffff, v4  }
0x11b: {  	s24 =	sadd.s32 $0x1, s24  }
0x11c: {  	p0 =	sne.s32 s24, $0x16  }
.Ltmp5:
0x11d: {  	_ = 	snop;
	(pc) =	sbr.rel @p0 .LBB2_4-.Ltmp5, $1  }
0x11e: {  	_ =	sdelay $0x3  }
0x11f: {  	s23 =	sadd.s32 $0x1, s23  }
0x120: {  	p0 =	sne.s32 s23, s9  }
.Ltmp6:
0x121: {  	_ = 	snop;
	(pc) =	sbr.rel @p0 .LBB2_1-.Ltmp6, $4  }
0x122: {  	[hbm4b:s8+s2] =	stream.linear.scatter [tilespmem:s20], [sflag:$0x5], $0x9C80, $0x38;
	[tilespmem:$0x1DF00] =	vst v63  }
0x123: {  	_ =	swait.ge [sflag:s11], $0x9C80  }
0x124: {  	[sflag:s11] =	ssyncset.done $0x0  }
0x125: {  	[sflag:s11] =	ssyncadd.s32 $0xFFFF6380  }
0x126: {  	_ =	sfence.sel $0x180000  }
0x127: {  	[bflag:$0x0] =	sbarrier.arrive $0xFFFF  }
0x128: {  	_ =	strace $0x90000050  }
0x129: {  	s0 =	stileid.u32;
	[bflag:$0x2] =	sbarrier.arrive $0xFFFF  }
0x12a: {  	p0 =	sne.s32 s0, $0x0;
	s0 =	rddreg [dreg:$0x1]  }
0x12b: {  	s0 =	sadd.s32 @!p0 $0x100000, s0  }
0x12c: {  	[sflag:s0] =	ssyncadd.tile.s32 @!p0 $0x1;
	_ =	shalt  }
.Lfunc_end2:
_tile_overlayer_lowered:
.L_overlay_start_2:
0x12d: {  	(tag) =	ssettag $0x2  }
0x12e: {  	s0 =	rddreg [dreg:$0x0];
	s2 =	stileid.u32  }
0x12f: {  	s1 =	rddreg [dreg:$0x1];
	p0 =	sne.s32 s2, $0x0  }
0x130: {  	s3 =	rddreg [dreg:$0x2];
	[bflag:$0x3] =	sbarrier.arrive $0xFFFF;
	s2 =	simm.s32 @!p0 $0x1C05  }
0x131: {  	[timem:s3], [sflag:s2] =	dma.local @!p0 [hbm:s0], s1  }
0x132: {  	s0 =	simm.s32 @!p0 $0x5  }
0x133: {  	_ =	swait.ge @!p0 [sflag:s0], s1  }
0x134: {  	s1 =	ssub.s32 @!p0 $0x0, s1;
	[sflag:s0] =	ssyncset.done @!p0 $0x0  }
0x135: {  	[sflag:s0] =	ssyncadd.s32 @!p0 s1  }
0x136: {  	[bflag:$0x3] =	sbarrier.arrive $0xFFFF  }
0x137: {  	_ =	shalt  }

</sc_bundles>
